<compile_context>
chip_gen: v7x
topology: tpu7x:2x2x1
jax: 0.10.2.dev20260603
libtpu: 0.0.44.dev20260713+nightly
codegen_flags: <defaults>
</compile_context>

<pallas_src>
import functools
import math

import jax
import jax.numpy as jnp
from jax import lax
from jax.experimental import pallas as pl
from jax.experimental.pallas import tpu as pltpu
from jax.experimental.pallas import tpu_sc as plsc

N = 10000
NP = 10240
E = 320000
D = 128
NC = 2
NS = 16
CHUNK = 80
RPT = E // NS // CHUNK
NB = 5
IB = RPT // NB
NPT = NP // NS


def _sc_deg_body(edges_hbm, out_hbm, ebuf, hist):
    c = lax.axis_index("c")
    s = lax.axis_index("s")
    ones = jnp.ones((16,), dtype=jnp.float32)
    zeros = jnp.zeros((16,), dtype=jnp.float32)
    for a in range(2):
        def zero_body(i, _):
            hist[pl.ds(i * 16, 16)] = zeros
            return 0
        lax.fori_loop(0, NP // 16, zero_body, 0)
        pltpu.sync_copy(edges_hbm.at[c, a, s], ebuf)

        def scat_body(g, _):
            for j in range(CHUNK // 16):
                idx = ebuf[g, pl.ds(j * 16, 16)]
                plsc.addupdate_scatter(hist, [idx], ones)
            return 0
        lax.fori_loop(0, RPT, scat_body, 0)
        pltpu.sync_copy(hist, out_hbm.at[c * 2 + a, s])


@functools.lru_cache(maxsize=1)
def _sc_deg_kernel():
    mesh = plsc.VectorSubcoreMesh(core_axis_name="c", subcore_axis_name="s")
    return pl.kernel(
        _sc_deg_body,
        out_type=jax.ShapeDtypeStruct((4, NS, NP), jnp.float32),
        mesh=mesh,
        compiler_params=pltpu.CompilerParams(needs_layout_passes=False),
        scratch_types=[
            pltpu.VMEM((RPT, CHUNK), jnp.int32),
            pltpu.VMEM((NP,), jnp.float32),
        ],
    )


def _sc_agg_body(y_hbm, src_hbm, dst_hbm, out_hbm,
                 src_blk, dst_blk, rows0, rows1, acc,
                 sem0, sem1, ssem0, ssem1):
    c = lax.axis_index("c")
    s = lax.axis_index("s")
    zeros = jnp.zeros((16,), dtype=jnp.float32)

    def zzero(i, _):
        for j in range(D // 16):
            rows0[i, pl.ds(j * 16, 16)] = zeros
        return 0
    lax.fori_loop(0, CHUNK, zzero, 0)
    for k in range(NPT // CHUNK):
        pltpu.sync_copy(rows0, acc.at[pl.ds(s * NPT + k * CHUNK, CHUNK)])
    plsc.subcore_barrier()

    table = y_hbm.at[c]

    def fire_g(g, rows, sem):
        pltpu.async_copy(table.at[src_blk.at[g]], rows, sem)

    def wait_g(rows, sem):
        pltpu.make_async_copy(table.at[src_blk.at[0]], rows, sem).wait()

    def fire_s(g, rows, sem):
        pltpu.async_copy(rows, acc.at[dst_blk.at[g]], sem, add=True)

    def wait_s(rows, sem):
        pltpu.make_async_copy(rows, acc.at[dst_blk.at[0]], sem).wait()

    for b in range(NB):
        pltpu.sync_copy(src_hbm.at[c, s, b], src_blk)
        pltpu.sync_copy(dst_hbm.at[c, s, b], dst_blk)
        fire_g(0, rows0, sem0)
        fire_g(1, rows1, sem1)

        def body(i, _):
            g0 = 2 * i
            g1 = 2 * i + 1
            wait_g(rows0, sem0)
            fire_s(g0, rows0, ssem0)
            wait_g(rows1, sem1)
            fire_s(g1, rows1, ssem1)

            @pl.when(g0 + 2 < IB)
            def _():
                wait_s(rows0, ssem0)
                fire_g(g0 + 2, rows0, sem0)

            @pl.when(g1 + 2 < IB)
            def _():
                wait_s(rows1, ssem1)
                fire_g(g1 + 2, rows1, sem1)

            return 0

        lax.fori_loop(0, IB // 2, body, 0)
        wait_s(rows0, ssem0)
        wait_s(rows1, ssem1)

    plsc.subcore_barrier()
    pltpu.sync_copy(acc.at[pl.ds(s * NPT, NPT)],
                    out_hbm.at[c, pl.ds(s * NPT, NPT)])


@functools.lru_cache(maxsize=1)
def _sc_agg_kernel():
    mesh = plsc.VectorSubcoreMesh(core_axis_name="c", subcore_axis_name="s")
    return pl.kernel(
        _sc_agg_body,
        out_type=jax.ShapeDtypeStruct((2, NP, D), jnp.float32),
        mesh=mesh,
        compiler_params=pltpu.CompilerParams(needs_layout_passes=False),
        scratch_types=[
            pltpu.VMEM((IB, CHUNK), jnp.int32),
            pltpu.VMEM((IB, CHUNK), jnp.int32),
            pltpu.VMEM((CHUNK, D), jnp.float32),
            pltpu.VMEM((CHUNK, D), jnp.float32),
            pltpu.VMEM_SHARED((NP, D), jnp.float32),
            pltpu.SemaphoreType.DMA,
            pltpu.SemaphoreType.DMA,
            pltpu.SemaphoreType.DMA,
            pltpu.SemaphoreType.DMA,
        ],
    )


def _tc_prep_body(degp, featp, feats, coord, wg1, wp1, bp1, wp2, bp2,
                  norms, y1, geom):
    deg = jnp.sum(degp[...], axis=1)
    nrm = jnp.where(deg > 0.0, lax.rsqrt(jnp.maximum(deg, 1.0)), 0.0)
    nrm_t = nrm.T
    norms[...] = nrm_t
    y1[0, pl.ds(0, N), :] = jnp.dot(
        featp[...] * nrm_t[:N, 0:1], wg1[...],
        preferred_element_type=jnp.float32)
    y1[1, pl.ds(0, N), :] = jnp.dot(
        feats[...] * nrm_t[:N, 2:3], wg1[...],
        preferred_element_type=jnp.float32)
    g1 = jax.nn.relu(jnp.dot(coord[...], wp1[...],
                             preferred_element_type=jnp.float32) + bp1[...])
    geom[...] = jax.nn.relu(jnp.dot(g1, wp2[...],
                                    preferred_element_type=jnp.float32) + bp2[...])


def _tc_prep(deg_part, feat_p, feat_s, coord_p, Wg1, Wp1, bp1, Wp2, bp2):
    return pl.pallas_call(
        _tc_prep_body,
        out_shape=(
            jax.ShapeDtypeStruct((NP, 4), jnp.float32),
            jax.ShapeDtypeStruct((2, NP, D), jnp.float32),
            jax.ShapeDtypeStruct((N, D), jnp.float32),
        ),
    )(deg_part, feat_p, feat_s, coord_p, Wg1,
      Wp1.reshape(3, D), bp1.reshape(1, D), Wp2, bp2.reshape(1, D))


def _tc_mid_body(agg, norms, bg1, wg2, y2):
    h2p = jax.nn.relu(agg[0] * norms[:, 1:2] + bg1[...])
    y2[0] = jnp.dot(h2p * norms[:, 0:1], wg2[...],
                    preferred_element_type=jnp.float32)
    h2s = jax.nn.relu(agg[1] * norms[:, 3:4] + bg1[...])
    y2[1] = jnp.dot(h2s * norms[:, 2:3], wg2[...],
                    preferred_element_type=jnp.float32)


def _tc_mid(agg1, norms, bg1, Wg2):
    return pl.pallas_call(
        _tc_mid_body,
        out_shape=jax.ShapeDtypeStruct((2, NP, D), jnp.float32),
    )(agg1, norms, bg1.reshape(1, D), Wg2)


def _tc_fin_body(agg, norms, bg2, h):
    h[0] = jax.nn.relu(agg[0] * norms[:, 1:2] + bg2[...])
    h[1] = jax.nn.relu(agg[1] * norms[:, 3:4] + bg2[...])


def _tc_fin(agg2, norms, bg2):
    return pl.pallas_call(
        _tc_fin_body,
        out_shape=jax.ShapeDtypeStruct((2, NP, D), jnp.float32),
    )(agg2, norms, bg2.reshape(1, D))


BQ = 1000
BK = 2048


def _tc_flash_body(aggp_ref, aggs_ref, normsb_ref, normsf_ref, geom_ref,
                   bg2_ref, wa_ref, wf_ref, bf_ref, out_ref, hs_scr):
    i = pl.program_id(0)

    @pl.when(i == 0)
    def _():
        row = lax.broadcasted_iota(jnp.int32, (NP, 1), 0)
        hs = jax.nn.relu(aggs_ref[0] * normsf_ref[:, 3:4] + bg2_ref[...])
        hs_scr[...] = jnp.where(row < N, hs, 0.0)

    hp = jax.nn.relu(aggp_ref[0] * normsb_ref[:, 1:2] + bg2_ref[...])
    q = jnp.dot(hp, wa_ref[...], preferred_element_type=jnp.float32)
    q = (q * (math.log2(math.e) / math.sqrt(float(D)))).astype(jnp.bfloat16)

    l = jnp.zeros((BQ, 1), dtype=jnp.float32)
    acc = jnp.zeros((BQ, D), dtype=jnp.float32)
    for k in range(NP // BK):
        chunk = hs_scr[k * BK:(k + 1) * BK, :].astype(jnp.bfloat16)
        s = lax.dot_general(q, chunk, (((1,), (1,)), ((), ())),
                            preferred_element_type=jnp.float32)
        p = jnp.exp2(s)
        l = l + jnp.sum(p, axis=1, keepdims=True)
        acc = acc + jnp.dot(p.astype(jnp.bfloat16), chunk,
                            preferred_element_type=jnp.float32)
    ctx = acc / (l - float(NP - N))
    out_ref[...] = (jnp.dot(ctx + hp + geom_ref[...], wf_ref[...],
                            preferred_element_type=jnp.float32) + bf_ref[...])


def _tc_flash(agg2, norms, geom, bg2, Wa, Wf, bf):
    return pl.pallas_call(
        _tc_flash_body,
        grid=(N // BQ,),
        in_specs=[
            pl.BlockSpec((1, BQ, D), lambda i: (0, i, 0)),
            pl.BlockSpec((1, NP, D), lambda i: (1, 0, 0)),
            pl.BlockSpec((BQ, 4), lambda i: (i, 0)),
            pl.BlockSpec((NP, 4), lambda i: (0, 0)),
            pl.BlockSpec((BQ, D), lambda i: (i, 0)),
            pl.BlockSpec((1, D), lambda i: (0, 0)),
            pl.BlockSpec((D, D), lambda i: (0, 0)),
            pl.BlockSpec((D, 1), lambda i: (0, 0)),
            pl.BlockSpec((1, 1), lambda i: (0, 0)),
        ],
        out_specs=pl.BlockSpec((BQ, 1), lambda i: (i, 0)),
        out_shape=jax.ShapeDtypeStruct((N, 1), jnp.float32),
        scratch_shapes=[pltpu.VMEM((NP, D), jnp.float32)],
    )(agg2, agg2, norms, norms, geom, bg2.reshape(1, D), Wa, Wf,
      bf.reshape(1, 1))


def kernel(coord_p, feat_p, edge_index_p, feat_s, edge_index_s,
           Wp1, bp1, Wp2, bp2, Wg1, bg1, Wg2, bg2, Wa, Wf, bf):
    src_all = jnp.stack([edge_index_p[0].reshape(NS, NB, IB, CHUNK),
                         edge_index_s[0].reshape(NS, NB, IB, CHUNK)])
    dst_all = jnp.stack([edge_index_p[1].reshape(NS, NB, IB, CHUNK),
                         edge_index_s[1].reshape(NS, NB, IB, CHUNK)])
    edges4 = jnp.stack([jnp.stack([src_all[0], dst_all[0]]),
                        jnp.stack([src_all[1], dst_all[1]])]
                       ).reshape(2, 2, NS, RPT, CHUNK)

    deg_part = _sc_deg_kernel()(edges4)
    norms, y1, geom = _tc_prep(deg_part, feat_p, feat_s, coord_p,
                               Wg1, Wp1, bp1, Wp2, bp2)
    agg1 = _sc_agg_kernel()(y1, src_all, dst_all)
    y2 = _tc_mid(agg1, norms, bg1, Wg2)
    agg2 = _sc_agg_kernel()(y2, src_all, dst_all)
    out = _tc_flash(agg2, norms, geom, bg2, Wa, Wf, bf)
    return out

# --- scband reference (transcript-rebuilt; emitter-appended) ---
"""Pipeline reference for scband-pecan-pn-58308476010686 (READ-ONLY COPY).

The authoritative reference and input builder live on the scoring server;
editing this copy changes nothing except your own understanding.
"""

import jax, jax.numpy as jnp
import numpy as np

N_P = 10000
N_S = 10000
E_P = 320000
E_S = 320000
D_IN = 128
D_H = 128


def setup_inputs(seed: int = 0) -> dict:
    key = jax.random.key(seed)
    ks = jax.random.split(key, 16)
    inp = {}
    inp['coord_p'] = jax.random.normal(ks[0], (N_P, 3), dtype=jnp.float32)
    inp['feat_p'] = jax.random.normal(ks[1], (N_P, D_IN), dtype=jnp.float32)
    inp['edge_index_p'] = jax.random.randint(ks[2], (2, E_P), 0, N_P, dtype=jnp.int32)
    inp['feat_s'] = jax.random.normal(ks[3], (N_S, D_IN), dtype=jnp.float32)
    inp['edge_index_s'] = jax.random.randint(ks[4], (2, E_S), 0, N_S, dtype=jnp.int32)
    # PointNet params (3 -> hid -> hid)
    inp['Wp1'] = jax.random.normal(ks[5], (3, D_H), dtype=jnp.float32) * 0.05
    inp['bp1'] = jnp.zeros((D_H,), dtype=jnp.float32)
    inp['Wp2'] = jax.random.normal(ks[6], (D_H, D_H), dtype=jnp.float32) * 0.05
    inp['bp2'] = jnp.zeros((D_H,), dtype=jnp.float32)
    # GCN params (2 layers, in -> hid -> hid); note original forward uses gcn_p for BOTH graphs
    inp['Wg1'] = jax.random.normal(ks[7], (D_IN, D_H), dtype=jnp.float32) * 0.05
    inp['bg1'] = jnp.zeros((D_H,), dtype=jnp.float32)
    inp['Wg2'] = jax.random.normal(ks[8], (D_H, D_H), dtype=jnp.float32) * 0.05
    inp['bg2'] = jnp.zeros((D_H,), dtype=jnp.float32)
    # Attention + final FC params
    inp['Wa'] = jax.random.normal(ks[9], (D_H, D_H), dtype=jnp.float32) * 0.05
    inp['Wf'] = jax.random.normal(ks[10], (D_H, 1), dtype=jnp.float32) * 0.05
    inp['bf'] = jnp.zeros((1,), dtype=jnp.float32)
    return inp


def _gcn_layer(h, src, dst, W, b, n):
    ones = jnp.ones((src.shape[0],), dtype=h.dtype)
    deg_src = jax.ops.segment_sum(ones, src, num_segments=n)
    deg_dst = jax.ops.segment_sum(ones, dst, num_segments=n)
    norm_src = jnp.where(deg_src > 0, 1.0 / jnp.sqrt(jnp.maximum(deg_src, 1.0)), 0.0)
    norm_dst = jnp.where(deg_dst > 0, 1.0 / jnp.sqrt(jnp.maximum(deg_dst, 1.0)), 0.0)
    msg = (h * norm_src[:, None])[src]
    agg = jax.ops.segment_sum(msg, dst, num_segments=n)
    return jax.nn.relu((agg * norm_dst[:, None]) @ W + b)


def reference(coord_p, feat_p, edge_index_p, feat_s, edge_index_s,
              Wp1, bp1, Wp2, bp2, Wg1, bg1, Wg2, bg2, Wa, Wf, bf):
    # PointNet on p-graph coordinates (per-point MLP)
    g = jax.nn.relu(coord_p @ Wp1 + bp1)
    geom_p = jax.nn.relu(g @ Wp2 + bp2)
    # 2-layer GCN; original code applies gcn_p to both graphs (shared weights)
    sp, dp = edge_index_p[0], edge_index_p[1]
    ss, ds = edge_index_s[0], edge_index_s[1]
    hp = _gcn_layer(feat_p, sp, dp, Wg1, bg1, N_P)
    hp = _gcn_layer(hp, sp, dp, Wg2, bg2, N_P)
    hs = _gcn_layer(feat_s, ss, ds, Wg1, bg1, N_S)
    hs = _gcn_layer(hs, ss, ds, Wg2, bg2, N_S)
    # Cross-graph attention: each p-node attends over all s-nodes
    scores = (hp @ Wa) @ hs.T / jnp.sqrt(jnp.asarray(D_H, dtype=jnp.float32))
    attn = jax.nn.softmax(scores, axis=1)
    c = attn @ hs
    # Final FC combines attention context, GCN features and geometric features
    out = (c + hp + geom_p) @ Wf + bf
    return out

if __name__ == "__main__":
    import jax
    _d = setup_inputs()
    print(jax.jit(kernel)(*tuple(_d.values())))

</pallas_src>

<mosaic_0001>
#map = affine_map<(d0, d1) -> (0, 0, 0, 0, 0)>
#map1 = affine_map<(d0, d1) -> (0, 0, 0)>
module attributes {stable_mosaic.version = 14 : i64} {
  func.func @_sc_deg_body(%arg0: i32, %arg1: i32, %arg2: memref<2x2x16x250x80xi32, #tpu.memory_space<hbm>>, %arg3: memref<4x16x10240xf32, #tpu.memory_space<hbm>>, %arg4: memref<250x80xi32, #tpu.memory_space<vmem>>, %arg5: memref<10240xf32, #tpu.memory_space<vmem>>) attributes {dimension_semantics = [#tpu.dimension_semantics<core_parallel>, #tpu.dimension_semantics<subcore_parallel>], iteration_bounds = array<i64: 2, 16>, scalar_prefetch = 0 : i64, scratch_operands = 2 : i64, tpu.core_type = #tpu.core_type<sc_vector_subcore>, window_params = [{transform_indices = #map}, {transform_indices = #map1}]} {
    %broadcast_in_dim3A = arith.constant 1.000000e+00 : f32
    %broadcast_in_dim3A_0 = vector.broadcast %broadcast_in_dim3A : f32 to vector<16xf32>
    %broadcast_in_dim3A_1 = arith.constant 0.000000e+00 : f32
    %broadcast_in_dim3A_2 = vector.broadcast %broadcast_in_dim3A_1 : f32 to vector<16xf32>
    %scan3A = arith.constant 0 : i32
    %scan3A_3 = arith.constant 0 : i32
    %scan3A_4 = arith.constant 640 : i32
    %scan3A_5 = arith.addi %scan3A_3, %scan3A_4 : i32
    %scan3A_6 = arith.constant 1 : i32
    %scan3A_7 = scf.for %scan3A_37 = %scan3A_3 to %scan3A_5 step %scan3A_6 iter_args(%scan3A_38 = %scan3A) -> (i32)  : i32 {
      %mul3A_39 = arith.constant 16 : i32
      %mul3A_40 = arith.muli %scan3A_37, %mul3A_39 : i32
      %swap3A = arith.index_cast %mul3A_40 : i32 to index
      %swap3A_41 = tpu.vector_load %arg5[%swap3A] {strides = array<i32>} : memref<10240xf32, #tpu.memory_space<vmem>>, vector<16xf32>,
      tpu.vector_store %arg5[%swap3A], %broadcast_in_dim3A_2 {strides = array<i32>} : memref<10240xf32, #tpu.memory_space<vmem>>, vector<16xf32>,
      %scan3A_42 = arith.constant 0 : i32
      scf.yield %scan3A_42 : i32
    }
    %scan3A_8 = arith.constant 640 : i32
    %run_scoped3A = arith.constant 0 : i32
    "tpu.region"() ({
      %run_scoped3A_37 = tpu.sem_alloc : memref<!tpu.dma_semaphore, #tpu.memory_space<semaphore_mem>>
      %dma_start3A = arith.constant 0 : i32
      %dma_start3A_38 = arith.constant 0 : i32
      %dma_start3A_39 = tpu.memref_slice %arg2[%arg0, %run_scoped3A, %arg1, %dma_start3A, %dma_start3A_38] : memref<2x2x16x250x80xi32, #tpu.memory_space<hbm>> -> memref<1x1x1x250x80xi32, #tpu.memory_space<hbm>>
      %dma_start3A_40 = tpu.memref_squeeze %dma_start3A_39 : memref<1x1x1x250x80xi32, #tpu.memory_space<hbm>> -> memref<250x80xi32, #tpu.memory_space<hbm>>
      %dma_start3A_41 = arith.constant 0 : i32
      %dma_start3A_42 = arith.constant 0 : i32
      %dma_start3A_43 = tpu.memref_slice %arg2[%arg0, %run_scoped3A, %arg1, %dma_start3A_41, %dma_start3A_42] : memref<2x2x16x250x80xi32, #tpu.memory_space<hbm>> -> memref<1x1x1x250x80xi32, #tpu.memory_space<hbm>>
      %dma_start3A_44 = tpu.memref_squeeze %dma_start3A_43 : memref<1x1x1x250x80xi32, #tpu.memory_space<hbm>> -> memref<250x80xi32, #tpu.memory_space<hbm>>
      tpu.enqueue_dma source(%dma_start3A_44 : memref<250x80xi32, #tpu.memory_space<hbm>>) target(%arg4 : memref<250x80xi32, #tpu.memory_space<vmem>>) target_semaphore(%run_scoped3A_37 : memref<!tpu.dma_semaphore, #tpu.memory_space<semaphore_mem>>)
      %dma_wait3A = arith.constant 0 : i32
      %dma_wait3A_45 = arith.constant 0 : i32
      %dma_wait3A_46 = tpu.memref_slice %arg2[%arg0, %run_scoped3A, %arg1, %dma_wait3A, %dma_wait3A_45] : memref<2x2x16x250x80xi32, #tpu.memory_space<hbm>> -> memref<1x1x1x250x80xi32, #tpu.memory_space<hbm>>
      %dma_wait3A_47 = tpu.memref_squeeze %dma_wait3A_46 : memref<1x1x1x250x80xi32, #tpu.memory_space<hbm>> -> memref<250x80xi32, #tpu.memory_space<hbm>>
      %dma_wait3A_48 = arith.constant 0 : i32
      %dma_wait3A_49 = arith.constant 0 : i32
      %dma_wait3A_50 = tpu.memref_slice %arg2[%arg0, %run_scoped3A, %arg1, %dma_wait3A_48, %dma_wait3A_49] : memref<2x2x16x250x80xi32, #tpu.memory_space<hbm>> -> memref<1x1x1x250x80xi32, #tpu.memory_space<hbm>>
      %dma_wait3A_51 = tpu.memref_squeeze %dma_wait3A_50 : memref<1x1x1x250x80xi32, #tpu.memory_space<hbm>> -> memref<250x80xi32, #tpu.memory_space<hbm>>
      tpu.wait_dma2 semaphore(%run_scoped3A_37 : memref<!tpu.dma_semaphore, #tpu.memory_space<semaphore_mem>>) src(%dma_wait3A_51 : memref<250x80xi32, #tpu.memory_space<hbm>>) dst(%arg4 : memref<250x80xi32, #tpu.memory_space<vmem>>)
      tpu.yield
    }) : () -> ()
    %scan3A_9 = arith.constant 0 : i32
    %scan3A_10 = arith.constant 0 : i32
    %scan3A_11 = arith.constant 250 : i32
    %scan3A_12 = arith.addi %scan3A_10, %scan3A_11 : i32
    %scan3A_13 = arith.constant 1 : i32
    %scan3A_14 = scf.for %scan3A_37 = %scan3A_10 to %scan3A_12 step %scan3A_13 iter_args(%scan3A_38 = %scan3A_9) -> (i32)  : i32 {
      %get3A = arith.index_cast %scan3A_37 : i32 to index
      %get3A_39 = arith.constant 0 : index
      %get3A_40 = tpu.vector_load %arg4[%get3A, %get3A_39] {strides = array<i32>} : memref<250x80xi32, #tpu.memory_space<vmem>>, vector<16xi32>,
      tpu.vector_store_idx %arg5[%get3A_40], %broadcast_in_dim3A_0 {add = true} : memref<10240xf32, #tpu.memory_space<vmem>>[vector<16xi32>], vector<16xf32>,
      %get3A_41 = arith.index_cast %scan3A_37 : i32 to index
      %get3A_42 = arith.constant 16 : index
      %get3A_43 = tpu.vector_load %arg4[%get3A_41, %get3A_42] {strides = array<i32>} : memref<250x80xi32, #tpu.memory_space<vmem>>, vector<16xi32>,
      tpu.vector_store_idx %arg5[%get3A_43], %broadcast_in_dim3A_0 {add = true} : memref<10240xf32, #tpu.memory_space<vmem>>[vector<16xi32>], vector<16xf32>,
      %get3A_44 = arith.index_cast %scan3A_37 : i32 to index
      %get3A_45 = arith.constant 32 : index
      %get3A_46 = tpu.vector_load %arg4[%get3A_44, %get3A_45] {strides = array<i32>} : memref<250x80xi32, #tpu.memory_space<vmem>>, vector<16xi32>,
      tpu.vector_store_idx %arg5[%get3A_46], %broadcast_in_dim3A_0 {add = true} : memref<10240xf32, #tpu.memory_space<vmem>>[vector<16xi32>], vector<16xf32>,
      %get3A_47 = arith.index_cast %scan3A_37 : i32 to index
      %get3A_48 = arith.constant 48 : index
      %get3A_49 = tpu.vector_load %arg4[%get3A_47, %get3A_48] {strides = array<i32>} : memref<250x80xi32, #tpu.memory_space<vmem>>, vector<16xi32>,
      tpu.vector_store_idx %arg5[%get3A_49], %broadcast_in_dim3A_0 {add = true} : memref<10240xf32, #tpu.memory_space<vmem>>[vector<16xi32>], vector<16xf32>,
      %get3A_50 = arith.index_cast %scan3A_37 : i32 to index
      %get3A_51 = arith.constant 64 : index
      %get3A_52 = tpu.vector_load %arg4[%get3A_50, %get3A_51] {strides = array<i32>} : memref<250x80xi32, #tpu.memory_space<vmem>>, vector<16xi32>,
      tpu.vector_store_idx %arg5[%get3A_52], %broadcast_in_dim3A_0 {add = true} : memref<10240xf32, #tpu.memory_space<vmem>>[vector<16xi32>], vector<16xf32>,
      %scan3A_53 = arith.constant 0 : i32
      scf.yield %scan3A_53 : i32
    }
    %scan3A_15 = arith.constant 250 : i32
    %mul3A = arith.constant 2 : i32
    %mul3A_16 = arith.muli %arg0, %mul3A : i32
    %add3A = arith.constant 0 : i32
    %add3A_17 = arith.addi %mul3A_16, %add3A : i32
    "tpu.region"() ({
      %run_scoped3A_37 = tpu.sem_alloc : memref<!tpu.dma_semaphore, #tpu.memory_space<semaphore_mem>>
      %dma_start3A = arith.constant 0 : i32
      %dma_start3A_38 = tpu.memref_slice %arg3[%add3A_17, %arg1, %dma_start3A] : memref<4x16x10240xf32, #tpu.memory_space<hbm>> -> memref<1x1x10240xf32, #tpu.memory_space<hbm>>
      %dma_start3A_39 = tpu.memref_squeeze %dma_start3A_38 : memref<1x1x10240xf32, #tpu.memory_space<hbm>> -> memref<10240xf32, #tpu.memory_space<hbm>>
      %dma_start3A_40 = arith.constant 0 : i32
      %dma_start3A_41 = tpu.memref_slice %arg3[%add3A_17, %arg1, %dma_start3A_40] : memref<4x16x10240xf32, #tpu.memory_space<hbm>> -> memref<1x1x10240xf32, #tpu.memory_space<hbm>>
      %dma_start3A_42 = tpu.memref_squeeze %dma_start3A_41 : memref<1x1x10240xf32, #tpu.memory_space<hbm>> -> memref<10240xf32, #tpu.memory_space<hbm>>
      tpu.enqueue_dma source(%arg5 : memref<10240xf32, #tpu.memory_space<vmem>>) target(%dma_start3A_42 : memref<10240xf32, #tpu.memory_space<hbm>>) target_semaphore(%run_scoped3A_37 : memref<!tpu.dma_semaphore, #tpu.memory_space<semaphore_mem>>)
      %dma_wait3A = arith.constant 0 : i32
      %dma_wait3A_43 = tpu.memref_slice %arg3[%add3A_17, %arg1, %dma_wait3A] : memref<4x16x10240xf32, #tpu.memory_space<hbm>> -> memref<1x1x10240xf32, #tpu.memory_space<hbm>>
      %dma_wait3A_44 = tpu.memref_squeeze %dma_wait3A_43 : memref<1x1x10240xf32, #tpu.memory_space<hbm>> -> memref<10240xf32, #tpu.memory_space<hbm>>
      %dma_wait3A_45 = arith.constant 0 : i32
      %dma_wait3A_46 = tpu.memref_slice %arg3[%add3A_17, %arg1, %dma_wait3A_45] : memref<4x16x10240xf32, #tpu.memory_space<hbm>> -> memref<1x1x10240xf32, #tpu.memory_space<hbm>>
      %dma_wait3A_47 = tpu.memref_squeeze %dma_wait3A_46 : memref<1x1x10240xf32, #tpu.memory_space<hbm>> -> memref<10240xf32, #tpu.memory_space<hbm>>
      tpu.wait_dma2 semaphore(%run_scoped3A_37 : memref<!tpu.dma_semaphore, #tpu.memory_space<semaphore_mem>>) src(%arg5 : memref<10240xf32, #tpu.memory_space<vmem>>) dst(%dma_wait3A_47 : memref<10240xf32, #tpu.memory_space<hbm>>)
      tpu.yield
    }) : () -> ()
    %scan3A_18 = arith.constant 0 : i32
    %scan3A_19 = arith.constant 0 : i32
    %scan3A_20 = arith.constant 640 : i32
    %scan3A_21 = arith.addi %scan3A_19, %scan3A_20 : i32
    %scan3A_22 = arith.constant 1 : i32
    %scan3A_23 = scf.for %scan3A_37 = %scan3A_19 to %scan3A_21 step %scan3A_22 iter_args(%scan3A_38 = %scan3A_18) -> (i32)  : i32 {
      %mul3A_39 = arith.constant 16 : i32
      %mul3A_40 = arith.muli %scan3A_37, %mul3A_39 : i32
      %swap3A = arith.index_cast %mul3A_40 : i32 to index
      %swap3A_41 = tpu.vector_load %arg5[%swap3A] {strides = array<i32>} : memref<10240xf32, #tpu.memory_space<vmem>>, vector<16xf32>,
      tpu.vector_store %arg5[%swap3A], %broadcast_in_dim3A_2 {strides = array<i32>} : memref<10240xf32, #tpu.memory_space<vmem>>, vector<16xf32>,
      %scan3A_42 = arith.constant 0 : i32
      scf.yield %scan3A_42 : i32
    }
    %scan3A_24 = arith.constant 640 : i32
    %run_scoped3A_25 = arith.constant 1 : i32
    "tpu.region"() ({
      %run_scoped3A_37 = tpu.sem_alloc : memref<!tpu.dma_semaphore, #tpu.memory_space<semaphore_mem>>
      %dma_start3A = arith.constant 0 : i32
      %dma_start3A_38 = arith.constant 0 : i32
      %dma_start3A_39 = tpu.memref_slice %arg2[%arg0, %run_scoped3A_25, %arg1, %dma_start3A, %dma_start3A_38] : memref<2x2x16x250x80xi32, #tpu.memory_space<hbm>> -> memref<1x1x1x250x80xi32, #tpu.memory_space<hbm>>
      %dma_start3A_40 = tpu.memref_squeeze %dma_start3A_39 : memref<1x1x1x250x80xi32, #tpu.memory_space<hbm>> -> memref<250x80xi32, #tpu.memory_space<hbm>>
      %dma_start3A_41 = arith.constant 0 : i32
      %dma_start3A_42 = arith.constant 0 : i32
      %dma_start3A_43 = tpu.memref_slice %arg2[%arg0, %run_scoped3A_25, %arg1, %dma_start3A_41, %dma_start3A_42] : memref<2x2x16x250x80xi32, #tpu.memory_space<hbm>> -> memref<1x1x1x250x80xi32, #tpu.memory_space<hbm>>
      %dma_start3A_44 = tpu.memref_squeeze %dma_start3A_43 : memref<1x1x1x250x80xi32, #tpu.memory_space<hbm>> -> memref<250x80xi32, #tpu.memory_space<hbm>>
      tpu.enqueue_dma source(%dma_start3A_44 : memref<250x80xi32, #tpu.memory_space<hbm>>) target(%arg4 : memref<250x80xi32, #tpu.memory_space<vmem>>) target_semaphore(%run_scoped3A_37 : memref<!tpu.dma_semaphore, #tpu.memory_space<semaphore_mem>>)
      %dma_wait3A = arith.constant 0 : i32
      %dma_wait3A_45 = arith.constant 0 : i32
      %dma_wait3A_46 = tpu.memref_slice %arg2[%arg0, %run_scoped3A_25, %arg1, %dma_wait3A, %dma_wait3A_45] : memref<2x2x16x250x80xi32, #tpu.memory_space<hbm>> -> memref<1x1x1x250x80xi32, #tpu.memory_space<hbm>>
      %dma_wait3A_47 = tpu.memref_squeeze %dma_wait3A_46 : memref<1x1x1x250x80xi32, #tpu.memory_space<hbm>> -> memref<250x80xi32, #tpu.memory_space<hbm>>
      %dma_wait3A_48 = arith.constant 0 : i32
      %dma_wait3A_49 = arith.constant 0 : i32
      %dma_wait3A_50 = tpu.memref_slice %arg2[%arg0, %run_scoped3A_25, %arg1, %dma_wait3A_48, %dma_wait3A_49] : memref<2x2x16x250x80xi32, #tpu.memory_space<hbm>> -> memref<1x1x1x250x80xi32, #tpu.memory_space<hbm>>
      %dma_wait3A_51 = tpu.memref_squeeze %dma_wait3A_50 : memref<1x1x1x250x80xi32, #tpu.memory_space<hbm>> -> memref<250x80xi32, #tpu.memory_space<hbm>>
      tpu.wait_dma2 semaphore(%run_scoped3A_37 : memref<!tpu.dma_semaphore, #tpu.memory_space<semaphore_mem>>) src(%dma_wait3A_51 : memref<250x80xi32, #tpu.memory_space<hbm>>) dst(%arg4 : memref<250x80xi32, #tpu.memory_space<vmem>>)
      tpu.yield
    }) : () -> ()
    %scan3A_26 = arith.constant 0 : i32
    %scan3A_27 = arith.constant 0 : i32
    %scan3A_28 = arith.constant 250 : i32
    %scan3A_29 = arith.addi %scan3A_27, %scan3A_28 : i32
    %scan3A_30 = arith.constant 1 : i32
    %scan3A_31 = scf.for %scan3A_37 = %scan3A_27 to %scan3A_29 step %scan3A_30 iter_args(%scan3A_38 = %scan3A_26) -> (i32)  : i32 {
      %get3A = arith.index_cast %scan3A_37 : i32 to index
      %get3A_39 = arith.constant 0 : index
      %get3A_40 = tpu.vector_load %arg4[%get3A, %get3A_39] {strides = array<i32>} : memref<250x80xi32, #tpu.memory_space<vmem>>, vector<16xi32>,
      tpu.vector_store_idx %arg5[%get3A_40], %broadcast_in_dim3A_0 {add = true} : memref<10240xf32, #tpu.memory_space<vmem>>[vector<16xi32>], vector<16xf32>,
      %get3A_41 = arith.index_cast %scan3A_37 : i32 to index
      %get3A_42 = arith.constant 16 : index
      %get3A_43 = tpu.vector_load %arg4[%get3A_41, %get3A_42] {strides = array<i32>} : memref<250x80xi32, #tpu.memory_space<vmem>>, vector<16xi32>,
      tpu.vector_store_idx %arg5[%get3A_43], %broadcast_in_dim3A_0 {add = true} : memref<10240xf32, #tpu.memory_space<vmem>>[vector<16xi32>], vector<16xf32>,
      %get3A_44 = arith.index_cast %scan3A_37 : i32 to index
      %get3A_45 = arith.constant 32 : index
      %get3A_46 = tpu.vector_load %arg4[%get3A_44, %get3A_45] {strides = array<i32>} : memref<250x80xi32, #tpu.memory_space<vmem>>, vector<16xi32>,
      tpu.vector_store_idx %arg5[%get3A_46], %broadcast_in_dim3A_0 {add = true} : memref<10240xf32, #tpu.memory_space<vmem>>[vector<16xi32>], vector<16xf32>,
      %get3A_47 = arith.index_cast %scan3A_37 : i32 to index
      %get3A_48 = arith.constant 48 : index
      %get3A_49 = tpu.vector_load %arg4[%get3A_47, %get3A_48] {strides = array<i32>} : memref<250x80xi32, #tpu.memory_space<vmem>>, vector<16xi32>,
      tpu.vector_store_idx %arg5[%get3A_49], %broadcast_in_dim3A_0 {add = true} : memref<10240xf32, #tpu.memory_space<vmem>>[vector<16xi32>], vector<16xf32>,
      %get3A_50 = arith.index_cast %scan3A_37 : i32 to index
      %get3A_51 = arith.constant 64 : index
      %get3A_52 = tpu.vector_load %arg4[%get3A_50, %get3A_51] {strides = array<i32>} : memref<250x80xi32, #tpu.memory_space<vmem>>, vector<16xi32>,
      tpu.vector_store_idx %arg5[%get3A_52], %broadcast_in_dim3A_0 {add = true} : memref<10240xf32, #tpu.memory_space<vmem>>[vector<16xi32>], vector<16xf32>,
      %scan3A_53 = arith.constant 0 : i32
      scf.yield %scan3A_53 : i32
    }
    %scan3A_32 = arith.constant 250 : i32
    %mul3A_33 = arith.constant 2 : i32
    %mul3A_34 = arith.muli %arg0, %mul3A_33 : i32
    %add3A_35 = arith.constant 1 : i32
    %add3A_36 = arith.addi %mul3A_34, %add3A_35 : i32
    "tpu.region"() ({
      %run_scoped3A_37 = tpu.sem_alloc : memref<!tpu.dma_semaphore, #tpu.memory_space<semaphore_mem>>
      %dma_start3A = arith.constant 0 : i32
      %dma_start3A_38 = tpu.memref_slice %arg3[%add3A_36, %arg1, %dma_start3A] : memref<4x16x10240xf32, #tpu.memory_space<hbm>> -> memref<1x1x10240xf32, #tpu.memory_space<hbm>>
      %dma_start3A_39 = tpu.memref_squeeze %dma_start3A_38 : memref<1x1x10240xf32, #tpu.memory_space<hbm>> -> memref<10240xf32, #tpu.memory_space<hbm>>
      %dma_start3A_40 = arith.constant 0 : i32
      %dma_start3A_41 = tpu.memref_slice %arg3[%add3A_36, %arg1, %dma_start3A_40] : memref<4x16x10240xf32, #tpu.memory_space<hbm>> -> memref<1x1x10240xf32, #tpu.memory_space<hbm>>
      %dma_start3A_42 = tpu.memref_squeeze %dma_start3A_41 : memref<1x1x10240xf32, #tpu.memory_space<hbm>> -> memref<10240xf32, #tpu.memory_space<hbm>>
      tpu.enqueue_dma source(%arg5 : memref<10240xf32, #tpu.memory_space<vmem>>) target(%dma_start3A_42 : memref<10240xf32, #tpu.memory_space<hbm>>) target_semaphore(%run_scoped3A_37 : memref<!tpu.dma_semaphore, #tpu.memory_space<semaphore_mem>>)
      %dma_wait3A = arith.constant 0 : i32
      %dma_wait3A_43 = tpu.memref_slice %arg3[%add3A_36, %arg1, %dma_wait3A] : memref<4x16x10240xf32, #tpu.memory_space<hbm>> -> memref<1x1x10240xf32, #tpu.memory_space<hbm>>
      %dma_wait3A_44 = tpu.memref_squeeze %dma_wait3A_43 : memref<1x1x10240xf32, #tpu.memory_space<hbm>> -> memref<10240xf32, #tpu.memory_space<hbm>>
      %dma_wait3A_45 = arith.constant 0 : i32
      %dma_wait3A_46 = tpu.memref_slice %arg3[%add3A_36, %arg1, %dma_wait3A_45] : memref<4x16x10240xf32, #tpu.memory_space<hbm>> -> memref<1x1x10240xf32, #tpu.memory_space<hbm>>
      %dma_wait3A_47 = tpu.memref_squeeze %dma_wait3A_46 : memref<1x1x10240xf32, #tpu.memory_space<hbm>> -> memref<10240xf32, #tpu.memory_space<hbm>>
      tpu.wait_dma2 semaphore(%run_scoped3A_37 : memref<!tpu.dma_semaphore, #tpu.memory_space<semaphore_mem>>) src(%arg5 : memref<10240xf32, #tpu.memory_space<vmem>>) dst(%dma_wait3A_47 : memref<10240xf32, #tpu.memory_space<hbm>>)
      tpu.yield
    }) : () -> ()
    return
  }
}

#map = affine_map<(d0, d1) -> (0, 0, 0)>
#map1 = affine_map<(d0, d1) -> (0, 0, 0, 0, 0)>
module attributes {stable_mosaic.version = 14 : i64} {
  func.func @_sc_agg_body(%arg0: i32, %arg1: i32, %arg2: memref<2x10240x128xf32, #tpu.memory_space<hbm>>, %arg3: memref<2x16x5x50x80xi32, #tpu.memory_space<hbm>>, %arg4: memref<2x16x5x50x80xi32, #tpu.memory_space<hbm>>, %arg5: memref<2x10240x128xf32, #tpu.memory_space<hbm>>, %arg6: memref<50x80xi32, #tpu.memory_space<vmem>>, %arg7: memref<50x80xi32, #tpu.memory_space<vmem>>, %arg8: memref<80x128xf32, #tpu.memory_space<vmem>>, %arg9: memref<80x128xf32, #tpu.memory_space<vmem>>, %arg10: memref<10240x128xf32, #tpu.memory_space<vmem_shared>>, %arg11: memref<!tpu.dma_semaphore, #tpu.memory_space<semaphore_mem>>, %arg12: memref<!tpu.dma_semaphore, #tpu.memory_space<semaphore_mem>>, %arg13: memref<!tpu.dma_semaphore, #tpu.memory_space<semaphore_mem>>, %arg14: memref<!tpu.dma_semaphore, #tpu.memory_space<semaphore_mem>>) attributes {dimension_semantics = [#tpu.dimension_semantics<core_parallel>, #tpu.dimension_semantics<subcore_parallel>], iteration_bounds = array<i64: 2, 16>, scalar_prefetch = 0 : i64, scratch_operands = 9 : i64, tpu.core_type = #tpu.core_type<sc_vector_subcore>, window_params = [{transform_indices = #map}, {transform_indices = #map1}, {transform_indices = #map1}, {transform_indices = #map}]} {
    %broadcast_in_dim3A = arith.constant 0.000000e+00 : f32
    %broadcast_in_dim3A_0 = vector.broadcast %broadcast_in_dim3A : f32 to vector<16xf32>
    %scan3A = arith.constant 0 : i32
    %scan3A_1 = arith.constant 0 : i32
    %scan3A_2 = arith.constant 80 : i32
    %scan3A_3 = arith.addi %scan3A_1, %scan3A_2 : i32
    %scan3A_4 = arith.constant 1 : i32
    %scan3A_5 = scf.for %scan3A_264 = %scan3A_1 to %scan3A_3 step %scan3A_4 iter_args(%scan3A_265 = %scan3A) -> (i32)  : i32 {
      %swap3A = arith.index_cast %scan3A_264 : i32 to index
      %swap3A_266 = arith.constant 0 : index
      %swap3A_267 = tpu.vector_load %arg8[%swap3A, %swap3A_266] {strides = array<i32>} : memref<80x128xf32, #tpu.memory_space<vmem>>, vector<16xf32>,
      tpu.vector_store %arg8[%swap3A, %swap3A_266], %broadcast_in_dim3A_0 {strides = array<i32>} : memref<80x128xf32, #tpu.memory_space<vmem>>, vector<16xf32>,
      %swap3A_268 = arith.index_cast %scan3A_264 : i32 to index
      %swap3A_269 = arith.constant 16 : index
      %swap3A_270 = tpu.vector_load %arg8[%swap3A_268, %swap3A_269] {strides = array<i32>} : memref<80x128xf32, #tpu.memory_space<vmem>>, vector<16xf32>,
      tpu.vector_store %arg8[%swap3A_268, %swap3A_269], %broadcast_in_dim3A_0 {strides = array<i32>} : memref<80x128xf32, #tpu.memory_space<vmem>>, vector<16xf32>,
      %swap3A_271 = arith.index_cast %scan3A_264 : i32 to index
      %swap3A_272 = arith.constant 32 : index
      %swap3A_273 = tpu.vector_load %arg8[%swap3A_271, %swap3A_272] {strides = array<i32>} : memref<80x128xf32, #tpu.memory_space<vmem>>, vector<16xf32>,
      tpu.vector_store %arg8[%swap3A_271, %swap3A_272], %broadcast_in_dim3A_0 {strides = array<i32>} : memref<80x128xf32, #tpu.memory_space<vmem>>, vector<16xf32>,
      %swap3A_274 = arith.index_cast %scan3A_264 : i32 to index
      %swap3A_275 = arith.constant 48 : index
      %swap3A_276 = tpu.vector_load %arg8[%swap3A_274, %swap3A_275] {strides = array<i32>} : memref<80x128xf32, #tpu.memory_space<vmem>>, vector<16xf32>,
      tpu.vector_store %arg8[%swap3A_274, %swap3A_275], %broadcast_in_dim3A_0 {strides = array<i32>} : memref<80x128xf32, #tpu.memory_space<vmem>>, vector<16xf32>,
      %swap3A_277 = arith.index_cast %scan3A_264 : i32 to index
      %swap3A_278 = arith.constant 64 : index
      %swap3A_279 = tpu.vector_load %arg8[%swap3A_277, %swap3A_278] {strides = array<i32>} : memref<80x128xf32, #tpu.memory_space<vmem>>, vector<16xf32>,
      tpu.vector_store %arg8[%swap3A_277, %swap3A_278], %broadcast_in_dim3A_0 {strides = array<i32>} : memref<80x128xf32, #tpu.memory_space<vmem>>, vector<16xf32>,
      %swap3A_280 = arith.index_cast %scan3A_264 : i32 to index
      %swap3A_281 = arith.constant 80 : index
      %swap3A_282 = tpu.vector_load %arg8[%swap3A_280, %swap3A_281] {strides = array<i32>} : memref<80x128xf32, #tpu.memory_space<vmem>>, vector<16xf32>,
      tpu.vector_store %arg8[%swap3A_280, %swap3A_281], %broadcast_in_dim3A_0 {strides = array<i32>} : memref<80x128xf32, #tpu.memory_space<vmem>>, vector<16xf32>,
      %swap3A_283 = arith.index_cast %scan3A_264 : i32 to index
      %swap3A_284 = arith.constant 96 : index
      %swap3A_285 = tpu.vector_load %arg8[%swap3A_283, %swap3A_284] {strides = array<i32>} : memref<80x128xf32, #tpu.memory_space<vmem>>, vector<16xf32>,
      tpu.vector_store %arg8[%swap3A_283, %swap3A_284], %broadcast_in_dim3A_0 {strides = array<i32>} : memref<80x128xf32, #tpu.memory_space<vmem>>, vector<16xf32>,
      %swap3A_286 = arith.index_cast %scan3A_264 : i32 to index
      %swap3A_287 = arith.constant 112 : index
      %swap3A_288 = tpu.vector_load %arg8[%swap3A_286, %swap3A_287] {strides = array<i32>} : memref<80x128xf32, #tpu.memory_space<vmem>>, vector<16xf32>,
      tpu.vector_store %arg8[%swap3A_286, %swap3A_287], %broadcast_in_dim3A_0 {strides = array<i32>} : memref<80x128xf32, #tpu.memory_space<vmem>>, vector<16xf32>,
      %scan3A_289 = arith.constant 0 : i32
      scf.yield %scan3A_289 : i32
    }
    %scan3A_6 = arith.constant 80 : i32
    %mul3A = arith.constant 640 : i32
    %mul3A_7 = arith.muli %arg1, %mul3A : i32
    %add3A = arith.constant 0 : i32
    %add3A_8 = arith.addi %mul3A_7, %add3A : i32
    "tpu.region"() ({
      %run_scoped3A_264 = tpu.sem_alloc : memref<!tpu.dma_semaphore, #tpu.memory_space<semaphore_mem>>
      %dma_start3A_265 = arith.constant 0 : i32
      %dma_start3A_266 = tpu.memref_slice %arg10[%add3A_8, %dma_start3A_265] : memref<10240x128xf32, #tpu.memory_space<vmem_shared>> -> memref<80x128xf32, #tpu.memory_space<vmem_shared>>
      %dma_start3A_267 = arith.constant 0 : i32
      %dma_start3A_268 = tpu.memref_slice %arg10[%add3A_8, %dma_start3A_267] : memref<10240x128xf32, #tpu.memory_space<vmem_shared>> -> memref<80x128xf32, #tpu.memory_space<vmem_shared>>
      tpu.enqueue_dma source(%arg8 : memref<80x128xf32, #tpu.memory_space<vmem>>) target(%dma_start3A_268 : memref<80x128xf32, #tpu.memory_space<vmem_shared>>) target_semaphore(%run_scoped3A_264 : memref<!tpu.dma_semaphore, #tpu.memory_space<semaphore_mem>>)
      %dma_wait3A_269 = arith.constant 0 : i32
      %dma_wait3A_270 = tpu.memref_slice %arg10[%add3A_8, %dma_wait3A_269] : memref<10240x128xf32, #tpu.memory_space<vmem_shared>> -> memref<80x128xf32, #tpu.memory_space<vmem_shared>>
      %dma_wait3A_271 = arith.constant 0 : i32
      %dma_wait3A_272 = tpu.memref_slice %arg10[%add3A_8, %dma_wait3A_271] : memref<10240x128xf32, #tpu.memory_space<vmem_shared>> -> memref<80x128xf32, #tpu.memory_space<vmem_shared>>
      tpu.wait_dma2 semaphore(%run_scoped3A_264 : memref<!tpu.dma_semaphore, #tpu.memory_space<semaphore_mem>>) src(%arg8 : memref<80x128xf32, #tpu.memory_space<vmem>>) dst(%dma_wait3A_272 : memref<80x128xf32, #tpu.memory_space<vmem_shared>>)
      tpu.yield
    }) : () -> ()
    %mul3A_9 = arith.constant 640 : i32
    %mul3A_10 = arith.muli %arg1, %mul3A_9 : i32
    %add3A_11 = arith.constant 80 : i32
    %add3A_12 = arith.addi %mul3A_10, %add3A_11 : i32
    "tpu.region"() ({
      %run_scoped3A_264 = tpu.sem_alloc : memref<!tpu.dma_semaphore, #tpu.memory_space<semaphore_mem>>
      %dma_start3A_265 = arith.constant 0 : i32
      %dma_start3A_266 = tpu.memref_slice %arg10[%add3A_12, %dma_start3A_265] : memref<10240x128xf32, #tpu.memory_space<vmem_shared>> -> memref<80x128xf32, #tpu.memory_space<vmem_shared>>
      %dma_start3A_267 = arith.constant 0 : i32
      %dma_start3A_268 = tpu.memref_slice %arg10[%add3A_12, %dma_start3A_267] : memref<10240x128xf32, #tpu.memory_space<vmem_shared>> -> memref<80x128xf32, #tpu.memory_space<vmem_shared>>
      tpu.enqueue_dma source(%arg8 : memref<80x128xf32, #tpu.memory_space<vmem>>) target(%dma_start3A_268 : memref<80x128xf32, #tpu.memory_space<vmem_shared>>) target_semaphore(%run_scoped3A_264 : memref<!tpu.dma_semaphore, #tpu.memory_space<semaphore_mem>>)
      %dma_wait3A_269 = arith.constant 0 : i32
      %dma_wait3A_270 = tpu.memref_slice %arg10[%add3A_12, %dma_wait3A_269] : memref<10240x128xf32, #tpu.memory_space<vmem_shared>> -> memref<80x128xf32, #tpu.memory_space<vmem_shared>>
      %dma_wait3A_271 = arith.constant 0 : i32
      %dma_wait3A_272 = tpu.memref_slice %arg10[%add3A_12, %dma_wait3A_271] : memref<10240x128xf32, #tpu.memory_space<vmem_shared>> -> memref<80x128xf32, #tpu.memory_space<vmem_shared>>
      tpu.wait_dma2 semaphore(%run_scoped3A_264 : memref<!tpu.dma_semaphore, #tpu.memory_space<semaphore_mem>>) src(%arg8 : memref<80x128xf32, #tpu.memory_space<vmem>>) dst(%dma_wait3A_272 : memref<80x128xf32, #tpu.memory_space<vmem_shared>>)
      tpu.yield
    }) : () -> ()
    %mul3A_13 = arith.constant 640 : i32
    %mul3A_14 = arith.muli %arg1, %mul3A_13 : i32
    %add3A_15 = arith.constant 160 : i32
    %add3A_16 = arith.addi %mul3A_14, %add3A_15 : i32
    "tpu.region"() ({
      %run_scoped3A_264 = tpu.sem_alloc : memref<!tpu.dma_semaphore, #tpu.memory_space<semaphore_mem>>
      %dma_start3A_265 = arith.constant 0 : i32
      %dma_start3A_266 = tpu.memref_slice %arg10[%add3A_16, %dma_start3A_265] : memref<10240x128xf32, #tpu.memory_space<vmem_shared>> -> memref<80x128xf32, #tpu.memory_space<vmem_shared>>
      %dma_start3A_267 = arith.constant 0 : i32
      %dma_start3A_268 = tpu.memref_slice %arg10[%add3A_16, %dma_start3A_267] : memref<10240x128xf32, #tpu.memory_space<vmem_shared>> -> memref<80x128xf32, #tpu.memory_space<vmem_shared>>
      tpu.enqueue_dma source(%arg8 : memref<80x128xf32, #tpu.memory_space<vmem>>) target(%dma_start3A_268 : memref<80x128xf32, #tpu.memory_space<vmem_shared>>) target_semaphore(%run_scoped3A_264 : memref<!tpu.dma_semaphore, #tpu.memory_space<semaphore_mem>>)
      %dma_wait3A_269 = arith.constant 0 : i32
      %dma_wait3A_270 = tpu.memref_slice %arg10[%add3A_16, %dma_wait3A_269] : memref<10240x128xf32, #tpu.memory_space<vmem_shared>> -> memref<80x128xf32, #tpu.memory_space<vmem_shared>>
      %dma_wait3A_271 = arith.constant 0 : i32
      %dma_wait3A_272 = tpu.memref_slice %arg10[%add3A_16, %dma_wait3A_271] : memref<10240x128xf32, #tpu.memory_space<vmem_shared>> -> memref<80x128xf32, #tpu.memory_space<vmem_shared>>
      tpu.wait_dma2 semaphore(%run_scoped3A_264 : memref<!tpu.dma_semaphore, #tpu.memory_space<semaphore_mem>>) src(%arg8 : memref<80x128xf32, #tpu.memory_space<vmem>>) dst(%dma_wait3A_272 : memref<80x128xf32, #tpu.memory_space<vmem_shared>>)
      tpu.yield
    }) : () -> ()
    %mul3A_17 = arith.constant 640 : i32
    %mul3A_18 = arith.muli %arg1, %mul3A_17 : i32
    %add3A_19 = arith.constant 240 : i32
    %add3A_20 = arith.addi %mul3A_18, %add3A_19 : i32
    "tpu.region"() ({
      %run_scoped3A_264 = tpu.sem_alloc : memref<!tpu.dma_semaphore, #tpu.memory_space<semaphore_mem>>
      %dma_start3A_265 = arith.constant 0 : i32
      %dma_start3A_266 = tpu.memref_slice %arg10[%add3A_20, %dma_start3A_265] : memref<10240x128xf32, #tpu.memory_space<vmem_shared>> -> memref<80x128xf32, #tpu.memory_space<vmem_shared>>
      %dma_start3A_267 = arith.constant 0 : i32
      %dma_start3A_268 = tpu.memref_slice %arg10[%add3A_20, %dma_start3A_267] : memref<10240x128xf32, #tpu.memory_space<vmem_shared>> -> memref<80x128xf32, #tpu.memory_space<vmem_shared>>
      tpu.enqueue_dma source(%arg8 : memref<80x128xf32, #tpu.memory_space<vmem>>) target(%dma_start3A_268 : memref<80x128xf32, #tpu.memory_space<vmem_shared>>) target_semaphore(%run_scoped3A_264 : memref<!tpu.dma_semaphore, #tpu.memory_space<semaphore_mem>>)
      %dma_wait3A_269 = arith.constant 0 : i32
      %dma_wait3A_270 = tpu.memref_slice %arg10[%add3A_20, %dma_wait3A_269] : memref<10240x128xf32, #tpu.memory_space<vmem_shared>> -> memref<80x128xf32, #tpu.memory_space<vmem_shared>>
      %dma_wait3A_271 = arith.constant 0 : i32
      %dma_wait3A_272 = tpu.memref_slice %arg10[%add3A_20, %dma_wait3A_271] : memref<10240x128xf32, #tpu.memory_space<vmem_shared>> -> memref<80x128xf32, #tpu.memory_space<vmem_shared>>
      tpu.wait_dma2 semaphore(%run_scoped3A_264 : memref<!tpu.dma_semaphore, #tpu.memory_space<semaphore_mem>>) src(%arg8 : memref<80x128xf32, #tpu.memory_space<vmem>>) dst(%dma_wait3A_272 : memref<80x128xf32, #tpu.memory_space<vmem_shared>>)
      tpu.yield
    }) : () -> ()
    %mul3A_21 = arith.constant 640 : i32
    %mul3A_22 = arith.muli %arg1, %mul3A_21 : i32
    %add3A_23 = arith.constant 320 : i32
    %add3A_24 = arith.addi %mul3A_22, %add3A_23 : i32
    "tpu.region"() ({
      %run_scoped3A_264 = tpu.sem_alloc : memref<!tpu.dma_semaphore, #tpu.memory_space<semaphore_mem>>
      %dma_start3A_265 = arith.constant 0 : i32
      %dma_start3A_266 = tpu.memref_slice %arg10[%add3A_24, %dma_start3A_265] : memref<10240x128xf32, #tpu.memory_space<vmem_shared>> -> memref<80x128xf32, #tpu.memory_space<vmem_shared>>
      %dma_start3A_267 = arith.constant 0 : i32
      %dma_start3A_268 = tpu.memref_slice %arg10[%add3A_24, %dma_start3A_267] : memref<10240x128xf32, #tpu.memory_space<vmem_shared>> -> memref<80x128xf32, #tpu.memory_space<vmem_shared>>
      tpu.enqueue_dma source(%arg8 : memref<80x128xf32, #tpu.memory_space<vmem>>) target(%dma_start3A_268 : memref<80x128xf32, #tpu.memory_space<vmem_shared>>) target_semaphore(%run_scoped3A_264 : memref<!tpu.dma_semaphore, #tpu.memory_space<semaphore_mem>>)
      %dma_wait3A_269 = arith.constant 0 : i32
      %dma_wait3A_270 = tpu.memref_slice %arg10[%add3A_24, %dma_wait3A_269] : memref<10240x128xf32, #tpu.memory_space<vmem_shared>> -> memref<80x128xf32, #tpu.memory_space<vmem_shared>>
      %dma_wait3A_271 = arith.constant 0 : i32
      %dma_wait3A_272 = tpu.memref_slice %arg10[%add3A_24, %dma_wait3A_271] : memref<10240x128xf32, #tpu.memory_space<vmem_shared>> -> memref<80x128xf32, #tpu.memory_space<vmem_shared>>
      tpu.wait_dma2 semaphore(%run_scoped3A_264 : memref<!tpu.dma_semaphore, #tpu.memory_space<semaphore_mem>>) src(%arg8 : memref<80x128xf32, #tpu.memory_space<vmem>>) dst(%dma_wait3A_272 : memref<80x128xf32, #tpu.memory_space<vmem_shared>>)
      tpu.yield
    }) : () -> ()
    %mul3A_25 = arith.constant 640 : i32
    %mul3A_26 = arith.muli %arg1, %mul3A_25 : i32
    %add3A_27 = arith.constant 400 : i32
    %add3A_28 = arith.addi %mul3A_26, %add3A_27 : i32
    "tpu.region"() ({
      %run_scoped3A_264 = tpu.sem_alloc : memref<!tpu.dma_semaphore, #tpu.memory_space<semaphore_mem>>
      %dma_start3A_265 = arith.constant 0 : i32
      %dma_start3A_266 = tpu.memref_slice %arg10[%add3A_28, %dma_start3A_265] : memref<10240x128xf32, #tpu.memory_space<vmem_shared>> -> memref<80x128xf32, #tpu.memory_space<vmem_shared>>
      %dma_start3A_267 = arith.constant 0 : i32
      %dma_start3A_268 = tpu.memref_slice %arg10[%add3A_28, %dma_start3A_267] : memref<10240x128xf32, #tpu.memory_space<vmem_shared>> -> memref<80x128xf32, #tpu.memory_space<vmem_shared>>
      tpu.enqueue_dma source(%arg8 : memref<80x128xf32, #tpu.memory_space<vmem>>) target(%dma_start3A_268 : memref<80x128xf32, #tpu.memory_space<vmem_shared>>) target_semaphore(%run_scoped3A_264 : memref<!tpu.dma_semaphore, #tpu.memory_space<semaphore_mem>>)
      %dma_wait3A_269 = arith.constant 0 : i32
      %dma_wait3A_270 = tpu.memref_slice %arg10[%add3A_28, %dma_wait3A_269] : memref<10240x128xf32, #tpu.memory_space<vmem_shared>> -> memref<80x128xf32, #tpu.memory_space<vmem_shared>>
      %dma_wait3A_271 = arith.constant 0 : i32
      %dma_wait3A_272 = tpu.memref_slice %arg10[%add3A_28, %dma_wait3A_271] : memref<10240x128xf32, #tpu.memory_space<vmem_shared>> -> memref<80x128xf32, #tpu.memory_space<vmem_shared>>
      tpu.wait_dma2 semaphore(%run_scoped3A_264 : memref<!tpu.dma_semaphore, #tpu.memory_space<semaphore_mem>>) src(%arg8 : memref<80x128xf32, #tpu.memory_space<vmem>>) dst(%dma_wait3A_272 : memref<80x128xf32, #tpu.memory_space<vmem_shared>>)
      tpu.yield
    }) : () -> ()
    %mul3A_29 = arith.constant 640 : i32
    %mul3A_30 = arith.muli %arg1, %mul3A_29 : i32
    %add3A_31 = arith.constant 480 : i32
    %add3A_32 = arith.addi %mul3A_30, %add3A_31 : i32
    "tpu.region"() ({
      %run_scoped3A_264 = tpu.sem_alloc : memref<!tpu.dma_semaphore, #tpu.memory_space<semaphore_mem>>
      %dma_start3A_265 = arith.constant 0 : i32
      %dma_start3A_266 = tpu.memref_slice %arg10[%add3A_32, %dma_start3A_265] : memref<10240x128xf32, #tpu.memory_space<vmem_shared>> -> memref<80x128xf32, #tpu.memory_space<vmem_shared>>
      %dma_start3A_267 = arith.constant 0 : i32
      %dma_start3A_268 = tpu.memref_slice %arg10[%add3A_32, %dma_start3A_267] : memref<10240x128xf32, #tpu.memory_space<vmem_shared>> -> memref<80x128xf32, #tpu.memory_space<vmem_shared>>
      tpu.enqueue_dma source(%arg8 : memref<80x128xf32, #tpu.memory_space<vmem>>) target(%dma_start3A_268 : memref<80x128xf32, #tpu.memory_space<vmem_shared>>) target_semaphore(%run_scoped3A_264 : memref<!tpu.dma_semaphore, #tpu.memory_space<semaphore_mem>>)
      %dma_wait3A_269 = arith.constant 0 : i32
      %dma_wait3A_270 = tpu.memref_slice %arg10[%add3A_32, %dma_wait3A_269] : memref<10240x128xf32, #tpu.memory_space<vmem_shared>> -> memref<80x128xf32, #tpu.memory_space<vmem_shared>>
      %dma_wait3A_271 = arith.constant 0 : i32
      %dma_wait3A_272 = tpu.memref_slice %arg10[%add3A_32, %dma_wait3A_271] : memref<10240x128xf32, #tpu.memory_space<vmem_shared>> -> memref<80x128xf32, #tpu.memory_space<vmem_shared>>
      tpu.wait_dma2 semaphore(%run_scoped3A_264 : memref<!tpu.dma_semaphore, #tpu.memory_space<semaphore_mem>>) src(%arg8 : memref<80x128xf32, #tpu.memory_space<vmem>>) dst(%dma_wait3A_272 : memref<80x128xf32, #tpu.memory_space<vmem_shared>>)
      tpu.yield
    }) : () -> ()
    %mul3A_33 = arith.constant 640 : i32
    %mul3A_34 = arith.muli %arg1, %mul3A_33 : i32
    %add3A_35 = arith.constant 560 : i32
    %add3A_36 = arith.addi %mul3A_34, %add3A_35 : i32
    "tpu.region"() ({
      %run_scoped3A_264 = tpu.sem_alloc : memref<!tpu.dma_semaphore, #tpu.memory_space<semaphore_mem>>
      %dma_start3A_265 = arith.constant 0 : i32
      %dma_start3A_266 = tpu.memref_slice %arg10[%add3A_36, %dma_start3A_265] : memref<10240x128xf32, #tpu.memory_space<vmem_shared>> -> memref<80x128xf32, #tpu.memory_space<vmem_shared>>
      %dma_start3A_267 = arith.constant 0 : i32
      %dma_start3A_268 = tpu.memref_slice %arg10[%add3A_36, %dma_start3A_267] : memref<10240x128xf32, #tpu.memory_space<vmem_shared>> -> memref<80x128xf32, #tpu.memory_space<vmem_shared>>
      tpu.enqueue_dma source(%arg8 : memref<80x128xf32, #tpu.memory_space<vmem>>) target(%dma_start3A_268 : memref<80x128xf32, #tpu.memory_space<vmem_shared>>) target_semaphore(%run_scoped3A_264 : memref<!tpu.dma_semaphore, #tpu.memory_space<semaphore_mem>>)
      %dma_wait3A_269 = arith.constant 0 : i32
      %dma_wait3A_270 = tpu.memref_slice %arg10[%add3A_36, %dma_wait3A_269] : memref<10240x128xf32, #tpu.memory_space<vmem_shared>> -> memref<80x128xf32, #tpu.memory_space<vmem_shared>>
      %dma_wait3A_271 = arith.constant 0 : i32
      %dma_wait3A_272 = tpu.memref_slice %arg10[%add3A_36, %dma_wait3A_271] : memref<10240x128xf32, #tpu.memory_space<vmem_shared>> -> memref<80x128xf32, #tpu.memory_space<vmem_shared>>
      tpu.wait_dma2 semaphore(%run_scoped3A_264 : memref<!tpu.dma_semaphore, #tpu.memory_space<semaphore_mem>>) src(%arg8 : memref<80x128xf32, #tpu.memory_space<vmem>>) dst(%dma_wait3A_272 : memref<80x128xf32, #tpu.memory_space<vmem_shared>>)
      tpu.yield
    }) : () -> ()
    %barrier3A = arith.constant 0 : index
    tpu.barrier barrier_id(%barrier3A)
    %run_scoped3A = arith.constant 0 : i32
    "tpu.region"() ({
      %run_scoped3A_264 = tpu.sem_alloc : memref<!tpu.dma_semaphore, #tpu.memory_space<semaphore_mem>>
      %dma_start3A_265 = arith.constant 0 : i32
      %dma_start3A_266 = arith.constant 0 : i32
      %dma_start3A_267 = tpu.memref_slice %arg3[%arg0, %arg1, %run_scoped3A, %dma_start3A_265, %dma_start3A_266] : memref<2x16x5x50x80xi32, #tpu.memory_space<hbm>> -> memref<1x1x1x50x80xi32, #tpu.memory_space<hbm>>
      %dma_start3A_268 = tpu.memref_squeeze %dma_start3A_267 : memref<1x1x1x50x80xi32, #tpu.memory_space<hbm>> -> memref<50x80xi32, #tpu.memory_space<hbm>>
      %dma_start3A_269 = arith.constant 0 : i32
      %dma_start3A_270 = arith.constant 0 : i32
      %dma_start3A_271 = tpu.memref_slice %arg3[%arg0, %arg1, %run_scoped3A, %dma_start3A_269, %dma_start3A_270] : memref<2x16x5x50x80xi32, #tpu.memory_space<hbm>> -> memref<1x1x1x50x80xi32, #tpu.memory_space<hbm>>
      %dma_start3A_272 = tpu.memref_squeeze %dma_start3A_271 : memref<1x1x1x50x80xi32, #tpu.memory_space<hbm>> -> memref<50x80xi32, #tpu.memory_space<hbm>>
      tpu.enqueue_dma source(%dma_start3A_272 : memref<50x80xi32, #tpu.memory_space<hbm>>) target(%arg6 : memref<50x80xi32, #tpu.memory_space<vmem>>) target_semaphore(%run_scoped3A_264 : memref<!tpu.dma_semaphore, #tpu.memory_space<semaphore_mem>>)
      %dma_wait3A_273 = arith.constant 0 : i32
      %dma_wait3A_274 = arith.constant 0 : i32
      %dma_wait3A_275 = tpu.memref_slice %arg3[%arg0, %arg1, %run_scoped3A, %dma_wait3A_273, %dma_wait3A_274] : memref<2x16x5x50x80xi32, #tpu.memory_space<hbm>> -> memref<1x1x1x50x80xi32, #tpu.memory_space<hbm>>
      %dma_wait3A_276 = tpu.memref_squeeze %dma_wait3A_275 : memref<1x1x1x50x80xi32, #tpu.memory_space<hbm>> -> memref<50x80xi32, #tpu.memory_space<hbm>>
      %dma_wait3A_277 = arith.constant 0 : i32
      %dma_wait3A_278 = arith.constant 0 : i32
      %dma_wait3A_279 = tpu.memref_slice %arg3[%arg0, %arg1, %run_scoped3A, %dma_wait3A_277, %dma_wait3A_278] : memref<2x16x5x50x80xi32, #tpu.memory_space<hbm>> -> memref<1x1x1x50x80xi32, #tpu.memory_space<hbm>>
      %dma_wait3A_280 = tpu.memref_squeeze %dma_wait3A_279 : memref<1x1x1x50x80xi32, #tpu.memory_space<hbm>> -> memref<50x80xi32, #tpu.memory_space<hbm>>
      tpu.wait_dma2 semaphore(%run_scoped3A_264 : memref<!tpu.dma_semaphore, #tpu.memory_space<semaphore_mem>>) src(%dma_wait3A_280 : memref<50x80xi32, #tpu.memory_space<hbm>>) dst(%arg6 : memref<50x80xi32, #tpu.memory_space<vmem>>)
      tpu.yield
    }) : () -> ()
    %run_scoped3A_37 = arith.constant 0 : i32
    "tpu.region"() ({
      %run_scoped3A_264 = tpu.sem_alloc : memref<!tpu.dma_semaphore, #tpu.memory_space<semaphore_mem>>
      %dma_start3A_265 = arith.constant 0 : i32
      %dma_start3A_266 = arith.constant 0 : i32
      %dma_start3A_267 = tpu.memref_slice %arg4[%arg0, %arg1, %run_scoped3A_37, %dma_start3A_265, %dma_start3A_266] : memref<2x16x5x50x80xi32, #tpu.memory_space<hbm>> -> memref<1x1x1x50x80xi32, #tpu.memory_space<hbm>>
      %dma_start3A_268 = tpu.memref_squeeze %dma_start3A_267 : memref<1x1x1x50x80xi32, #tpu.memory_space<hbm>> -> memref<50x80xi32, #tpu.memory_space<hbm>>
      %dma_start3A_269 = arith.constant 0 : i32
      %dma_start3A_270 = arith.constant 0 : i32
      %dma_start3A_271 = tpu.memref_slice %arg4[%arg0, %arg1, %run_scoped3A_37, %dma_start3A_269, %dma_start3A_270] : memref<2x16x5x50x80xi32, #tpu.memory_space<hbm>> -> memref<1x1x1x50x80xi32, #tpu.memory_space<hbm>>
      %dma_start3A_272 = tpu.memref_squeeze %dma_start3A_271 : memref<1x1x1x50x80xi32, #tpu.memory_space<hbm>> -> memref<50x80xi32, #tpu.memory_space<hbm>>
      tpu.enqueue_dma source(%dma_start3A_272 : memref<50x80xi32, #tpu.memory_space<hbm>>) target(%arg7 : memref<50x80xi32, #tpu.memory_space<vmem>>) target_semaphore(%run_scoped3A_264 : memref<!tpu.dma_semaphore, #tpu.memory_space<semaphore_mem>>)
      %dma_wait3A_273 = arith.constant 0 : i32
      %dma_wait3A_274 = arith.constant 0 : i32
      %dma_wait3A_275 = tpu.memref_slice %arg4[%arg0, %arg1, %run_scoped3A_37, %dma_wait3A_273, %dma_wait3A_274] : memref<2x16x5x50x80xi32, #tpu.memory_space<hbm>> -> memref<1x1x1x50x80xi32, #tpu.memory_space<hbm>>
      %dma_wait3A_276 = tpu.memref_squeeze %dma_wait3A_275 : memref<1x1x1x50x80xi32, #tpu.memory_space<hbm>> -> memref<50x80xi32, #tpu.memory_space<hbm>>
      %dma_wait3A_277 = arith.constant 0 : i32
      %dma_wait3A_278 = arith.constant 0 : i32
      %dma_wait3A_279 = tpu.memref_slice %arg4[%arg0, %arg1, %run_scoped3A_37, %dma_wait3A_277, %dma_wait3A_278] : memref<2x16x5x50x80xi32, #tpu.memory_space<hbm>> -> memref<1x1x1x50x80xi32, #tpu.memory_space<hbm>>
      %dma_wait3A_280 = tpu.memref_squeeze %dma_wait3A_279 : memref<1x1x1x50x80xi32, #tpu.memory_space<hbm>> -> memref<50x80xi32, #tpu.memory_space<hbm>>
      tpu.wait_dma2 semaphore(%run_scoped3A_264 : memref<!tpu.dma_semaphore, #tpu.memory_space<semaphore_mem>>) src(%dma_wait3A_280 : memref<50x80xi32, #tpu.memory_space<hbm>>) dst(%arg7 : memref<50x80xi32, #tpu.memory_space<vmem>>)
      tpu.yield
    }) : () -> ()
    %dma_start3A = arith.constant 0 : i32
    %dma_start3A_38 = arith.constant 0 : i32
    %dma_start3A_39 = tpu.memref_slice %arg6[%dma_start3A, %dma_start3A_38] : memref<50x80xi32, #tpu.memory_space<vmem>> -> memref<1x80xi32, #tpu.memory_space<vmem>>
    %dma_start3A_40 = tpu.memref_squeeze %dma_start3A_39 : memref<1x80xi32, #tpu.memory_space<vmem>> -> memref<80xi32, #tpu.memory_space<vmem>>
    %dma_start3A_41 = arith.constant 0 : i32
    %dma_start3A_42 = arith.constant 0 : i32
    %dma_start3A_43 = tpu.memref_slice %arg2[%arg0, %dma_start3A_41, %dma_start3A_42] : memref<2x10240x128xf32, #tpu.memory_space<hbm>> -> memref<1x10240x128xf32, #tpu.memory_space<hbm>>
    %dma_start3A_44 = tpu.memref_squeeze %dma_start3A_43 : memref<1x10240x128xf32, #tpu.memory_space<hbm>> -> memref<10240x128xf32, #tpu.memory_space<hbm>>
    %dma_start3A_45 = arith.constant 0 : i32
    %dma_start3A_46 = arith.constant 0 : i32
    %dma_start3A_47 = tpu.memref_slice %dma_start3A_44[%dma_start3A_45, %dma_start3A_46] : memref<10240x128xf32, #tpu.memory_space<hbm>> -> memref<10240x128xf32, #tpu.memory_space<hbm>>
    tpu.enqueue_indirect_dma source(%dma_start3A_47 : memref<10240x128xf32, #tpu.memory_space<hbm>>) target(%arg8 : memref<80x128xf32, #tpu.memory_space<vmem>>) offsets(%dma_start3A_40 : memref<80xi32, #tpu.memory_space<vmem>>) semaphore(%arg11 : memref<!tpu.dma_semaphore, #tpu.memory_space<semaphore_mem>>)
    %dma_start3A_48 = arith.constant 1 : i32
    %dma_start3A_49 = arith.constant 0 : i32
    %dma_start3A_50 = tpu.memref_slice %arg6[%dma_start3A_48, %dma_start3A_49] : memref<50x80xi32, #tpu.memory_space<vmem>> -> memref<1x80xi32, #tpu.memory_space<vmem>>
    %dma_start3A_51 = tpu.memref_squeeze %dma_start3A_50 : memref<1x80xi32, #tpu.memory_space<vmem>> -> memref<80xi32, #tpu.memory_space<vmem>>
    %dma_start3A_52 = arith.constant 0 : i32
    %dma_start3A_53 = arith.constant 0 : i32
    %dma_start3A_54 = tpu.memref_slice %arg2[%arg0, %dma_start3A_52, %dma_start3A_53] : memref<2x10240x128xf32, #tpu.memory_space<hbm>> -> memref<1x10240x128xf32, #tpu.memory_space<hbm>>
    %dma_start3A_55 = tpu.memref_squeeze %dma_start3A_54 : memref<1x10240x128xf32, #tpu.memory_space<hbm>> -> memref<10240x128xf32, #tpu.memory_space<hbm>>
    %dma_start3A_56 = arith.constant 0 : i32
    %dma_start3A_57 = arith.constant 0 : i32
    %dma_start3A_58 = tpu.memref_slice %dma_start3A_55[%dma_start3A_56, %dma_start3A_57] : memref<10240x128xf32, #tpu.memory_space<hbm>> -> memref<10240x128xf32, #tpu.memory_space<hbm>>
    tpu.enqueue_indirect_dma source(%dma_start3A_58 : memref<10240x128xf32, #tpu.memory_space<hbm>>) target(%arg9 : memref<80x128xf32, #tpu.memory_space<vmem>>) offsets(%dma_start3A_51 : memref<80xi32, #tpu.memory_space<vmem>>) semaphore(%arg12 : memref<!tpu.dma_semaphore, #tpu.memory_space<semaphore_mem>>)
    %scan3A_59 = arith.constant 0 : i32
    %scan3A_60 = arith.constant 0 : i32
    %scan3A_61 = arith.constant 25 : i32
    %scan3A_62 = arith.addi %scan3A_60, %scan3A_61 : i32
    %scan3A_63 = arith.constant 1 : i32
    %scan3A_64 = scf.for %scan3A_264 = %scan3A_60 to %scan3A_62 step %scan3A_63 iter_args(%scan3A_265 = %scan3A_59) -> (i32)  : i32 {
      %mul3A_266 = arith.constant 2 : i32
      %mul3A_267 = arith.muli %mul3A_266, %scan3A_264 : i32
      %mul3A_268 = arith.constant 2 : i32
      %mul3A_269 = arith.muli %mul3A_268, %scan3A_264 : i32
      %add3A_270 = arith.constant 1 : i32
      %add3A_271 = arith.addi %mul3A_269, %add3A_270 : i32
      %dma_wait3A_272 = arith.constant 0 : i32
      %dma_wait3A_273 = arith.constant 0 : i32
      %dma_wait3A_274 = tpu.memref_slice %arg6[%dma_wait3A_272, %dma_wait3A_273] : memref<50x80xi32, #tpu.memory_space<vmem>> -> memref<1x80xi32, #tpu.memory_space<vmem>>
      %dma_wait3A_275 = tpu.memref_squeeze %dma_wait3A_274 : memref<1x80xi32, #tpu.memory_space<vmem>> -> memref<80xi32, #tpu.memory_space<vmem>>
      %dma_wait3A_276 = arith.constant 0 : i32
      %dma_wait3A_277 = arith.constant 0 : i32
      %dma_wait3A_278 = tpu.memref_slice %arg2[%arg0, %dma_wait3A_276, %dma_wait3A_277] : memref<2x10240x128xf32, #tpu.memory_space<hbm>> -> memref<1x10240x128xf32, #tpu.memory_space<hbm>>
      %dma_wait3A_279 = tpu.memref_squeeze %dma_wait3A_278 : memref<1x10240x128xf32, #tpu.memory_space<hbm>> -> memref<10240x128xf32, #tpu.memory_space<hbm>>
      %dma_wait3A_280 = arith.constant 0 : i32
      %dma_wait3A_281 = arith.constant 0 : i32
      %dma_wait3A_282 = tpu.memref_slice %dma_wait3A_279[%dma_wait3A_280, %dma_wait3A_281] : memref<10240x128xf32, #tpu.memory_space<hbm>> -> memref<10240x128xf32, #tpu.memory_space<hbm>>
      tpu.wait_indirect_dma semaphore(%arg11 : memref<!tpu.dma_semaphore, #tpu.memory_space<semaphore_mem>>) src(%dma_wait3A_282 : memref<10240x128xf32, #tpu.memory_space<hbm>>) dst(%arg8 : memref<80x128xf32, #tpu.memory_space<vmem>>)
      %dma_start3A_283 = arith.constant 0 : i32
      %dma_start3A_284 = tpu.memref_slice %arg7[%mul3A_267, %dma_start3A_283] : memref<50x80xi32, #tpu.memory_space<vmem>> -> memref<1x80xi32, #tpu.memory_space<vmem>>
      %dma_start3A_285 = tpu.memref_squeeze %dma_start3A_284 : memref<1x80xi32, #tpu.memory_space<vmem>> -> memref<80xi32, #tpu.memory_space<vmem>>
      %dma_start3A_286 = arith.constant 0 : i32
      %dma_start3A_287 = arith.constant 0 : i32
      %dma_start3A_288 = tpu.memref_slice %arg10[%dma_start3A_286, %dma_start3A_287] : memref<10240x128xf32, #tpu.memory_space<vmem_shared>> -> memref<10240x128xf32, #tpu.memory_space<vmem_shared>>
      tpu.enqueue_indirect_dma source(%arg8 : memref<80x128xf32, #tpu.memory_space<vmem>>) target(%dma_start3A_288 : memref<10240x128xf32, #tpu.memory_space<vmem_shared>>) offsets(%dma_start3A_285 : memref<80xi32, #tpu.memory_space<vmem>>) semaphore(%arg13 : memref<!tpu.dma_semaphore, #tpu.memory_space<semaphore_mem>>) {add = true}
      %dma_wait3A_289 = arith.constant 0 : i32
      %dma_wait3A_290 = arith.constant 0 : i32
      %dma_wait3A_291 = tpu.memref_slice %arg6[%dma_wait3A_289, %dma_wait3A_290] : memref<50x80xi32, #tpu.memory_space<vmem>> -> memref<1x80xi32, #tpu.memory_space<vmem>>
      %dma_wait3A_292 = tpu.memref_squeeze %dma_wait3A_291 : memref<1x80xi32, #tpu.memory_space<vmem>> -> memref<80xi32, #tpu.memory_space<vmem>>
      %dma_wait3A_293 = arith.constant 0 : i32
      %dma_wait3A_294 = arith.constant 0 : i32
      %dma_wait3A_295 = tpu.memref_slice %arg2[%arg0, %dma_wait3A_293, %dma_wait3A_294] : memref<2x10240x128xf32, #tpu.memory_space<hbm>> -> memref<1x10240x128xf32, #tpu.memory_space<hbm>>
      %dma_wait3A_296 = tpu.memref_squeeze %dma_wait3A_295 : memref<1x10240x128xf32, #tpu.memory_space<hbm>> -> memref<10240x128xf32, #tpu.memory_space<hbm>>
      %dma_wait3A_297 = arith.constant 0 : i32
      %dma_wait3A_298 = arith.constant 0 : i32
      %dma_wait3A_299 = tpu.memref_slice %dma_wait3A_296[%dma_wait3A_297, %dma_wait3A_298] : memref<10240x128xf32, #tpu.memory_space<hbm>> -> memref<10240x128xf32, #tpu.memory_space<hbm>>
      tpu.wait_indirect_dma semaphore(%arg12 : memref<!tpu.dma_semaphore, #tpu.memory_space<semaphore_mem>>) src(%dma_wait3A_299 : memref<10240x128xf32, #tpu.memory_space<hbm>>) dst(%arg9 : memref<80x128xf32, #tpu.memory_space<vmem>>)
      %dma_start3A_300 = arith.constant 0 : i32
      %dma_start3A_301 = tpu.memref_slice %arg7[%add3A_271, %dma_start3A_300] : memref<50x80xi32, #tpu.memory_space<vmem>> -> memref<1x80xi32, #tpu.memory_space<vmem>>
      %dma_start3A_302 = tpu.memref_squeeze %dma_start3A_301 : memref<1x80xi32, #tpu.memory_space<vmem>> -> memref<80xi32, #tpu.memory_space<vmem>>
      %dma_start3A_303 = arith.constant 0 : i32
      %dma_start3A_304 = arith.constant 0 : i32
      %dma_start3A_305 = tpu.memref_slice %arg10[%dma_start3A_303, %dma_start3A_304] : memref<10240x128xf32, #tpu.memory_space<vmem_shared>> -> memref<10240x128xf32, #tpu.memory_space<vmem_shared>>
      tpu.enqueue_indirect_dma source(%arg9 : memref<80x128xf32, #tpu.memory_space<vmem>>) target(%dma_start3A_305 : memref<10240x128xf32, #tpu.memory_space<vmem_shared>>) offsets(%dma_start3A_302 : memref<80xi32, #tpu.memory_space<vmem>>) semaphore(%arg14 : memref<!tpu.dma_semaphore, #tpu.memory_space<semaphore_mem>>) {add = true}
      %add3A_306 = arith.constant 2 : i32
      %add3A_307 = arith.addi %mul3A_267, %add3A_306 : i32
      %lt3A = arith.constant 50 : i32
      %lt3A_308 = arith.cmpi slt, %add3A_307, %lt3A : i32
      %convert_element_type3A = arith.extui %lt3A_308 : i1 to i32
      %cond3A = arith.constant 0 : i32
      %cond3A_309 = arith.cmpi ne, %convert_element_type3A, %cond3A : i32
      scf.if %cond3A_309 {
        %dma_wait3A_318 = arith.constant 0 : i32
        %dma_wait3A_319 = arith.constant 0 : i32
        %dma_wait3A_320 = tpu.memref_slice %arg7[%dma_wait3A_318, %dma_wait3A_319] : memref<50x80xi32, #tpu.memory_space<vmem>> -> memref<1x80xi32, #tpu.memory_space<vmem>>
        %dma_wait3A_321 = tpu.memref_squeeze %dma_wait3A_320 : memref<1x80xi32, #tpu.memory_space<vmem>> -> memref<80xi32, #tpu.memory_space<vmem>>
        %dma_wait3A_322 = arith.constant 0 : i32
        %dma_wait3A_323 = arith.constant 0 : i32
        %dma_wait3A_324 = tpu.memref_slice %arg10[%dma_wait3A_322, %dma_wait3A_323] : memref<10240x128xf32, #tpu.memory_space<vmem_shared>> -> memref<10240x128xf32, #tpu.memory_space<vmem_shared>>
        tpu.wait_indirect_dma semaphore(%arg13 : memref<!tpu.dma_semaphore, #tpu.memory_space<semaphore_mem>>) src(%arg8 : memref<80x128xf32, #tpu.memory_space<vmem>>) dst(%dma_wait3A_324 : memref<10240x128xf32, #tpu.memory_space<vmem_shared>>)
        %add3A_325 = arith.constant 2 : i32
        %add3A_326 = arith.addi %mul3A_267, %add3A_325 : i32
        %dma_start3A_327 = arith.constant 0 : i32
        %dma_start3A_328 = tpu.memref_slice %arg6[%add3A_326, %dma_start3A_327] : memref<50x80xi32, #tpu.memory_space<vmem>> -> memref<1x80xi32, #tpu.memory_space<vmem>>
        %dma_start3A_329 = tpu.memref_squeeze %dma_start3A_328 : memref<1x80xi32, #tpu.memory_space<vmem>> -> memref<80xi32, #tpu.memory_space<vmem>>
        %dma_start3A_330 = arith.constant 0 : i32
        %dma_start3A_331 = arith.constant 0 : i32
        %dma_start3A_332 = tpu.memref_slice %arg2[%arg0, %dma_start3A_330, %dma_start3A_331] : memref<2x10240x128xf32, #tpu.memory_space<hbm>> -> memref<1x10240x128xf32, #tpu.memory_space<hbm>>
        %dma_start3A_333 = tpu.memref_squeeze %dma_start3A_332 : memref<1x10240x128xf32, #tpu.memory_space<hbm>> -> memref<10240x128xf32, #tpu.memory_space<hbm>>
        %dma_start3A_334 = arith.constant 0 : i32
        %dma_start3A_335 = arith.constant 0 : i32
        %dma_start3A_336 = tpu.memref_slice %dma_start3A_333[%dma_start3A_334, %dma_start3A_335] : memref<10240x128xf32, #tpu.memory_space<hbm>> -> memref<10240x128xf32, #tpu.memory_space<hbm>>
        tpu.enqueue_indirect_dma source(%dma_start3A_336 : memref<10240x128xf32, #tpu.memory_space<hbm>>) target(%arg8 : memref<80x128xf32, #tpu.memory_space<vmem>>) offsets(%dma_start3A_329 : memref<80xi32, #tpu.memory_space<vmem>>) semaphore(%arg11 : memref<!tpu.dma_semaphore, #tpu.memory_space<semaphore_mem>>)
      } else {
      }
      %add3A_310 = arith.constant 2 : i32
      %add3A_311 = arith.addi %add3A_271, %add3A_310 : i32
      %lt3A_312 = arith.constant 50 : i32
      %lt3A_313 = arith.cmpi slt, %add3A_311, %lt3A_312 : i32
      %convert_element_type3A_314 = arith.extui %lt3A_313 : i1 to i32
      %cond3A_315 = arith.constant 0 : i32
      %cond3A_316 = arith.cmpi ne, %convert_element_type3A_314, %cond3A_315 : i32
      scf.if %cond3A_316 {
        %dma_wait3A_318 = arith.constant 0 : i32
        %dma_wait3A_319 = arith.constant 0 : i32
        %dma_wait3A_320 = tpu.memref_slice %arg7[%dma_wait3A_318, %dma_wait3A_319] : memref<50x80xi32, #tpu.memory_space<vmem>> -> memref<1x80xi32, #tpu.memory_space<vmem>>
        %dma_wait3A_321 = tpu.memref_squeeze %dma_wait3A_320 : memref<1x80xi32, #tpu.memory_space<vmem>> -> memref<80xi32, #tpu.memory_space<vmem>>
        %dma_wait3A_322 = arith.constant 0 : i32
        %dma_wait3A_323 = arith.constant 0 : i32
        %dma_wait3A_324 = tpu.memref_slice %arg10[%dma_wait3A_322, %dma_wait3A_323] : memref<10240x128xf32, #tpu.memory_space<vmem_shared>> -> memref<10240x128xf32, #tpu.memory_space<vmem_shared>>
        tpu.wait_indirect_dma semaphore(%arg14 : memref<!tpu.dma_semaphore, #tpu.memory_space<semaphore_mem>>) src(%arg9 : memref<80x128xf32, #tpu.memory_space<vmem>>) dst(%dma_wait3A_324 : memref<10240x128xf32, #tpu.memory_space<vmem_shared>>)
        %add3A_325 = arith.constant 2 : i32
        %add3A_326 = arith.addi %add3A_271, %add3A_325 : i32
        %dma_start3A_327 = arith.constant 0 : i32
        %dma_start3A_328 = tpu.memref_slice %arg6[%add3A_326, %dma_start3A_327] : memref<50x80xi32, #tpu.memory_space<vmem>> -> memref<1x80xi32, #tpu.memory_space<vmem>>
        %dma_start3A_329 = tpu.memref_squeeze %dma_start3A_328 : memref<1x80xi32, #tpu.memory_space<vmem>> -> memref<80xi32, #tpu.memory_space<vmem>>
        %dma_start3A_330 = arith.constant 0 : i32
        %dma_start3A_331 = arith.constant 0 : i32
        %dma_start3A_332 = tpu.memref_slice %arg2[%arg0, %dma_start3A_330, %dma_start3A_331] : memref<2x10240x128xf32, #tpu.memory_space<hbm>> -> memref<1x10240x128xf32, #tpu.memory_space<hbm>>
        %dma_start3A_333 = tpu.memref_squeeze %dma_start3A_332 : memref<1x10240x128xf32, #tpu.memory_space<hbm>> -> memref<10240x128xf32, #tpu.memory_space<hbm>>
        %dma_start3A_334 = arith.constant 0 : i32
        %dma_start3A_335 = arith.constant 0 : i32
        %dma_start3A_336 = tpu.memref_slice %dma_start3A_333[%dma_start3A_334, %dma_start3A_335] : memref<10240x128xf32, #tpu.memory_space<hbm>> -> memref<10240x128xf32, #tpu.memory_space<hbm>>
        tpu.enqueue_indirect_dma source(%dma_start3A_336 : memref<10240x128xf32, #tpu.memory_space<hbm>>) target(%arg9 : memref<80x128xf32, #tpu.memory_space<vmem>>) offsets(%dma_start3A_329 : memref<80xi32, #tpu.memory_space<vmem>>) semaphore(%arg12 : memref<!tpu.dma_semaphore, #tpu.memory_space<semaphore_mem>>)
      } else {
      }
      %scan3A_317 = arith.constant 0 : i32
      scf.yield %scan3A_317 : i32
    }
    %scan3A_65 = arith.constant 25 : i32
    %dma_wait3A = arith.constant 0 : i32
    %dma_wait3A_66 = arith.constant 0 : i32
    %dma_wait3A_67 = tpu.memref_slice %arg7[%dma_wait3A, %dma_wait3A_66] : memref<50x80xi32, #tpu.memory_space<vmem>> -> memref<1x80xi32, #tpu.memory_space<vmem>>
    %dma_wait3A_68 = tpu.memref_squeeze %dma_wait3A_67 : memref<1x80xi32, #tpu.memory_space<vmem>> -> memref<80xi32, #tpu.memory_space<vmem>>
    %dma_wait3A_69 = arith.constant 0 : i32
    %dma_wait3A_70 = arith.constant 0 : i32
    %dma_wait3A_71 = tpu.memref_slice %arg10[%dma_wait3A_69, %dma_wait3A_70] : memref<10240x128xf32, #tpu.memory_space<vmem_shared>> -> memref<10240x128xf32, #tpu.memory_space<vmem_shared>>
    tpu.wait_indirect_dma semaphore(%arg13 : memref<!tpu.dma_semaphore, #tpu.memory_space<semaphore_mem>>) src(%arg8 : memref<80x128xf32, #tpu.memory_space<vmem>>) dst(%dma_wait3A_71 : memref<10240x128xf32, #tpu.memory_space<vmem_shared>>)
    %dma_wait3A_72 = arith.constant 0 : i32
    %dma_wait3A_73 = arith.constant 0 : i32
    %dma_wait3A_74 = tpu.memref_slice %arg7[%dma_wait3A_72, %dma_wait3A_73] : memref<50x80xi32, #tpu.memory_space<vmem>> -> memref<1x80xi32, #tpu.memory_space<vmem>>
    %dma_wait3A_75 = tpu.memref_squeeze %dma_wait3A_74 : memref<1x80xi32, #tpu.memory_space<vmem>> -> memref<80xi32, #tpu.memory_space<vmem>>
    %dma_wait3A_76 = arith.constant 0 : i32
    %dma_wait3A_77 = arith.constant 0 : i32
    %dma_wait3A_78 = tpu.memref_slice %arg10[%dma_wait3A_76, %dma_wait3A_77] : memref<10240x128xf32, #tpu.memory_space<vmem_shared>> -> memref<10240x128xf32, #tpu.memory_space<vmem_shared>>
    tpu.wait_indirect_dma semaphore(%arg14 : memref<!tpu.dma_semaphore, #tpu.memory_space<semaphore_mem>>) src(%arg9 : memref<80x128xf32, #tpu.memory_space<vmem>>) dst(%dma_wait3A_78 : memref<10240x128xf32, #tpu.memory_space<vmem_shared>>)
    %run_scoped3A_79 = arith.constant 1 : i32
    "tpu.region"() ({
      %run_scoped3A_264 = tpu.sem_alloc : memref<!tpu.dma_semaphore, #tpu.memory_space<semaphore_mem>>
      %dma_start3A_265 = arith.constant 0 : i32
      %dma_start3A_266 = arith.constant 0 : i32
      %dma_start3A_267 = tpu.memref_slice %arg3[%arg0, %arg1, %run_scoped3A_79, %dma_start3A_265, %dma_start3A_266] : memref<2x16x5x50x80xi32, #tpu.memory_space<hbm>> -> memref<1x1x1x50x80xi32, #tpu.memory_space<hbm>>
      %dma_start3A_268 = tpu.memref_squeeze %dma_start3A_267 : memref<1x1x1x50x80xi32, #tpu.memory_space<hbm>> -> memref<50x80xi32, #tpu.memory_space<hbm>>
      %dma_start3A_269 = arith.constant 0 : i32
      %dma_start3A_270 = arith.constant 0 : i32
      %dma_start3A_271 = tpu.memref_slice %arg3[%arg0, %arg1, %run_scoped3A_79, %dma_start3A_269, %dma_start3A_270] : memref<2x16x5x50x80xi32, #tpu.memory_space<hbm>> -> memref<1x1x1x50x80xi32, #tpu.memory_space<hbm>>
      %dma_start3A_272 = tpu.memref_squeeze %dma_start3A_271 : memref<1x1x1x50x80xi32, #tpu.memory_space<hbm>> -> memref<50x80xi32, #tpu.memory_space<hbm>>
      tpu.enqueue_dma source(%dma_start3A_272 : memref<50x80xi32, #tpu.memory_space<hbm>>) target(%arg6 : memref<50x80xi32, #tpu.memory_space<vmem>>) target_semaphore(%run_scoped3A_264 : memref<!tpu.dma_semaphore, #tpu.memory_space<semaphore_mem>>)
      %dma_wait3A_273 = arith.constant 0 : i32
      %dma_wait3A_274 = arith.constant 0 : i32
      %dma_wait3A_275 = tpu.memref_slice %arg3[%arg0, %arg1, %run_scoped3A_79, %dma_wait3A_273, %dma_wait3A_274] : memref<2x16x5x50x80xi32, #tpu.memory_space<hbm>> -> memref<1x1x1x50x80xi32, #tpu.memory_space<hbm>>
      %dma_wait3A_276 = tpu.memref_squeeze %dma_wait3A_275 : memref<1x1x1x50x80xi32, #tpu.memory_space<hbm>> -> memref<50x80xi32, #tpu.memory_space<hbm>>
      %dma_wait3A_277 = arith.constant 0 : i32
      %dma_wait3A_278 = arith.constant 0 : i32
      %dma_wait3A_279 = tpu.memref_slice %arg3[%arg0, %arg1, %run_scoped3A_79, %dma_wait3A_277, %dma_wait3A_278] : memref<2x16x5x50x80xi32, #tpu.memory_space<hbm>> -> memref<1x1x1x50x80xi32, #tpu.memory_space<hbm>>
      %dma_wait3A_280 = tpu.memref_squeeze %dma_wait3A_279 : memref<1x1x1x50x80xi32, #tpu.memory_space<hbm>> -> memref<50x80xi32, #tpu.memory_space<hbm>>
      tpu.wait_dma2 semaphore(%run_scoped3A_264 : memref<!tpu.dma_semaphore, #tpu.memory_space<semaphore_mem>>) src(%dma_wait3A_280 : memref<50x80xi32, #tpu.memory_space<hbm>>) dst(%arg6 : memref<50x80xi32, #tpu.memory_space<vmem>>)
      tpu.yield
    }) : () -> ()
    %run_scoped3A_80 = arith.constant 1 : i32
    "tpu.region"() ({
      %run_scoped3A_264 = tpu.sem_alloc : memref<!tpu.dma_semaphore, #tpu.memory_space<semaphore_mem>>
      %dma_start3A_265 = arith.constant 0 : i32
      %dma_start3A_266 = arith.constant 0 : i32
      %dma_start3A_267 = tpu.memref_slice %arg4[%arg0, %arg1, %run_scoped3A_80, %dma_start3A_265, %dma_start3A_266] : memref<2x16x5x50x80xi32, #tpu.memory_space<hbm>> -> memref<1x1x1x50x80xi32, #tpu.memory_space<hbm>>
      %dma_start3A_268 = tpu.memref_squeeze %dma_start3A_267 : memref<1x1x1x50x80xi32, #tpu.memory_space<hbm>> -> memref<50x80xi32, #tpu.memory_space<hbm>>
      %dma_start3A_269 = arith.constant 0 : i32
      %dma_start3A_270 = arith.constant 0 : i32
      %dma_start3A_271 = tpu.memref_slice %arg4[%arg0, %arg1, %run_scoped3A_80, %dma_start3A_269, %dma_start3A_270] : memref<2x16x5x50x80xi32, #tpu.memory_space<hbm>> -> memref<1x1x1x50x80xi32, #tpu.memory_space<hbm>>
      %dma_start3A_272 = tpu.memref_squeeze %dma_start3A_271 : memref<1x1x1x50x80xi32, #tpu.memory_space<hbm>> -> memref<50x80xi32, #tpu.memory_space<hbm>>
      tpu.enqueue_dma source(%dma_start3A_272 : memref<50x80xi32, #tpu.memory_space<hbm>>) target(%arg7 : memref<50x80xi32, #tpu.memory_space<vmem>>) target_semaphore(%run_scoped3A_264 : memref<!tpu.dma_semaphore, #tpu.memory_space<semaphore_mem>>)
      %dma_wait3A_273 = arith.constant 0 : i32
      %dma_wait3A_274 = arith.constant 0 : i32
      %dma_wait3A_275 = tpu.memref_slice %arg4[%arg0, %arg1, %run_scoped3A_80, %dma_wait3A_273, %dma_wait3A_274] : memref<2x16x5x50x80xi32, #tpu.memory_space<hbm>> -> memref<1x1x1x50x80xi32, #tpu.memory_space<hbm>>
      %dma_wait3A_276 = tpu.memref_squeeze %dma_wait3A_275 : memref<1x1x1x50x80xi32, #tpu.memory_space<hbm>> -> memref<50x80xi32, #tpu.memory_space<hbm>>
      %dma_wait3A_277 = arith.constant 0 : i32
      %dma_wait3A_278 = arith.constant 0 : i32
      %dma_wait3A_279 = tpu.memref_slice %arg4[%arg0, %arg1, %run_scoped3A_80, %dma_wait3A_277, %dma_wait3A_278] : memref<2x16x5x50x80xi32, #tpu.memory_space<hbm>> -> memref<1x1x1x50x80xi32, #tpu.memory_space<hbm>>
      %dma_wait3A_280 = tpu.memref_squeeze %dma_wait3A_279 : memref<1x1x1x50x80xi32, #tpu.memory_space<hbm>> -> memref<50x80xi32, #tpu.memory_space<hbm>>
      tpu.wait_dma2 semaphore(%run_scoped3A_264 : memref<!tpu.dma_semaphore, #tpu.memory_space<semaphore_mem>>) src(%dma_wait3A_280 : memref<50x80xi32, #tpu.memory_space<hbm>>) dst(%arg7 : memref<50x80xi32, #tpu.memory_space<vmem>>)
      tpu.yield
    }) : () -> ()
    %dma_start3A_81 = arith.constant 0 : i32
    %dma_start3A_82 = arith.constant 0 : i32
    %dma_start3A_83 = tpu.memref_slice %arg6[%dma_start3A_81, %dma_start3A_82] : memref<50x80xi32, #tpu.memory_space<vmem>> -> memref<1x80xi32, #tpu.memory_space<vmem>>
    %dma_start3A_84 = tpu.memref_squeeze %dma_start3A_83 : memref<1x80xi32, #tpu.memory_space<vmem>> -> memref<80xi32, #tpu.memory_space<vmem>>
    %dma_start3A_85 = arith.constant 0 : i32
    %dma_start3A_86 = arith.constant 0 : i32
    %dma_start3A_87 = tpu.memref_slice %arg2[%arg0, %dma_start3A_85, %dma_start3A_86] : memref<2x10240x128xf32, #tpu.memory_space<hbm>> -> memref<1x10240x128xf32, #tpu.memory_space<hbm>>
    %dma_start3A_88 = tpu.memref_squeeze %dma_start3A_87 : memref<1x10240x128xf32, #tpu.memory_space<hbm>> -> memref<10240x128xf32, #tpu.memory_space<hbm>>
    %dma_start3A_89 = arith.constant 0 : i32
    %dma_start3A_90 = arith.constant 0 : i32
    %dma_start3A_91 = tpu.memref_slice %dma_start3A_88[%dma_start3A_89, %dma_start3A_90] : memref<10240x128xf32, #tpu.memory_space<hbm>> -> memref<10240x128xf32, #tpu.memory_space<hbm>>
    tpu.enqueue_indirect_dma source(%dma_start3A_91 : memref<10240x128xf32, #tpu.memory_space<hbm>>) target(%arg8 : memref<80x128xf32, #tpu.memory_space<vmem>>) offsets(%dma_start3A_84 : memref<80xi32, #tpu.memory_space<vmem>>) semaphore(%arg11 : memref<!tpu.dma_semaphore, #tpu.memory_space<semaphore_mem>>)
    %dma_start3A_92 = arith.constant 1 : i32
    %dma_start3A_93 = arith.constant 0 : i32
    %dma_start3A_94 = tpu.memref_slice %arg6[%dma_start3A_92, %dma_start3A_93] : memref<50x80xi32, #tpu.memory_space<vmem>> -> memref<1x80xi32, #tpu.memory_space<vmem>>
    %dma_start3A_95 = tpu.memref_squeeze %dma_start3A_94 : memref<1x80xi32, #tpu.memory_space<vmem>> -> memref<80xi32, #tpu.memory_space<vmem>>
    %dma_start3A_96 = arith.constant 0 : i32
    %dma_start3A_97 = arith.constant 0 : i32
    %dma_start3A_98 = tpu.memref_slice %arg2[%arg0, %dma_start3A_96, %dma_start3A_97] : memref<2x10240x128xf32, #tpu.memory_space<hbm>> -> memref<1x10240x128xf32, #tpu.memory_space<hbm>>
    %dma_start3A_99 = tpu.memref_squeeze %dma_start3A_98 : memref<1x10240x128xf32, #tpu.memory_space<hbm>> -> memref<10240x128xf32, #tpu.memory_space<hbm>>
    %dma_start3A_100 = arith.constant 0 : i32
    %dma_start3A_101 = arith.constant 0 : i32
    %dma_start3A_102 = tpu.memref_slice %dma_start3A_99[%dma_start3A_100, %dma_start3A_101] : memref<10240x128xf32, #tpu.memory_space<hbm>> -> memref<10240x128xf32, #tpu.memory_space<hbm>>
    tpu.enqueue_indirect_dma source(%dma_start3A_102 : memref<10240x128xf32, #tpu.memory_space<hbm>>) target(%arg9 : memref<80x128xf32, #tpu.memory_space<vmem>>) offsets(%dma_start3A_95 : memref<80xi32, #tpu.memory_space<vmem>>) semaphore(%arg12 : memref<!tpu.dma_semaphore, #tpu.memory_space<semaphore_mem>>)
    %scan3A_103 = arith.constant 0 : i32
    %scan3A_104 = arith.constant 0 : i32
    %scan3A_105 = arith.constant 25 : i32
    %scan3A_106 = arith.addi %scan3A_104, %scan3A_105 : i32
    %scan3A_107 = arith.constant 1 : i32
    %scan3A_108 = scf.for %scan3A_264 = %scan3A_104 to %scan3A_106 step %scan3A_107 iter_args(%scan3A_265 = %scan3A_103) -> (i32)  : i32 {
      %mul3A_266 = arith.constant 2 : i32
      %mul3A_267 = arith.muli %mul3A_266, %scan3A_264 : i32
      %mul3A_268 = arith.constant 2 : i32
      %mul3A_269 = arith.muli %mul3A_268, %scan3A_264 : i32
      %add3A_270 = arith.constant 1 : i32
      %add3A_271 = arith.addi %mul3A_269, %add3A_270 : i32
      %dma_wait3A_272 = arith.constant 0 : i32
      %dma_wait3A_273 = arith.constant 0 : i32
      %dma_wait3A_274 = tpu.memref_slice %arg6[%dma_wait3A_272, %dma_wait3A_273] : memref<50x80xi32, #tpu.memory_space<vmem>> -> memref<1x80xi32, #tpu.memory_space<vmem>>
      %dma_wait3A_275 = tpu.memref_squeeze %dma_wait3A_274 : memref<1x80xi32, #tpu.memory_space<vmem>> -> memref<80xi32, #tpu.memory_space<vmem>>
      %dma_wait3A_276 = arith.constant 0 : i32
      %dma_wait3A_277 = arith.constant 0 : i32
      %dma_wait3A_278 = tpu.memref_slice %arg2[%arg0, %dma_wait3A_276, %dma_wait3A_277] : memref<2x10240x128xf32, #tpu.memory_space<hbm>> -> memref<1x10240x128xf32, #tpu.memory_space<hbm>>
      %dma_wait3A_279 = tpu.memref_squeeze %dma_wait3A_278 : memref<1x10240x128xf32, #tpu.memory_space<hbm>> -> memref<10240x128xf32, #tpu.memory_space<hbm>>
      %dma_wait3A_280 = arith.constant 0 : i32
      %dma_wait3A_281 = arith.constant 0 : i32
      %dma_wait3A_282 = tpu.memref_slice %dma_wait3A_279[%dma_wait3A_280, %dma_wait3A_281] : memref<10240x128xf32, #tpu.memory_space<hbm>> -> memref<10240x128xf32, #tpu.memory_space<hbm>>
      tpu.wait_indirect_dma semaphore(%arg11 : memref<!tpu.dma_semaphore, #tpu.memory_space<semaphore_mem>>) src(%dma_wait3A_282 : memref<10240x128xf32, #tpu.memory_space<hbm>>) dst(%arg8 : memref<80x128xf32, #tpu.memory_space<vmem>>)
      %dma_start3A_283 = arith.constant 0 : i32
      %dma_start3A_284 = tpu.memref_slice %arg7[%mul3A_267, %dma_start3A_283] : memref<50x80xi32, #tpu.memory_space<vmem>> -> memref<1x80xi32, #tpu.memory_space<vmem>>
      %dma_start3A_285 = tpu.memref_squeeze %dma_start3A_284 : memref<1x80xi32, #tpu.memory_space<vmem>> -> memref<80xi32, #tpu.memory_space<vmem>>
      %dma_start3A_286 = arith.constant 0 : i32
      %dma_start3A_287 = arith.constant 0 : i32
      %dma_start3A_288 = tpu.memref_slice %arg10[%dma_start3A_286, %dma_start3A_287] : memref<10240x128xf32, #tpu.memory_space<vmem_shared>> -> memref<10240x128xf32, #tpu.memory_space<vmem_shared>>
      tpu.enqueue_indirect_dma source(%arg8 : memref<80x128xf32, #tpu.memory_space<vmem>>) target(%dma_start3A_288 : memref<10240x128xf32, #tpu.memory_space<vmem_shared>>) offsets(%dma_start3A_285 : memref<80xi32, #tpu.memory_space<vmem>>) semaphore(%arg13 : memref<!tpu.dma_semaphore, #tpu.memory_space<semaphore_mem>>) {add = true}
      %dma_wait3A_289 = arith.constant 0 : i32
      %dma_wait3A_290 = arith.constant 0 : i32
      %dma_wait3A_291 = tpu.memref_slice %arg6[%dma_wait3A_289, %dma_wait3A_290] : memref<50x80xi32, #tpu.memory_space<vmem>> -> memref<1x80xi32, #tpu.memory_space<vmem>>
      %dma_wait3A_292 = tpu.memref_squeeze %dma_wait3A_291 : memref<1x80xi32, #tpu.memory_space<vmem>> -> memref<80xi32, #tpu.memory_space<vmem>>
      %dma_wait3A_293 = arith.constant 0 : i32
      %dma_wait3A_294 = arith.constant 0 : i32
      %dma_wait3A_295 = tpu.memref_slice %arg2[%arg0, %dma_wait3A_293, %dma_wait3A_294] : memref<2x10240x128xf32, #tpu.memory_space<hbm>> -> memref<1x10240x128xf32, #tpu.memory_space<hbm>>
      %dma_wait3A_296 = tpu.memref_squeeze %dma_wait3A_295 : memref<1x10240x128xf32, #tpu.memory_space<hbm>> -> memref<10240x128xf32, #tpu.memory_space<hbm>>
      %dma_wait3A_297 = arith.constant 0 : i32
      %dma_wait3A_298 = arith.constant 0 : i32
      %dma_wait3A_299 = tpu.memref_slice %dma_wait3A_296[%dma_wait3A_297, %dma_wait3A_298] : memref<10240x128xf32, #tpu.memory_space<hbm>> -> memref<10240x128xf32, #tpu.memory_space<hbm>>
      tpu.wait_indirect_dma semaphore(%arg12 : memref<!tpu.dma_semaphore, #tpu.memory_space<semaphore_mem>>) src(%dma_wait3A_299 : memref<10240x128xf32, #tpu.memory_space<hbm>>) dst(%arg9 : memref<80x128xf32, #tpu.memory_space<vmem>>)
      %dma_start3A_300 = arith.constant 0 : i32
      %dma_start3A_301 = tpu.memref_slice %arg7[%add3A_271, %dma_start3A_300] : memref<50x80xi32, #tpu.memory_space<vmem>> -> memref<1x80xi32, #tpu.memory_space<vmem>>
      %dma_start3A_302 = tpu.memref_squeeze %dma_start3A_301 : memref<1x80xi32, #tpu.memory_space<vmem>> -> memref<80xi32, #tpu.memory_space<vmem>>
      %dma_start3A_303 = arith.constant 0 : i32
      %dma_start3A_304 = arith.constant 0 : i32
      %dma_start3A_305 = tpu.memref_slice %arg10[%dma_start3A_303, %dma_start3A_304] : memref<10240x128xf32, #tpu.memory_space<vmem_shared>> -> memref<10240x128xf32, #tpu.memory_space<vmem_shared>>
      tpu.enqueue_indirect_dma source(%arg9 : memref<80x128xf32, #tpu.memory_space<vmem>>) target(%dma_start3A_305 : memref<10240x128xf32, #tpu.memory_space<vmem_shared>>) offsets(%dma_start3A_302 : memref<80xi32, #tpu.memory_space<vmem>>) semaphore(%arg14 : memref<!tpu.dma_semaphore, #tpu.memory_space<semaphore_mem>>) {add = true}
      %add3A_306 = arith.constant 2 : i32
      %add3A_307 = arith.addi %mul3A_267, %add3A_306 : i32
      %lt3A = arith.constant 50 : i32
      %lt3A_308 = arith.cmpi slt, %add3A_307, %lt3A : i32
      %convert_element_type3A = arith.extui %lt3A_308 : i1 to i32
      %cond3A = arith.constant 0 : i32
      %cond3A_309 = arith.cmpi ne, %convert_element_type3A, %cond3A : i32
      scf.if %cond3A_309 {
        %dma_wait3A_318 = arith.constant 0 : i32
        %dma_wait3A_319 = arith.constant 0 : i32
        %dma_wait3A_320 = tpu.memref_slice %arg7[%dma_wait3A_318, %dma_wait3A_319] : memref<50x80xi32, #tpu.memory_space<vmem>> -> memref<1x80xi32, #tpu.memory_space<vmem>>
        %dma_wait3A_321 = tpu.memref_squeeze %dma_wait3A_320 : memref<1x80xi32, #tpu.memory_space<vmem>> -> memref<80xi32, #tpu.memory_space<vmem>>
        %dma_wait3A_322 = arith.constant 0 : i32
        %dma_wait3A_323 = arith.constant 0 : i32
        %dma_wait3A_324 = tpu.memref_slice %arg10[%dma_wait3A_322, %dma_wait3A_323] : memref<10240x128xf32, #tpu.memory_space<vmem_shared>> -> memref<10240x128xf32, #tpu.memory_space<vmem_shared>>
        tpu.wait_indirect_dma semaphore(%arg13 : memref<!tpu.dma_semaphore, #tpu.memory_space<semaphore_mem>>) src(%arg8 : memref<80x128xf32, #tpu.memory_space<vmem>>) dst(%dma_wait3A_324 : memref<10240x128xf32, #tpu.memory_space<vmem_shared>>)
        %add3A_325 = arith.constant 2 : i32
        %add3A_326 = arith.addi %mul3A_267, %add3A_325 : i32
        %dma_start3A_327 = arith.constant 0 : i32
        %dma_start3A_328 = tpu.memref_slice %arg6[%add3A_326, %dma_start3A_327] : memref<50x80xi32, #tpu.memory_space<vmem>> -> memref<1x80xi32, #tpu.memory_space<vmem>>
        %dma_start3A_329 = tpu.memref_squeeze %dma_start3A_328 : memref<1x80xi32, #tpu.memory_space<vmem>> -> memref<80xi32, #tpu.memory_space<vmem>>
        %dma_start3A_330 = arith.constant 0 : i32
        %dma_start3A_331 = arith.constant 0 : i32
        %dma_start3A_332 = tpu.memref_slice %arg2[%arg0, %dma_start3A_330, %dma_start3A_331] : memref<2x10240x128xf32, #tpu.memory_space<hbm>> -> memref<1x10240x128xf32, #tpu.memory_space<hbm>>
        %dma_start3A_333 = tpu.memref_squeeze %dma_start3A_332 : memref<1x10240x128xf32, #tpu.memory_space<hbm>> -> memref<10240x128xf32, #tpu.memory_space<hbm>>
        %dma_start3A_334 = arith.constant 0 : i32
        %dma_start3A_335 = arith.constant 0 : i32
        %dma_start3A_336 = tpu.memref_slice %dma_start3A_333[%dma_start3A_334, %dma_start3A_335] : memref<10240x128xf32, #tpu.memory_space<hbm>> -> memref<10240x128xf32, #tpu.memory_space<hbm>>
        tpu.enqueue_indirect_dma source(%dma_start3A_336 : memref<10240x128xf32, #tpu.memory_space<hbm>>) target(%arg8 : memref<80x128xf32, #tpu.memory_space<vmem>>) offsets(%dma_start3A_329 : memref<80xi32, #tpu.memory_space<vmem>>) semaphore(%arg11 : memref<!tpu.dma_semaphore, #tpu.memory_space<semaphore_mem>>)
      } else {
      }
      %add3A_310 = arith.constant 2 : i32
      %add3A_311 = arith.addi %add3A_271, %add3A_310 : i32
      %lt3A_312 = arith.constant 50 : i32
      %lt3A_313 = arith.cmpi slt, %add3A_311, %lt3A_312 : i32
      %convert_element_type3A_314 = arith.extui %lt3A_313 : i1 to i32
      %cond3A_315 = arith.constant 0 : i32
      %cond3A_316 = arith.cmpi ne, %convert_element_type3A_314, %cond3A_315 : i32
      scf.if %cond3A_316 {
        %dma_wait3A_318 = arith.constant 0 : i32
        %dma_wait3A_319 = arith.constant 0 : i32
        %dma_wait3A_320 = tpu.memref_slice %arg7[%dma_wait3A_318, %dma_wait3A_319] : memref<50x80xi32, #tpu.memory_space<vmem>> -> memref<1x80xi32, #tpu.memory_space<vmem>>
        %dma_wait3A_321 = tpu.memref_squeeze %dma_wait3A_320 : memref<1x80xi32, #tpu.memory_space<vmem>> -> memref<80xi32, #tpu.memory_space<vmem>>
        %dma_wait3A_322 = arith.constant 0 : i32
        %dma_wait3A_323 = arith.constant 0 : i32
        %dma_wait3A_324 = tpu.memref_slice %arg10[%dma_wait3A_322, %dma_wait3A_323] : memref<10240x128xf32, #tpu.memory_space<vmem_shared>> -> memref<10240x128xf32, #tpu.memory_space<vmem_shared>>
        tpu.wait_indirect_dma semaphore(%arg14 : memref<!tpu.dma_semaphore, #tpu.memory_space<semaphore_mem>>) src(%arg9 : memref<80x128xf32, #tpu.memory_space<vmem>>) dst(%dma_wait3A_324 : memref<10240x128xf32, #tpu.memory_space<vmem_shared>>)
        %add3A_325 = arith.constant 2 : i32
        %add3A_326 = arith.addi %add3A_271, %add3A_325 : i32
        %dma_start3A_327 = arith.constant 0 : i32
        %dma_start3A_328 = tpu.memref_slice %arg6[%add3A_326, %dma_start3A_327] : memref<50x80xi32, #tpu.memory_space<vmem>> -> memref<1x80xi32, #tpu.memory_space<vmem>>
        %dma_start3A_329 = tpu.memref_squeeze %dma_start3A_328 : memref<1x80xi32, #tpu.memory_space<vmem>> -> memref<80xi32, #tpu.memory_space<vmem>>
        %dma_start3A_330 = arith.constant 0 : i32
        %dma_start3A_331 = arith.constant 0 : i32
        %dma_start3A_332 = tpu.memref_slice %arg2[%arg0, %dma_start3A_330, %dma_start3A_331] : memref<2x10240x128xf32, #tpu.memory_space<hbm>> -> memref<1x10240x128xf32, #tpu.memory_space<hbm>>
        %dma_start3A_333 = tpu.memref_squeeze %dma_start3A_332 : memref<1x10240x128xf32, #tpu.memory_space<hbm>> -> memref<10240x128xf32, #tpu.memory_space<hbm>>
        %dma_start3A_334 = arith.constant 0 : i32
        %dma_start3A_335 = arith.constant 0 : i32
        %dma_start3A_336 = tpu.memref_slice %dma_start3A_333[%dma_start3A_334, %dma_start3A_335] : memref<10240x128xf32, #tpu.memory_space<hbm>> -> memref<10240x128xf32, #tpu.memory_space<hbm>>
        tpu.enqueue_indirect_dma source(%dma_start3A_336 : memref<10240x128xf32, #tpu.memory_space<hbm>>) target(%arg9 : memref<80x128xf32, #tpu.memory_space<vmem>>) offsets(%dma_start3A_329 : memref<80xi32, #tpu.memory_space<vmem>>) semaphore(%arg12 : memref<!tpu.dma_semaphore, #tpu.memory_space<semaphore_mem>>)
      } else {
      }
      %scan3A_317 = arith.constant 0 : i32
      scf.yield %scan3A_317 : i32
    }
    %scan3A_109 = arith.constant 25 : i32
    %dma_wait3A_110 = arith.constant 0 : i32
    %dma_wait3A_111 = arith.constant 0 : i32
    %dma_wait3A_112 = tpu.memref_slice %arg7[%dma_wait3A_110, %dma_wait3A_111] : memref<50x80xi32, #tpu.memory_space<vmem>> -> memref<1x80xi32, #tpu.memory_space<vmem>>
    %dma_wait3A_113 = tpu.memref_squeeze %dma_wait3A_112 : memref<1x80xi32, #tpu.memory_space<vmem>> -> memref<80xi32, #tpu.memory_space<vmem>>
    %dma_wait3A_114 = arith.constant 0 : i32
    %dma_wait3A_115 = arith.constant 0 : i32
    %dma_wait3A_116 = tpu.memref_slice %arg10[%dma_wait3A_114, %dma_wait3A_115] : memref<10240x128xf32, #tpu.memory_space<vmem_shared>> -> memref<10240x128xf32, #tpu.memory_space<vmem_shared>>
    tpu.wait_indirect_dma semaphore(%arg13 : memref<!tpu.dma_semaphore, #tpu.memory_space<semaphore_mem>>) src(%arg8 : memref<80x128xf32, #tpu.memory_space<vmem>>) dst(%dma_wait3A_116 : memref<10240x128xf32, #tpu.memory_space<vmem_shared>>)
    %dma_wait3A_117 = arith.constant 0 : i32
    %dma_wait3A_118 = arith.constant 0 : i32
    %dma_wait3A_119 = tpu.memref_slice %arg7[%dma_wait3A_117, %dma_wait3A_118] : memref<50x80xi32, #tpu.memory_space<vmem>> -> memref<1x80xi32, #tpu.memory_space<vmem>>
    %dma_wait3A_120 = tpu.memref_squeeze %dma_wait3A_119 : memref<1x80xi32, #tpu.memory_space<vmem>> -> memref<80xi32, #tpu.memory_space<vmem>>
    %dma_wait3A_121 = arith.constant 0 : i32
    %dma_wait3A_122 = arith.constant 0 : i32
    %dma_wait3A_123 = tpu.memref_slice %arg10[%dma_wait3A_121, %dma_wait3A_122] : memref<10240x128xf32, #tpu.memory_space<vmem_shared>> -> memref<10240x128xf32, #tpu.memory_space<vmem_shared>>
    tpu.wait_indirect_dma semaphore(%arg14 : memref<!tpu.dma_semaphore, #tpu.memory_space<semaphore_mem>>) src(%arg9 : memref<80x128xf32, #tpu.memory_space<vmem>>) dst(%dma_wait3A_123 : memref<10240x128xf32, #tpu.memory_space<vmem_shared>>)
    %run_scoped3A_124 = arith.constant 2 : i32
    "tpu.region"() ({
      %run_scoped3A_264 = tpu.sem_alloc : memref<!tpu.dma_semaphore, #tpu.memory_space<semaphore_mem>>
      %dma_start3A_265 = arith.constant 0 : i32
      %dma_start3A_266 = arith.constant 0 : i32
      %dma_start3A_267 = tpu.memref_slice %arg3[%arg0, %arg1, %run_scoped3A_124, %dma_start3A_265, %dma_start3A_266] : memref<2x16x5x50x80xi32, #tpu.memory_space<hbm>> -> memref<1x1x1x50x80xi32, #tpu.memory_space<hbm>>
      %dma_start3A_268 = tpu.memref_squeeze %dma_start3A_267 : memref<1x1x1x50x80xi32, #tpu.memory_space<hbm>> -> memref<50x80xi32, #tpu.memory_space<hbm>>
      %dma_start3A_269 = arith.constant 0 : i32
      %dma_start3A_270 = arith.constant 0 : i32
      %dma_start3A_271 = tpu.memref_slice %arg3[%arg0, %arg1, %run_scoped3A_124, %dma_start3A_269, %dma_start3A_270] : memref<2x16x5x50x80xi32, #tpu.memory_space<hbm>> -> memref<1x1x1x50x80xi32, #tpu.memory_space<hbm>>
      %dma_start3A_272 = tpu.memref_squeeze %dma_start3A_271 : memref<1x1x1x50x80xi32, #tpu.memory_space<hbm>> -> memref<50x80xi32, #tpu.memory_space<hbm>>
      tpu.enqueue_dma source(%dma_start3A_272 : memref<50x80xi32, #tpu.memory_space<hbm>>) target(%arg6 : memref<50x80xi32, #tpu.memory_space<vmem>>) target_semaphore(%run_scoped3A_264 : memref<!tpu.dma_semaphore, #tpu.memory_space<semaphore_mem>>)
      %dma_wait3A_273 = arith.constant 0 : i32
      %dma_wait3A_274 = arith.constant 0 : i32
      %dma_wait3A_275 = tpu.memref_slice %arg3[%arg0, %arg1, %run_scoped3A_124, %dma_wait3A_273, %dma_wait3A_274] : memref<2x16x5x50x80xi32, #tpu.memory_space<hbm>> -> memref<1x1x1x50x80xi32, #tpu.memory_space<hbm>>
      %dma_wait3A_276 = tpu.memref_squeeze %dma_wait3A_275 : memref<1x1x1x50x80xi32, #tpu.memory_space<hbm>> -> memref<50x80xi32, #tpu.memory_space<hbm>>
      %dma_wait3A_277 = arith.constant 0 : i32
      %dma_wait3A_278 = arith.constant 0 : i32
      %dma_wait3A_279 = tpu.memref_slice %arg3[%arg0, %arg1, %run_scoped3A_124, %dma_wait3A_277, %dma_wait3A_278] : memref<2x16x5x50x80xi32, #tpu.memory_space<hbm>> -> memref<1x1x1x50x80xi32, #tpu.memory_space<hbm>>
      %dma_wait3A_280 = tpu.memref_squeeze %dma_wait3A_279 : memref<1x1x1x50x80xi32, #tpu.memory_space<hbm>> -> memref<50x80xi32, #tpu.memory_space<hbm>>
      tpu.wait_dma2 semaphore(%run_scoped3A_264 : memref<!tpu.dma_semaphore, #tpu.memory_space<semaphore_mem>>) src(%dma_wait3A_280 : memref<50x80xi32, #tpu.memory_space<hbm>>) dst(%arg6 : memref<50x80xi32, #tpu.memory_space<vmem>>)
      tpu.yield
    }) : () -> ()
    %run_scoped3A_125 = arith.constant 2 : i32
    "tpu.region"() ({
      %run_scoped3A_264 = tpu.sem_alloc : memref<!tpu.dma_semaphore, #tpu.memory_space<semaphore_mem>>
      %dma_start3A_265 = arith.constant 0 : i32
      %dma_start3A_266 = arith.constant 0 : i32
      %dma_start3A_267 = tpu.memref_slice %arg4[%arg0, %arg1, %run_scoped3A_125, %dma_start3A_265, %dma_start3A_266] : memref<2x16x5x50x80xi32, #tpu.memory_space<hbm>> -> memref<1x1x1x50x80xi32, #tpu.memory_space<hbm>>
      %dma_start3A_268 = tpu.memref_squeeze %dma_start3A_267 : memref<1x1x1x50x80xi32, #tpu.memory_space<hbm>> -> memref<50x80xi32, #tpu.memory_space<hbm>>
      %dma_start3A_269 = arith.constant 0 : i32
      %dma_start3A_270 = arith.constant 0 : i32
      %dma_start3A_271 = tpu.memref_slice %arg4[%arg0, %arg1, %run_scoped3A_125, %dma_start3A_269, %dma_start3A_270] : memref<2x16x5x50x80xi32, #tpu.memory_space<hbm>> -> memref<1x1x1x50x80xi32, #tpu.memory_space<hbm>>
      %dma_start3A_272 = tpu.memref_squeeze %dma_start3A_271 : memref<1x1x1x50x80xi32, #tpu.memory_space<hbm>> -> memref<50x80xi32, #tpu.memory_space<hbm>>
      tpu.enqueue_dma source(%dma_start3A_272 : memref<50x80xi32, #tpu.memory_space<hbm>>) target(%arg7 : memref<50x80xi32, #tpu.memory_space<vmem>>) target_semaphore(%run_scoped3A_264 : memref<!tpu.dma_semaphore, #tpu.memory_space<semaphore_mem>>)
      %dma_wait3A_273 = arith.constant 0 : i32
      %dma_wait3A_274 = arith.constant 0 : i32
      %dma_wait3A_275 = tpu.memref_slice %arg4[%arg0, %arg1, %run_scoped3A_125, %dma_wait3A_273, %dma_wait3A_274] : memref<2x16x5x50x80xi32, #tpu.memory_space<hbm>> -> memref<1x1x1x50x80xi32, #tpu.memory_space<hbm>>
      %dma_wait3A_276 = tpu.memref_squeeze %dma_wait3A_275 : memref<1x1x1x50x80xi32, #tpu.memory_space<hbm>> -> memref<50x80xi32, #tpu.memory_space<hbm>>
      %dma_wait3A_277 = arith.constant 0 : i32
      %dma_wait3A_278 = arith.constant 0 : i32
      %dma_wait3A_279 = tpu.memref_slice %arg4[%arg0, %arg1, %run_scoped3A_125, %dma_wait3A_277, %dma_wait3A_278] : memref<2x16x5x50x80xi32, #tpu.memory_space<hbm>> -> memref<1x1x1x50x80xi32, #tpu.memory_space<hbm>>
      %dma_wait3A_280 = tpu.memref_squeeze %dma_wait3A_279 : memref<1x1x1x50x80xi32, #tpu.memory_space<hbm>> -> memref<50x80xi32, #tpu.memory_space<hbm>>
      tpu.wait_dma2 semaphore(%run_scoped3A_264 : memref<!tpu.dma_semaphore, #tpu.memory_space<semaphore_mem>>) src(%dma_wait3A_280 : memref<50x80xi32, #tpu.memory_space<hbm>>) dst(%arg7 : memref<50x80xi32, #tpu.memory_space<vmem>>)
      tpu.yield
    }) : () -> ()
    %dma_start3A_126 = arith.constant 0 : i32
    %dma_start3A_127 = arith.constant 0 : i32
    %dma_start3A_128 = tpu.memref_slice %arg6[%dma_start3A_126, %dma_start3A_127] : memref<50x80xi32, #tpu.memory_space<vmem>> -> memref<1x80xi32, #tpu.memory_space<vmem>>
    %dma_start3A_129 = tpu.memref_squeeze %dma_start3A_128 : memref<1x80xi32, #tpu.memory_space<vmem>> -> memref<80xi32, #tpu.memory_space<vmem>>
    %dma_start3A_130 = arith.constant 0 : i32
    %dma_start3A_131 = arith.constant 0 : i32
    %dma_start3A_132 = tpu.memref_slice %arg2[%arg0, %dma_start3A_130, %dma_start3A_131] : memref<2x10240x128xf32, #tpu.memory_space<hbm>> -> memref<1x10240x128xf32, #tpu.memory_space<hbm>>
    %dma_start3A_133 = tpu.memref_squeeze %dma_start3A_132 : memref<1x10240x128xf32, #tpu.memory_space<hbm>> -> memref<10240x128xf32, #tpu.memory_space<hbm>>
    %dma_start3A_134 = arith.constant 0 : i32
    %dma_start3A_135 = arith.constant 0 : i32
    %dma_start3A_136 = tpu.memref_slice %dma_start3A_133[%dma_start3A_134, %dma_start3A_135] : memref<10240x128xf32, #tpu.memory_space<hbm>> -> memref<10240x128xf32, #tpu.memory_space<hbm>>
    tpu.enqueue_indirect_dma source(%dma_start3A_136 : memref<10240x128xf32, #tpu.memory_space<hbm>>) target(%arg8 : memref<80x128xf32, #tpu.memory_space<vmem>>) offsets(%dma_start3A_129 : memref<80xi32, #tpu.memory_space<vmem>>) semaphore(%arg11 : memref<!tpu.dma_semaphore, #tpu.memory_space<semaphore_mem>>)
    %dma_start3A_137 = arith.constant 1 : i32
    %dma_start3A_138 = arith.constant 0 : i32
    %dma_start3A_139 = tpu.memref_slice %arg6[%dma_start3A_137, %dma_start3A_138] : memref<50x80xi32, #tpu.memory_space<vmem>> -> memref<1x80xi32, #tpu.memory_space<vmem>>
    %dma_start3A_140 = tpu.memref_squeeze %dma_start3A_139 : memref<1x80xi32, #tpu.memory_space<vmem>> -> memref<80xi32, #tpu.memory_space<vmem>>
    %dma_start3A_141 = arith.constant 0 : i32
    %dma_start3A_142 = arith.constant 0 : i32
    %dma_start3A_143 = tpu.memref_slice %arg2[%arg0, %dma_start3A_141, %dma_start3A_142] : memref<2x10240x128xf32, #tpu.memory_space<hbm>> -> memref<1x10240x128xf32, #tpu.memory_space<hbm>>
    %dma_start3A_144 = tpu.memref_squeeze %dma_start3A_143 : memref<1x10240x128xf32, #tpu.memory_space<hbm>> -> memref<10240x128xf32, #tpu.memory_space<hbm>>
    %dma_start3A_145 = arith.constant 0 : i32
    %dma_start3A_146 = arith.constant 0 : i32
    %dma_start3A_147 = tpu.memref_slice %dma_start3A_144[%dma_start3A_145, %dma_start3A_146] : memref<10240x128xf32, #tpu.memory_space<hbm>> -> memref<10240x128xf32, #tpu.memory_space<hbm>>
    tpu.enqueue_indirect_dma source(%dma_start3A_147 : memref<10240x128xf32, #tpu.memory_space<hbm>>) target(%arg9 : memref<80x128xf32, #tpu.memory_space<vmem>>) offsets(%dma_start3A_140 : memref<80xi32, #tpu.memory_space<vmem>>) semaphore(%arg12 : memref<!tpu.dma_semaphore, #tpu.memory_space<semaphore_mem>>)
    %scan3A_148 = arith.constant 0 : i32
    %scan3A_149 = arith.constant 0 : i32
    %scan3A_150 = arith.constant 25 : i32
    %scan3A_151 = arith.addi %scan3A_149, %scan3A_150 : i32
    %scan3A_152 = arith.constant 1 : i32
    %scan3A_153 = scf.for %scan3A_264 = %scan3A_149 to %scan3A_151 step %scan3A_152 iter_args(%scan3A_265 = %scan3A_148) -> (i32)  : i32 {
      %mul3A_266 = arith.constant 2 : i32
      %mul3A_267 = arith.muli %mul3A_266, %scan3A_264 : i32
      %mul3A_268 = arith.constant 2 : i32
      %mul3A_269 = arith.muli %mul3A_268, %scan3A_264 : i32
      %add3A_270 = arith.constant 1 : i32
      %add3A_271 = arith.addi %mul3A_269, %add3A_270 : i32
      %dma_wait3A_272 = arith.constant 0 : i32
      %dma_wait3A_273 = arith.constant 0 : i32
      %dma_wait3A_274 = tpu.memref_slice %arg6[%dma_wait3A_272, %dma_wait3A_273] : memref<50x80xi32, #tpu.memory_space<vmem>> -> memref<1x80xi32, #tpu.memory_space<vmem>>
      %dma_wait3A_275 = tpu.memref_squeeze %dma_wait3A_274 : memref<1x80xi32, #tpu.memory_space<vmem>> -> memref<80xi32, #tpu.memory_space<vmem>>
      %dma_wait3A_276 = arith.constant 0 : i32
      %dma_wait3A_277 = arith.constant 0 : i32
      %dma_wait3A_278 = tpu.memref_slice %arg2[%arg0, %dma_wait3A_276, %dma_wait3A_277] : memref<2x10240x128xf32, #tpu.memory_space<hbm>> -> memref<1x10240x128xf32, #tpu.memory_space<hbm>>
      %dma_wait3A_279 = tpu.memref_squeeze %dma_wait3A_278 : memref<1x10240x128xf32, #tpu.memory_space<hbm>> -> memref<10240x128xf32, #tpu.memory_space<hbm>>
      %dma_wait3A_280 = arith.constant 0 : i32
      %dma_wait3A_281 = arith.constant 0 : i32
      %dma_wait3A_282 = tpu.memref_slice %dma_wait3A_279[%dma_wait3A_280, %dma_wait3A_281] : memref<10240x128xf32, #tpu.memory_space<hbm>> -> memref<10240x128xf32, #tpu.memory_space<hbm>>
      tpu.wait_indirect_dma semaphore(%arg11 : memref<!tpu.dma_semaphore, #tpu.memory_space<semaphore_mem>>) src(%dma_wait3A_282 : memref<10240x128xf32, #tpu.memory_space<hbm>>) dst(%arg8 : memref<80x128xf32, #tpu.memory_space<vmem>>)
      %dma_start3A_283 = arith.constant 0 : i32
      %dma_start3A_284 = tpu.memref_slice %arg7[%mul3A_267, %dma_start3A_283] : memref<50x80xi32, #tpu.memory_space<vmem>> -> memref<1x80xi32, #tpu.memory_space<vmem>>
      %dma_start3A_285 = tpu.memref_squeeze %dma_start3A_284 : memref<1x80xi32, #tpu.memory_space<vmem>> -> memref<80xi32, #tpu.memory_space<vmem>>
      %dma_start3A_286 = arith.constant 0 : i32
      %dma_start3A_287 = arith.constant 0 : i32
      %dma_start3A_288 = tpu.memref_slice %arg10[%dma_start3A_286, %dma_start3A_287] : memref<10240x128xf32, #tpu.memory_space<vmem_shared>> -> memref<10240x128xf32, #tpu.memory_space<vmem_shared>>
      tpu.enqueue_indirect_dma source(%arg8 : memref<80x128xf32, #tpu.memory_space<vmem>>) target(%dma_start3A_288 : memref<10240x128xf32, #tpu.memory_space<vmem_shared>>) offsets(%dma_start3A_285 : memref<80xi32, #tpu.memory_space<vmem>>) semaphore(%arg13 : memref<!tpu.dma_semaphore, #tpu.memory_space<semaphore_mem>>) {add = true}
      %dma_wait3A_289 = arith.constant 0 : i32
      %dma_wait3A_290 = arith.constant 0 : i32
      %dma_wait3A_291 = tpu.memref_slice %arg6[%dma_wait3A_289, %dma_wait3A_290] : memref<50x80xi32, #tpu.memory_space<vmem>> -> memref<1x80xi32, #tpu.memory_space<vmem>>
      %dma_wait3A_292 = tpu.memref_squeeze %dma_wait3A_291 : memref<1x80xi32, #tpu.memory_space<vmem>> -> memref<80xi32, #tpu.memory_space<vmem>>
      %dma_wait3A_293 = arith.constant 0 : i32
      %dma_wait3A_294 = arith.constant 0 : i32
      %dma_wait3A_295 = tpu.memref_slice %arg2[%arg0, %dma_wait3A_293, %dma_wait3A_294] : memref<2x10240x128xf32, #tpu.memory_space<hbm>> -> memref<1x10240x128xf32, #tpu.memory_space<hbm>>
      %dma_wait3A_296 = tpu.memref_squeeze %dma_wait3A_295 : memref<1x10240x128xf32, #tpu.memory_space<hbm>> -> memref<10240x128xf32, #tpu.memory_space<hbm>>
      %dma_wait3A_297 = arith.constant 0 : i32
      %dma_wait3A_298 = arith.constant 0 : i32
      %dma_wait3A_299 = tpu.memref_slice %dma_wait3A_296[%dma_wait3A_297, %dma_wait3A_298] : memref<10240x128xf32, #tpu.memory_space<hbm>> -> memref<10240x128xf32, #tpu.memory_space<hbm>>
      tpu.wait_indirect_dma semaphore(%arg12 : memref<!tpu.dma_semaphore, #tpu.memory_space<semaphore_mem>>) src(%dma_wait3A_299 : memref<10240x128xf32, #tpu.memory_space<hbm>>) dst(%arg9 : memref<80x128xf32, #tpu.memory_space<vmem>>)
      %dma_start3A_300 = arith.constant 0 : i32
      %dma_start3A_301 = tpu.memref_slice %arg7[%add3A_271, %dma_start3A_300] : memref<50x80xi32, #tpu.memory_space<vmem>> -> memref<1x80xi32, #tpu.memory_space<vmem>>
      %dma_start3A_302 = tpu.memref_squeeze %dma_start3A_301 : memref<1x80xi32, #tpu.memory_space<vmem>> -> memref<80xi32, #tpu.memory_space<vmem>>
      %dma_start3A_303 = arith.constant 0 : i32
      %dma_start3A_304 = arith.constant 0 : i32
      %dma_start3A_305 = tpu.memref_slice %arg10[%dma_start3A_303, %dma_start3A_304] : memref<10240x128xf32, #tpu.memory_space<vmem_shared>> -> memref<10240x128xf32, #tpu.memory_space<vmem_shared>>
      tpu.enqueue_indirect_dma source(%arg9 : memref<80x128xf32, #tpu.memory_space<vmem>>) target(%dma_start3A_305 : memref<10240x128xf32, #tpu.memory_space<vmem_shared>>) offsets(%dma_start3A_302 : memref<80xi32, #tpu.memory_space<vmem>>) semaphore(%arg14 : memref<!tpu.dma_semaphore, #tpu.memory_space<semaphore_mem>>) {add = true}
      %add3A_306 = arith.constant 2 : i32
      %add3A_307 = arith.addi %mul3A_267, %add3A_306 : i32
      %lt3A = arith.constant 50 : i32
      %lt3A_308 = arith.cmpi slt, %add3A_307, %lt3A : i32
      %convert_element_type3A = arith.extui %lt3A_308 : i1 to i32
      %cond3A = arith.constant 0 : i32
      %cond3A_309 = arith.cmpi ne, %convert_element_type3A, %cond3A : i32
      scf.if %cond3A_309 {
        %dma_wait3A_318 = arith.constant 0 : i32
        %dma_wait3A_319 = arith.constant 0 : i32
        %dma_wait3A_320 = tpu.memref_slice %arg7[%dma_wait3A_318, %dma_wait3A_319] : memref<50x80xi32, #tpu.memory_space<vmem>> -> memref<1x80xi32, #tpu.memory_space<vmem>>
        %dma_wait3A_321 = tpu.memref_squeeze %dma_wait3A_320 : memref<1x80xi32, #tpu.memory_space<vmem>> -> memref<80xi32, #tpu.memory_space<vmem>>
        %dma_wait3A_322 = arith.constant 0 : i32
        %dma_wait3A_323 = arith.constant 0 : i32
        %dma_wait3A_324 = tpu.memref_slice %arg10[%dma_wait3A_322, %dma_wait3A_323] : memref<10240x128xf32, #tpu.memory_space<vmem_shared>> -> memref<10240x128xf32, #tpu.memory_space<vmem_shared>>
        tpu.wait_indirect_dma semaphore(%arg13 : memref<!tpu.dma_semaphore, #tpu.memory_space<semaphore_mem>>) src(%arg8 : memref<80x128xf32, #tpu.memory_space<vmem>>) dst(%dma_wait3A_324 : memref<10240x128xf32, #tpu.memory_space<vmem_shared>>)
        %add3A_325 = arith.constant 2 : i32
        %add3A_326 = arith.addi %mul3A_267, %add3A_325 : i32
        %dma_start3A_327 = arith.constant 0 : i32
        %dma_start3A_328 = tpu.memref_slice %arg6[%add3A_326, %dma_start3A_327] : memref<50x80xi32, #tpu.memory_space<vmem>> -> memref<1x80xi32, #tpu.memory_space<vmem>>
        %dma_start3A_329 = tpu.memref_squeeze %dma_start3A_328 : memref<1x80xi32, #tpu.memory_space<vmem>> -> memref<80xi32, #tpu.memory_space<vmem>>
        %dma_start3A_330 = arith.constant 0 : i32
        %dma_start3A_331 = arith.constant 0 : i32
        %dma_start3A_332 = tpu.memref_slice %arg2[%arg0, %dma_start3A_330, %dma_start3A_331] : memref<2x10240x128xf32, #tpu.memory_space<hbm>> -> memref<1x10240x128xf32, #tpu.memory_space<hbm>>
        %dma_start3A_333 = tpu.memref_squeeze %dma_start3A_332 : memref<1x10240x128xf32, #tpu.memory_space<hbm>> -> memref<10240x128xf32, #tpu.memory_space<hbm>>
        %dma_start3A_334 = arith.constant 0 : i32
        %dma_start3A_335 = arith.constant 0 : i32
        %dma_start3A_336 = tpu.memref_slice %dma_start3A_333[%dma_start3A_334, %dma_start3A_335] : memref<10240x128xf32, #tpu.memory_space<hbm>> -> memref<10240x128xf32, #tpu.memory_space<hbm>>
        tpu.enqueue_indirect_dma source(%dma_start3A_336 : memref<10240x128xf32, #tpu.memory_space<hbm>>) target(%arg8 : memref<80x128xf32, #tpu.memory_space<vmem>>) offsets(%dma_start3A_329 : memref<80xi32, #tpu.memory_space<vmem>>) semaphore(%arg11 : memref<!tpu.dma_semaphore, #tpu.memory_space<semaphore_mem>>)
      } else {
      }
      %add3A_310 = arith.constant 2 : i32
      %add3A_311 = arith.addi %add3A_271, %add3A_310 : i32
      %lt3A_312 = arith.constant 50 : i32
      %lt3A_313 = arith.cmpi slt, %add3A_311, %lt3A_312 : i32
      %convert_element_type3A_314 = arith.extui %lt3A_313 : i1 to i32
      %cond3A_315 = arith.constant 0 : i32
      %cond3A_316 = arith.cmpi ne, %convert_element_type3A_314, %cond3A_315 : i32
      scf.if %cond3A_316 {
        %dma_wait3A_318 = arith.constant 0 : i32
        %dma_wait3A_319 = arith.constant 0 : i32
        %dma_wait3A_320 = tpu.memref_slice %arg7[%dma_wait3A_318, %dma_wait3A_319] : memref<50x80xi32, #tpu.memory_space<vmem>> -> memref<1x80xi32, #tpu.memory_space<vmem>>
        %dma_wait3A_321 = tpu.memref_squeeze %dma_wait3A_320 : memref<1x80xi32, #tpu.memory_space<vmem>> -> memref<80xi32, #tpu.memory_space<vmem>>
        %dma_wait3A_322 = arith.constant 0 : i32
        %dma_wait3A_323 = arith.constant 0 : i32
        %dma_wait3A_324 = tpu.memref_slice %arg10[%dma_wait3A_322, %dma_wait3A_323] : memref<10240x128xf32, #tpu.memory_space<vmem_shared>> -> memref<10240x128xf32, #tpu.memory_space<vmem_shared>>
        tpu.wait_indirect_dma semaphore(%arg14 : memref<!tpu.dma_semaphore, #tpu.memory_space<semaphore_mem>>) src(%arg9 : memref<80x128xf32, #tpu.memory_space<vmem>>) dst(%dma_wait3A_324 : memref<10240x128xf32, #tpu.memory_space<vmem_shared>>)
        %add3A_325 = arith.constant 2 : i32
        %add3A_326 = arith.addi %add3A_271, %add3A_325 : i32
        %dma_start3A_327 = arith.constant 0 : i32
        %dma_start3A_328 = tpu.memref_slice %arg6[%add3A_326, %dma_start3A_327] : memref<50x80xi32, #tpu.memory_space<vmem>> -> memref<1x80xi32, #tpu.memory_space<vmem>>
        %dma_start3A_329 = tpu.memref_squeeze %dma_start3A_328 : memref<1x80xi32, #tpu.memory_space<vmem>> -> memref<80xi32, #tpu.memory_space<vmem>>
        %dma_start3A_330 = arith.constant 0 : i32
        %dma_start3A_331 = arith.constant 0 : i32
        %dma_start3A_332 = tpu.memref_slice %arg2[%arg0, %dma_start3A_330, %dma_start3A_331] : memref<2x10240x128xf32, #tpu.memory_space<hbm>> -> memref<1x10240x128xf32, #tpu.memory_space<hbm>>
        %dma_start3A_333 = tpu.memref_squeeze %dma_start3A_332 : memref<1x10240x128xf32, #tpu.memory_space<hbm>> -> memref<10240x128xf32, #tpu.memory_space<hbm>>
        %dma_start3A_334 = arith.constant 0 : i32
        %dma_start3A_335 = arith.constant 0 : i32
        %dma_start3A_336 = tpu.memref_slice %dma_start3A_333[%dma_start3A_334, %dma_start3A_335] : memref<10240x128xf32, #tpu.memory_space<hbm>> -> memref<10240x128xf32, #tpu.memory_space<hbm>>
        tpu.enqueue_indirect_dma source(%dma_start3A_336 : memref<10240x128xf32, #tpu.memory_space<hbm>>) target(%arg9 : memref<80x128xf32, #tpu.memory_space<vmem>>) offsets(%dma_start3A_329 : memref<80xi32, #tpu.memory_space<vmem>>) semaphore(%arg12 : memref<!tpu.dma_semaphore, #tpu.memory_space<semaphore_mem>>)
      } else {
      }
      %scan3A_317 = arith.constant 0 : i32
      scf.yield %scan3A_317 : i32
    }
    %scan3A_154 = arith.constant 25 : i32
    %dma_wait3A_155 = arith.constant 0 : i32
    %dma_wait3A_156 = arith.constant 0 : i32
    %dma_wait3A_157 = tpu.memref_slice %arg7[%dma_wait3A_155, %dma_wait3A_156] : memref<50x80xi32, #tpu.memory_space<vmem>> -> memref<1x80xi32, #tpu.memory_space<vmem>>
    %dma_wait3A_158 = tpu.memref_squeeze %dma_wait3A_157 : memref<1x80xi32, #tpu.memory_space<vmem>> -> memref<80xi32, #tpu.memory_space<vmem>>
    %dma_wait3A_159 = arith.constant 0 : i32
    %dma_wait3A_160 = arith.constant 0 : i32
    %dma_wait3A_161 = tpu.memref_slice %arg10[%dma_wait3A_159, %dma_wait3A_160] : memref<10240x128xf32, #tpu.memory_space<vmem_shared>> -> memref<10240x128xf32, #tpu.memory_space<vmem_shared>>
    tpu.wait_indirect_dma semaphore(%arg13 : memref<!tpu.dma_semaphore, #tpu.memory_space<semaphore_mem>>) src(%arg8 : memref<80x128xf32, #tpu.memory_space<vmem>>) dst(%dma_wait3A_161 : memref<10240x128xf32, #tpu.memory_space<vmem_shared>>)
    %dma_wait3A_162 = arith.constant 0 : i32
    %dma_wait3A_163 = arith.constant 0 : i32
    %dma_wait3A_164 = tpu.memref_slice %arg7[%dma_wait3A_162, %dma_wait3A_163] : memref<50x80xi32, #tpu.memory_space<vmem>> -> memref<1x80xi32, #tpu.memory_space<vmem>>
    %dma_wait3A_165 = tpu.memref_squeeze %dma_wait3A_164 : memref<1x80xi32, #tpu.memory_space<vmem>> -> memref<80xi32, #tpu.memory_space<vmem>>
    %dma_wait3A_166 = arith.constant 0 : i32
    %dma_wait3A_167 = arith.constant 0 : i32
    %dma_wait3A_168 = tpu.memref_slice %arg10[%dma_wait3A_166, %dma_wait3A_167] : memref<10240x128xf32, #tpu.memory_space<vmem_shared>> -> memref<10240x128xf32, #tpu.memory_space<vmem_shared>>
    tpu.wait_indirect_dma semaphore(%arg14 : memref<!tpu.dma_semaphore, #tpu.memory_space<semaphore_mem>>) src(%arg9 : memref<80x128xf32, #tpu.memory_space<vmem>>) dst(%dma_wait3A_168 : memref<10240x128xf32, #tpu.memory_space<vmem_shared>>)
    %run_scoped3A_169 = arith.constant 3 : i32
    "tpu.region"() ({
      %run_scoped3A_264 = tpu.sem_alloc : memref<!tpu.dma_semaphore, #tpu.memory_space<semaphore_mem>>
      %dma_start3A_265 = arith.constant 0 : i32
      %dma_start3A_266 = arith.constant 0 : i32
      %dma_start3A_267 = tpu.memref_slice %arg3[%arg0, %arg1, %run_scoped3A_169, %dma_start3A_265, %dma_start3A_266] : memref<2x16x5x50x80xi32, #tpu.memory_space<hbm>> -> memref<1x1x1x50x80xi32, #tpu.memory_space<hbm>>
      %dma_start3A_268 = tpu.memref_squeeze %dma_start3A_267 : memref<1x1x1x50x80xi32, #tpu.memory_space<hbm>> -> memref<50x80xi32, #tpu.memory_space<hbm>>
      %dma_start3A_269 = arith.constant 0 : i32
      %dma_start3A_270 = arith.constant 0 : i32
      %dma_start3A_271 = tpu.memref_slice %arg3[%arg0, %arg1, %run_scoped3A_169, %dma_start3A_269, %dma_start3A_270] : memref<2x16x5x50x80xi32, #tpu.memory_space<hbm>> -> memref<1x1x1x50x80xi32, #tpu.memory_space<hbm>>
      %dma_start3A_272 = tpu.memref_squeeze %dma_start3A_271 : memref<1x1x1x50x80xi32, #tpu.memory_space<hbm>> -> memref<50x80xi32, #tpu.memory_space<hbm>>
      tpu.enqueue_dma source(%dma_start3A_272 : memref<50x80xi32, #tpu.memory_space<hbm>>) target(%arg6 : memref<50x80xi32, #tpu.memory_space<vmem>>) target_semaphore(%run_scoped3A_264 : memref<!tpu.dma_semaphore, #tpu.memory_space<semaphore_mem>>)
      %dma_wait3A_273 = arith.constant 0 : i32
      %dma_wait3A_274 = arith.constant 0 : i32
      %dma_wait3A_275 = tpu.memref_slice %arg3[%arg0, %arg1, %run_scoped3A_169, %dma_wait3A_273, %dma_wait3A_274] : memref<2x16x5x50x80xi32, #tpu.memory_space<hbm>> -> memref<1x1x1x50x80xi32, #tpu.memory_space<hbm>>
      %dma_wait3A_276 = tpu.memref_squeeze %dma_wait3A_275 : memref<1x1x1x50x80xi32, #tpu.memory_space<hbm>> -> memref<50x80xi32, #tpu.memory_space<hbm>>
      %dma_wait3A_277 = arith.constant 0 : i32
      %dma_wait3A_278 = arith.constant 0 : i32
      %dma_wait3A_279 = tpu.memref_slice %arg3[%arg0, %arg1, %run_scoped3A_169, %dma_wait3A_277, %dma_wait3A_278] : memref<2x16x5x50x80xi32, #tpu.memory_space<hbm>> -> memref<1x1x1x50x80xi32, #tpu.memory_space<hbm>>
      %dma_wait3A_280 = tpu.memref_squeeze %dma_wait3A_279 : memref<1x1x1x50x80xi32, #tpu.memory_space<hbm>> -> memref<50x80xi32, #tpu.memory_space<hbm>>
      tpu.wait_dma2 semaphore(%run_scoped3A_264 : memref<!tpu.dma_semaphore, #tpu.memory_space<semaphore_mem>>) src(%dma_wait3A_280 : memref<50x80xi32, #tpu.memory_space<hbm>>) dst(%arg6 : memref<50x80xi32, #tpu.memory_space<vmem>>)
      tpu.yield
    }) : () -> ()
    %run_scoped3A_170 = arith.constant 3 : i32
    "tpu.region"() ({
      %run_scoped3A_264 = tpu.sem_alloc : memref<!tpu.dma_semaphore, #tpu.memory_space<semaphore_mem>>
      %dma_start3A_265 = arith.constant 0 : i32
      %dma_start3A_266 = arith.constant 0 : i32
      %dma_start3A_267 = tpu.memref_slice %arg4[%arg0, %arg1, %run_scoped3A_170, %dma_start3A_265, %dma_start3A_266] : memref<2x16x5x50x80xi32, #tpu.memory_space<hbm>> -> memref<1x1x1x50x80xi32, #tpu.memory_space<hbm>>
      %dma_start3A_268 = tpu.memref_squeeze %dma_start3A_267 : memref<1x1x1x50x80xi32, #tpu.memory_space<hbm>> -> memref<50x80xi32, #tpu.memory_space<hbm>>
      %dma_start3A_269 = arith.constant 0 : i32
      %dma_start3A_270 = arith.constant 0 : i32
      %dma_start3A_271 = tpu.memref_slice %arg4[%arg0, %arg1, %run_scoped3A_170, %dma_start3A_269, %dma_start3A_270] : memref<2x16x5x50x80xi32, #tpu.memory_space<hbm>> -> memref<1x1x1x50x80xi32, #tpu.memory_space<hbm>>
      %dma_start3A_272 = tpu.memref_squeeze %dma_start3A_271 : memref<1x1x1x50x80xi32, #tpu.memory_space<hbm>> -> memref<50x80xi32, #tpu.memory_space<hbm>>
      tpu.enqueue_dma source(%dma_start3A_272 : memref<50x80xi32, #tpu.memory_space<hbm>>) target(%arg7 : memref<50x80xi32, #tpu.memory_space<vmem>>) target_semaphore(%run_scoped3A_264 : memref<!tpu.dma_semaphore, #tpu.memory_space<semaphore_mem>>)
      %dma_wait3A_273 = arith.constant 0 : i32
      %dma_wait3A_274 = arith.constant 0 : i32
      %dma_wait3A_275 = tpu.memref_slice %arg4[%arg0, %arg1, %run_scoped3A_170, %dma_wait3A_273, %dma_wait3A_274] : memref<2x16x5x50x80xi32, #tpu.memory_space<hbm>> -> memref<1x1x1x50x80xi32, #tpu.memory_space<hbm>>
      %dma_wait3A_276 = tpu.memref_squeeze %dma_wait3A_275 : memref<1x1x1x50x80xi32, #tpu.memory_space<hbm>> -> memref<50x80xi32, #tpu.memory_space<hbm>>
      %dma_wait3A_277 = arith.constant 0 : i32
      %dma_wait3A_278 = arith.constant 0 : i32
      %dma_wait3A_279 = tpu.memref_slice %arg4[%arg0, %arg1, %run_scoped3A_170, %dma_wait3A_277, %dma_wait3A_278] : memref<2x16x5x50x80xi32, #tpu.memory_space<hbm>> -> memref<1x1x1x50x80xi32, #tpu.memory_space<hbm>>
      %dma_wait3A_280 = tpu.memref_squeeze %dma_wait3A_279 : memref<1x1x1x50x80xi32, #tpu.memory_space<hbm>> -> memref<50x80xi32, #tpu.memory_space<hbm>>
      tpu.wait_dma2 semaphore(%run_scoped3A_264 : memref<!tpu.dma_semaphore, #tpu.memory_space<semaphore_mem>>) src(%dma_wait3A_280 : memref<50x80xi32, #tpu.memory_space<hbm>>) dst(%arg7 : memref<50x80xi32, #tpu.memory_space<vmem>>)
      tpu.yield
    }) : () -> ()
    %dma_start3A_171 = arith.constant 0 : i32
    %dma_start3A_172 = arith.constant 0 : i32
    %dma_start3A_173 = tpu.memref_slice %arg6[%dma_start3A_171, %dma_start3A_172] : memref<50x80xi32, #tpu.memory_space<vmem>> -> memref<1x80xi32, #tpu.memory_space<vmem>>
    %dma_start3A_174 = tpu.memref_squeeze %dma_start3A_173 : memref<1x80xi32, #tpu.memory_space<vmem>> -> memref<80xi32, #tpu.memory_space<vmem>>
    %dma_start3A_175 = arith.constant 0 : i32
    %dma_start3A_176 = arith.constant 0 : i32
    %dma_start3A_177 = tpu.memref_slice %arg2[%arg0, %dma_start3A_175, %dma_start3A_176] : memref<2x10240x128xf32, #tpu.memory_space<hbm>> -> memref<1x10240x128xf32, #tpu.memory_space<hbm>>
    %dma_start3A_178 = tpu.memref_squeeze %dma_start3A_177 : memref<1x10240x128xf32, #tpu.memory_space<hbm>> -> memref<10240x128xf32, #tpu.memory_space<hbm>>
    %dma_start3A_179 = arith.constant 0 : i32
    %dma_start3A_180 = arith.constant 0 : i32
    %dma_start3A_181 = tpu.memref_slice %dma_start3A_178[%dma_start3A_179, %dma_start3A_180] : memref<10240x128xf32, #tpu.memory_space<hbm>> -> memref<10240x128xf32, #tpu.memory_space<hbm>>
    tpu.enqueue_indirect_dma source(%dma_start3A_181 : memref<10240x128xf32, #tpu.memory_space<hbm>>) target(%arg8 : memref<80x128xf32, #tpu.memory_space<vmem>>) offsets(%dma_start3A_174 : memref<80xi32, #tpu.memory_space<vmem>>) semaphore(%arg11 : memref<!tpu.dma_semaphore, #tpu.memory_space<semaphore_mem>>)
    %dma_start3A_182 = arith.constant 1 : i32
    %dma_start3A_183 = arith.constant 0 : i32
    %dma_start3A_184 = tpu.memref_slice %arg6[%dma_start3A_182, %dma_start3A_183] : memref<50x80xi32, #tpu.memory_space<vmem>> -> memref<1x80xi32, #tpu.memory_space<vmem>>
    %dma_start3A_185 = tpu.memref_squeeze %dma_start3A_184 : memref<1x80xi32, #tpu.memory_space<vmem>> -> memref<80xi32, #tpu.memory_space<vmem>>
    %dma_start3A_186 = arith.constant 0 : i32
    %dma_start3A_187 = arith.constant 0 : i32
    %dma_start3A_188 = tpu.memref_slice %arg2[%arg0, %dma_start3A_186, %dma_start3A_187] : memref<2x10240x128xf32, #tpu.memory_space<hbm>> -> memref<1x10240x128xf32, #tpu.memory_space<hbm>>
    %dma_start3A_189 = tpu.memref_squeeze %dma_start3A_188 : memref<1x10240x128xf32, #tpu.memory_space<hbm>> -> memref<10240x128xf32, #tpu.memory_space<hbm>>
    %dma_start3A_190 = arith.constant 0 : i32
    %dma_start3A_191 = arith.constant 0 : i32
    %dma_start3A_192 = tpu.memref_slice %dma_start3A_189[%dma_start3A_190, %dma_start3A_191] : memref<10240x128xf32, #tpu.memory_space<hbm>> -> memref<10240x128xf32, #tpu.memory_space<hbm>>
    tpu.enqueue_indirect_dma source(%dma_start3A_192 : memref<10240x128xf32, #tpu.memory_space<hbm>>) target(%arg9 : memref<80x128xf32, #tpu.memory_space<vmem>>) offsets(%dma_start3A_185 : memref<80xi32, #tpu.memory_space<vmem>>) semaphore(%arg12 : memref<!tpu.dma_semaphore, #tpu.memory_space<semaphore_mem>>)
    %scan3A_193 = arith.constant 0 : i32
    %scan3A_194 = arith.constant 0 : i32
    %scan3A_195 = arith.constant 25 : i32
    %scan3A_196 = arith.addi %scan3A_194, %scan3A_195 : i32
    %scan3A_197 = arith.constant 1 : i32
    %scan3A_198 = scf.for %scan3A_264 = %scan3A_194 to %scan3A_196 step %scan3A_197 iter_args(%scan3A_265 = %scan3A_193) -> (i32)  : i32 {
      %mul3A_266 = arith.constant 2 : i32
      %mul3A_267 = arith.muli %mul3A_266, %scan3A_264 : i32
      %mul3A_268 = arith.constant 2 : i32
      %mul3A_269 = arith.muli %mul3A_268, %scan3A_264 : i32
      %add3A_270 = arith.constant 1 : i32
      %add3A_271 = arith.addi %mul3A_269, %add3A_270 : i32
      %dma_wait3A_272 = arith.constant 0 : i32
      %dma_wait3A_273 = arith.constant 0 : i32
      %dma_wait3A_274 = tpu.memref_slice %arg6[%dma_wait3A_272, %dma_wait3A_273] : memref<50x80xi32, #tpu.memory_space<vmem>> -> memref<1x80xi32, #tpu.memory_space<vmem>>
      %dma_wait3A_275 = tpu.memref_squeeze %dma_wait3A_274 : memref<1x80xi32, #tpu.memory_space<vmem>> -> memref<80xi32, #tpu.memory_space<vmem>>
      %dma_wait3A_276 = arith.constant 0 : i32
      %dma_wait3A_277 = arith.constant 0 : i32
      %dma_wait3A_278 = tpu.memref_slice %arg2[%arg0, %dma_wait3A_276, %dma_wait3A_277] : memref<2x10240x128xf32, #tpu.memory_space<hbm>> -> memref<1x10240x128xf32, #tpu.memory_space<hbm>>
      %dma_wait3A_279 = tpu.memref_squeeze %dma_wait3A_278 : memref<1x10240x128xf32, #tpu.memory_space<hbm>> -> memref<10240x128xf32, #tpu.memory_space<hbm>>
      %dma_wait3A_280 = arith.constant 0 : i32
      %dma_wait3A_281 = arith.constant 0 : i32
      %dma_wait3A_282 = tpu.memref_slice %dma_wait3A_279[%dma_wait3A_280, %dma_wait3A_281] : memref<10240x128xf32, #tpu.memory_space<hbm>> -> memref<10240x128xf32, #tpu.memory_space<hbm>>
      tpu.wait_indirect_dma semaphore(%arg11 : memref<!tpu.dma_semaphore, #tpu.memory_space<semaphore_mem>>) src(%dma_wait3A_282 : memref<10240x128xf32, #tpu.memory_space<hbm>>) dst(%arg8 : memref<80x128xf32, #tpu.memory_space<vmem>>)
      %dma_start3A_283 = arith.constant 0 : i32
      %dma_start3A_284 = tpu.memref_slice %arg7[%mul3A_267, %dma_start3A_283] : memref<50x80xi32, #tpu.memory_space<vmem>> -> memref<1x80xi32, #tpu.memory_space<vmem>>
      %dma_start3A_285 = tpu.memref_squeeze %dma_start3A_284 : memref<1x80xi32, #tpu.memory_space<vmem>> -> memref<80xi32, #tpu.memory_space<vmem>>
      %dma_start3A_286 = arith.constant 0 : i32
      %dma_start3A_287 = arith.constant 0 : i32
      %dma_start3A_288 = tpu.memref_slice %arg10[%dma_start3A_286, %dma_start3A_287] : memref<10240x128xf32, #tpu.memory_space<vmem_shared>> -> memref<10240x128xf32, #tpu.memory_space<vmem_shared>>
      tpu.enqueue_indirect_dma source(%arg8 : memref<80x128xf32, #tpu.memory_space<vmem>>) target(%dma_start3A_288 : memref<10240x128xf32, #tpu.memory_space<vmem_shared>>) offsets(%dma_start3A_285 : memref<80xi32, #tpu.memory_space<vmem>>) semaphore(%arg13 : memref<!tpu.dma_semaphore, #tpu.memory_space<semaphore_mem>>) {add = true}
      %dma_wait3A_289 = arith.constant 0 : i32
      %dma_wait3A_290 = arith.constant 0 : i32
      %dma_wait3A_291 = tpu.memref_slice %arg6[%dma_wait3A_289, %dma_wait3A_290] : memref<50x80xi32, #tpu.memory_space<vmem>> -> memref<1x80xi32, #tpu.memory_space<vmem>>
      %dma_wait3A_292 = tpu.memref_squeeze %dma_wait3A_291 : memref<1x80xi32, #tpu.memory_space<vmem>> -> memref<80xi32, #tpu.memory_space<vmem>>
      %dma_wait3A_293 = arith.constant 0 : i32
      %dma_wait3A_294 = arith.constant 0 : i32
      %dma_wait3A_295 = tpu.memref_slice %arg2[%arg0, %dma_wait3A_293, %dma_wait3A_294] : memref<2x10240x128xf32, #tpu.memory_space<hbm>> -> memref<1x10240x128xf32, #tpu.memory_space<hbm>>
      %dma_wait3A_296 = tpu.memref_squeeze %dma_wait3A_295 : memref<1x10240x128xf32, #tpu.memory_space<hbm>> -> memref<10240x128xf32, #tpu.memory_space<hbm>>
      %dma_wait3A_297 = arith.constant 0 : i32
      %dma_wait3A_298 = arith.constant 0 : i32
      %dma_wait3A_299 = tpu.memref_slice %dma_wait3A_296[%dma_wait3A_297, %dma_wait3A_298] : memref<10240x128xf32, #tpu.memory_space<hbm>> -> memref<10240x128xf32, #tpu.memory_space<hbm>>
      tpu.wait_indirect_dma semaphore(%arg12 : memref<!tpu.dma_semaphore, #tpu.memory_space<semaphore_mem>>) src(%dma_wait3A_299 : memref<10240x128xf32, #tpu.memory_space<hbm>>) dst(%arg9 : memref<80x128xf32, #tpu.memory_space<vmem>>)
      %dma_start3A_300 = arith.constant 0 : i32
      %dma_start3A_301 = tpu.memref_slice %arg7[%add3A_271, %dma_start3A_300] : memref<50x80xi32, #tpu.memory_space<vmem>> -> memref<1x80xi32, #tpu.memory_space<vmem>>
      %dma_start3A_302 = tpu.memref_squeeze %dma_start3A_301 : memref<1x80xi32, #tpu.memory_space<vmem>> -> memref<80xi32, #tpu.memory_space<vmem>>
      %dma_start3A_303 = arith.constant 0 : i32
      %dma_start3A_304 = arith.constant 0 : i32
      %dma_start3A_305 = tpu.memref_slice %arg10[%dma_start3A_303, %dma_start3A_304] : memref<10240x128xf32, #tpu.memory_space<vmem_shared>> -> memref<10240x128xf32, #tpu.memory_space<vmem_shared>>
      tpu.enqueue_indirect_dma source(%arg9 : memref<80x128xf32, #tpu.memory_space<vmem>>) target(%dma_start3A_305 : memref<10240x128xf32, #tpu.memory_space<vmem_shared>>) offsets(%dma_start3A_302 : memref<80xi32, #tpu.memory_space<vmem>>) semaphore(%arg14 : memref<!tpu.dma_semaphore, #tpu.memory_space<semaphore_mem>>) {add = true}
      %add3A_306 = arith.constant 2 : i32
      %add3A_307 = arith.addi %mul3A_267, %add3A_306 : i32
      %lt3A = arith.constant 50 : i32
      %lt3A_308 = arith.cmpi slt, %add3A_307, %lt3A : i32
      %convert_element_type3A = arith.extui %lt3A_308 : i1 to i32
      %cond3A = arith.constant 0 : i32
      %cond3A_309 = arith.cmpi ne, %convert_element_type3A, %cond3A : i32
      scf.if %cond3A_309 {
        %dma_wait3A_318 = arith.constant 0 : i32
        %dma_wait3A_319 = arith.constant 0 : i32
        %dma_wait3A_320 = tpu.memref_slice %arg7[%dma_wait3A_318, %dma_wait3A_319] : memref<50x80xi32, #tpu.memory_space<vmem>> -> memref<1x80xi32, #tpu.memory_space<vmem>>
        %dma_wait3A_321 = tpu.memref_squeeze %dma_wait3A_320 : memref<1x80xi32, #tpu.memory_space<vmem>> -> memref<80xi32, #tpu.memory_space<vmem>>
        %dma_wait3A_322 = arith.constant 0 : i32
        %dma_wait3A_323 = arith.constant 0 : i32
        %dma_wait3A_324 = tpu.memref_slice %arg10[%dma_wait3A_322, %dma_wait3A_323] : memref<10240x128xf32, #tpu.memory_space<vmem_shared>> -> memref<10240x128xf32, #tpu.memory_space<vmem_shared>>
        tpu.wait_indirect_dma semaphore(%arg13 : memref<!tpu.dma_semaphore, #tpu.memory_space<semaphore_mem>>) src(%arg8 : memref<80x128xf32, #tpu.memory_space<vmem>>) dst(%dma_wait3A_324 : memref<10240x128xf32, #tpu.memory_space<vmem_shared>>)
        %add3A_325 = arith.constant 2 : i32
        %add3A_326 = arith.addi %mul3A_267, %add3A_325 : i32
        %dma_start3A_327 = arith.constant 0 : i32
        %dma_start3A_328 = tpu.memref_slice %arg6[%add3A_326, %dma_start3A_327] : memref<50x80xi32, #tpu.memory_space<vmem>> -> memref<1x80xi32, #tpu.memory_space<vmem>>
        %dma_start3A_329 = tpu.memref_squeeze %dma_start3A_328 : memref<1x80xi32, #tpu.memory_space<vmem>> -> memref<80xi32, #tpu.memory_space<vmem>>
        %dma_start3A_330 = arith.constant 0 : i32
        %dma_start3A_331 = arith.constant 0 : i32
        %dma_start3A_332 = tpu.memref_slice %arg2[%arg0, %dma_start3A_330, %dma_start3A_331] : memref<2x10240x128xf32, #tpu.memory_space<hbm>> -> memref<1x10240x128xf32, #tpu.memory_space<hbm>>
        %dma_start3A_333 = tpu.memref_squeeze %dma_start3A_332 : memref<1x10240x128xf32, #tpu.memory_space<hbm>> -> memref<10240x128xf32, #tpu.memory_space<hbm>>
        %dma_start3A_334 = arith.constant 0 : i32
        %dma_start3A_335 = arith.constant 0 : i32
        %dma_start3A_336 = tpu.memref_slice %dma_start3A_333[%dma_start3A_334, %dma_start3A_335] : memref<10240x128xf32, #tpu.memory_space<hbm>> -> memref<10240x128xf32, #tpu.memory_space<hbm>>
        tpu.enqueue_indirect_dma source(%dma_start3A_336 : memref<10240x128xf32, #tpu.memory_space<hbm>>) target(%arg8 : memref<80x128xf32, #tpu.memory_space<vmem>>) offsets(%dma_start3A_329 : memref<80xi32, #tpu.memory_space<vmem>>) semaphore(%arg11 : memref<!tpu.dma_semaphore, #tpu.memory_space<semaphore_mem>>)
      } else {
      }
      %add3A_310 = arith.constant 2 : i32
      %add3A_311 = arith.addi %add3A_271, %add3A_310 : i32
      %lt3A_312 = arith.constant 50 : i32
      %lt3A_313 = arith.cmpi slt, %add3A_311, %lt3A_312 : i32
      %convert_element_type3A_314 = arith.extui %lt3A_313 : i1 to i32
      %cond3A_315 = arith.constant 0 : i32
      %cond3A_316 = arith.cmpi ne, %convert_element_type3A_314, %cond3A_315 : i32
      scf.if %cond3A_316 {
        %dma_wait3A_318 = arith.constant 0 : i32
        %dma_wait3A_319 = arith.constant 0 : i32
        %dma_wait3A_320 = tpu.memref_slice %arg7[%dma_wait3A_318, %dma_wait3A_319] : memref<50x80xi32, #tpu.memory_space<vmem>> -> memref<1x80xi32, #tpu.memory_space<vmem>>
        %dma_wait3A_321 = tpu.memref_squeeze %dma_wait3A_320 : memref<1x80xi32, #tpu.memory_space<vmem>> -> memref<80xi32, #tpu.memory_space<vmem>>
        %dma_wait3A_322 = arith.constant 0 : i32
        %dma_wait3A_323 = arith.constant 0 : i32
        %dma_wait3A_324 = tpu.memref_slice %arg10[%dma_wait3A_322, %dma_wait3A_323] : memref<10240x128xf32, #tpu.memory_space<vmem_shared>> -> memref<10240x128xf32, #tpu.memory_space<vmem_shared>>
        tpu.wait_indirect_dma semaphore(%arg14 : memref<!tpu.dma_semaphore, #tpu.memory_space<semaphore_mem>>) src(%arg9 : memref<80x128xf32, #tpu.memory_space<vmem>>) dst(%dma_wait3A_324 : memref<10240x128xf32, #tpu.memory_space<vmem_shared>>)
        %add3A_325 = arith.constant 2 : i32
        %add3A_326 = arith.addi %add3A_271, %add3A_325 : i32
        %dma_start3A_327 = arith.constant 0 : i32
        %dma_start3A_328 = tpu.memref_slice %arg6[%add3A_326, %dma_start3A_327] : memref<50x80xi32, #tpu.memory_space<vmem>> -> memref<1x80xi32, #tpu.memory_space<vmem>>
        %dma_start3A_329 = tpu.memref_squeeze %dma_start3A_328 : memref<1x80xi32, #tpu.memory_space<vmem>> -> memref<80xi32, #tpu.memory_space<vmem>>
        %dma_start3A_330 = arith.constant 0 : i32
        %dma_start3A_331 = arith.constant 0 : i32
        %dma_start3A_332 = tpu.memref_slice %arg2[%arg0, %dma_start3A_330, %dma_start3A_331] : memref<2x10240x128xf32, #tpu.memory_space<hbm>> -> memref<1x10240x128xf32, #tpu.memory_space<hbm>>
        %dma_start3A_333 = tpu.memref_squeeze %dma_start3A_332 : memref<1x10240x128xf32, #tpu.memory_space<hbm>> -> memref<10240x128xf32, #tpu.memory_space<hbm>>
        %dma_start3A_334 = arith.constant 0 : i32
        %dma_start3A_335 = arith.constant 0 : i32
        %dma_start3A_336 = tpu.memref_slice %dma_start3A_333[%dma_start3A_334, %dma_start3A_335] : memref<10240x128xf32, #tpu.memory_space<hbm>> -> memref<10240x128xf32, #tpu.memory_space<hbm>>
        tpu.enqueue_indirect_dma source(%dma_start3A_336 : memref<10240x128xf32, #tpu.memory_space<hbm>>) target(%arg9 : memref<80x128xf32, #tpu.memory_space<vmem>>) offsets(%dma_start3A_329 : memref<80xi32, #tpu.memory_space<vmem>>) semaphore(%arg12 : memref<!tpu.dma_semaphore, #tpu.memory_space<semaphore_mem>>)
      } else {
      }
      %scan3A_317 = arith.constant 0 : i32
      scf.yield %scan3A_317 : i32
    }
    %scan3A_199 = arith.constant 25 : i32
    %dma_wait3A_200 = arith.constant 0 : i32
    %dma_wait3A_201 = arith.constant 0 : i32
    %dma_wait3A_202 = tpu.memref_slice %arg7[%dma_wait3A_200, %dma_wait3A_201] : memref<50x80xi32, #tpu.memory_space<vmem>> -> memref<1x80xi32, #tpu.memory_space<vmem>>
    %dma_wait3A_203 = tpu.memref_squeeze %dma_wait3A_202 : memref<1x80xi32, #tpu.memory_space<vmem>> -> memref<80xi32, #tpu.memory_space<vmem>>
    %dma_wait3A_204 = arith.constant 0 : i32
    %dma_wait3A_205 = arith.constant 0 : i32
    %dma_wait3A_206 = tpu.memref_slice %arg10[%dma_wait3A_204, %dma_wait3A_205] : memref<10240x128xf32, #tpu.memory_space<vmem_shared>> -> memref<10240x128xf32, #tpu.memory_space<vmem_shared>>
    tpu.wait_indirect_dma semaphore(%arg13 : memref<!tpu.dma_semaphore, #tpu.memory_space<semaphore_mem>>) src(%arg8 : memref<80x128xf32, #tpu.memory_space<vmem>>) dst(%dma_wait3A_206 : memref<10240x128xf32, #tpu.memory_space<vmem_shared>>)
    %dma_wait3A_207 = arith.constant 0 : i32
    %dma_wait3A_208 = arith.constant 0 : i32
    %dma_wait3A_209 = tpu.memref_slice %arg7[%dma_wait3A_207, %dma_wait3A_208] : memref<50x80xi32, #tpu.memory_space<vmem>> -> memref<1x80xi32, #tpu.memory_space<vmem>>
    %dma_wait3A_210 = tpu.memref_squeeze %dma_wait3A_209 : memref<1x80xi32, #tpu.memory_space<vmem>> -> memref<80xi32, #tpu.memory_space<vmem>>
    %dma_wait3A_211 = arith.constant 0 : i32
    %dma_wait3A_212 = arith.constant 0 : i32
    %dma_wait3A_213 = tpu.memref_slice %arg10[%dma_wait3A_211, %dma_wait3A_212] : memref<10240x128xf32, #tpu.memory_space<vmem_shared>> -> memref<10240x128xf32, #tpu.memory_space<vmem_shared>>
    tpu.wait_indirect_dma semaphore(%arg14 : memref<!tpu.dma_semaphore, #tpu.memory_space<semaphore_mem>>) src(%arg9 : memref<80x128xf32, #tpu.memory_space<vmem>>) dst(%dma_wait3A_213 : memref<10240x128xf32, #tpu.memory_space<vmem_shared>>)
    %run_scoped3A_214 = arith.constant 4 : i32
    "tpu.region"() ({
      %run_scoped3A_264 = tpu.sem_alloc : memref<!tpu.dma_semaphore, #tpu.memory_space<semaphore_mem>>
      %dma_start3A_265 = arith.constant 0 : i32
      %dma_start3A_266 = arith.constant 0 : i32
      %dma_start3A_267 = tpu.memref_slice %arg3[%arg0, %arg1, %run_scoped3A_214, %dma_start3A_265, %dma_start3A_266] : memref<2x16x5x50x80xi32, #tpu.memory_space<hbm>> -> memref<1x1x1x50x80xi32, #tpu.memory_space<hbm>>
      %dma_start3A_268 = tpu.memref_squeeze %dma_start3A_267 : memref<1x1x1x50x80xi32, #tpu.memory_space<hbm>> -> memref<50x80xi32, #tpu.memory_space<hbm>>
      %dma_start3A_269 = arith.constant 0 : i32
      %dma_start3A_270 = arith.constant 0 : i32
      %dma_start3A_271 = tpu.memref_slice %arg3[%arg0, %arg1, %run_scoped3A_214, %dma_start3A_269, %dma_start3A_270] : memref<2x16x5x50x80xi32, #tpu.memory_space<hbm>> -> memref<1x1x1x50x80xi32, #tpu.memory_space<hbm>>
      %dma_start3A_272 = tpu.memref_squeeze %dma_start3A_271 : memref<1x1x1x50x80xi32, #tpu.memory_space<hbm>> -> memref<50x80xi32, #tpu.memory_space<hbm>>
      tpu.enqueue_dma source(%dma_start3A_272 : memref<50x80xi32, #tpu.memory_space<hbm>>) target(%arg6 : memref<50x80xi32, #tpu.memory_space<vmem>>) target_semaphore(%run_scoped3A_264 : memref<!tpu.dma_semaphore, #tpu.memory_space<semaphore_mem>>)
      %dma_wait3A_273 = arith.constant 0 : i32
      %dma_wait3A_274 = arith.constant 0 : i32
      %dma_wait3A_275 = tpu.memref_slice %arg3[%arg0, %arg1, %run_scoped3A_214, %dma_wait3A_273, %dma_wait3A_274] : memref<2x16x5x50x80xi32, #tpu.memory_space<hbm>> -> memref<1x1x1x50x80xi32, #tpu.memory_space<hbm>>
      %dma_wait3A_276 = tpu.memref_squeeze %dma_wait3A_275 : memref<1x1x1x50x80xi32, #tpu.memory_space<hbm>> -> memref<50x80xi32, #tpu.memory_space<hbm>>
      %dma_wait3A_277 = arith.constant 0 : i32
      %dma_wait3A_278 = arith.constant 0 : i32
      %dma_wait3A_279 = tpu.memref_slice %arg3[%arg0, %arg1, %run_scoped3A_214, %dma_wait3A_277, %dma_wait3A_278] : memref<2x16x5x50x80xi32, #tpu.memory_space<hbm>> -> memref<1x1x1x50x80xi32, #tpu.memory_space<hbm>>
      %dma_wait3A_280 = tpu.memref_squeeze %dma_wait3A_279 : memref<1x1x1x50x80xi32, #tpu.memory_space<hbm>> -> memref<50x80xi32, #tpu.memory_space<hbm>>
      tpu.wait_dma2 semaphore(%run_scoped3A_264 : memref<!tpu.dma_semaphore, #tpu.memory_space<semaphore_mem>>) src(%dma_wait3A_280 : memref<50x80xi32, #tpu.memory_space<hbm>>) dst(%arg6 : memref<50x80xi32, #tpu.memory_space<vmem>>)
      tpu.yield
    }) : () -> ()
    %run_scoped3A_215 = arith.constant 4 : i32
    "tpu.region"() ({
      %run_scoped3A_264 = tpu.sem_alloc : memref<!tpu.dma_semaphore, #tpu.memory_space<semaphore_mem>>
      %dma_start3A_265 = arith.constant 0 : i32
      %dma_start3A_266 = arith.constant 0 : i32
      %dma_start3A_267 = tpu.memref_slice %arg4[%arg0, %arg1, %run_scoped3A_215, %dma_start3A_265, %dma_start3A_266] : memref<2x16x5x50x80xi32, #tpu.memory_space<hbm>> -> memref<1x1x1x50x80xi32, #tpu.memory_space<hbm>>
      %dma_start3A_268 = tpu.memref_squeeze %dma_start3A_267 : memref<1x1x1x50x80xi32, #tpu.memory_space<hbm>> -> memref<50x80xi32, #tpu.memory_space<hbm>>
      %dma_start3A_269 = arith.constant 0 : i32
      %dma_start3A_270 = arith.constant 0 : i32
      %dma_start3A_271 = tpu.memref_slice %arg4[%arg0, %arg1, %run_scoped3A_215, %dma_start3A_269, %dma_start3A_270] : memref<2x16x5x50x80xi32, #tpu.memory_space<hbm>> -> memref<1x1x1x50x80xi32, #tpu.memory_space<hbm>>
      %dma_start3A_272 = tpu.memref_squeeze %dma_start3A_271 : memref<1x1x1x50x80xi32, #tpu.memory_space<hbm>> -> memref<50x80xi32, #tpu.memory_space<hbm>>
      tpu.enqueue_dma source(%dma_start3A_272 : memref<50x80xi32, #tpu.memory_space<hbm>>) target(%arg7 : memref<50x80xi32, #tpu.memory_space<vmem>>) target_semaphore(%run_scoped3A_264 : memref<!tpu.dma_semaphore, #tpu.memory_space<semaphore_mem>>)
      %dma_wait3A_273 = arith.constant 0 : i32
      %dma_wait3A_274 = arith.constant 0 : i32
      %dma_wait3A_275 = tpu.memref_slice %arg4[%arg0, %arg1, %run_scoped3A_215, %dma_wait3A_273, %dma_wait3A_274] : memref<2x16x5x50x80xi32, #tpu.memory_space<hbm>> -> memref<1x1x1x50x80xi32, #tpu.memory_space<hbm>>
      %dma_wait3A_276 = tpu.memref_squeeze %dma_wait3A_275 : memref<1x1x1x50x80xi32, #tpu.memory_space<hbm>> -> memref<50x80xi32, #tpu.memory_space<hbm>>
      %dma_wait3A_277 = arith.constant 0 : i32
      %dma_wait3A_278 = arith.constant 0 : i32
      %dma_wait3A_279 = tpu.memref_slice %arg4[%arg0, %arg1, %run_scoped3A_215, %dma_wait3A_277, %dma_wait3A_278] : memref<2x16x5x50x80xi32, #tpu.memory_space<hbm>> -> memref<1x1x1x50x80xi32, #tpu.memory_space<hbm>>
      %dma_wait3A_280 = tpu.memref_squeeze %dma_wait3A_279 : memref<1x1x1x50x80xi32, #tpu.memory_space<hbm>> -> memref<50x80xi32, #tpu.memory_space<hbm>>
      tpu.wait_dma2 semaphore(%run_scoped3A_264 : memref<!tpu.dma_semaphore, #tpu.memory_space<semaphore_mem>>) src(%dma_wait3A_280 : memref<50x80xi32, #tpu.memory_space<hbm>>) dst(%arg7 : memref<50x80xi32, #tpu.memory_space<vmem>>)
      tpu.yield
    }) : () -> ()
    %dma_start3A_216 = arith.constant 0 : i32
    %dma_start3A_217 = arith.constant 0 : i32
    %dma_start3A_218 = tpu.memref_slice %arg6[%dma_start3A_216, %dma_start3A_217] : memref<50x80xi32, #tpu.memory_space<vmem>> -> memref<1x80xi32, #tpu.memory_space<vmem>>
    %dma_start3A_219 = tpu.memref_squeeze %dma_start3A_218 : memref<1x80xi32, #tpu.memory_space<vmem>> -> memref<80xi32, #tpu.memory_space<vmem>>
    %dma_start3A_220 = arith.constant 0 : i32
    %dma_start3A_221 = arith.constant 0 : i32
    %dma_start3A_222 = tpu.memref_slice %arg2[%arg0, %dma_start3A_220, %dma_start3A_221] : memref<2x10240x128xf32, #tpu.memory_space<hbm>> -> memref<1x10240x128xf32, #tpu.memory_space<hbm>>
    %dma_start3A_223 = tpu.memref_squeeze %dma_start3A_222 : memref<1x10240x128xf32, #tpu.memory_space<hbm>> -> memref<10240x128xf32, #tpu.memory_space<hbm>>
    %dma_start3A_224 = arith.constant 0 : i32
    %dma_start3A_225 = arith.constant 0 : i32
    %dma_start3A_226 = tpu.memref_slice %dma_start3A_223[%dma_start3A_224, %dma_start3A_225] : memref<10240x128xf32, #tpu.memory_space<hbm>> -> memref<10240x128xf32, #tpu.memory_space<hbm>>
    tpu.enqueue_indirect_dma source(%dma_start3A_226 : memref<10240x128xf32, #tpu.memory_space<hbm>>) target(%arg8 : memref<80x128xf32, #tpu.memory_space<vmem>>) offsets(%dma_start3A_219 : memref<80xi32, #tpu.memory_space<vmem>>) semaphore(%arg11 : memref<!tpu.dma_semaphore, #tpu.memory_space<semaphore_mem>>)
    %dma_start3A_227 = arith.constant 1 : i32
    %dma_start3A_228 = arith.constant 0 : i32
    %dma_start3A_229 = tpu.memref_slice %arg6[%dma_start3A_227, %dma_start3A_228] : memref<50x80xi32, #tpu.memory_space<vmem>> -> memref<1x80xi32, #tpu.memory_space<vmem>>
    %dma_start3A_230 = tpu.memref_squeeze %dma_start3A_229 : memref<1x80xi32, #tpu.memory_space<vmem>> -> memref<80xi32, #tpu.memory_space<vmem>>
    %dma_start3A_231 = arith.constant 0 : i32
    %dma_start3A_232 = arith.constant 0 : i32
    %dma_start3A_233 = tpu.memref_slice %arg2[%arg0, %dma_start3A_231, %dma_start3A_232] : memref<2x10240x128xf32, #tpu.memory_space<hbm>> -> memref<1x10240x128xf32, #tpu.memory_space<hbm>>
    %dma_start3A_234 = tpu.memref_squeeze %dma_start3A_233 : memref<1x10240x128xf32, #tpu.memory_space<hbm>> -> memref<10240x128xf32, #tpu.memory_space<hbm>>
    %dma_start3A_235 = arith.constant 0 : i32
    %dma_start3A_236 = arith.constant 0 : i32
    %dma_start3A_237 = tpu.memref_slice %dma_start3A_234[%dma_start3A_235, %dma_start3A_236] : memref<10240x128xf32, #tpu.memory_space<hbm>> -> memref<10240x128xf32, #tpu.memory_space<hbm>>
    tpu.enqueue_indirect_dma source(%dma_start3A_237 : memref<10240x128xf32, #tpu.memory_space<hbm>>) target(%arg9 : memref<80x128xf32, #tpu.memory_space<vmem>>) offsets(%dma_start3A_230 : memref<80xi32, #tpu.memory_space<vmem>>) semaphore(%arg12 : memref<!tpu.dma_semaphore, #tpu.memory_space<semaphore_mem>>)
    %scan3A_238 = arith.constant 0 : i32
    %scan3A_239 = arith.constant 0 : i32
    %scan3A_240 = arith.constant 25 : i32
    %scan3A_241 = arith.addi %scan3A_239, %scan3A_240 : i32
    %scan3A_242 = arith.constant 1 : i32
    %scan3A_243 = scf.for %scan3A_264 = %scan3A_239 to %scan3A_241 step %scan3A_242 iter_args(%scan3A_265 = %scan3A_238) -> (i32)  : i32 {
      %mul3A_266 = arith.constant 2 : i32
      %mul3A_267 = arith.muli %mul3A_266, %scan3A_264 : i32
      %mul3A_268 = arith.constant 2 : i32
      %mul3A_269 = arith.muli %mul3A_268, %scan3A_264 : i32
      %add3A_270 = arith.constant 1 : i32
      %add3A_271 = arith.addi %mul3A_269, %add3A_270 : i32
      %dma_wait3A_272 = arith.constant 0 : i32
      %dma_wait3A_273 = arith.constant 0 : i32
      %dma_wait3A_274 = tpu.memref_slice %arg6[%dma_wait3A_272, %dma_wait3A_273] : memref<50x80xi32, #tpu.memory_space<vmem>> -> memref<1x80xi32, #tpu.memory_space<vmem>>
      %dma_wait3A_275 = tpu.memref_squeeze %dma_wait3A_274 : memref<1x80xi32, #tpu.memory_space<vmem>> -> memref<80xi32, #tpu.memory_space<vmem>>
      %dma_wait3A_276 = arith.constant 0 : i32
      %dma_wait3A_277 = arith.constant 0 : i32
      %dma_wait3A_278 = tpu.memref_slice %arg2[%arg0, %dma_wait3A_276, %dma_wait3A_277] : memref<2x10240x128xf32, #tpu.memory_space<hbm>> -> memref<1x10240x128xf32, #tpu.memory_space<hbm>>
      %dma_wait3A_279 = tpu.memref_squeeze %dma_wait3A_278 : memref<1x10240x128xf32, #tpu.memory_space<hbm>> -> memref<10240x128xf32, #tpu.memory_space<hbm>>
      %dma_wait3A_280 = arith.constant 0 : i32
      %dma_wait3A_281 = arith.constant 0 : i32
      %dma_wait3A_282 = tpu.memref_slice %dma_wait3A_279[%dma_wait3A_280, %dma_wait3A_281] : memref<10240x128xf32, #tpu.memory_space<hbm>> -> memref<10240x128xf32, #tpu.memory_space<hbm>>
      tpu.wait_indirect_dma semaphore(%arg11 : memref<!tpu.dma_semaphore, #tpu.memory_space<semaphore_mem>>) src(%dma_wait3A_282 : memref<10240x128xf32, #tpu.memory_space<hbm>>) dst(%arg8 : memref<80x128xf32, #tpu.memory_space<vmem>>)
      %dma_start3A_283 = arith.constant 0 : i32
      %dma_start3A_284 = tpu.memref_slice %arg7[%mul3A_267, %dma_start3A_283] : memref<50x80xi32, #tpu.memory_space<vmem>> -> memref<1x80xi32, #tpu.memory_space<vmem>>
      %dma_start3A_285 = tpu.memref_squeeze %dma_start3A_284 : memref<1x80xi32, #tpu.memory_space<vmem>> -> memref<80xi32, #tpu.memory_space<vmem>>
      %dma_start3A_286 = arith.constant 0 : i32
      %dma_start3A_287 = arith.constant 0 : i32
      %dma_start3A_288 = tpu.memref_slice %arg10[%dma_start3A_286, %dma_start3A_287] : memref<10240x128xf32, #tpu.memory_space<vmem_shared>> -> memref<10240x128xf32, #tpu.memory_space<vmem_shared>>
      tpu.enqueue_indirect_dma source(%arg8 : memref<80x128xf32, #tpu.memory_space<vmem>>) target(%dma_start3A_288 : memref<10240x128xf32, #tpu.memory_space<vmem_shared>>) offsets(%dma_start3A_285 : memref<80xi32, #tpu.memory_space<vmem>>) semaphore(%arg13 : memref<!tpu.dma_semaphore, #tpu.memory_space<semaphore_mem>>) {add = true}
      %dma_wait3A_289 = arith.constant 0 : i32
      %dma_wait3A_290 = arith.constant 0 : i32
      %dma_wait3A_291 = tpu.memref_slice %arg6[%dma_wait3A_289, %dma_wait3A_290] : memref<50x80xi32, #tpu.memory_space<vmem>> -> memref<1x80xi32, #tpu.memory_space<vmem>>
      %dma_wait3A_292 = tpu.memref_squeeze %dma_wait3A_291 : memref<1x80xi32, #tpu.memory_space<vmem>> -> memref<80xi32, #tpu.memory_space<vmem>>
      %dma_wait3A_293 = arith.constant 0 : i32
      %dma_wait3A_294 = arith.constant 0 : i32
      %dma_wait3A_295 = tpu.memref_slice %arg2[%arg0, %dma_wait3A_293, %dma_wait3A_294] : memref<2x10240x128xf32, #tpu.memory_space<hbm>> -> memref<1x10240x128xf32, #tpu.memory_space<hbm>>
      %dma_wait3A_296 = tpu.memref_squeeze %dma_wait3A_295 : memref<1x10240x128xf32, #tpu.memory_space<hbm>> -> memref<10240x128xf32, #tpu.memory_space<hbm>>
      %dma_wait3A_297 = arith.constant 0 : i32
      %dma_wait3A_298 = arith.constant 0 : i32
      %dma_wait3A_299 = tpu.memref_slice %dma_wait3A_296[%dma_wait3A_297, %dma_wait3A_298] : memref<10240x128xf32, #tpu.memory_space<hbm>> -> memref<10240x128xf32, #tpu.memory_space<hbm>>
      tpu.wait_indirect_dma semaphore(%arg12 : memref<!tpu.dma_semaphore, #tpu.memory_space<semaphore_mem>>) src(%dma_wait3A_299 : memref<10240x128xf32, #tpu.memory_space<hbm>>) dst(%arg9 : memref<80x128xf32, #tpu.memory_space<vmem>>)
      %dma_start3A_300 = arith.constant 0 : i32
      %dma_start3A_301 = tpu.memref_slice %arg7[%add3A_271, %dma_start3A_300] : memref<50x80xi32, #tpu.memory_space<vmem>> -> memref<1x80xi32, #tpu.memory_space<vmem>>
      %dma_start3A_302 = tpu.memref_squeeze %dma_start3A_301 : memref<1x80xi32, #tpu.memory_space<vmem>> -> memref<80xi32, #tpu.memory_space<vmem>>
      %dma_start3A_303 = arith.constant 0 : i32
      %dma_start3A_304 = arith.constant 0 : i32
      %dma_start3A_305 = tpu.memref_slice %arg10[%dma_start3A_303, %dma_start3A_304] : memref<10240x128xf32, #tpu.memory_space<vmem_shared>> -> memref<10240x128xf32, #tpu.memory_space<vmem_shared>>
      tpu.enqueue_indirect_dma source(%arg9 : memref<80x128xf32, #tpu.memory_space<vmem>>) target(%dma_start3A_305 : memref<10240x128xf32, #tpu.memory_space<vmem_shared>>) offsets(%dma_start3A_302 : memref<80xi32, #tpu.memory_space<vmem>>) semaphore(%arg14 : memref<!tpu.dma_semaphore, #tpu.memory_space<semaphore_mem>>) {add = true}
      %add3A_306 = arith.constant 2 : i32
      %add3A_307 = arith.addi %mul3A_267, %add3A_306 : i32
      %lt3A = arith.constant 50 : i32
      %lt3A_308 = arith.cmpi slt, %add3A_307, %lt3A : i32
      %convert_element_type3A = arith.extui %lt3A_308 : i1 to i32
      %cond3A = arith.constant 0 : i32
      %cond3A_309 = arith.cmpi ne, %convert_element_type3A, %cond3A : i32
      scf.if %cond3A_309 {
        %dma_wait3A_318 = arith.constant 0 : i32
        %dma_wait3A_319 = arith.constant 0 : i32
        %dma_wait3A_320 = tpu.memref_slice %arg7[%dma_wait3A_318, %dma_wait3A_319] : memref<50x80xi32, #tpu.memory_space<vmem>> -> memref<1x80xi32, #tpu.memory_space<vmem>>
        %dma_wait3A_321 = tpu.memref_squeeze %dma_wait3A_320 : memref<1x80xi32, #tpu.memory_space<vmem>> -> memref<80xi32, #tpu.memory_space<vmem>>
        %dma_wait3A_322 = arith.constant 0 : i32
        %dma_wait3A_323 = arith.constant 0 : i32
        %dma_wait3A_324 = tpu.memref_slice %arg10[%dma_wait3A_322, %dma_wait3A_323] : memref<10240x128xf32, #tpu.memory_space<vmem_shared>> -> memref<10240x128xf32, #tpu.memory_space<vmem_shared>>
        tpu.wait_indirect_dma semaphore(%arg13 : memref<!tpu.dma_semaphore, #tpu.memory_space<semaphore_mem>>) src(%arg8 : memref<80x128xf32, #tpu.memory_space<vmem>>) dst(%dma_wait3A_324 : memref<10240x128xf32, #tpu.memory_space<vmem_shared>>)
        %add3A_325 = arith.constant 2 : i32
        %add3A_326 = arith.addi %mul3A_267, %add3A_325 : i32
        %dma_start3A_327 = arith.constant 0 : i32
        %dma_start3A_328 = tpu.memref_slice %arg6[%add3A_326, %dma_start3A_327] : memref<50x80xi32, #tpu.memory_space<vmem>> -> memref<1x80xi32, #tpu.memory_space<vmem>>
        %dma_start3A_329 = tpu.memref_squeeze %dma_start3A_328 : memref<1x80xi32, #tpu.memory_space<vmem>> -> memref<80xi32, #tpu.memory_space<vmem>>
        %dma_start3A_330 = arith.constant 0 : i32
        %dma_start3A_331 = arith.constant 0 : i32
        %dma_start3A_332 = tpu.memref_slice %arg2[%arg0, %dma_start3A_330, %dma_start3A_331] : memref<2x10240x128xf32, #tpu.memory_space<hbm>> -> memref<1x10240x128xf32, #tpu.memory_space<hbm>>
        %dma_start3A_333 = tpu.memref_squeeze %dma_start3A_332 : memref<1x10240x128xf32, #tpu.memory_space<hbm>> -> memref<10240x128xf32, #tpu.memory_space<hbm>>
        %dma_start3A_334 = arith.constant 0 : i32
        %dma_start3A_335 = arith.constant 0 : i32
        %dma_start3A_336 = tpu.memref_slice %dma_start3A_333[%dma_start3A_334, %dma_start3A_335] : memref<10240x128xf32, #tpu.memory_space<hbm>> -> memref<10240x128xf32, #tpu.memory_space<hbm>>
        tpu.enqueue_indirect_dma source(%dma_start3A_336 : memref<10240x128xf32, #tpu.memory_space<hbm>>) target(%arg8 : memref<80x128xf32, #tpu.memory_space<vmem>>) offsets(%dma_start3A_329 : memref<80xi32, #tpu.memory_space<vmem>>) semaphore(%arg11 : memref<!tpu.dma_semaphore, #tpu.memory_space<semaphore_mem>>)
      } else {
      }
      %add3A_310 = arith.constant 2 : i32
      %add3A_311 = arith.addi %add3A_271, %add3A_310 : i32
      %lt3A_312 = arith.constant 50 : i32
      %lt3A_313 = arith.cmpi slt, %add3A_311, %lt3A_312 : i32
      %convert_element_type3A_314 = arith.extui %lt3A_313 : i1 to i32
      %cond3A_315 = arith.constant 0 : i32
      %cond3A_316 = arith.cmpi ne, %convert_element_type3A_314, %cond3A_315 : i32
      scf.if %cond3A_316 {
        %dma_wait3A_318 = arith.constant 0 : i32
        %dma_wait3A_319 = arith.constant 0 : i32
        %dma_wait3A_320 = tpu.memref_slice %arg7[%dma_wait3A_318, %dma_wait3A_319] : memref<50x80xi32, #tpu.memory_space<vmem>> -> memref<1x80xi32, #tpu.memory_space<vmem>>
        %dma_wait3A_321 = tpu.memref_squeeze %dma_wait3A_320 : memref<1x80xi32, #tpu.memory_space<vmem>> -> memref<80xi32, #tpu.memory_space<vmem>>
        %dma_wait3A_322 = arith.constant 0 : i32
        %dma_wait3A_323 = arith.constant 0 : i32
        %dma_wait3A_324 = tpu.memref_slice %arg10[%dma_wait3A_322, %dma_wait3A_323] : memref<10240x128xf32, #tpu.memory_space<vmem_shared>> -> memref<10240x128xf32, #tpu.memory_space<vmem_shared>>
        tpu.wait_indirect_dma semaphore(%arg14 : memref<!tpu.dma_semaphore, #tpu.memory_space<semaphore_mem>>) src(%arg9 : memref<80x128xf32, #tpu.memory_space<vmem>>) dst(%dma_wait3A_324 : memref<10240x128xf32, #tpu.memory_space<vmem_shared>>)
        %add3A_325 = arith.constant 2 : i32
        %add3A_326 = arith.addi %add3A_271, %add3A_325 : i32
        %dma_start3A_327 = arith.constant 0 : i32
        %dma_start3A_328 = tpu.memref_slice %arg6[%add3A_326, %dma_start3A_327] : memref<50x80xi32, #tpu.memory_space<vmem>> -> memref<1x80xi32, #tpu.memory_space<vmem>>
        %dma_start3A_329 = tpu.memref_squeeze %dma_start3A_328 : memref<1x80xi32, #tpu.memory_space<vmem>> -> memref<80xi32, #tpu.memory_space<vmem>>
        %dma_start3A_330 = arith.constant 0 : i32
        %dma_start3A_331 = arith.constant 0 : i32
        %dma_start3A_332 = tpu.memref_slice %arg2[%arg0, %dma_start3A_330, %dma_start3A_331] : memref<2x10240x128xf32, #tpu.memory_space<hbm>> -> memref<1x10240x128xf32, #tpu.memory_space<hbm>>
        %dma_start3A_333 = tpu.memref_squeeze %dma_start3A_332 : memref<1x10240x128xf32, #tpu.memory_space<hbm>> -> memref<10240x128xf32, #tpu.memory_space<hbm>>
        %dma_start3A_334 = arith.constant 0 : i32
        %dma_start3A_335 = arith.constant 0 : i32
        %dma_start3A_336 = tpu.memref_slice %dma_start3A_333[%dma_start3A_334, %dma_start3A_335] : memref<10240x128xf32, #tpu.memory_space<hbm>> -> memref<10240x128xf32, #tpu.memory_space<hbm>>
        tpu.enqueue_indirect_dma source(%dma_start3A_336 : memref<10240x128xf32, #tpu.memory_space<hbm>>) target(%arg9 : memref<80x128xf32, #tpu.memory_space<vmem>>) offsets(%dma_start3A_329 : memref<80xi32, #tpu.memory_space<vmem>>) semaphore(%arg12 : memref<!tpu.dma_semaphore, #tpu.memory_space<semaphore_mem>>)
      } else {
      }
      %scan3A_317 = arith.constant 0 : i32
      scf.yield %scan3A_317 : i32
    }
    %scan3A_244 = arith.constant 25 : i32
    %dma_wait3A_245 = arith.constant 0 : i32
    %dma_wait3A_246 = arith.constant 0 : i32
    %dma_wait3A_247 = tpu.memref_slice %arg7[%dma_wait3A_245, %dma_wait3A_246] : memref<50x80xi32, #tpu.memory_space<vmem>> -> memref<1x80xi32, #tpu.memory_space<vmem>>
    %dma_wait3A_248 = tpu.memref_squeeze %dma_wait3A_247 : memref<1x80xi32, #tpu.memory_space<vmem>> -> memref<80xi32, #tpu.memory_space<vmem>>
    %dma_wait3A_249 = arith.constant 0 : i32
    %dma_wait3A_250 = arith.constant 0 : i32
    %dma_wait3A_251 = tpu.memref_slice %arg10[%dma_wait3A_249, %dma_wait3A_250] : memref<10240x128xf32, #tpu.memory_space<vmem_shared>> -> memref<10240x128xf32, #tpu.memory_space<vmem_shared>>
    tpu.wait_indirect_dma semaphore(%arg13 : memref<!tpu.dma_semaphore, #tpu.memory_space<semaphore_mem>>) src(%arg8 : memref<80x128xf32, #tpu.memory_space<vmem>>) dst(%dma_wait3A_251 : memref<10240x128xf32, #tpu.memory_space<vmem_shared>>)
    %dma_wait3A_252 = arith.constant 0 : i32
    %dma_wait3A_253 = arith.constant 0 : i32
    %dma_wait3A_254 = tpu.memref_slice %arg7[%dma_wait3A_252, %dma_wait3A_253] : memref<50x80xi32, #tpu.memory_space<vmem>> -> memref<1x80xi32, #tpu.memory_space<vmem>>
    %dma_wait3A_255 = tpu.memref_squeeze %dma_wait3A_254 : memref<1x80xi32, #tpu.memory_space<vmem>> -> memref<80xi32, #tpu.memory_space<vmem>>
    %dma_wait3A_256 = arith.constant 0 : i32
    %dma_wait3A_257 = arith.constant 0 : i32
    %dma_wait3A_258 = tpu.memref_slice %arg10[%dma_wait3A_256, %dma_wait3A_257] : memref<10240x128xf32, #tpu.memory_space<vmem_shared>> -> memref<10240x128xf32, #tpu.memory_space<vmem_shared>>
    tpu.wait_indirect_dma semaphore(%arg14 : memref<!tpu.dma_semaphore, #tpu.memory_space<semaphore_mem>>) src(%arg9 : memref<80x128xf32, #tpu.memory_space<vmem>>) dst(%dma_wait3A_258 : memref<10240x128xf32, #tpu.memory_space<vmem_shared>>)
    %barrier3A_259 = arith.constant 0 : index
    tpu.barrier barrier_id(%barrier3A_259)
    %mul3A_260 = arith.constant 640 : i32
    %mul3A_261 = arith.muli %arg1, %mul3A_260 : i32
    %mul3A_262 = arith.constant 640 : i32
    %mul3A_263 = arith.muli %arg1, %mul3A_262 : i32
    "tpu.region"() ({
      %run_scoped3A_264 = tpu.sem_alloc : memref<!tpu.dma_semaphore, #tpu.memory_space<semaphore_mem>>
      %dma_start3A_265 = arith.constant 0 : i32
      %dma_start3A_266 = tpu.memref_slice %arg5[%arg0, %mul3A_263, %dma_start3A_265] : memref<2x10240x128xf32, #tpu.memory_space<hbm>> -> memref<1x640x128xf32, #tpu.memory_space<hbm>>
      %dma_start3A_267 = tpu.memref_squeeze %dma_start3A_266 : memref<1x640x128xf32, #tpu.memory_space<hbm>> -> memref<640x128xf32, #tpu.memory_space<hbm>>
      %dma_start3A_268 = arith.constant 0 : i32
      %dma_start3A_269 = tpu.memref_slice %arg10[%mul3A_261, %dma_start3A_268] : memref<10240x128xf32, #tpu.memory_space<vmem_shared>> -> memref<640x128xf32, #tpu.memory_space<vmem_shared>>
      tpu.enqueue_dma source(%dma_start3A_269 : memref<640x128xf32, #tpu.memory_space<vmem_shared>>) target(%dma_start3A_267 : memref<640x128xf32, #tpu.memory_space<hbm>>) target_semaphore(%run_scoped3A_264 : memref<!tpu.dma_semaphore, #tpu.memory_space<semaphore_mem>>)
      %dma_wait3A_270 = arith.constant 0 : i32
      %dma_wait3A_271 = tpu.memref_slice %arg5[%arg0, %mul3A_263, %dma_wait3A_270] : memref<2x10240x128xf32, #tpu.memory_space<hbm>> -> memref<1x640x128xf32, #tpu.memory_space<hbm>>
      %dma_wait3A_272 = tpu.memref_squeeze %dma_wait3A_271 : memref<1x640x128xf32, #tpu.memory_space<hbm>> -> memref<640x128xf32, #tpu.memory_space<hbm>>
      %dma_wait3A_273 = arith.constant 0 : i32
      %dma_wait3A_274 = tpu.memref_slice %arg10[%mul3A_261, %dma_wait3A_273] : memref<10240x128xf32, #tpu.memory_space<vmem_shared>> -> memref<640x128xf32, #tpu.memory_space<vmem_shared>>
      tpu.wait_dma2 semaphore(%run_scoped3A_264 : memref<!tpu.dma_semaphore, #tpu.memory_space<semaphore_mem>>) src(%dma_wait3A_274 : memref<640x128xf32, #tpu.memory_space<vmem_shared>>) dst(%dma_wait3A_272 : memref<640x128xf32, #tpu.memory_space<hbm>>)
      tpu.yield
    }) : () -> ()
    return
  }
}

#map = affine_map<(d0, d1) -> (0, 0, 0)>
#map1 = affine_map<(d0, d1) -> (0, 0, 0, 0, 0)>
module attributes {stable_mosaic.version = 14 : i64} {
  func.func @_sc_agg_body(%arg0: i32, %arg1: i32, %arg2: memref<2x10240x128xf32, #tpu.memory_space<hbm>>, %arg3: memref<2x16x5x50x80xi32, #tpu.memory_space<hbm>>, %arg4: memref<2x16x5x50x80xi32, #tpu.memory_space<hbm>>, %arg5: memref<2x10240x128xf32, #tpu.memory_space<hbm>>, %arg6: memref<50x80xi32, #tpu.memory_space<vmem>>, %arg7: memref<50x80xi32, #tpu.memory_space<vmem>>, %arg8: memref<80x128xf32, #tpu.memory_space<vmem>>, %arg9: memref<80x128xf32, #tpu.memory_space<vmem>>, %arg10: memref<10240x128xf32, #tpu.memory_space<vmem_shared>>, %arg11: memref<!tpu.dma_semaphore, #tpu.memory_space<semaphore_mem>>, %arg12: memref<!tpu.dma_semaphore, #tpu.memory_space<semaphore_mem>>, %arg13: memref<!tpu.dma_semaphore, #tpu.memory_space<semaphore_mem>>, %arg14: memref<!tpu.dma_semaphore, #tpu.memory_space<semaphore_mem>>) attributes {dimension_semantics = [#tpu.dimension_semantics<core_parallel>, #tpu.dimension_semantics<subcore_parallel>], iteration_bounds = array<i64: 2, 16>, scalar_prefetch = 0 : i64, scratch_operands = 9 : i64, tpu.core_type = #tpu.core_type<sc_vector_subcore>, window_params = [{transform_indices = #map}, {transform_indices = #map1}, {transform_indices = #map1}, {transform_indices = #map}]} {
    %broadcast_in_dim3A = arith.constant 0.000000e+00 : f32
    %broadcast_in_dim3A_0 = vector.broadcast %broadcast_in_dim3A : f32 to vector<16xf32>
    %scan3A = arith.constant 0 : i32
    %scan3A_1 = arith.constant 0 : i32
    %scan3A_2 = arith.constant 80 : i32
    %scan3A_3 = arith.addi %scan3A_1, %scan3A_2 : i32
    %scan3A_4 = arith.constant 1 : i32
    %scan3A_5 = scf.for %scan3A_264 = %scan3A_1 to %scan3A_3 step %scan3A_4 iter_args(%scan3A_265 = %scan3A) -> (i32)  : i32 {
      %swap3A = arith.index_cast %scan3A_264 : i32 to index
      %swap3A_266 = arith.constant 0 : index
      %swap3A_267 = tpu.vector_load %arg8[%swap3A, %swap3A_266] {strides = array<i32>} : memref<80x128xf32, #tpu.memory_space<vmem>>, vector<16xf32>,
      tpu.vector_store %arg8[%swap3A, %swap3A_266], %broadcast_in_dim3A_0 {strides = array<i32>} : memref<80x128xf32, #tpu.memory_space<vmem>>, vector<16xf32>,
      %swap3A_268 = arith.index_cast %scan3A_264 : i32 to index
      %swap3A_269 = arith.constant 16 : index
      %swap3A_270 = tpu.vector_load %arg8[%swap3A_268, %swap3A_269] {strides = array<i32>} : memref<80x128xf32, #tpu.memory_space<vmem>>, vector<16xf32>,
      tpu.vector_store %arg8[%swap3A_268, %swap3A_269], %broadcast_in_dim3A_0 {strides = array<i32>} : memref<80x128xf32, #tpu.memory_space<vmem>>, vector<16xf32>,
      %swap3A_271 = arith.index_cast %scan3A_264 : i32 to index
      %swap3A_272 = arith.constant 32 : index
      %swap3A_273 = tpu.vector_load %arg8[%swap3A_271, %swap3A_272] {strides = array<i32>} : memref<80x128xf32, #tpu.memory_space<vmem>>, vector<16xf32>,
      tpu.vector_store %arg8[%swap3A_271, %swap3A_272], %broadcast_in_dim3A_0 {strides = array<i32>} : memref<80x128xf32, #tpu.memory_space<vmem>>, vector<16xf32>,
      %swap3A_274 = arith.index_cast %scan3A_264 : i32 to index
      %swap3A_275 = arith.constant 48 : index
      %swap3A_276 = tpu.vector_load %arg8[%swap3A_274, %swap3A_275] {strides = array<i32>} : memref<80x128xf32, #tpu.memory_space<vmem>>, vector<16xf32>,
      tpu.vector_store %arg8[%swap3A_274, %swap3A_275], %broadcast_in_dim3A_0 {strides = array<i32>} : memref<80x128xf32, #tpu.memory_space<vmem>>, vector<16xf32>,
      %swap3A_277 = arith.index_cast %scan3A_264 : i32 to index
      %swap3A_278 = arith.constant 64 : index
      %swap3A_279 = tpu.vector_load %arg8[%swap3A_277, %swap3A_278] {strides = array<i32>} : memref<80x128xf32, #tpu.memory_space<vmem>>, vector<16xf32>,
      tpu.vector_store %arg8[%swap3A_277, %swap3A_278], %broadcast_in_dim3A_0 {strides = array<i32>} : memref<80x128xf32, #tpu.memory_space<vmem>>, vector<16xf32>,
      %swap3A_280 = arith.index_cast %scan3A_264 : i32 to index
      %swap3A_281 = arith.constant 80 : index
      %swap3A_282 = tpu.vector_load %arg8[%swap3A_280, %swap3A_281] {strides = array<i32>} : memref<80x128xf32, #tpu.memory_space<vmem>>, vector<16xf32>,
      tpu.vector_store %arg8[%swap3A_280, %swap3A_281], %broadcast_in_dim3A_0 {strides = array<i32>} : memref<80x128xf32, #tpu.memory_space<vmem>>, vector<16xf32>,
      %swap3A_283 = arith.index_cast %scan3A_264 : i32 to index
      %swap3A_284 = arith.constant 96 : index
      %swap3A_285 = tpu.vector_load %arg8[%swap3A_283, %swap3A_284] {strides = array<i32>} : memref<80x128xf32, #tpu.memory_space<vmem>>, vector<16xf32>,
      tpu.vector_store %arg8[%swap3A_283, %swap3A_284], %broadcast_in_dim3A_0 {strides = array<i32>} : memref<80x128xf32, #tpu.memory_space<vmem>>, vector<16xf32>,
      %swap3A_286 = arith.index_cast %scan3A_264 : i32 to index
      %swap3A_287 = arith.constant 112 : index
      %swap3A_288 = tpu.vector_load %arg8[%swap3A_286, %swap3A_287] {strides = array<i32>} : memref<80x128xf32, #tpu.memory_space<vmem>>, vector<16xf32>,
      tpu.vector_store %arg8[%swap3A_286, %swap3A_287], %broadcast_in_dim3A_0 {strides = array<i32>} : memref<80x128xf32, #tpu.memory_space<vmem>>, vector<16xf32>,
      %scan3A_289 = arith.constant 0 : i32
      scf.yield %scan3A_289 : i32
    }
    %scan3A_6 = arith.constant 80 : i32
    %mul3A = arith.constant 640 : i32
    %mul3A_7 = arith.muli %arg1, %mul3A : i32
    %add3A = arith.constant 0 : i32
    %add3A_8 = arith.addi %mul3A_7, %add3A : i32
    "tpu.region"() ({
      %run_scoped3A_264 = tpu.sem_alloc : memref<!tpu.dma_semaphore, #tpu.memory_space<semaphore_mem>>
      %dma_start3A_265 = arith.constant 0 : i32
      %dma_start3A_266 = tpu.memref_slice %arg10[%add3A_8, %dma_start3A_265] : memref<10240x128xf32, #tpu.memory_space<vmem_shared>> -> memref<80x128xf32, #tpu.memory_space<vmem_shared>>
      %dma_start3A_267 = arith.constant 0 : i32
      %dma_start3A_268 = tpu.memref_slice %arg10[%add3A_8, %dma_start3A_267] : memref<10240x128xf32, #tpu.memory_space<vmem_shared>> -> memref<80x128xf32, #tpu.memory_space<vmem_shared>>
      tpu.enqueue_dma source(%arg8 : memref<80x128xf32, #tpu.memory_space<vmem>>) target(%dma_start3A_268 : memref<80x128xf32, #tpu.memory_space<vmem_shared>>) target_semaphore(%run_scoped3A_264 : memref<!tpu.dma_semaphore, #tpu.memory_space<semaphore_mem>>)
      %dma_wait3A_269 = arith.constant 0 : i32
      %dma_wait3A_270 = tpu.memref_slice %arg10[%add3A_8, %dma_wait3A_269] : memref<10240x128xf32, #tpu.memory_space<vmem_shared>> -> memref<80x128xf32, #tpu.memory_space<vmem_shared>>
      %dma_wait3A_271 = arith.constant 0 : i32
      %dma_wait3A_272 = tpu.memref_slice %arg10[%add3A_8, %dma_wait3A_271] : memref<10240x128xf32, #tpu.memory_space<vmem_shared>> -> memref<80x128xf32, #tpu.memory_space<vmem_shared>>
      tpu.wait_dma2 semaphore(%run_scoped3A_264 : memref<!tpu.dma_semaphore, #tpu.memory_space<semaphore_mem>>) src(%arg8 : memref<80x128xf32, #tpu.memory_space<vmem>>) dst(%dma_wait3A_272 : memref<80x128xf32, #tpu.memory_space<vmem_shared>>)
      tpu.yield
    }) : () -> ()
    %mul3A_9 = arith.constant 640 : i32
    %mul3A_10 = arith.muli %arg1, %mul3A_9 : i32
    %add3A_11 = arith.constant 80 : i32
    %add3A_12 = arith.addi %mul3A_10, %add3A_11 : i32
    "tpu.region"() ({
      %run_scoped3A_264 = tpu.sem_alloc : memref<!tpu.dma_semaphore, #tpu.memory_space<semaphore_mem>>
      %dma_start3A_265 = arith.constant 0 : i32
      %dma_start3A_266 = tpu.memref_slice %arg10[%add3A_12, %dma_start3A_265] : memref<10240x128xf32, #tpu.memory_space<vmem_shared>> -> memref<80x128xf32, #tpu.memory_space<vmem_shared>>
      %dma_start3A_267 = arith.constant 0 : i32
      %dma_start3A_268 = tpu.memref_slice %arg10[%add3A_12, %dma_start3A_267] : memref<10240x128xf32, #tpu.memory_space<vmem_shared>> -> memref<80x128xf32, #tpu.memory_space<vmem_shared>>
      tpu.enqueue_dma source(%arg8 : memref<80x128xf32, #tpu.memory_space<vmem>>) target(%dma_start3A_268 : memref<80x128xf32, #tpu.memory_space<vmem_shared>>) target_semaphore(%run_scoped3A_264 : memref<!tpu.dma_semaphore, #tpu.memory_space<semaphore_mem>>)
      %dma_wait3A_269 = arith.constant 0 : i32
      %dma_wait3A_270 = tpu.memref_slice %arg10[%add3A_12, %dma_wait3A_269] : memref<10240x128xf32, #tpu.memory_space<vmem_shared>> -> memref<80x128xf32, #tpu.memory_space<vmem_shared>>
      %dma_wait3A_271 = arith.constant 0 : i32
      %dma_wait3A_272 = tpu.memref_slice %arg10[%add3A_12, %dma_wait3A_271] : memref<10240x128xf32, #tpu.memory_space<vmem_shared>> -> memref<80x128xf32, #tpu.memory_space<vmem_shared>>
      tpu.wait_dma2 semaphore(%run_scoped3A_264 : memref<!tpu.dma_semaphore, #tpu.memory_space<semaphore_mem>>) src(%arg8 : memref<80x128xf32, #tpu.memory_space<vmem>>) dst(%dma_wait3A_272 : memref<80x128xf32, #tpu.memory_space<vmem_shared>>)
      tpu.yield
    }) : () -> ()
    %mul3A_13 = arith.constant 640 : i32
    %mul3A_14 = arith.muli %arg1, %mul3A_13 : i32
    %add3A_15 = arith.constant 160 : i32
    %add3A_16 = arith.addi %mul3A_14, %add3A_15 : i32
    "tpu.region"() ({
      %run_scoped3A_264 = tpu.sem_alloc : memref<!tpu.dma_semaphore, #tpu.memory_space<semaphore_mem>>
      %dma_start3A_265 = arith.constant 0 : i32
      %dma_start3A_266 = tpu.memref_slice %arg10[%add3A_16, %dma_start3A_265] : memref<10240x128xf32, #tpu.memory_space<vmem_shared>> -> memref<80x128xf32, #tpu.memory_space<vmem_shared>>
      %dma_start3A_267 = arith.constant 0 : i32
      %dma_start3A_268 = tpu.memref_slice %arg10[%add3A_16, %dma_start3A_267] : memref<10240x128xf32, #tpu.memory_space<vmem_shared>> -> memref<80x128xf32, #tpu.memory_space<vmem_shared>>
      tpu.enqueue_dma source(%arg8 : memref<80x128xf32, #tpu.memory_space<vmem>>) target(%dma_start3A_268 : memref<80x128xf32, #tpu.memory_space<vmem_shared>>) target_semaphore(%run_scoped3A_264 : memref<!tpu.dma_semaphore, #tpu.memory_space<semaphore_mem>>)
      %dma_wait3A_269 = arith.constant 0 : i32
      %dma_wait3A_270 = tpu.memref_slice %arg10[%add3A_16, %dma_wait3A_269] : memref<10240x128xf32, #tpu.memory_space<vmem_shared>> -> memref<80x128xf32, #tpu.memory_space<vmem_shared>>
      %dma_wait3A_271 = arith.constant 0 : i32
      %dma_wait3A_272 = tpu.memref_slice %arg10[%add3A_16, %dma_wait3A_271] : memref<10240x128xf32, #tpu.memory_space<vmem_shared>> -> memref<80x128xf32, #tpu.memory_space<vmem_shared>>
      tpu.wait_dma2 semaphore(%run_scoped3A_264 : memref<!tpu.dma_semaphore, #tpu.memory_space<semaphore_mem>>) src(%arg8 : memref<80x128xf32, #tpu.memory_space<vmem>>) dst(%dma_wait3A_272 : memref<80x128xf32, #tpu.memory_space<vmem_shared>>)
      tpu.yield
    }) : () -> ()
    %mul3A_17 = arith.constant 640 : i32
    %mul3A_18 = arith.muli %arg1, %mul3A_17 : i32
    %add3A_19 = arith.constant 240 : i32
    %add3A_20 = arith.addi %mul3A_18, %add3A_19 : i32
    "tpu.region"() ({
      %run_scoped3A_264 = tpu.sem_alloc : memref<!tpu.dma_semaphore, #tpu.memory_space<semaphore_mem>>
      %dma_start3A_265 = arith.constant 0 : i32
      %dma_start3A_266 = tpu.memref_slice %arg10[%add3A_20, %dma_start3A_265] : memref<10240x128xf32, #tpu.memory_space<vmem_shared>> -> memref<80x128xf32, #tpu.memory_space<vmem_shared>>
      %dma_start3A_267 = arith.constant 0 : i32
      %dma_start3A_268 = tpu.memref_slice %arg10[%add3A_20, %dma_start3A_267] : memref<10240x128xf32, #tpu.memory_space<vmem_shared>> -> memref<80x128xf32, #tpu.memory_space<vmem_shared>>
      tpu.enqueue_dma source(%arg8 : memref<80x128xf32, #tpu.memory_space<vmem>>) target(%dma_start3A_268 : memref<80x128xf32, #tpu.memory_space<vmem_shared>>) target_semaphore(%run_scoped3A_264 : memref<!tpu.dma_semaphore, #tpu.memory_space<semaphore_mem>>)
      %dma_wait3A_269 = arith.constant 0 : i32
      %dma_wait3A_270 = tpu.memref_slice %arg10[%add3A_20, %dma_wait3A_269] : memref<10240x128xf32, #tpu.memory_space<vmem_shared>> -> memref<80x128xf32, #tpu.memory_space<vmem_shared>>
      %dma_wait3A_271 = arith.constant 0 : i32
      %dma_wait3A_272 = tpu.memref_slice %arg10[%add3A_20, %dma_wait3A_271] : memref<10240x128xf32, #tpu.memory_space<vmem_shared>> -> memref<80x128xf32, #tpu.memory_space<vmem_shared>>
      tpu.wait_dma2 semaphore(%run_scoped3A_264 : memref<!tpu.dma_semaphore, #tpu.memory_space<semaphore_mem>>) src(%arg8 : memref<80x128xf32, #tpu.memory_space<vmem>>) dst(%dma_wait3A_272 : memref<80x128xf32, #tpu.memory_space<vmem_shared>>)
      tpu.yield
    }) : () -> ()
    %mul3A_21 = arith.constant 640 : i32
    %mul3A_22 = arith.muli %arg1, %mul3A_21 : i32
    %add3A_23 = arith.constant 320 : i32
    %add3A_24 = arith.addi %mul3A_22, %add3A_23 : i32
    "tpu.region"() ({
      %run_scoped3A_264 = tpu.sem_alloc : memref<!tpu.dma_semaphore, #tpu.memory_space<semaphore_mem>>
      %dma_start3A_265 = arith.constant 0 : i32
      %dma_start3A_266 = tpu.memref_slice %arg10[%add3A_24, %dma_start3A_265] : memref<10240x128xf32, #tpu.memory_space<vmem_shared>> -> memref<80x128xf32, #tpu.memory_space<vmem_shared>>
      %dma_start3A_267 = arith.constant 0 : i32
      %dma_start3A_268 = tpu.memref_slice %arg10[%add3A_24, %dma_start3A_267] : memref<10240x128xf32, #tpu.memory_space<vmem_shared>> -> memref<80x128xf32, #tpu.memory_space<vmem_shared>>
      tpu.enqueue_dma source(%arg8 : memref<80x128xf32, #tpu.memory_space<vmem>>) target(%dma_start3A_268 : memref<80x128xf32, #tpu.memory_space<vmem_shared>>) target_semaphore(%run_scoped3A_264 : memref<!tpu.dma_semaphore, #tpu.memory_space<semaphore_mem>>)
      %dma_wait3A_269 = arith.constant 0 : i32
      %dma_wait3A_270 = tpu.memref_slice %arg10[%add3A_24, %dma_wait3A_269] : memref<10240x128xf32, #tpu.memory_space<vmem_shared>> -> memref<80x128xf32, #tpu.memory_space<vmem_shared>>
      %dma_wait3A_271 = arith.constant 0 : i32
      %dma_wait3A_272 = tpu.memref_slice %arg10[%add3A_24, %dma_wait3A_271] : memref<10240x128xf32, #tpu.memory_space<vmem_shared>> -> memref<80x128xf32, #tpu.memory_space<vmem_shared>>
      tpu.wait_dma2 semaphore(%run_scoped3A_264 : memref<!tpu.dma_semaphore, #tpu.memory_space<semaphore_mem>>) src(%arg8 : memref<80x128xf32, #tpu.memory_space<vmem>>) dst(%dma_wait3A_272 : memref<80x128xf32, #tpu.memory_space<vmem_shared>>)
      tpu.yield
    }) : () -> ()
    %mul3A_25 = arith.constant 640 : i32
    %mul3A_26 = arith.muli %arg1, %mul3A_25 : i32
    %add3A_27 = arith.constant 400 : i32
    %add3A_28 = arith.addi %mul3A_26, %add3A_27 : i32
    "tpu.region"() ({
      %run_scoped3A_264 = tpu.sem_alloc : memref<!tpu.dma_semaphore, #tpu.memory_space<semaphore_mem>>
      %dma_start3A_265 = arith.constant 0 : i32
      %dma_start3A_266 = tpu.memref_slice %arg10[%add3A_28, %dma_start3A_265] : memref<10240x128xf32, #tpu.memory_space<vmem_shared>> -> memref<80x128xf32, #tpu.memory_space<vmem_shared>>
      %dma_start3A_267 = arith.constant 0 : i32
      %dma_start3A_268 = tpu.memref_slice %arg10[%add3A_28, %dma_start3A_267] : memref<10240x128xf32, #tpu.memory_space<vmem_shared>> -> memref<80x128xf32, #tpu.memory_space<vmem_shared>>
      tpu.enqueue_dma source(%arg8 : memref<80x128xf32, #tpu.memory_space<vmem>>) target(%dma_start3A_268 : memref<80x128xf32, #tpu.memory_space<vmem_shared>>) target_semaphore(%run_scoped3A_264 : memref<!tpu.dma_semaphore, #tpu.memory_space<semaphore_mem>>)
      %dma_wait3A_269 = arith.constant 0 : i32
      %dma_wait3A_270 = tpu.memref_slice %arg10[%add3A_28, %dma_wait3A_269] : memref<10240x128xf32, #tpu.memory_space<vmem_shared>> -> memref<80x128xf32, #tpu.memory_space<vmem_shared>>
      %dma_wait3A_271 = arith.constant 0 : i32
      %dma_wait3A_272 = tpu.memref_slice %arg10[%add3A_28, %dma_wait3A_271] : memref<10240x128xf32, #tpu.memory_space<vmem_shared>> -> memref<80x128xf32, #tpu.memory_space<vmem_shared>>
      tpu.wait_dma2 semaphore(%run_scoped3A_264 : memref<!tpu.dma_semaphore, #tpu.memory_space<semaphore_mem>>) src(%arg8 : memref<80x128xf32, #tpu.memory_space<vmem>>) dst(%dma_wait3A_272 : memref<80x128xf32, #tpu.memory_space<vmem_shared>>)
      tpu.yield
    }) : () -> ()
    %mul3A_29 = arith.constant 640 : i32
    %mul3A_30 = arith.muli %arg1, %mul3A_29 : i32
    %add3A_31 = arith.constant 480 : i32
    %add3A_32 = arith.addi %mul3A_30, %add3A_31 : i32
    "tpu.region"() ({
      %run_scoped3A_264 = tpu.sem_alloc : memref<!tpu.dma_semaphore, #tpu.memory_space<semaphore_mem>>
      %dma_start3A_265 = arith.constant 0 : i32
      %dma_start3A_266 = tpu.memref_slice %arg10[%add3A_32, %dma_start3A_265] : memref<10240x128xf32, #tpu.memory_space<vmem_shared>> -> memref<80x128xf32, #tpu.memory_space<vmem_shared>>
      %dma_start3A_267 = arith.constant 0 : i32
      %dma_start3A_268 = tpu.memref_slice %arg10[%add3A_32, %dma_start3A_267] : memref<10240x128xf32, #tpu.memory_space<vmem_shared>> -> memref<80x128xf32, #tpu.memory_space<vmem_shared>>
      tpu.enqueue_dma source(%arg8 : memref<80x128xf32, #tpu.memory_space<vmem>>) target(%dma_start3A_268 : memref<80x128xf32, #tpu.memory_space<vmem_shared>>) target_semaphore(%run_scoped3A_264 : memref<!tpu.dma_semaphore, #tpu.memory_space<semaphore_mem>>)
      %dma_wait3A_269 = arith.constant 0 : i32
      %dma_wait3A_270 = tpu.memref_slice %arg10[%add3A_32, %dma_wait3A_269] : memref<10240x128xf32, #tpu.memory_space<vmem_shared>> -> memref<80x128xf32, #tpu.memory_space<vmem_shared>>
      %dma_wait3A_271 = arith.constant 0 : i32
      %dma_wait3A_272 = tpu.memref_slice %arg10[%add3A_32, %dma_wait3A_271] : memref<10240x128xf32, #tpu.memory_space<vmem_shared>> -> memref<80x128xf32, #tpu.memory_space<vmem_shared>>
      tpu.wait_dma2 semaphore(%run_scoped3A_264 : memref<!tpu.dma_semaphore, #tpu.memory_space<semaphore_mem>>) src(%arg8 : memref<80x128xf32, #tpu.memory_space<vmem>>) dst(%dma_wait3A_272 : memref<80x128xf32, #tpu.memory_space<vmem_shared>>)
      tpu.yield
    }) : () -> ()
    %mul3A_33 = arith.constant 640 : i32
    %mul3A_34 = arith.muli %arg1, %mul3A_33 : i32
    %add3A_35 = arith.constant 560 : i32
    %add3A_36 = arith.addi %mul3A_34, %add3A_35 : i32
    "tpu.region"() ({
      %run_scoped3A_264 = tpu.sem_alloc : memref<!tpu.dma_semaphore, #tpu.memory_space<semaphore_mem>>
      %dma_start3A_265 = arith.constant 0 : i32
      %dma_start3A_266 = tpu.memref_slice %arg10[%add3A_36, %dma_start3A_265] : memref<10240x128xf32, #tpu.memory_space<vmem_shared>> -> memref<80x128xf32, #tpu.memory_space<vmem_shared>>
      %dma_start3A_267 = arith.constant 0 : i32
      %dma_start3A_268 = tpu.memref_slice %arg10[%add3A_36, %dma_start3A_267] : memref<10240x128xf32, #tpu.memory_space<vmem_shared>> -> memref<80x128xf32, #tpu.memory_space<vmem_shared>>
      tpu.enqueue_dma source(%arg8 : memref<80x128xf32, #tpu.memory_space<vmem>>) target(%dma_start3A_268 : memref<80x128xf32, #tpu.memory_space<vmem_shared>>) target_semaphore(%run_scoped3A_264 : memref<!tpu.dma_semaphore, #tpu.memory_space<semaphore_mem>>)
      %dma_wait3A_269 = arith.constant 0 : i32
      %dma_wait3A_270 = tpu.memref_slice %arg10[%add3A_36, %dma_wait3A_269] : memref<10240x128xf32, #tpu.memory_space<vmem_shared>> -> memref<80x128xf32, #tpu.memory_space<vmem_shared>>
      %dma_wait3A_271 = arith.constant 0 : i32
      %dma_wait3A_272 = tpu.memref_slice %arg10[%add3A_36, %dma_wait3A_271] : memref<10240x128xf32, #tpu.memory_space<vmem_shared>> -> memref<80x128xf32, #tpu.memory_space<vmem_shared>>
      tpu.wait_dma2 semaphore(%run_scoped3A_264 : memref<!tpu.dma_semaphore, #tpu.memory_space<semaphore_mem>>) src(%arg8 : memref<80x128xf32, #tpu.memory_space<vmem>>) dst(%dma_wait3A_272 : memref<80x128xf32, #tpu.memory_space<vmem_shared>>)
      tpu.yield
    }) : () -> ()
    %barrier3A = arith.constant 0 : index
    tpu.barrier barrier_id(%barrier3A)
    %run_scoped3A = arith.constant 0 : i32
    "tpu.region"() ({
      %run_scoped3A_264 = tpu.sem_alloc : memref<!tpu.dma_semaphore, #tpu.memory_space<semaphore_mem>>
      %dma_start3A_265 = arith.constant 0 : i32
      %dma_start3A_266 = arith.constant 0 : i32
      %dma_start3A_267 = tpu.memref_slice %arg3[%arg0, %arg1, %run_scoped3A, %dma_start3A_265, %dma_start3A_266] : memref<2x16x5x50x80xi32, #tpu.memory_space<hbm>> -> memref<1x1x1x50x80xi32, #tpu.memory_space<hbm>>
      %dma_start3A_268 = tpu.memref_squeeze %dma_start3A_267 : memref<1x1x1x50x80xi32, #tpu.memory_space<hbm>> -> memref<50x80xi32, #tpu.memory_space<hbm>>
      %dma_start3A_269 = arith.constant 0 : i32
      %dma_start3A_270 = arith.constant 0 : i32
      %dma_start3A_271 = tpu.memref_slice %arg3[%arg0, %arg1, %run_scoped3A, %dma_start3A_269, %dma_start3A_270] : memref<2x16x5x50x80xi32, #tpu.memory_space<hbm>> -> memref<1x1x1x50x80xi32, #tpu.memory_space<hbm>>
      %dma_start3A_272 = tpu.memref_squeeze %dma_start3A_271 : memref<1x1x1x50x80xi32, #tpu.memory_space<hbm>> -> memref<50x80xi32, #tpu.memory_space<hbm>>
      tpu.enqueue_dma source(%dma_start3A_272 : memref<50x80xi32, #tpu.memory_space<hbm>>) target(%arg6 : memref<50x80xi32, #tpu.memory_space<vmem>>) target_semaphore(%run_scoped3A_264 : memref<!tpu.dma_semaphore, #tpu.memory_space<semaphore_mem>>)
      %dma_wait3A_273 = arith.constant 0 : i32
      %dma_wait3A_274 = arith.constant 0 : i32
      %dma_wait3A_275 = tpu.memref_slice %arg3[%arg0, %arg1, %run_scoped3A, %dma_wait3A_273, %dma_wait3A_274] : memref<2x16x5x50x80xi32, #tpu.memory_space<hbm>> -> memref<1x1x1x50x80xi32, #tpu.memory_space<hbm>>
      %dma_wait3A_276 = tpu.memref_squeeze %dma_wait3A_275 : memref<1x1x1x50x80xi32, #tpu.memory_space<hbm>> -> memref<50x80xi32, #tpu.memory_space<hbm>>
      %dma_wait3A_277 = arith.constant 0 : i32
      %dma_wait3A_278 = arith.constant 0 : i32
      %dma_wait3A_279 = tpu.memref_slice %arg3[%arg0, %arg1, %run_scoped3A, %dma_wait3A_277, %dma_wait3A_278] : memref<2x16x5x50x80xi32, #tpu.memory_space<hbm>> -> memref<1x1x1x50x80xi32, #tpu.memory_space<hbm>>
      %dma_wait3A_280 = tpu.memref_squeeze %dma_wait3A_279 : memref<1x1x1x50x80xi32, #tpu.memory_space<hbm>> -> memref<50x80xi32, #tpu.memory_space<hbm>>
      tpu.wait_dma2 semaphore(%run_scoped3A_264 : memref<!tpu.dma_semaphore, #tpu.memory_space<semaphore_mem>>) src(%dma_wait3A_280 : memref<50x80xi32, #tpu.memory_space<hbm>>) dst(%arg6 : memref<50x80xi32, #tpu.memory_space<vmem>>)
      tpu.yield
    }) : () -> ()
    %run_scoped3A_37 = arith.constant 0 : i32
    "tpu.region"() ({
      %run_scoped3A_264 = tpu.sem_alloc : memref<!tpu.dma_semaphore, #tpu.memory_space<semaphore_mem>>
      %dma_start3A_265 = arith.constant 0 : i32
      %dma_start3A_266 = arith.constant 0 : i32
      %dma_start3A_267 = tpu.memref_slice %arg4[%arg0, %arg1, %run_scoped3A_37, %dma_start3A_265, %dma_start3A_266] : memref<2x16x5x50x80xi32, #tpu.memory_space<hbm>> -> memref<1x1x1x50x80xi32, #tpu.memory_space<hbm>>
      %dma_start3A_268 = tpu.memref_squeeze %dma_start3A_267 : memref<1x1x1x50x80xi32, #tpu.memory_space<hbm>> -> memref<50x80xi32, #tpu.memory_space<hbm>>
      %dma_start3A_269 = arith.constant 0 : i32
      %dma_start3A_270 = arith.constant 0 : i32
      %dma_start3A_271 = tpu.memref_slice %arg4[%arg0, %arg1, %run_scoped3A_37, %dma_start3A_269, %dma_start3A_270] : memref<2x16x5x50x80xi32, #tpu.memory_space<hbm>> -> memref<1x1x1x50x80xi32, #tpu.memory_space<hbm>>
      %dma_start3A_272 = tpu.memref_squeeze %dma_start3A_271 : memref<1x1x1x50x80xi32, #tpu.memory_space<hbm>> -> memref<50x80xi32, #tpu.memory_space<hbm>>
      tpu.enqueue_dma source(%dma_start3A_272 : memref<50x80xi32, #tpu.memory_space<hbm>>) target(%arg7 : memref<50x80xi32, #tpu.memory_space<vmem>>) target_semaphore(%run_scoped3A_264 : memref<!tpu.dma_semaphore, #tpu.memory_space<semaphore_mem>>)
      %dma_wait3A_273 = arith.constant 0 : i32
      %dma_wait3A_274 = arith.constant 0 : i32
      %dma_wait3A_275 = tpu.memref_slice %arg4[%arg0, %arg1, %run_scoped3A_37, %dma_wait3A_273, %dma_wait3A_274] : memref<2x16x5x50x80xi32, #tpu.memory_space<hbm>> -> memref<1x1x1x50x80xi32, #tpu.memory_space<hbm>>
      %dma_wait3A_276 = tpu.memref_squeeze %dma_wait3A_275 : memref<1x1x1x50x80xi32, #tpu.memory_space<hbm>> -> memref<50x80xi32, #tpu.memory_space<hbm>>
      %dma_wait3A_277 = arith.constant 0 : i32
      %dma_wait3A_278 = arith.constant 0 : i32
      %dma_wait3A_279 = tpu.memref_slice %arg4[%arg0, %arg1, %run_scoped3A_37, %dma_wait3A_277, %dma_wait3A_278] : memref<2x16x5x50x80xi32, #tpu.memory_space<hbm>> -> memref<1x1x1x50x80xi32, #tpu.memory_space<hbm>>
      %dma_wait3A_280 = tpu.memref_squeeze %dma_wait3A_279 : memref<1x1x1x50x80xi32, #tpu.memory_space<hbm>> -> memref<50x80xi32, #tpu.memory_space<hbm>>
      tpu.wait_dma2 semaphore(%run_scoped3A_264 : memref<!tpu.dma_semaphore, #tpu.memory_space<semaphore_mem>>) src(%dma_wait3A_280 : memref<50x80xi32, #tpu.memory_space<hbm>>) dst(%arg7 : memref<50x80xi32, #tpu.memory_space<vmem>>)
      tpu.yield
    }) : () -> ()
    %dma_start3A = arith.constant 0 : i32
    %dma_start3A_38 = arith.constant 0 : i32
    %dma_start3A_39 = tpu.memref_slice %arg6[%dma_start3A, %dma_start3A_38] : memref<50x80xi32, #tpu.memory_space<vmem>> -> memref<1x80xi32, #tpu.memory_space<vmem>>
    %dma_start3A_40 = tpu.memref_squeeze %dma_start3A_39 : memref<1x80xi32, #tpu.memory_space<vmem>> -> memref<80xi32, #tpu.memory_space<vmem>>
    %dma_start3A_41 = arith.constant 0 : i32
    %dma_start3A_42 = arith.constant 0 : i32
    %dma_start3A_43 = tpu.memref_slice %arg2[%arg0, %dma_start3A_41, %dma_start3A_42] : memref<2x10240x128xf32, #tpu.memory_space<hbm>> -> memref<1x10240x128xf32, #tpu.memory_space<hbm>>
    %dma_start3A_44 = tpu.memref_squeeze %dma_start3A_43 : memref<1x10240x128xf32, #tpu.memory_space<hbm>> -> memref<10240x128xf32, #tpu.memory_space<hbm>>
    %dma_start3A_45 = arith.constant 0 : i32
    %dma_start3A_46 = arith.constant 0 : i32
    %dma_start3A_47 = tpu.memref_slice %dma_start3A_44[%dma_start3A_45, %dma_start3A_46] : memref<10240x128xf32, #tpu.memory_space<hbm>> -> memref<10240x128xf32, #tpu.memory_space<hbm>>
    tpu.enqueue_indirect_dma source(%dma_start3A_47 : memref<10240x128xf32, #tpu.memory_space<hbm>>) target(%arg8 : memref<80x128xf32, #tpu.memory_space<vmem>>) offsets(%dma_start3A_40 : memref<80xi32, #tpu.memory_space<vmem>>) semaphore(%arg11 : memref<!tpu.dma_semaphore, #tpu.memory_space<semaphore_mem>>)
    %dma_start3A_48 = arith.constant 1 : i32
    %dma_start3A_49 = arith.constant 0 : i32
    %dma_start3A_50 = tpu.memref_slice %arg6[%dma_start3A_48, %dma_start3A_49] : memref<50x80xi32, #tpu.memory_space<vmem>> -> memref<1x80xi32, #tpu.memory_space<vmem>>
    %dma_start3A_51 = tpu.memref_squeeze %dma_start3A_50 : memref<1x80xi32, #tpu.memory_space<vmem>> -> memref<80xi32, #tpu.memory_space<vmem>>
    %dma_start3A_52 = arith.constant 0 : i32
    %dma_start3A_53 = arith.constant 0 : i32
    %dma_start3A_54 = tpu.memref_slice %arg2[%arg0, %dma_start3A_52, %dma_start3A_53] : memref<2x10240x128xf32, #tpu.memory_space<hbm>> -> memref<1x10240x128xf32, #tpu.memory_space<hbm>>
    %dma_start3A_55 = tpu.memref_squeeze %dma_start3A_54 : memref<1x10240x128xf32, #tpu.memory_space<hbm>> -> memref<10240x128xf32, #tpu.memory_space<hbm>>
    %dma_start3A_56 = arith.constant 0 : i32
    %dma_start3A_57 = arith.constant 0 : i32
    %dma_start3A_58 = tpu.memref_slice %dma_start3A_55[%dma_start3A_56, %dma_start3A_57] : memref<10240x128xf32, #tpu.memory_space<hbm>> -> memref<10240x128xf32, #tpu.memory_space<hbm>>
    tpu.enqueue_indirect_dma source(%dma_start3A_58 : memref<10240x128xf32, #tpu.memory_space<hbm>>) target(%arg9 : memref<80x128xf32, #tpu.memory_space<vmem>>) offsets(%dma_start3A_51 : memref<80xi32, #tpu.memory_space<vmem>>) semaphore(%arg12 : memref<!tpu.dma_semaphore, #tpu.memory_space<semaphore_mem>>)
    %scan3A_59 = arith.constant 0 : i32
    %scan3A_60 = arith.constant 0 : i32
    %scan3A_61 = arith.constant 25 : i32
    %scan3A_62 = arith.addi %scan3A_60, %scan3A_61 : i32
    %scan3A_63 = arith.constant 1 : i32
    %scan3A_64 = scf.for %scan3A_264 = %scan3A_60 to %scan3A_62 step %scan3A_63 iter_args(%scan3A_265 = %scan3A_59) -> (i32)  : i32 {
      %mul3A_266 = arith.constant 2 : i32
      %mul3A_267 = arith.muli %mul3A_266, %scan3A_264 : i32
      %mul3A_268 = arith.constant 2 : i32
      %mul3A_269 = arith.muli %mul3A_268, %scan3A_264 : i32
      %add3A_270 = arith.constant 1 : i32
      %add3A_271 = arith.addi %mul3A_269, %add3A_270 : i32
      %dma_wait3A_272 = arith.constant 0 : i32
      %dma_wait3A_273 = arith.constant 0 : i32
      %dma_wait3A_274 = tpu.memref_slice %arg6[%dma_wait3A_272, %dma_wait3A_273] : memref<50x80xi32, #tpu.memory_space<vmem>> -> memref<1x80xi32, #tpu.memory_space<vmem>>
      %dma_wait3A_275 = tpu.memref_squeeze %dma_wait3A_274 : memref<1x80xi32, #tpu.memory_space<vmem>> -> memref<80xi32, #tpu.memory_space<vmem>>
      %dma_wait3A_276 = arith.constant 0 : i32
      %dma_wait3A_277 = arith.constant 0 : i32
      %dma_wait3A_278 = tpu.memref_slice %arg2[%arg0, %dma_wait3A_276, %dma_wait3A_277] : memref<2x10240x128xf32, #tpu.memory_space<hbm>> -> memref<1x10240x128xf32, #tpu.memory_space<hbm>>
      %dma_wait3A_279 = tpu.memref_squeeze %dma_wait3A_278 : memref<1x10240x128xf32, #tpu.memory_space<hbm>> -> memref<10240x128xf32, #tpu.memory_space<hbm>>
      %dma_wait3A_280 = arith.constant 0 : i32
      %dma_wait3A_281 = arith.constant 0 : i32
      %dma_wait3A_282 = tpu.memref_slice %dma_wait3A_279[%dma_wait3A_280, %dma_wait3A_281] : memref<10240x128xf32, #tpu.memory_space<hbm>> -> memref<10240x128xf32, #tpu.memory_space<hbm>>
      tpu.wait_indirect_dma semaphore(%arg11 : memref<!tpu.dma_semaphore, #tpu.memory_space<semaphore_mem>>) src(%dma_wait3A_282 : memref<10240x128xf32, #tpu.memory_space<hbm>>) dst(%arg8 : memref<80x128xf32, #tpu.memory_space<vmem>>)
      %dma_start3A_283 = arith.constant 0 : i32
      %dma_start3A_284 = tpu.memref_slice %arg7[%mul3A_267, %dma_start3A_283] : memref<50x80xi32, #tpu.memory_space<vmem>> -> memref<1x80xi32, #tpu.memory_space<vmem>>
      %dma_start3A_285 = tpu.memref_squeeze %dma_start3A_284 : memref<1x80xi32, #tpu.memory_space<vmem>> -> memref<80xi32, #tpu.memory_space<vmem>>
      %dma_start3A_286 = arith.constant 0 : i32
      %dma_start3A_287 = arith.constant 0 : i32
      %dma_start3A_288 = tpu.memref_slice %arg10[%dma_start3A_286, %dma_start3A_287] : memref<10240x128xf32, #tpu.memory_space<vmem_shared>> -> memref<10240x128xf32, #tpu.memory_space<vmem_shared>>
      tpu.enqueue_indirect_dma source(%arg8 : memref<80x128xf32, #tpu.memory_space<vmem>>) target(%dma_start3A_288 : memref<10240x128xf32, #tpu.memory_space<vmem_shared>>) offsets(%dma_start3A_285 : memref<80xi32, #tpu.memory_space<vmem>>) semaphore(%arg13 : memref<!tpu.dma_semaphore, #tpu.memory_space<semaphore_mem>>) {add = true}
      %dma_wait3A_289 = arith.constant 0 : i32
      %dma_wait3A_290 = arith.constant 0 : i32
      %dma_wait3A_291 = tpu.memref_slice %arg6[%dma_wait3A_289, %dma_wait3A_290] : memref<50x80xi32, #tpu.memory_space<vmem>> -> memref<1x80xi32, #tpu.memory_space<vmem>>
      %dma_wait3A_292 = tpu.memref_squeeze %dma_wait3A_291 : memref<1x80xi32, #tpu.memory_space<vmem>> -> memref<80xi32, #tpu.memory_space<vmem>>
      %dma_wait3A_293 = arith.constant 0 : i32
      %dma_wait3A_294 = arith.constant 0 : i32
      %dma_wait3A_295 = tpu.memref_slice %arg2[%arg0, %dma_wait3A_293, %dma_wait3A_294] : memref<2x10240x128xf32, #tpu.memory_space<hbm>> -> memref<1x10240x128xf32, #tpu.memory_space<hbm>>
      %dma_wait3A_296 = tpu.memref_squeeze %dma_wait3A_295 : memref<1x10240x128xf32, #tpu.memory_space<hbm>> -> memref<10240x128xf32, #tpu.memory_space<hbm>>
      %dma_wait3A_297 = arith.constant 0 : i32
      %dma_wait3A_298 = arith.constant 0 : i32
      %dma_wait3A_299 = tpu.memref_slice %dma_wait3A_296[%dma_wait3A_297, %dma_wait3A_298] : memref<10240x128xf32, #tpu.memory_space<hbm>> -> memref<10240x128xf32, #tpu.memory_space<hbm>>
      tpu.wait_indirect_dma semaphore(%arg12 : memref<!tpu.dma_semaphore, #tpu.memory_space<semaphore_mem>>) src(%dma_wait3A_299 : memref<10240x128xf32, #tpu.memory_space<hbm>>) dst(%arg9 : memref<80x128xf32, #tpu.memory_space<vmem>>)
      %dma_start3A_300 = arith.constant 0 : i32
      %dma_start3A_301 = tpu.memref_slice %arg7[%add3A_271, %dma_start3A_300] : memref<50x80xi32, #tpu.memory_space<vmem>> -> memref<1x80xi32, #tpu.memory_space<vmem>>
      %dma_start3A_302 = tpu.memref_squeeze %dma_start3A_301 : memref<1x80xi32, #tpu.memory_space<vmem>> -> memref<80xi32, #tpu.memory_space<vmem>>
      %dma_start3A_303 = arith.constant 0 : i32
      %dma_start3A_304 = arith.constant 0 : i32
      %dma_start3A_305 = tpu.memref_slice %arg10[%dma_start3A_303, %dma_start3A_304] : memref<10240x128xf32, #tpu.memory_space<vmem_shared>> -> memref<10240x128xf32, #tpu.memory_space<vmem_shared>>
      tpu.enqueue_indirect_dma source(%arg9 : memref<80x128xf32, #tpu.memory_space<vmem>>) target(%dma_start3A_305 : memref<10240x128xf32, #tpu.memory_space<vmem_shared>>) offsets(%dma_start3A_302 : memref<80xi32, #tpu.memory_space<vmem>>) semaphore(%arg14 : memref<!tpu.dma_semaphore, #tpu.memory_space<semaphore_mem>>) {add = true}
      %add3A_306 = arith.constant 2 : i32
      %add3A_307 = arith.addi %mul3A_267, %add3A_306 : i32
      %lt3A = arith.constant 50 : i32
      %lt3A_308 = arith.cmpi slt, %add3A_307, %lt3A : i32
      %convert_element_type3A = arith.extui %lt3A_308 : i1 to i32
      %cond3A = arith.constant 0 : i32
      %cond3A_309 = arith.cmpi ne, %convert_element_type3A, %cond3A : i32
      scf.if %cond3A_309 {
        %dma_wait3A_318 = arith.constant 0 : i32
        %dma_wait3A_319 = arith.constant 0 : i32
        %dma_wait3A_320 = tpu.memref_slice %arg7[%dma_wait3A_318, %dma_wait3A_319] : memref<50x80xi32, #tpu.memory_space<vmem>> -> memref<1x80xi32, #tpu.memory_space<vmem>>
        %dma_wait3A_321 = tpu.memref_squeeze %dma_wait3A_320 : memref<1x80xi32, #tpu.memory_space<vmem>> -> memref<80xi32, #tpu.memory_space<vmem>>
        %dma_wait3A_322 = arith.constant 0 : i32
        %dma_wait3A_323 = arith.constant 0 : i32
        %dma_wait3A_324 = tpu.memref_slice %arg10[%dma_wait3A_322, %dma_wait3A_323] : memref<10240x128xf32, #tpu.memory_space<vmem_shared>> -> memref<10240x128xf32, #tpu.memory_space<vmem_shared>>
        tpu.wait_indirect_dma semaphore(%arg13 : memref<!tpu.dma_semaphore, #tpu.memory_space<semaphore_mem>>) src(%arg8 : memref<80x128xf32, #tpu.memory_space<vmem>>) dst(%dma_wait3A_324 : memref<10240x128xf32, #tpu.memory_space<vmem_shared>>)
        %add3A_325 = arith.constant 2 : i32
        %add3A_326 = arith.addi %mul3A_267, %add3A_325 : i32
        %dma_start3A_327 = arith.constant 0 : i32
        %dma_start3A_328 = tpu.memref_slice %arg6[%add3A_326, %dma_start3A_327] : memref<50x80xi32, #tpu.memory_space<vmem>> -> memref<1x80xi32, #tpu.memory_space<vmem>>
        %dma_start3A_329 = tpu.memref_squeeze %dma_start3A_328 : memref<1x80xi32, #tpu.memory_space<vmem>> -> memref<80xi32, #tpu.memory_space<vmem>>
        %dma_start3A_330 = arith.constant 0 : i32
        %dma_start3A_331 = arith.constant 0 : i32
        %dma_start3A_332 = tpu.memref_slice %arg2[%arg0, %dma_start3A_330, %dma_start3A_331] : memref<2x10240x128xf32, #tpu.memory_space<hbm>> -> memref<1x10240x128xf32, #tpu.memory_space<hbm>>
        %dma_start3A_333 = tpu.memref_squeeze %dma_start3A_332 : memref<1x10240x128xf32, #tpu.memory_space<hbm>> -> memref<10240x128xf32, #tpu.memory_space<hbm>>
        %dma_start3A_334 = arith.constant 0 : i32
        %dma_start3A_335 = arith.constant 0 : i32
        %dma_start3A_336 = tpu.memref_slice %dma_start3A_333[%dma_start3A_334, %dma_start3A_335] : memref<10240x128xf32, #tpu.memory_space<hbm>> -> memref<10240x128xf32, #tpu.memory_space<hbm>>
        tpu.enqueue_indirect_dma source(%dma_start3A_336 : memref<10240x128xf32, #tpu.memory_space<hbm>>) target(%arg8 : memref<80x128xf32, #tpu.memory_space<vmem>>) offsets(%dma_start3A_329 : memref<80xi32, #tpu.memory_space<vmem>>) semaphore(%arg11 : memref<!tpu.dma_semaphore, #tpu.memory_space<semaphore_mem>>)
      } else {
      }
      %add3A_310 = arith.constant 2 : i32
      %add3A_311 = arith.addi %add3A_271, %add3A_310 : i32
      %lt3A_312 = arith.constant 50 : i32
      %lt3A_313 = arith.cmpi slt, %add3A_311, %lt3A_312 : i32
      %convert_element_type3A_314 = arith.extui %lt3A_313 : i1 to i32
      %cond3A_315 = arith.constant 0 : i32
      %cond3A_316 = arith.cmpi ne, %convert_element_type3A_314, %cond3A_315 : i32
      scf.if %cond3A_316 {
        %dma_wait3A_318 = arith.constant 0 : i32
        %dma_wait3A_319 = arith.constant 0 : i32
        %dma_wait3A_320 = tpu.memref_slice %arg7[%dma_wait3A_318, %dma_wait3A_319] : memref<50x80xi32, #tpu.memory_space<vmem>> -> memref<1x80xi32, #tpu.memory_space<vmem>>
        %dma_wait3A_321 = tpu.memref_squeeze %dma_wait3A_320 : memref<1x80xi32, #tpu.memory_space<vmem>> -> memref<80xi32, #tpu.memory_space<vmem>>
        %dma_wait3A_322 = arith.constant 0 : i32
        %dma_wait3A_323 = arith.constant 0 : i32
        %dma_wait3A_324 = tpu.memref_slice %arg10[%dma_wait3A_322, %dma_wait3A_323] : memref<10240x128xf32, #tpu.memory_space<vmem_shared>> -> memref<10240x128xf32, #tpu.memory_space<vmem_shared>>
        tpu.wait_indirect_dma semaphore(%arg14 : memref<!tpu.dma_semaphore, #tpu.memory_space<semaphore_mem>>) src(%arg9 : memref<80x128xf32, #tpu.memory_space<vmem>>) dst(%dma_wait3A_324 : memref<10240x128xf32, #tpu.memory_space<vmem_shared>>)
        %add3A_325 = arith.constant 2 : i32
        %add3A_326 = arith.addi %add3A_271, %add3A_325 : i32
        %dma_start3A_327 = arith.constant 0 : i32
        %dma_start3A_328 = tpu.memref_slice %arg6[%add3A_326, %dma_start3A_327] : memref<50x80xi32, #tpu.memory_space<vmem>> -> memref<1x80xi32, #tpu.memory_space<vmem>>
        %dma_start3A_329 = tpu.memref_squeeze %dma_start3A_328 : memref<1x80xi32, #tpu.memory_space<vmem>> -> memref<80xi32, #tpu.memory_space<vmem>>
        %dma_start3A_330 = arith.constant 0 : i32
        %dma_start3A_331 = arith.constant 0 : i32
        %dma_start3A_332 = tpu.memref_slice %arg2[%arg0, %dma_start3A_330, %dma_start3A_331] : memref<2x10240x128xf32, #tpu.memory_space<hbm>> -> memref<1x10240x128xf32, #tpu.memory_space<hbm>>
        %dma_start3A_333 = tpu.memref_squeeze %dma_start3A_332 : memref<1x10240x128xf32, #tpu.memory_space<hbm>> -> memref<10240x128xf32, #tpu.memory_space<hbm>>
        %dma_start3A_334 = arith.constant 0 : i32
        %dma_start3A_335 = arith.constant 0 : i32
        %dma_start3A_336 = tpu.memref_slice %dma_start3A_333[%dma_start3A_334, %dma_start3A_335] : memref<10240x128xf32, #tpu.memory_space<hbm>> -> memref<10240x128xf32, #tpu.memory_space<hbm>>
        tpu.enqueue_indirect_dma source(%dma_start3A_336 : memref<10240x128xf32, #tpu.memory_space<hbm>>) target(%arg9 : memref<80x128xf32, #tpu.memory_space<vmem>>) offsets(%dma_start3A_329 : memref<80xi32, #tpu.memory_space<vmem>>) semaphore(%arg12 : memref<!tpu.dma_semaphore, #tpu.memory_space<semaphore_mem>>)
      } else {
      }
      %scan3A_317 = arith.constant 0 : i32
      scf.yield %scan3A_317 : i32
    }
    %scan3A_65 = arith.constant 25 : i32
    %dma_wait3A = arith.constant 0 : i32
    %dma_wait3A_66 = arith.constant 0 : i32
    %dma_wait3A_67 = tpu.memref_slice %arg7[%dma_wait3A, %dma_wait3A_66] : memref<50x80xi32, #tpu.memory_space<vmem>> -> memref<1x80xi32, #tpu.memory_space<vmem>>
    %dma_wait3A_68 = tpu.memref_squeeze %dma_wait3A_67 : memref<1x80xi32, #tpu.memory_space<vmem>> -> memref<80xi32, #tpu.memory_space<vmem>>
    %dma_wait3A_69 = arith.constant 0 : i32
    %dma_wait3A_70 = arith.constant 0 : i32
    %dma_wait3A_71 = tpu.memref_slice %arg10[%dma_wait3A_69, %dma_wait3A_70] : memref<10240x128xf32, #tpu.memory_space<vmem_shared>> -> memref<10240x128xf32, #tpu.memory_space<vmem_shared>>
    tpu.wait_indirect_dma semaphore(%arg13 : memref<!tpu.dma_semaphore, #tpu.memory_space<semaphore_mem>>) src(%arg8 : memref<80x128xf32, #tpu.memory_space<vmem>>) dst(%dma_wait3A_71 : memref<10240x128xf32, #tpu.memory_space<vmem_shared>>)
    %dma_wait3A_72 = arith.constant 0 : i32
    %dma_wait3A_73 = arith.constant 0 : i32
    %dma_wait3A_74 = tpu.memref_slice %arg7[%dma_wait3A_72, %dma_wait3A_73] : memref<50x80xi32, #tpu.memory_space<vmem>> -> memref<1x80xi32, #tpu.memory_space<vmem>>
    %dma_wait3A_75 = tpu.memref_squeeze %dma_wait3A_74 : memref<1x80xi32, #tpu.memory_space<vmem>> -> memref<80xi32, #tpu.memory_space<vmem>>
    %dma_wait3A_76 = arith.constant 0 : i32
    %dma_wait3A_77 = arith.constant 0 : i32
    %dma_wait3A_78 = tpu.memref_slice %arg10[%dma_wait3A_76, %dma_wait3A_77] : memref<10240x128xf32, #tpu.memory_space<vmem_shared>> -> memref<10240x128xf32, #tpu.memory_space<vmem_shared>>
    tpu.wait_indirect_dma semaphore(%arg14 : memref<!tpu.dma_semaphore, #tpu.memory_space<semaphore_mem>>) src(%arg9 : memref<80x128xf32, #tpu.memory_space<vmem>>) dst(%dma_wait3A_78 : memref<10240x128xf32, #tpu.memory_space<vmem_shared>>)
    %run_scoped3A_79 = arith.constant 1 : i32
    "tpu.region"() ({
      %run_scoped3A_264 = tpu.sem_alloc : memref<!tpu.dma_semaphore, #tpu.memory_space<semaphore_mem>>
      %dma_start3A_265 = arith.constant 0 : i32
      %dma_start3A_266 = arith.constant 0 : i32
      %dma_start3A_267 = tpu.memref_slice %arg3[%arg0, %arg1, %run_scoped3A_79, %dma_start3A_265, %dma_start3A_266] : memref<2x16x5x50x80xi32, #tpu.memory_space<hbm>> -> memref<1x1x1x50x80xi32, #tpu.memory_space<hbm>>
      %dma_start3A_268 = tpu.memref_squeeze %dma_start3A_267 : memref<1x1x1x50x80xi32, #tpu.memory_space<hbm>> -> memref<50x80xi32, #tpu.memory_space<hbm>>
      %dma_start3A_269 = arith.constant 0 : i32
      %dma_start3A_270 = arith.constant 0 : i32
      %dma_start3A_271 = tpu.memref_slice %arg3[%arg0, %arg1, %run_scoped3A_79, %dma_start3A_269, %dma_start3A_270] : memref<2x16x5x50x80xi32, #tpu.memory_space<hbm>> -> memref<1x1x1x50x80xi32, #tpu.memory_space<hbm>>
      %dma_start3A_272 = tpu.memref_squeeze %dma_start3A_271 : memref<1x1x1x50x80xi32, #tpu.memory_space<hbm>> -> memref<50x80xi32, #tpu.memory_space<hbm>>
      tpu.enqueue_dma source(%dma_start3A_272 : memref<50x80xi32, #tpu.memory_space<hbm>>) target(%arg6 : memref<50x80xi32, #tpu.memory_space<vmem>>) target_semaphore(%run_scoped3A_264 : memref<!tpu.dma_semaphore, #tpu.memory_space<semaphore_mem>>)
      %dma_wait3A_273 = arith.constant 0 : i32
      %dma_wait3A_274 = arith.constant 0 : i32
      %dma_wait3A_275 = tpu.memref_slice %arg3[%arg0, %arg1, %run_scoped3A_79, %dma_wait3A_273, %dma_wait3A_274] : memref<2x16x5x50x80xi32, #tpu.memory_space<hbm>> -> memref<1x1x1x50x80xi32, #tpu.memory_space<hbm>>
      %dma_wait3A_276 = tpu.memref_squeeze %dma_wait3A_275 : memref<1x1x1x50x80xi32, #tpu.memory_space<hbm>> -> memref<50x80xi32, #tpu.memory_space<hbm>>
      %dma_wait3A_277 = arith.constant 0 : i32
      %dma_wait3A_278 = arith.constant 0 : i32
      %dma_wait3A_279 = tpu.memref_slice %arg3[%arg0, %arg1, %run_scoped3A_79, %dma_wait3A_277, %dma_wait3A_278] : memref<2x16x5x50x80xi32, #tpu.memory_space<hbm>> -> memref<1x1x1x50x80xi32, #tpu.memory_space<hbm>>
      %dma_wait3A_280 = tpu.memref_squeeze %dma_wait3A_279 : memref<1x1x1x50x80xi32, #tpu.memory_space<hbm>> -> memref<50x80xi32, #tpu.memory_space<hbm>>
      tpu.wait_dma2 semaphore(%run_scoped3A_264 : memref<!tpu.dma_semaphore, #tpu.memory_space<semaphore_mem>>) src(%dma_wait3A_280 : memref<50x80xi32, #tpu.memory_space<hbm>>) dst(%arg6 : memref<50x80xi32, #tpu.memory_space<vmem>>)
      tpu.yield
    }) : () -> ()
    %run_scoped3A_80 = arith.constant 1 : i32
    "tpu.region"() ({
      %run_scoped3A_264 = tpu.sem_alloc : memref<!tpu.dma_semaphore, #tpu.memory_space<semaphore_mem>>
      %dma_start3A_265 = arith.constant 0 : i32
      %dma_start3A_266 = arith.constant 0 : i32
      %dma_start3A_267 = tpu.memref_slice %arg4[%arg0, %arg1, %run_scoped3A_80, %dma_start3A_265, %dma_start3A_266] : memref<2x16x5x50x80xi32, #tpu.memory_space<hbm>> -> memref<1x1x1x50x80xi32, #tpu.memory_space<hbm>>
      %dma_start3A_268 = tpu.memref_squeeze %dma_start3A_267 : memref<1x1x1x50x80xi32, #tpu.memory_space<hbm>> -> memref<50x80xi32, #tpu.memory_space<hbm>>
      %dma_start3A_269 = arith.constant 0 : i32
      %dma_start3A_270 = arith.constant 0 : i32
      %dma_start3A_271 = tpu.memref_slice %arg4[%arg0, %arg1, %run_scoped3A_80, %dma_start3A_269, %dma_start3A_270] : memref<2x16x5x50x80xi32, #tpu.memory_space<hbm>> -> memref<1x1x1x50x80xi32, #tpu.memory_space<hbm>>
      %dma_start3A_272 = tpu.memref_squeeze %dma_start3A_271 : memref<1x1x1x50x80xi32, #tpu.memory_space<hbm>> -> memref<50x80xi32, #tpu.memory_space<hbm>>
      tpu.enqueue_dma source(%dma_start3A_272 : memref<50x80xi32, #tpu.memory_space<hbm>>) target(%arg7 : memref<50x80xi32, #tpu.memory_space<vmem>>) target_semaphore(%run_scoped3A_264 : memref<!tpu.dma_semaphore, #tpu.memory_space<semaphore_mem>>)
      %dma_wait3A_273 = arith.constant 0 : i32
      %dma_wait3A_274 = arith.constant 0 : i32
      %dma_wait3A_275 = tpu.memref_slice %arg4[%arg0, %arg1, %run_scoped3A_80, %dma_wait3A_273, %dma_wait3A_274] : memref<2x16x5x50x80xi32, #tpu.memory_space<hbm>> -> memref<1x1x1x50x80xi32, #tpu.memory_space<hbm>>
      %dma_wait3A_276 = tpu.memref_squeeze %dma_wait3A_275 : memref<1x1x1x50x80xi32, #tpu.memory_space<hbm>> -> memref<50x80xi32, #tpu.memory_space<hbm>>
      %dma_wait3A_277 = arith.constant 0 : i32
      %dma_wait3A_278 = arith.constant 0 : i32
      %dma_wait3A_279 = tpu.memref_slice %arg4[%arg0, %arg1, %run_scoped3A_80, %dma_wait3A_277, %dma_wait3A_278] : memref<2x16x5x50x80xi32, #tpu.memory_space<hbm>> -> memref<1x1x1x50x80xi32, #tpu.memory_space<hbm>>
      %dma_wait3A_280 = tpu.memref_squeeze %dma_wait3A_279 : memref<1x1x1x50x80xi32, #tpu.memory_space<hbm>> -> memref<50x80xi32, #tpu.memory_space<hbm>>
      tpu.wait_dma2 semaphore(%run_scoped3A_264 : memref<!tpu.dma_semaphore, #tpu.memory_space<semaphore_mem>>) src(%dma_wait3A_280 : memref<50x80xi32, #tpu.memory_space<hbm>>) dst(%arg7 : memref<50x80xi32, #tpu.memory_space<vmem>>)
      tpu.yield
    }) : () -> ()
    %dma_start3A_81 = arith.constant 0 : i32
    %dma_start3A_82 = arith.constant 0 : i32
    %dma_start3A_83 = tpu.memref_slice %arg6[%dma_start3A_81, %dma_start3A_82] : memref<50x80xi32, #tpu.memory_space<vmem>> -> memref<1x80xi32, #tpu.memory_space<vmem>>
    %dma_start3A_84 = tpu.memref_squeeze %dma_start3A_83 : memref<1x80xi32, #tpu.memory_space<vmem>> -> memref<80xi32, #tpu.memory_space<vmem>>
    %dma_start3A_85 = arith.constant 0 : i32
    %dma_start3A_86 = arith.constant 0 : i32
    %dma_start3A_87 = tpu.memref_slice %arg2[%arg0, %dma_start3A_85, %dma_start3A_86] : memref<2x10240x128xf32, #tpu.memory_space<hbm>> -> memref<1x10240x128xf32, #tpu.memory_space<hbm>>
    %dma_start3A_88 = tpu.memref_squeeze %dma_start3A_87 : memref<1x10240x128xf32, #tpu.memory_space<hbm>> -> memref<10240x128xf32, #tpu.memory_space<hbm>>
    %dma_start3A_89 = arith.constant 0 : i32
    %dma_start3A_90 = arith.constant 0 : i32
    %dma_start3A_91 = tpu.memref_slice %dma_start3A_88[%dma_start3A_89, %dma_start3A_90] : memref<10240x128xf32, #tpu.memory_space<hbm>> -> memref<10240x128xf32, #tpu.memory_space<hbm>>
    tpu.enqueue_indirect_dma source(%dma_start3A_91 : memref<10240x128xf32, #tpu.memory_space<hbm>>) target(%arg8 : memref<80x128xf32, #tpu.memory_space<vmem>>) offsets(%dma_start3A_84 : memref<80xi32, #tpu.memory_space<vmem>>) semaphore(%arg11 : memref<!tpu.dma_semaphore, #tpu.memory_space<semaphore_mem>>)
    %dma_start3A_92 = arith.constant 1 : i32
    %dma_start3A_93 = arith.constant 0 : i32
    %dma_start3A_94 = tpu.memref_slice %arg6[%dma_start3A_92, %dma_start3A_93] : memref<50x80xi32, #tpu.memory_space<vmem>> -> memref<1x80xi32, #tpu.memory_space<vmem>>
    %dma_start3A_95 = tpu.memref_squeeze %dma_start3A_94 : memref<1x80xi32, #tpu.memory_space<vmem>> -> memref<80xi32, #tpu.memory_space<vmem>>
    %dma_start3A_96 = arith.constant 0 : i32
    %dma_start3A_97 = arith.constant 0 : i32
    %dma_start3A_98 = tpu.memref_slice %arg2[%arg0, %dma_start3A_96, %dma_start3A_97] : memref<2x10240x128xf32, #tpu.memory_space<hbm>> -> memref<1x10240x128xf32, #tpu.memory_space<hbm>>
    %dma_start3A_99 = tpu.memref_squeeze %dma_start3A_98 : memref<1x10240x128xf32, #tpu.memory_space<hbm>> -> memref<10240x128xf32, #tpu.memory_space<hbm>>
    %dma_start3A_100 = arith.constant 0 : i32
    %dma_start3A_101 = arith.constant 0 : i32
    %dma_start3A_102 = tpu.memref_slice %dma_start3A_99[%dma_start3A_100, %dma_start3A_101] : memref<10240x128xf32, #tpu.memory_space<hbm>> -> memref<10240x128xf32, #tpu.memory_space<hbm>>
    tpu.enqueue_indirect_dma source(%dma_start3A_102 : memref<10240x128xf32, #tpu.memory_space<hbm>>) target(%arg9 : memref<80x128xf32, #tpu.memory_space<vmem>>) offsets(%dma_start3A_95 : memref<80xi32, #tpu.memory_space<vmem>>) semaphore(%arg12 : memref<!tpu.dma_semaphore, #tpu.memory_space<semaphore_mem>>)
    %scan3A_103 = arith.constant 0 : i32
    %scan3A_104 = arith.constant 0 : i32
    %scan3A_105 = arith.constant 25 : i32
    %scan3A_106 = arith.addi %scan3A_104, %scan3A_105 : i32
    %scan3A_107 = arith.constant 1 : i32
    %scan3A_108 = scf.for %scan3A_264 = %scan3A_104 to %scan3A_106 step %scan3A_107 iter_args(%scan3A_265 = %scan3A_103) -> (i32)  : i32 {
      %mul3A_266 = arith.constant 2 : i32
      %mul3A_267 = arith.muli %mul3A_266, %scan3A_264 : i32
      %mul3A_268 = arith.constant 2 : i32
      %mul3A_269 = arith.muli %mul3A_268, %scan3A_264 : i32
      %add3A_270 = arith.constant 1 : i32
      %add3A_271 = arith.addi %mul3A_269, %add3A_270 : i32
      %dma_wait3A_272 = arith.constant 0 : i32
      %dma_wait3A_273 = arith.constant 0 : i32
      %dma_wait3A_274 = tpu.memref_slice %arg6[%dma_wait3A_272, %dma_wait3A_273] : memref<50x80xi32, #tpu.memory_space<vmem>> -> memref<1x80xi32, #tpu.memory_space<vmem>>
      %dma_wait3A_275 = tpu.memref_squeeze %dma_wait3A_274 : memref<1x80xi32, #tpu.memory_space<vmem>> -> memref<80xi32, #tpu.memory_space<vmem>>
      %dma_wait3A_276 = arith.constant 0 : i32
      %dma_wait3A_277 = arith.constant 0 : i32
      %dma_wait3A_278 = tpu.memref_slice %arg2[%arg0, %dma_wait3A_276, %dma_wait3A_277] : memref<2x10240x128xf32, #tpu.memory_space<hbm>> -> memref<1x10240x128xf32, #tpu.memory_space<hbm>>
      %dma_wait3A_279 = tpu.memref_squeeze %dma_wait3A_278 : memref<1x10240x128xf32, #tpu.memory_space<hbm>> -> memref<10240x128xf32, #tpu.memory_space<hbm>>
      %dma_wait3A_280 = arith.constant 0 : i32
      %dma_wait3A_281 = arith.constant 0 : i32
      %dma_wait3A_282 = tpu.memref_slice %dma_wait3A_279[%dma_wait3A_280, %dma_wait3A_281] : memref<10240x128xf32, #tpu.memory_space<hbm>> -> memref<10240x128xf32, #tpu.memory_space<hbm>>
      tpu.wait_indirect_dma semaphore(%arg11 : memref<!tpu.dma_semaphore, #tpu.memory_space<semaphore_mem>>) src(%dma_wait3A_282 : memref<10240x128xf32, #tpu.memory_space<hbm>>) dst(%arg8 : memref<80x128xf32, #tpu.memory_space<vmem>>)
      %dma_start3A_283 = arith.constant 0 : i32
      %dma_start3A_284 = tpu.memref_slice %arg7[%mul3A_267, %dma_start3A_283] : memref<50x80xi32, #tpu.memory_space<vmem>> -> memref<1x80xi32, #tpu.memory_space<vmem>>
      %dma_start3A_285 = tpu.memref_squeeze %dma_start3A_284 : memref<1x80xi32, #tpu.memory_space<vmem>> -> memref<80xi32, #tpu.memory_space<vmem>>
      %dma_start3A_286 = arith.constant 0 : i32
      %dma_start3A_287 = arith.constant 0 : i32
      %dma_start3A_288 = tpu.memref_slice %arg10[%dma_start3A_286, %dma_start3A_287] : memref<10240x128xf32, #tpu.memory_space<vmem_shared>> -> memref<10240x128xf32, #tpu.memory_space<vmem_shared>>
      tpu.enqueue_indirect_dma source(%arg8 : memref<80x128xf32, #tpu.memory_space<vmem>>) target(%dma_start3A_288 : memref<10240x128xf32, #tpu.memory_space<vmem_shared>>) offsets(%dma_start3A_285 : memref<80xi32, #tpu.memory_space<vmem>>) semaphore(%arg13 : memref<!tpu.dma_semaphore, #tpu.memory_space<semaphore_mem>>) {add = true}
      %dma_wait3A_289 = arith.constant 0 : i32
      %dma_wait3A_290 = arith.constant 0 : i32
      %dma_wait3A_291 = tpu.memref_slice %arg6[%dma_wait3A_289, %dma_wait3A_290] : memref<50x80xi32, #tpu.memory_space<vmem>> -> memref<1x80xi32, #tpu.memory_space<vmem>>
      %dma_wait3A_292 = tpu.memref_squeeze %dma_wait3A_291 : memref<1x80xi32, #tpu.memory_space<vmem>> -> memref<80xi32, #tpu.memory_space<vmem>>
      %dma_wait3A_293 = arith.constant 0 : i32
      %dma_wait3A_294 = arith.constant 0 : i32
      %dma_wait3A_295 = tpu.memref_slice %arg2[%arg0, %dma_wait3A_293, %dma_wait3A_294] : memref<2x10240x128xf32, #tpu.memory_space<hbm>> -> memref<1x10240x128xf32, #tpu.memory_space<hbm>>
      %dma_wait3A_296 = tpu.memref_squeeze %dma_wait3A_295 : memref<1x10240x128xf32, #tpu.memory_space<hbm>> -> memref<10240x128xf32, #tpu.memory_space<hbm>>
      %dma_wait3A_297 = arith.constant 0 : i32
      %dma_wait3A_298 = arith.constant 0 : i32
      %dma_wait3A_299 = tpu.memref_slice %dma_wait3A_296[%dma_wait3A_297, %dma_wait3A_298] : memref<10240x128xf32, #tpu.memory_space<hbm>> -> memref<10240x128xf32, #tpu.memory_space<hbm>>
      tpu.wait_indirect_dma semaphore(%arg12 : memref<!tpu.dma_semaphore, #tpu.memory_space<semaphore_mem>>) src(%dma_wait3A_299 : memref<10240x128xf32, #tpu.memory_space<hbm>>) dst(%arg9 : memref<80x128xf32, #tpu.memory_space<vmem>>)
      %dma_start3A_300 = arith.constant 0 : i32
      %dma_start3A_301 = tpu.memref_slice %arg7[%add3A_271, %dma_start3A_300] : memref<50x80xi32, #tpu.memory_space<vmem>> -> memref<1x80xi32, #tpu.memory_space<vmem>>
      %dma_start3A_302 = tpu.memref_squeeze %dma_start3A_301 : memref<1x80xi32, #tpu.memory_space<vmem>> -> memref<80xi32, #tpu.memory_space<vmem>>
      %dma_start3A_303 = arith.constant 0 : i32
      %dma_start3A_304 = arith.constant 0 : i32
      %dma_start3A_305 = tpu.memref_slice %arg10[%dma_start3A_303, %dma_start3A_304] : memref<10240x128xf32, #tpu.memory_space<vmem_shared>> -> memref<10240x128xf32, #tpu.memory_space<vmem_shared>>
      tpu.enqueue_indirect_dma source(%arg9 : memref<80x128xf32, #tpu.memory_space<vmem>>) target(%dma_start3A_305 : memref<10240x128xf32, #tpu.memory_space<vmem_shared>>) offsets(%dma_start3A_302 : memref<80xi32, #tpu.memory_space<vmem>>) semaphore(%arg14 : memref<!tpu.dma_semaphore, #tpu.memory_space<semaphore_mem>>) {add = true}
      %add3A_306 = arith.constant 2 : i32
      %add3A_307 = arith.addi %mul3A_267, %add3A_306 : i32
      %lt3A = arith.constant 50 : i32
      %lt3A_308 = arith.cmpi slt, %add3A_307, %lt3A : i32
      %convert_element_type3A = arith.extui %lt3A_308 : i1 to i32
      %cond3A = arith.constant 0 : i32
      %cond3A_309 = arith.cmpi ne, %convert_element_type3A, %cond3A : i32
      scf.if %cond3A_309 {
        %dma_wait3A_318 = arith.constant 0 : i32
        %dma_wait3A_319 = arith.constant 0 : i32
        %dma_wait3A_320 = tpu.memref_slice %arg7[%dma_wait3A_318, %dma_wait3A_319] : memref<50x80xi32, #tpu.memory_space<vmem>> -> memref<1x80xi32, #tpu.memory_space<vmem>>
        %dma_wait3A_321 = tpu.memref_squeeze %dma_wait3A_320 : memref<1x80xi32, #tpu.memory_space<vmem>> -> memref<80xi32, #tpu.memory_space<vmem>>
        %dma_wait3A_322 = arith.constant 0 : i32
        %dma_wait3A_323 = arith.constant 0 : i32
        %dma_wait3A_324 = tpu.memref_slice %arg10[%dma_wait3A_322, %dma_wait3A_323] : memref<10240x128xf32, #tpu.memory_space<vmem_shared>> -> memref<10240x128xf32, #tpu.memory_space<vmem_shared>>
        tpu.wait_indirect_dma semaphore(%arg13 : memref<!tpu.dma_semaphore, #tpu.memory_space<semaphore_mem>>) src(%arg8 : memref<80x128xf32, #tpu.memory_space<vmem>>) dst(%dma_wait3A_324 : memref<10240x128xf32, #tpu.memory_space<vmem_shared>>)
        %add3A_325 = arith.constant 2 : i32
        %add3A_326 = arith.addi %mul3A_267, %add3A_325 : i32
        %dma_start3A_327 = arith.constant 0 : i32
        %dma_start3A_328 = tpu.memref_slice %arg6[%add3A_326, %dma_start3A_327] : memref<50x80xi32, #tpu.memory_space<vmem>> -> memref<1x80xi32, #tpu.memory_space<vmem>>
        %dma_start3A_329 = tpu.memref_squeeze %dma_start3A_328 : memref<1x80xi32, #tpu.memory_space<vmem>> -> memref<80xi32, #tpu.memory_space<vmem>>
        %dma_start3A_330 = arith.constant 0 : i32
        %dma_start3A_331 = arith.constant 0 : i32
        %dma_start3A_332 = tpu.memref_slice %arg2[%arg0, %dma_start3A_330, %dma_start3A_331] : memref<2x10240x128xf32, #tpu.memory_space<hbm>> -> memref<1x10240x128xf32, #tpu.memory_space<hbm>>
        %dma_start3A_333 = tpu.memref_squeeze %dma_start3A_332 : memref<1x10240x128xf32, #tpu.memory_space<hbm>> -> memref<10240x128xf32, #tpu.memory_space<hbm>>
        %dma_start3A_334 = arith.constant 0 : i32
        %dma_start3A_335 = arith.constant 0 : i32
        %dma_start3A_336 = tpu.memref_slice %dma_start3A_333[%dma_start3A_334, %dma_start3A_335] : memref<10240x128xf32, #tpu.memory_space<hbm>> -> memref<10240x128xf32, #tpu.memory_space<hbm>>
        tpu.enqueue_indirect_dma source(%dma_start3A_336 : memref<10240x128xf32, #tpu.memory_space<hbm>>) target(%arg8 : memref<80x128xf32, #tpu.memory_space<vmem>>) offsets(%dma_start3A_329 : memref<80xi32, #tpu.memory_space<vmem>>) semaphore(%arg11 : memref<!tpu.dma_semaphore, #tpu.memory_space<semaphore_mem>>)
      } else {
      }
      %add3A_310 = arith.constant 2 : i32
      %add3A_311 = arith.addi %add3A_271, %add3A_310 : i32
      %lt3A_312 = arith.constant 50 : i32
      %lt3A_313 = arith.cmpi slt, %add3A_311, %lt3A_312 : i32
      %convert_element_type3A_314 = arith.extui %lt3A_313 : i1 to i32
      %cond3A_315 = arith.constant 0 : i32
      %cond3A_316 = arith.cmpi ne, %convert_element_type3A_314, %cond3A_315 : i32
      scf.if %cond3A_316 {
        %dma_wait3A_318 = arith.constant 0 : i32
        %dma_wait3A_319 = arith.constant 0 : i32
        %dma_wait3A_320 = tpu.memref_slice %arg7[%dma_wait3A_318, %dma_wait3A_319] : memref<50x80xi32, #tpu.memory_space<vmem>> -> memref<1x80xi32, #tpu.memory_space<vmem>>
        %dma_wait3A_321 = tpu.memref_squeeze %dma_wait3A_320 : memref<1x80xi32, #tpu.memory_space<vmem>> -> memref<80xi32, #tpu.memory_space<vmem>>
        %dma_wait3A_322 = arith.constant 0 : i32
        %dma_wait3A_323 = arith.constant 0 : i32
        %dma_wait3A_324 = tpu.memref_slice %arg10[%dma_wait3A_322, %dma_wait3A_323] : memref<10240x128xf32, #tpu.memory_space<vmem_shared>> -> memref<10240x128xf32, #tpu.memory_space<vmem_shared>>
        tpu.wait_indirect_dma semaphore(%arg14 : memref<!tpu.dma_semaphore, #tpu.memory_space<semaphore_mem>>) src(%arg9 : memref<80x128xf32, #tpu.memory_space<vmem>>) dst(%dma_wait3A_324 : memref<10240x128xf32, #tpu.memory_space<vmem_shared>>)
        %add3A_325 = arith.constant 2 : i32
        %add3A_326 = arith.addi %add3A_271, %add3A_325 : i32
        %dma_start3A_327 = arith.constant 0 : i32
        %dma_start3A_328 = tpu.memref_slice %arg6[%add3A_326, %dma_start3A_327] : memref<50x80xi32, #tpu.memory_space<vmem>> -> memref<1x80xi32, #tpu.memory_space<vmem>>
        %dma_start3A_329 = tpu.memref_squeeze %dma_start3A_328 : memref<1x80xi32, #tpu.memory_space<vmem>> -> memref<80xi32, #tpu.memory_space<vmem>>
        %dma_start3A_330 = arith.constant 0 : i32
        %dma_start3A_331 = arith.constant 0 : i32
        %dma_start3A_332 = tpu.memref_slice %arg2[%arg0, %dma_start3A_330, %dma_start3A_331] : memref<2x10240x128xf32, #tpu.memory_space<hbm>> -> memref<1x10240x128xf32, #tpu.memory_space<hbm>>
        %dma_start3A_333 = tpu.memref_squeeze %dma_start3A_332 : memref<1x10240x128xf32, #tpu.memory_space<hbm>> -> memref<10240x128xf32, #tpu.memory_space<hbm>>
        %dma_start3A_334 = arith.constant 0 : i32
        %dma_start3A_335 = arith.constant 0 : i32
        %dma_start3A_336 = tpu.memref_slice %dma_start3A_333[%dma_start3A_334, %dma_start3A_335] : memref<10240x128xf32, #tpu.memory_space<hbm>> -> memref<10240x128xf32, #tpu.memory_space<hbm>>
        tpu.enqueue_indirect_dma source(%dma_start3A_336 : memref<10240x128xf32, #tpu.memory_space<hbm>>) target(%arg9 : memref<80x128xf32, #tpu.memory_space<vmem>>) offsets(%dma_start3A_329 : memref<80xi32, #tpu.memory_space<vmem>>) semaphore(%arg12 : memref<!tpu.dma_semaphore, #tpu.memory_space<semaphore_mem>>)
      } else {
      }
      %scan3A_317 = arith.constant 0 : i32
      scf.yield %scan3A_317 : i32
    }
    %scan3A_109 = arith.constant 25 : i32
    %dma_wait3A_110 = arith.constant 0 : i32
    %dma_wait3A_111 = arith.constant 0 : i32
    %dma_wait3A_112 = tpu.memref_slice %arg7[%dma_wait3A_110, %dma_wait3A_111] : memref<50x80xi32, #tpu.memory_space<vmem>> -> memref<1x80xi32, #tpu.memory_space<vmem>>
    %dma_wait3A_113 = tpu.memref_squeeze %dma_wait3A_112 : memref<1x80xi32, #tpu.memory_space<vmem>> -> memref<80xi32, #tpu.memory_space<vmem>>
    %dma_wait3A_114 = arith.constant 0 : i32
    %dma_wait3A_115 = arith.constant 0 : i32
    %dma_wait3A_116 = tpu.memref_slice %arg10[%dma_wait3A_114, %dma_wait3A_115] : memref<10240x128xf32, #tpu.memory_space<vmem_shared>> -> memref<10240x128xf32, #tpu.memory_space<vmem_shared>>
    tpu.wait_indirect_dma semaphore(%arg13 : memref<!tpu.dma_semaphore, #tpu.memory_space<semaphore_mem>>) src(%arg8 : memref<80x128xf32, #tpu.memory_space<vmem>>) dst(%dma_wait3A_116 : memref<10240x128xf32, #tpu.memory_space<vmem_shared>>)
    %dma_wait3A_117 = arith.constant 0 : i32
    %dma_wait3A_118 = arith.constant 0 : i32
    %dma_wait3A_119 = tpu.memref_slice %arg7[%dma_wait3A_117, %dma_wait3A_118] : memref<50x80xi32, #tpu.memory_space<vmem>> -> memref<1x80xi32, #tpu.memory_space<vmem>>
    %dma_wait3A_120 = tpu.memref_squeeze %dma_wait3A_119 : memref<1x80xi32, #tpu.memory_space<vmem>> -> memref<80xi32, #tpu.memory_space<vmem>>
    %dma_wait3A_121 = arith.constant 0 : i32
    %dma_wait3A_122 = arith.constant 0 : i32
    %dma_wait3A_123 = tpu.memref_slice %arg10[%dma_wait3A_121, %dma_wait3A_122] : memref<10240x128xf32, #tpu.memory_space<vmem_shared>> -> memref<10240x128xf32, #tpu.memory_space<vmem_shared>>
    tpu.wait_indirect_dma semaphore(%arg14 : memref<!tpu.dma_semaphore, #tpu.memory_space<semaphore_mem>>) src(%arg9 : memref<80x128xf32, #tpu.memory_space<vmem>>) dst(%dma_wait3A_123 : memref<10240x128xf32, #tpu.memory_space<vmem_shared>>)
    %run_scoped3A_124 = arith.constant 2 : i32
    "tpu.region"() ({
      %run_scoped3A_264 = tpu.sem_alloc : memref<!tpu.dma_semaphore, #tpu.memory_space<semaphore_mem>>
      %dma_start3A_265 = arith.constant 0 : i32
      %dma_start3A_266 = arith.constant 0 : i32
      %dma_start3A_267 = tpu.memref_slice %arg3[%arg0, %arg1, %run_scoped3A_124, %dma_start3A_265, %dma_start3A_266] : memref<2x16x5x50x80xi32, #tpu.memory_space<hbm>> -> memref<1x1x1x50x80xi32, #tpu.memory_space<hbm>>
      %dma_start3A_268 = tpu.memref_squeeze %dma_start3A_267 : memref<1x1x1x50x80xi32, #tpu.memory_space<hbm>> -> memref<50x80xi32, #tpu.memory_space<hbm>>
      %dma_start3A_269 = arith.constant 0 : i32
      %dma_start3A_270 = arith.constant 0 : i32
      %dma_start3A_271 = tpu.memref_slice %arg3[%arg0, %arg1, %run_scoped3A_124, %dma_start3A_269, %dma_start3A_270] : memref<2x16x5x50x80xi32, #tpu.memory_space<hbm>> -> memref<1x1x1x50x80xi32, #tpu.memory_space<hbm>>
      %dma_start3A_272 = tpu.memref_squeeze %dma_start3A_271 : memref<1x1x1x50x80xi32, #tpu.memory_space<hbm>> -> memref<50x80xi32, #tpu.memory_space<hbm>>
      tpu.enqueue_dma source(%dma_start3A_272 : memref<50x80xi32, #tpu.memory_space<hbm>>) target(%arg6 : memref<50x80xi32, #tpu.memory_space<vmem>>) target_semaphore(%run_scoped3A_264 : memref<!tpu.dma_semaphore, #tpu.memory_space<semaphore_mem>>)
      %dma_wait3A_273 = arith.constant 0 : i32
      %dma_wait3A_274 = arith.constant 0 : i32
      %dma_wait3A_275 = tpu.memref_slice %arg3[%arg0, %arg1, %run_scoped3A_124, %dma_wait3A_273, %dma_wait3A_274] : memref<2x16x5x50x80xi32, #tpu.memory_space<hbm>> -> memref<1x1x1x50x80xi32, #tpu.memory_space<hbm>>
      %dma_wait3A_276 = tpu.memref_squeeze %dma_wait3A_275 : memref<1x1x1x50x80xi32, #tpu.memory_space<hbm>> -> memref<50x80xi32, #tpu.memory_space<hbm>>
      %dma_wait3A_277 = arith.constant 0 : i32
      %dma_wait3A_278 = arith.constant 0 : i32
      %dma_wait3A_279 = tpu.memref_slice %arg3[%arg0, %arg1, %run_scoped3A_124, %dma_wait3A_277, %dma_wait3A_278] : memref<2x16x5x50x80xi32, #tpu.memory_space<hbm>> -> memref<1x1x1x50x80xi32, #tpu.memory_space<hbm>>
      %dma_wait3A_280 = tpu.memref_squeeze %dma_wait3A_279 : memref<1x1x1x50x80xi32, #tpu.memory_space<hbm>> -> memref<50x80xi32, #tpu.memory_space<hbm>>
      tpu.wait_dma2 semaphore(%run_scoped3A_264 : memref<!tpu.dma_semaphore, #tpu.memory_space<semaphore_mem>>) src(%dma_wait3A_280 : memref<50x80xi32, #tpu.memory_space<hbm>>) dst(%arg6 : memref<50x80xi32, #tpu.memory_space<vmem>>)
      tpu.yield
    }) : () -> ()
    %run_scoped3A_125 = arith.constant 2 : i32
    "tpu.region"() ({
      %run_scoped3A_264 = tpu.sem_alloc : memref<!tpu.dma_semaphore, #tpu.memory_space<semaphore_mem>>
      %dma_start3A_265 = arith.constant 0 : i32
      %dma_start3A_266 = arith.constant 0 : i32
      %dma_start3A_267 = tpu.memref_slice %arg4[%arg0, %arg1, %run_scoped3A_125, %dma_start3A_265, %dma_start3A_266] : memref<2x16x5x50x80xi32, #tpu.memory_space<hbm>> -> memref<1x1x1x50x80xi32, #tpu.memory_space<hbm>>
      %dma_start3A_268 = tpu.memref_squeeze %dma_start3A_267 : memref<1x1x1x50x80xi32, #tpu.memory_space<hbm>> -> memref<50x80xi32, #tpu.memory_space<hbm>>
      %dma_start3A_269 = arith.constant 0 : i32
      %dma_start3A_270 = arith.constant 0 : i32
      %dma_start3A_271 = tpu.memref_slice %arg4[%arg0, %arg1, %run_scoped3A_125, %dma_start3A_269, %dma_start3A_270] : memref<2x16x5x50x80xi32, #tpu.memory_space<hbm>> -> memref<1x1x1x50x80xi32, #tpu.memory_space<hbm>>
      %dma_start3A_272 = tpu.memref_squeeze %dma_start3A_271 : memref<1x1x1x50x80xi32, #tpu.memory_space<hbm>> -> memref<50x80xi32, #tpu.memory_space<hbm>>
      tpu.enqueue_dma source(%dma_start3A_272 : memref<50x80xi32, #tpu.memory_space<hbm>>) target(%arg7 : memref<50x80xi32, #tpu.memory_space<vmem>>) target_semaphore(%run_scoped3A_264 : memref<!tpu.dma_semaphore, #tpu.memory_space<semaphore_mem>>)
      %dma_wait3A_273 = arith.constant 0 : i32
      %dma_wait3A_274 = arith.constant 0 : i32
      %dma_wait3A_275 = tpu.memref_slice %arg4[%arg0, %arg1, %run_scoped3A_125, %dma_wait3A_273, %dma_wait3A_274] : memref<2x16x5x50x80xi32, #tpu.memory_space<hbm>> -> memref<1x1x1x50x80xi32, #tpu.memory_space<hbm>>
      %dma_wait3A_276 = tpu.memref_squeeze %dma_wait3A_275 : memref<1x1x1x50x80xi32, #tpu.memory_space<hbm>> -> memref<50x80xi32, #tpu.memory_space<hbm>>
      %dma_wait3A_277 = arith.constant 0 : i32
      %dma_wait3A_278 = arith.constant 0 : i32
      %dma_wait3A_279 = tpu.memref_slice %arg4[%arg0, %arg1, %run_scoped3A_125, %dma_wait3A_277, %dma_wait3A_278] : memref<2x16x5x50x80xi32, #tpu.memory_space<hbm>> -> memref<1x1x1x50x80xi32, #tpu.memory_space<hbm>>
      %dma_wait3A_280 = tpu.memref_squeeze %dma_wait3A_279 : memref<1x1x1x50x80xi32, #tpu.memory_space<hbm>> -> memref<50x80xi32, #tpu.memory_space<hbm>>
      tpu.wait_dma2 semaphore(%run_scoped3A_264 : memref<!tpu.dma_semaphore, #tpu.memory_space<semaphore_mem>>) src(%dma_wait3A_280 : memref<50x80xi32, #tpu.memory_space<hbm>>) dst(%arg7 : memref<50x80xi32, #tpu.memory_space<vmem>>)
      tpu.yield
    }) : () -> ()
    %dma_start3A_126 = arith.constant 0 : i32
    %dma_start3A_127 = arith.constant 0 : i32
    %dma_start3A_128 = tpu.memref_slice %arg6[%dma_start3A_126, %dma_start3A_127] : memref<50x80xi32, #tpu.memory_space<vmem>> -> memref<1x80xi32, #tpu.memory_space<vmem>>
    %dma_start3A_129 = tpu.memref_squeeze %dma_start3A_128 : memref<1x80xi32, #tpu.memory_space<vmem>> -> memref<80xi32, #tpu.memory_space<vmem>>
    %dma_start3A_130 = arith.constant 0 : i32
    %dma_start3A_131 = arith.constant 0 : i32
    %dma_start3A_132 = tpu.memref_slice %arg2[%arg0, %dma_start3A_130, %dma_start3A_131] : memref<2x10240x128xf32, #tpu.memory_space<hbm>> -> memref<1x10240x128xf32, #tpu.memory_space<hbm>>
    %dma_start3A_133 = tpu.memref_squeeze %dma_start3A_132 : memref<1x10240x128xf32, #tpu.memory_space<hbm>> -> memref<10240x128xf32, #tpu.memory_space<hbm>>
    %dma_start3A_134 = arith.constant 0 : i32
    %dma_start3A_135 = arith.constant 0 : i32
    %dma_start3A_136 = tpu.memref_slice %dma_start3A_133[%dma_start3A_134, %dma_start3A_135] : memref<10240x128xf32, #tpu.memory_space<hbm>> -> memref<10240x128xf32, #tpu.memory_space<hbm>>
    tpu.enqueue_indirect_dma source(%dma_start3A_136 : memref<10240x128xf32, #tpu.memory_space<hbm>>) target(%arg8 : memref<80x128xf32, #tpu.memory_space<vmem>>) offsets(%dma_start3A_129 : memref<80xi32, #tpu.memory_space<vmem>>) semaphore(%arg11 : memref<!tpu.dma_semaphore, #tpu.memory_space<semaphore_mem>>)
    %dma_start3A_137 = arith.constant 1 : i32
    %dma_start3A_138 = arith.constant 0 : i32
    %dma_start3A_139 = tpu.memref_slice %arg6[%dma_start3A_137, %dma_start3A_138] : memref<50x80xi32, #tpu.memory_space<vmem>> -> memref<1x80xi32, #tpu.memory_space<vmem>>
    %dma_start3A_140 = tpu.memref_squeeze %dma_start3A_139 : memref<1x80xi32, #tpu.memory_space<vmem>> -> memref<80xi32, #tpu.memory_space<vmem>>
    %dma_start3A_141 = arith.constant 0 : i32
    %dma_start3A_142 = arith.constant 0 : i32
    %dma_start3A_143 = tpu.memref_slice %arg2[%arg0, %dma_start3A_141, %dma_start3A_142] : memref<2x10240x128xf32, #tpu.memory_space<hbm>> -> memref<1x10240x128xf32, #tpu.memory_space<hbm>>
    %dma_start3A_144 = tpu.memref_squeeze %dma_start3A_143 : memref<1x10240x128xf32, #tpu.memory_space<hbm>> -> memref<10240x128xf32, #tpu.memory_space<hbm>>
    %dma_start3A_145 = arith.constant 0 : i32
    %dma_start3A_146 = arith.constant 0 : i32
    %dma_start3A_147 = tpu.memref_slice %dma_start3A_144[%dma_start3A_145, %dma_start3A_146] : memref<10240x128xf32, #tpu.memory_space<hbm>> -> memref<10240x128xf32, #tpu.memory_space<hbm>>
    tpu.enqueue_indirect_dma source(%dma_start3A_147 : memref<10240x128xf32, #tpu.memory_space<hbm>>) target(%arg9 : memref<80x128xf32, #tpu.memory_space<vmem>>) offsets(%dma_start3A_140 : memref<80xi32, #tpu.memory_space<vmem>>) semaphore(%arg12 : memref<!tpu.dma_semaphore, #tpu.memory_space<semaphore_mem>>)
    %scan3A_148 = arith.constant 0 : i32
    %scan3A_149 = arith.constant 0 : i32
    %scan3A_150 = arith.constant 25 : i32
    %scan3A_151 = arith.addi %scan3A_149, %scan3A_150 : i32
    %scan3A_152 = arith.constant 1 : i32
    %scan3A_153 = scf.for %scan3A_264 = %scan3A_149 to %scan3A_151 step %scan3A_152 iter_args(%scan3A_265 = %scan3A_148) -> (i32)  : i32 {
      %mul3A_266 = arith.constant 2 : i32
      %mul3A_267 = arith.muli %mul3A_266, %scan3A_264 : i32
      %mul3A_268 = arith.constant 2 : i32
      %mul3A_269 = arith.muli %mul3A_268, %scan3A_264 : i32
      %add3A_270 = arith.constant 1 : i32
      %add3A_271 = arith.addi %mul3A_269, %add3A_270 : i32
      %dma_wait3A_272 = arith.constant 0 : i32
      %dma_wait3A_273 = arith.constant 0 : i32
      %dma_wait3A_274 = tpu.memref_slice %arg6[%dma_wait3A_272, %dma_wait3A_273] : memref<50x80xi32, #tpu.memory_space<vmem>> -> memref<1x80xi32, #tpu.memory_space<vmem>>
      %dma_wait3A_275 = tpu.memref_squeeze %dma_wait3A_274 : memref<1x80xi32, #tpu.memory_space<vmem>> -> memref<80xi32, #tpu.memory_space<vmem>>
      %dma_wait3A_276 = arith.constant 0 : i32
      %dma_wait3A_277 = arith.constant 0 : i32
      %dma_wait3A_278 = tpu.memref_slice %arg2[%arg0, %dma_wait3A_276, %dma_wait3A_277] : memref<2x10240x128xf32, #tpu.memory_space<hbm>> -> memref<1x10240x128xf32, #tpu.memory_space<hbm>>
      %dma_wait3A_279 = tpu.memref_squeeze %dma_wait3A_278 : memref<1x10240x128xf32, #tpu.memory_space<hbm>> -> memref<10240x128xf32, #tpu.memory_space<hbm>>
      %dma_wait3A_280 = arith.constant 0 : i32
      %dma_wait3A_281 = arith.constant 0 : i32
      %dma_wait3A_282 = tpu.memref_slice %dma_wait3A_279[%dma_wait3A_280, %dma_wait3A_281] : memref<10240x128xf32, #tpu.memory_space<hbm>> -> memref<10240x128xf32, #tpu.memory_space<hbm>>
      tpu.wait_indirect_dma semaphore(%arg11 : memref<!tpu.dma_semaphore, #tpu.memory_space<semaphore_mem>>) src(%dma_wait3A_282 : memref<10240x128xf32, #tpu.memory_space<hbm>>) dst(%arg8 : memref<80x128xf32, #tpu.memory_space<vmem>>)
      %dma_start3A_283 = arith.constant 0 : i32
      %dma_start3A_284 = tpu.memref_slice %arg7[%mul3A_267, %dma_start3A_283] : memref<50x80xi32, #tpu.memory_space<vmem>> -> memref<1x80xi32, #tpu.memory_space<vmem>>
      %dma_start3A_285 = tpu.memref_squeeze %dma_start3A_284 : memref<1x80xi32, #tpu.memory_space<vmem>> -> memref<80xi32, #tpu.memory_space<vmem>>
      %dma_start3A_286 = arith.constant 0 : i32
      %dma_start3A_287 = arith.constant 0 : i32
      %dma_start3A_288 = tpu.memref_slice %arg10[%dma_start3A_286, %dma_start3A_287] : memref<10240x128xf32, #tpu.memory_space<vmem_shared>> -> memref<10240x128xf32, #tpu.memory_space<vmem_shared>>
      tpu.enqueue_indirect_dma source(%arg8 : memref<80x128xf32, #tpu.memory_space<vmem>>) target(%dma_start3A_288 : memref<10240x128xf32, #tpu.memory_space<vmem_shared>>) offsets(%dma_start3A_285 : memref<80xi32, #tpu.memory_space<vmem>>) semaphore(%arg13 : memref<!tpu.dma_semaphore, #tpu.memory_space<semaphore_mem>>) {add = true}
      %dma_wait3A_289 = arith.constant 0 : i32
      %dma_wait3A_290 = arith.constant 0 : i32
      %dma_wait3A_291 = tpu.memref_slice %arg6[%dma_wait3A_289, %dma_wait3A_290] : memref<50x80xi32, #tpu.memory_space<vmem>> -> memref<1x80xi32, #tpu.memory_space<vmem>>
      %dma_wait3A_292 = tpu.memref_squeeze %dma_wait3A_291 : memref<1x80xi32, #tpu.memory_space<vmem>> -> memref<80xi32, #tpu.memory_space<vmem>>
      %dma_wait3A_293 = arith.constant 0 : i32
      %dma_wait3A_294 = arith.constant 0 : i32
      %dma_wait3A_295 = tpu.memref_slice %arg2[%arg0, %dma_wait3A_293, %dma_wait3A_294] : memref<2x10240x128xf32, #tpu.memory_space<hbm>> -> memref<1x10240x128xf32, #tpu.memory_space<hbm>>
      %dma_wait3A_296 = tpu.memref_squeeze %dma_wait3A_295 : memref<1x10240x128xf32, #tpu.memory_space<hbm>> -> memref<10240x128xf32, #tpu.memory_space<hbm>>
      %dma_wait3A_297 = arith.constant 0 : i32
      %dma_wait3A_298 = arith.constant 0 : i32
      %dma_wait3A_299 = tpu.memref_slice %dma_wait3A_296[%dma_wait3A_297, %dma_wait3A_298] : memref<10240x128xf32, #tpu.memory_space<hbm>> -> memref<10240x128xf32, #tpu.memory_space<hbm>>
      tpu.wait_indirect_dma semaphore(%arg12 : memref<!tpu.dma_semaphore, #tpu.memory_space<semaphore_mem>>) src(%dma_wait3A_299 : memref<10240x128xf32, #tpu.memory_space<hbm>>) dst(%arg9 : memref<80x128xf32, #tpu.memory_space<vmem>>)
      %dma_start3A_300 = arith.constant 0 : i32
      %dma_start3A_301 = tpu.memref_slice %arg7[%add3A_271, %dma_start3A_300] : memref<50x80xi32, #tpu.memory_space<vmem>> -> memref<1x80xi32, #tpu.memory_space<vmem>>
      %dma_start3A_302 = tpu.memref_squeeze %dma_start3A_301 : memref<1x80xi32, #tpu.memory_space<vmem>> -> memref<80xi32, #tpu.memory_space<vmem>>
      %dma_start3A_303 = arith.constant 0 : i32
      %dma_start3A_304 = arith.constant 0 : i32
      %dma_start3A_305 = tpu.memref_slice %arg10[%dma_start3A_303, %dma_start3A_304] : memref<10240x128xf32, #tpu.memory_space<vmem_shared>> -> memref<10240x128xf32, #tpu.memory_space<vmem_shared>>
      tpu.enqueue_indirect_dma source(%arg9 : memref<80x128xf32, #tpu.memory_space<vmem>>) target(%dma_start3A_305 : memref<10240x128xf32, #tpu.memory_space<vmem_shared>>) offsets(%dma_start3A_302 : memref<80xi32, #tpu.memory_space<vmem>>) semaphore(%arg14 : memref<!tpu.dma_semaphore, #tpu.memory_space<semaphore_mem>>) {add = true}
      %add3A_306 = arith.constant 2 : i32
      %add3A_307 = arith.addi %mul3A_267, %add3A_306 : i32
      %lt3A = arith.constant 50 : i32
      %lt3A_308 = arith.cmpi slt, %add3A_307, %lt3A : i32
      %convert_element_type3A = arith.extui %lt3A_308 : i1 to i32
      %cond3A = arith.constant 0 : i32
      %cond3A_309 = arith.cmpi ne, %convert_element_type3A, %cond3A : i32
      scf.if %cond3A_309 {
        %dma_wait3A_318 = arith.constant 0 : i32
        %dma_wait3A_319 = arith.constant 0 : i32
        %dma_wait3A_320 = tpu.memref_slice %arg7[%dma_wait3A_318, %dma_wait3A_319] : memref<50x80xi32, #tpu.memory_space<vmem>> -> memref<1x80xi32, #tpu.memory_space<vmem>>
        %dma_wait3A_321 = tpu.memref_squeeze %dma_wait3A_320 : memref<1x80xi32, #tpu.memory_space<vmem>> -> memref<80xi32, #tpu.memory_space<vmem>>
        %dma_wait3A_322 = arith.constant 0 : i32
        %dma_wait3A_323 = arith.constant 0 : i32
        %dma_wait3A_324 = tpu.memref_slice %arg10[%dma_wait3A_322, %dma_wait3A_323] : memref<10240x128xf32, #tpu.memory_space<vmem_shared>> -> memref<10240x128xf32, #tpu.memory_space<vmem_shared>>
        tpu.wait_indirect_dma semaphore(%arg13 : memref<!tpu.dma_semaphore, #tpu.memory_space<semaphore_mem>>) src(%arg8 : memref<80x128xf32, #tpu.memory_space<vmem>>) dst(%dma_wait3A_324 : memref<10240x128xf32, #tpu.memory_space<vmem_shared>>)
        %add3A_325 = arith.constant 2 : i32
        %add3A_326 = arith.addi %mul3A_267, %add3A_325 : i32
        %dma_start3A_327 = arith.constant 0 : i32
        %dma_start3A_328 = tpu.memref_slice %arg6[%add3A_326, %dma_start3A_327] : memref<50x80xi32, #tpu.memory_space<vmem>> -> memref<1x80xi32, #tpu.memory_space<vmem>>
        %dma_start3A_329 = tpu.memref_squeeze %dma_start3A_328 : memref<1x80xi32, #tpu.memory_space<vmem>> -> memref<80xi32, #tpu.memory_space<vmem>>
        %dma_start3A_330 = arith.constant 0 : i32
        %dma_start3A_331 = arith.constant 0 : i32
        %dma_start3A_332 = tpu.memref_slice %arg2[%arg0, %dma_start3A_330, %dma_start3A_331] : memref<2x10240x128xf32, #tpu.memory_space<hbm>> -> memref<1x10240x128xf32, #tpu.memory_space<hbm>>
        %dma_start3A_333 = tpu.memref_squeeze %dma_start3A_332 : memref<1x10240x128xf32, #tpu.memory_space<hbm>> -> memref<10240x128xf32, #tpu.memory_space<hbm>>
        %dma_start3A_334 = arith.constant 0 : i32
        %dma_start3A_335 = arith.constant 0 : i32
        %dma_start3A_336 = tpu.memref_slice %dma_start3A_333[%dma_start3A_334, %dma_start3A_335] : memref<10240x128xf32, #tpu.memory_space<hbm>> -> memref<10240x128xf32, #tpu.memory_space<hbm>>
        tpu.enqueue_indirect_dma source(%dma_start3A_336 : memref<10240x128xf32, #tpu.memory_space<hbm>>) target(%arg8 : memref<80x128xf32, #tpu.memory_space<vmem>>) offsets(%dma_start3A_329 : memref<80xi32, #tpu.memory_space<vmem>>) semaphore(%arg11 : memref<!tpu.dma_semaphore, #tpu.memory_space<semaphore_mem>>)
      } else {
      }
      %add3A_310 = arith.constant 2 : i32
      %add3A_311 = arith.addi %add3A_271, %add3A_310 : i32
      %lt3A_312 = arith.constant 50 : i32
      %lt3A_313 = arith.cmpi slt, %add3A_311, %lt3A_312 : i32
      %convert_element_type3A_314 = arith.extui %lt3A_313 : i1 to i32
      %cond3A_315 = arith.constant 0 : i32
      %cond3A_316 = arith.cmpi ne, %convert_element_type3A_314, %cond3A_315 : i32
      scf.if %cond3A_316 {
        %dma_wait3A_318 = arith.constant 0 : i32
        %dma_wait3A_319 = arith.constant 0 : i32
        %dma_wait3A_320 = tpu.memref_slice %arg7[%dma_wait3A_318, %dma_wait3A_319] : memref<50x80xi32, #tpu.memory_space<vmem>> -> memref<1x80xi32, #tpu.memory_space<vmem>>
        %dma_wait3A_321 = tpu.memref_squeeze %dma_wait3A_320 : memref<1x80xi32, #tpu.memory_space<vmem>> -> memref<80xi32, #tpu.memory_space<vmem>>
        %dma_wait3A_322 = arith.constant 0 : i32
        %dma_wait3A_323 = arith.constant 0 : i32
        %dma_wait3A_324 = tpu.memref_slice %arg10[%dma_wait3A_322, %dma_wait3A_323] : memref<10240x128xf32, #tpu.memory_space<vmem_shared>> -> memref<10240x128xf32, #tpu.memory_space<vmem_shared>>
        tpu.wait_indirect_dma semaphore(%arg14 : memref<!tpu.dma_semaphore, #tpu.memory_space<semaphore_mem>>) src(%arg9 : memref<80x128xf32, #tpu.memory_space<vmem>>) dst(%dma_wait3A_324 : memref<10240x128xf32, #tpu.memory_space<vmem_shared>>)
        %add3A_325 = arith.constant 2 : i32
        %add3A_326 = arith.addi %add3A_271, %add3A_325 : i32
        %dma_start3A_327 = arith.constant 0 : i32
        %dma_start3A_328 = tpu.memref_slice %arg6[%add3A_326, %dma_start3A_327] : memref<50x80xi32, #tpu.memory_space<vmem>> -> memref<1x80xi32, #tpu.memory_space<vmem>>
        %dma_start3A_329 = tpu.memref_squeeze %dma_start3A_328 : memref<1x80xi32, #tpu.memory_space<vmem>> -> memref<80xi32, #tpu.memory_space<vmem>>
        %dma_start3A_330 = arith.constant 0 : i32
        %dma_start3A_331 = arith.constant 0 : i32
        %dma_start3A_332 = tpu.memref_slice %arg2[%arg0, %dma_start3A_330, %dma_start3A_331] : memref<2x10240x128xf32, #tpu.memory_space<hbm>> -> memref<1x10240x128xf32, #tpu.memory_space<hbm>>
        %dma_start3A_333 = tpu.memref_squeeze %dma_start3A_332 : memref<1x10240x128xf32, #tpu.memory_space<hbm>> -> memref<10240x128xf32, #tpu.memory_space<hbm>>
        %dma_start3A_334 = arith.constant 0 : i32
        %dma_start3A_335 = arith.constant 0 : i32
        %dma_start3A_336 = tpu.memref_slice %dma_start3A_333[%dma_start3A_334, %dma_start3A_335] : memref<10240x128xf32, #tpu.memory_space<hbm>> -> memref<10240x128xf32, #tpu.memory_space<hbm>>
        tpu.enqueue_indirect_dma source(%dma_start3A_336 : memref<10240x128xf32, #tpu.memory_space<hbm>>) target(%arg9 : memref<80x128xf32, #tpu.memory_space<vmem>>) offsets(%dma_start3A_329 : memref<80xi32, #tpu.memory_space<vmem>>) semaphore(%arg12 : memref<!tpu.dma_semaphore, #tpu.memory_space<semaphore_mem>>)
      } else {
      }
      %scan3A_317 = arith.constant 0 : i32
      scf.yield %scan3A_317 : i32
    }
    %scan3A_154 = arith.constant 25 : i32
    %dma_wait3A_155 = arith.constant 0 : i32
    %dma_wait3A_156 = arith.constant 0 : i32
    %dma_wait3A_157 = tpu.memref_slice %arg7[%dma_wait3A_155, %dma_wait3A_156] : memref<50x80xi32, #tpu.memory_space<vmem>> -> memref<1x80xi32, #tpu.memory_space<vmem>>
    %dma_wait3A_158 = tpu.memref_squeeze %dma_wait3A_157 : memref<1x80xi32, #tpu.memory_space<vmem>> -> memref<80xi32, #tpu.memory_space<vmem>>
    %dma_wait3A_159 = arith.constant 0 : i32
    %dma_wait3A_160 = arith.constant 0 : i32
    %dma_wait3A_161 = tpu.memref_slice %arg10[%dma_wait3A_159, %dma_wait3A_160] : memref<10240x128xf32, #tpu.memory_space<vmem_shared>> -> memref<10240x128xf32, #tpu.memory_space<vmem_shared>>
    tpu.wait_indirect_dma semaphore(%arg13 : memref<!tpu.dma_semaphore, #tpu.memory_space<semaphore_mem>>) src(%arg8 : memref<80x128xf32, #tpu.memory_space<vmem>>) dst(%dma_wait3A_161 : memref<10240x128xf32, #tpu.memory_space<vmem_shared>>)
    %dma_wait3A_162 = arith.constant 0 : i32
    %dma_wait3A_163 = arith.constant 0 : i32
    %dma_wait3A_164 = tpu.memref_slice %arg7[%dma_wait3A_162, %dma_wait3A_163] : memref<50x80xi32, #tpu.memory_space<vmem>> -> memref<1x80xi32, #tpu.memory_space<vmem>>
    %dma_wait3A_165 = tpu.memref_squeeze %dma_wait3A_164 : memref<1x80xi32, #tpu.memory_space<vmem>> -> memref<80xi32, #tpu.memory_space<vmem>>
    %dma_wait3A_166 = arith.constant 0 : i32
    %dma_wait3A_167 = arith.constant 0 : i32
    %dma_wait3A_168 = tpu.memref_slice %arg10[%dma_wait3A_166, %dma_wait3A_167] : memref<10240x128xf32, #tpu.memory_space<vmem_shared>> -> memref<10240x128xf32, #tpu.memory_space<vmem_shared>>
    tpu.wait_indirect_dma semaphore(%arg14 : memref<!tpu.dma_semaphore, #tpu.memory_space<semaphore_mem>>) src(%arg9 : memref<80x128xf32, #tpu.memory_space<vmem>>) dst(%dma_wait3A_168 : memref<10240x128xf32, #tpu.memory_space<vmem_shared>>)
    %run_scoped3A_169 = arith.constant 3 : i32
    "tpu.region"() ({
      %run_scoped3A_264 = tpu.sem_alloc : memref<!tpu.dma_semaphore, #tpu.memory_space<semaphore_mem>>
      %dma_start3A_265 = arith.constant 0 : i32
      %dma_start3A_266 = arith.constant 0 : i32
      %dma_start3A_267 = tpu.memref_slice %arg3[%arg0, %arg1, %run_scoped3A_169, %dma_start3A_265, %dma_start3A_266] : memref<2x16x5x50x80xi32, #tpu.memory_space<hbm>> -> memref<1x1x1x50x80xi32, #tpu.memory_space<hbm>>
      %dma_start3A_268 = tpu.memref_squeeze %dma_start3A_267 : memref<1x1x1x50x80xi32, #tpu.memory_space<hbm>> -> memref<50x80xi32, #tpu.memory_space<hbm>>
      %dma_start3A_269 = arith.constant 0 : i32
      %dma_start3A_270 = arith.constant 0 : i32
      %dma_start3A_271 = tpu.memref_slice %arg3[%arg0, %arg1, %run_scoped3A_169, %dma_start3A_269, %dma_start3A_270] : memref<2x16x5x50x80xi32, #tpu.memory_space<hbm>> -> memref<1x1x1x50x80xi32, #tpu.memory_space<hbm>>
      %dma_start3A_272 = tpu.memref_squeeze %dma_start3A_271 : memref<1x1x1x50x80xi32, #tpu.memory_space<hbm>> -> memref<50x80xi32, #tpu.memory_space<hbm>>
      tpu.enqueue_dma source(%dma_start3A_272 : memref<50x80xi32, #tpu.memory_space<hbm>>) target(%arg6 : memref<50x80xi32, #tpu.memory_space<vmem>>) target_semaphore(%run_scoped3A_264 : memref<!tpu.dma_semaphore, #tpu.memory_space<semaphore_mem>>)
      %dma_wait3A_273 = arith.constant 0 : i32
      %dma_wait3A_274 = arith.constant 0 : i32
      %dma_wait3A_275 = tpu.memref_slice %arg3[%arg0, %arg1, %run_scoped3A_169, %dma_wait3A_273, %dma_wait3A_274] : memref<2x16x5x50x80xi32, #tpu.memory_space<hbm>> -> memref<1x1x1x50x80xi32, #tpu.memory_space<hbm>>
      %dma_wait3A_276 = tpu.memref_squeeze %dma_wait3A_275 : memref<1x1x1x50x80xi32, #tpu.memory_space<hbm>> -> memref<50x80xi32, #tpu.memory_space<hbm>>
      %dma_wait3A_277 = arith.constant 0 : i32
      %dma_wait3A_278 = arith.constant 0 : i32
      %dma_wait3A_279 = tpu.memref_slice %arg3[%arg0, %arg1, %run_scoped3A_169, %dma_wait3A_277, %dma_wait3A_278] : memref<2x16x5x50x80xi32, #tpu.memory_space<hbm>> -> memref<1x1x1x50x80xi32, #tpu.memory_space<hbm>>
      %dma_wait3A_280 = tpu.memref_squeeze %dma_wait3A_279 : memref<1x1x1x50x80xi32, #tpu.memory_space<hbm>> -> memref<50x80xi32, #tpu.memory_space<hbm>>
      tpu.wait_dma2 semaphore(%run_scoped3A_264 : memref<!tpu.dma_semaphore, #tpu.memory_space<semaphore_mem>>) src(%dma_wait3A_280 : memref<50x80xi32, #tpu.memory_space<hbm>>) dst(%arg6 : memref<50x80xi32, #tpu.memory_space<vmem>>)
      tpu.yield
    }) : () -> ()
    %run_scoped3A_170 = arith.constant 3 : i32
    "tpu.region"() ({
      %run_scoped3A_264 = tpu.sem_alloc : memref<!tpu.dma_semaphore, #tpu.memory_space<semaphore_mem>>
      %dma_start3A_265 = arith.constant 0 : i32
      %dma_start3A_266 = arith.constant 0 : i32
      %dma_start3A_267 = tpu.memref_slice %arg4[%arg0, %arg1, %run_scoped3A_170, %dma_start3A_265, %dma_start3A_266] : memref<2x16x5x50x80xi32, #tpu.memory_space<hbm>> -> memref<1x1x1x50x80xi32, #tpu.memory_space<hbm>>
      %dma_start3A_268 = tpu.memref_squeeze %dma_start3A_267 : memref<1x1x1x50x80xi32, #tpu.memory_space<hbm>> -> memref<50x80xi32, #tpu.memory_space<hbm>>
      %dma_start3A_269 = arith.constant 0 : i32
      %dma_start3A_270 = arith.constant 0 : i32
      %dma_start3A_271 = tpu.memref_slice %arg4[%arg0, %arg1, %run_scoped3A_170, %dma_start3A_269, %dma_start3A_270] : memref<2x16x5x50x80xi32, #tpu.memory_space<hbm>> -> memref<1x1x1x50x80xi32, #tpu.memory_space<hbm>>
      %dma_start3A_272 = tpu.memref_squeeze %dma_start3A_271 : memref<1x1x1x50x80xi32, #tpu.memory_space<hbm>> -> memref<50x80xi32, #tpu.memory_space<hbm>>
      tpu.enqueue_dma source(%dma_start3A_272 : memref<50x80xi32, #tpu.memory_space<hbm>>) target(%arg7 : memref<50x80xi32, #tpu.memory_space<vmem>>) target_semaphore(%run_scoped3A_264 : memref<!tpu.dma_semaphore, #tpu.memory_space<semaphore_mem>>)
      %dma_wait3A_273 = arith.constant 0 : i32
      %dma_wait3A_274 = arith.constant 0 : i32
      %dma_wait3A_275 = tpu.memref_slice %arg4[%arg0, %arg1, %run_scoped3A_170, %dma_wait3A_273, %dma_wait3A_274] : memref<2x16x5x50x80xi32, #tpu.memory_space<hbm>> -> memref<1x1x1x50x80xi32, #tpu.memory_space<hbm>>
      %dma_wait3A_276 = tpu.memref_squeeze %dma_wait3A_275 : memref<1x1x1x50x80xi32, #tpu.memory_space<hbm>> -> memref<50x80xi32, #tpu.memory_space<hbm>>
      %dma_wait3A_277 = arith.constant 0 : i32
      %dma_wait3A_278 = arith.constant 0 : i32
      %dma_wait3A_279 = tpu.memref_slice %arg4[%arg0, %arg1, %run_scoped3A_170, %dma_wait3A_277, %dma_wait3A_278] : memref<2x16x5x50x80xi32, #tpu.memory_space<hbm>> -> memref<1x1x1x50x80xi32, #tpu.memory_space<hbm>>
      %dma_wait3A_280 = tpu.memref_squeeze %dma_wait3A_279 : memref<1x1x1x50x80xi32, #tpu.memory_space<hbm>> -> memref<50x80xi32, #tpu.memory_space<hbm>>
      tpu.wait_dma2 semaphore(%run_scoped3A_264 : memref<!tpu.dma_semaphore, #tpu.memory_space<semaphore_mem>>) src(%dma_wait3A_280 : memref<50x80xi32, #tpu.memory_space<hbm>>) dst(%arg7 : memref<50x80xi32, #tpu.memory_space<vmem>>)
      tpu.yield
    }) : () -> ()
    %dma_start3A_171 = arith.constant 0 : i32
    %dma_start3A_172 = arith.constant 0 : i32
    %dma_start3A_173 = tpu.memref_slice %arg6[%dma_start3A_171, %dma_start3A_172] : memref<50x80xi32, #tpu.memory_space<vmem>> -> memref<1x80xi32, #tpu.memory_space<vmem>>
    %dma_start3A_174 = tpu.memref_squeeze %dma_start3A_173 : memref<1x80xi32, #tpu.memory_space<vmem>> -> memref<80xi32, #tpu.memory_space<vmem>>
    %dma_start3A_175 = arith.constant 0 : i32
    %dma_start3A_176 = arith.constant 0 : i32
    %dma_start3A_177 = tpu.memref_slice %arg2[%arg0, %dma_start3A_175, %dma_start3A_176] : memref<2x10240x128xf32, #tpu.memory_space<hbm>> -> memref<1x10240x128xf32, #tpu.memory_space<hbm>>
    %dma_start3A_178 = tpu.memref_squeeze %dma_start3A_177 : memref<1x10240x128xf32, #tpu.memory_space<hbm>> -> memref<10240x128xf32, #tpu.memory_space<hbm>>
    %dma_start3A_179 = arith.constant 0 : i32
    %dma_start3A_180 = arith.constant 0 : i32
    %dma_start3A_181 = tpu.memref_slice %dma_start3A_178[%dma_start3A_179, %dma_start3A_180] : memref<10240x128xf32, #tpu.memory_space<hbm>> -> memref<10240x128xf32, #tpu.memory_space<hbm>>
    tpu.enqueue_indirect_dma source(%dma_start3A_181 : memref<10240x128xf32, #tpu.memory_space<hbm>>) target(%arg8 : memref<80x128xf32, #tpu.memory_space<vmem>>) offsets(%dma_start3A_174 : memref<80xi32, #tpu.memory_space<vmem>>) semaphore(%arg11 : memref<!tpu.dma_semaphore, #tpu.memory_space<semaphore_mem>>)
    %dma_start3A_182 = arith.constant 1 : i32
    %dma_start3A_183 = arith.constant 0 : i32
    %dma_start3A_184 = tpu.memref_slice %arg6[%dma_start3A_182, %dma_start3A_183] : memref<50x80xi32, #tpu.memory_space<vmem>> -> memref<1x80xi32, #tpu.memory_space<vmem>>
    %dma_start3A_185 = tpu.memref_squeeze %dma_start3A_184 : memref<1x80xi32, #tpu.memory_space<vmem>> -> memref<80xi32, #tpu.memory_space<vmem>>
    %dma_start3A_186 = arith.constant 0 : i32
    %dma_start3A_187 = arith.constant 0 : i32
    %dma_start3A_188 = tpu.memref_slice %arg2[%arg0, %dma_start3A_186, %dma_start3A_187] : memref<2x10240x128xf32, #tpu.memory_space<hbm>> -> memref<1x10240x128xf32, #tpu.memory_space<hbm>>
    %dma_start3A_189 = tpu.memref_squeeze %dma_start3A_188 : memref<1x10240x128xf32, #tpu.memory_space<hbm>> -> memref<10240x128xf32, #tpu.memory_space<hbm>>
    %dma_start3A_190 = arith.constant 0 : i32
    %dma_start3A_191 = arith.constant 0 : i32
    %dma_start3A_192 = tpu.memref_slice %dma_start3A_189[%dma_start3A_190, %dma_start3A_191] : memref<10240x128xf32, #tpu.memory_space<hbm>> -> memref<10240x128xf32, #tpu.memory_space<hbm>>
    tpu.enqueue_indirect_dma source(%dma_start3A_192 : memref<10240x128xf32, #tpu.memory_space<hbm>>) target(%arg9 : memref<80x128xf32, #tpu.memory_space<vmem>>) offsets(%dma_start3A_185 : memref<80xi32, #tpu.memory_space<vmem>>) semaphore(%arg12 : memref<!tpu.dma_semaphore, #tpu.memory_space<semaphore_mem>>)
    %scan3A_193 = arith.constant 0 : i32
    %scan3A_194 = arith.constant 0 : i32
    %scan3A_195 = arith.constant 25 : i32
    %scan3A_196 = arith.addi %scan3A_194, %scan3A_195 : i32
    %scan3A_197 = arith.constant 1 : i32
    %scan3A_198 = scf.for %scan3A_264 = %scan3A_194 to %scan3A_196 step %scan3A_197 iter_args(%scan3A_265 = %scan3A_193) -> (i32)  : i32 {
      %mul3A_266 = arith.constant 2 : i32
      %mul3A_267 = arith.muli %mul3A_266, %scan3A_264 : i32
      %mul3A_268 = arith.constant 2 : i32
      %mul3A_269 = arith.muli %mul3A_268, %scan3A_264 : i32
      %add3A_270 = arith.constant 1 : i32
      %add3A_271 = arith.addi %mul3A_269, %add3A_270 : i32
      %dma_wait3A_272 = arith.constant 0 : i32
      %dma_wait3A_273 = arith.constant 0 : i32
      %dma_wait3A_274 = tpu.memref_slice %arg6[%dma_wait3A_272, %dma_wait3A_273] : memref<50x80xi32, #tpu.memory_space<vmem>> -> memref<1x80xi32, #tpu.memory_space<vmem>>
      %dma_wait3A_275 = tpu.memref_squeeze %dma_wait3A_274 : memref<1x80xi32, #tpu.memory_space<vmem>> -> memref<80xi32, #tpu.memory_space<vmem>>
      %dma_wait3A_276 = arith.constant 0 : i32
      %dma_wait3A_277 = arith.constant 0 : i32
      %dma_wait3A_278 = tpu.memref_slice %arg2[%arg0, %dma_wait3A_276, %dma_wait3A_277] : memref<2x10240x128xf32, #tpu.memory_space<hbm>> -> memref<1x10240x128xf32, #tpu.memory_space<hbm>>
      %dma_wait3A_279 = tpu.memref_squeeze %dma_wait3A_278 : memref<1x10240x128xf32, #tpu.memory_space<hbm>> -> memref<10240x128xf32, #tpu.memory_space<hbm>>
      %dma_wait3A_280 = arith.constant 0 : i32
      %dma_wait3A_281 = arith.constant 0 : i32
      %dma_wait3A_282 = tpu.memref_slice %dma_wait3A_279[%dma_wait3A_280, %dma_wait3A_281] : memref<10240x128xf32, #tpu.memory_space<hbm>> -> memref<10240x128xf32, #tpu.memory_space<hbm>>
      tpu.wait_indirect_dma semaphore(%arg11 : memref<!tpu.dma_semaphore, #tpu.memory_space<semaphore_mem>>) src(%dma_wait3A_282 : memref<10240x128xf32, #tpu.memory_space<hbm>>) dst(%arg8 : memref<80x128xf32, #tpu.memory_space<vmem>>)
      %dma_start3A_283 = arith.constant 0 : i32
      %dma_start3A_284 = tpu.memref_slice %arg7[%mul3A_267, %dma_start3A_283] : memref<50x80xi32, #tpu.memory_space<vmem>> -> memref<1x80xi32, #tpu.memory_space<vmem>>
      %dma_start3A_285 = tpu.memref_squeeze %dma_start3A_284 : memref<1x80xi32, #tpu.memory_space<vmem>> -> memref<80xi32, #tpu.memory_space<vmem>>
      %dma_start3A_286 = arith.constant 0 : i32
      %dma_start3A_287 = arith.constant 0 : i32
      %dma_start3A_288 = tpu.memref_slice %arg10[%dma_start3A_286, %dma_start3A_287] : memref<10240x128xf32, #tpu.memory_space<vmem_shared>> -> memref<10240x128xf32, #tpu.memory_space<vmem_shared>>
      tpu.enqueue_indirect_dma source(%arg8 : memref<80x128xf32, #tpu.memory_space<vmem>>) target(%dma_start3A_288 : memref<10240x128xf32, #tpu.memory_space<vmem_shared>>) offsets(%dma_start3A_285 : memref<80xi32, #tpu.memory_space<vmem>>) semaphore(%arg13 : memref<!tpu.dma_semaphore, #tpu.memory_space<semaphore_mem>>) {add = true}
      %dma_wait3A_289 = arith.constant 0 : i32
      %dma_wait3A_290 = arith.constant 0 : i32
      %dma_wait3A_291 = tpu.memref_slice %arg6[%dma_wait3A_289, %dma_wait3A_290] : memref<50x80xi32, #tpu.memory_space<vmem>> -> memref<1x80xi32, #tpu.memory_space<vmem>>
      %dma_wait3A_292 = tpu.memref_squeeze %dma_wait3A_291 : memref<1x80xi32, #tpu.memory_space<vmem>> -> memref<80xi32, #tpu.memory_space<vmem>>
      %dma_wait3A_293 = arith.constant 0 : i32
      %dma_wait3A_294 = arith.constant 0 : i32
      %dma_wait3A_295 = tpu.memref_slice %arg2[%arg0, %dma_wait3A_293, %dma_wait3A_294] : memref<2x10240x128xf32, #tpu.memory_space<hbm>> -> memref<1x10240x128xf32, #tpu.memory_space<hbm>>
      %dma_wait3A_296 = tpu.memref_squeeze %dma_wait3A_295 : memref<1x10240x128xf32, #tpu.memory_space<hbm>> -> memref<10240x128xf32, #tpu.memory_space<hbm>>
      %dma_wait3A_297 = arith.constant 0 : i32
      %dma_wait3A_298 = arith.constant 0 : i32
      %dma_wait3A_299 = tpu.memref_slice %dma_wait3A_296[%dma_wait3A_297, %dma_wait3A_298] : memref<10240x128xf32, #tpu.memory_space<hbm>> -> memref<10240x128xf32, #tpu.memory_space<hbm>>
      tpu.wait_indirect_dma semaphore(%arg12 : memref<!tpu.dma_semaphore, #tpu.memory_space<semaphore_mem>>) src(%dma_wait3A_299 : memref<10240x128xf32, #tpu.memory_space<hbm>>) dst(%arg9 : memref<80x128xf32, #tpu.memory_space<vmem>>)
      %dma_start3A_300 = arith.constant 0 : i32
      %dma_start3A_301 = tpu.memref_slice %arg7[%add3A_271, %dma_start3A_300] : memref<50x80xi32, #tpu.memory_space<vmem>> -> memref<1x80xi32, #tpu.memory_space<vmem>>
      %dma_start3A_302 = tpu.memref_squeeze %dma_start3A_301 : memref<1x80xi32, #tpu.memory_space<vmem>> -> memref<80xi32, #tpu.memory_space<vmem>>
      %dma_start3A_303 = arith.constant 0 : i32
      %dma_start3A_304 = arith.constant 0 : i32
      %dma_start3A_305 = tpu.memref_slice %arg10[%dma_start3A_303, %dma_start3A_304] : memref<10240x128xf32, #tpu.memory_space<vmem_shared>> -> memref<10240x128xf32, #tpu.memory_space<vmem_shared>>
      tpu.enqueue_indirect_dma source(%arg9 : memref<80x128xf32, #tpu.memory_space<vmem>>) target(%dma_start3A_305 : memref<10240x128xf32, #tpu.memory_space<vmem_shared>>) offsets(%dma_start3A_302 : memref<80xi32, #tpu.memory_space<vmem>>) semaphore(%arg14 : memref<!tpu.dma_semaphore, #tpu.memory_space<semaphore_mem>>) {add = true}
      %add3A_306 = arith.constant 2 : i32
      %add3A_307 = arith.addi %mul3A_267, %add3A_306 : i32
      %lt3A = arith.constant 50 : i32
      %lt3A_308 = arith.cmpi slt, %add3A_307, %lt3A : i32
      %convert_element_type3A = arith.extui %lt3A_308 : i1 to i32
      %cond3A = arith.constant 0 : i32
      %cond3A_309 = arith.cmpi ne, %convert_element_type3A, %cond3A : i32
      scf.if %cond3A_309 {
        %dma_wait3A_318 = arith.constant 0 : i32
        %dma_wait3A_319 = arith.constant 0 : i32
        %dma_wait3A_320 = tpu.memref_slice %arg7[%dma_wait3A_318, %dma_wait3A_319] : memref<50x80xi32, #tpu.memory_space<vmem>> -> memref<1x80xi32, #tpu.memory_space<vmem>>
        %dma_wait3A_321 = tpu.memref_squeeze %dma_wait3A_320 : memref<1x80xi32, #tpu.memory_space<vmem>> -> memref<80xi32, #tpu.memory_space<vmem>>
        %dma_wait3A_322 = arith.constant 0 : i32
        %dma_wait3A_323 = arith.constant 0 : i32
        %dma_wait3A_324 = tpu.memref_slice %arg10[%dma_wait3A_322, %dma_wait3A_323] : memref<10240x128xf32, #tpu.memory_space<vmem_shared>> -> memref<10240x128xf32, #tpu.memory_space<vmem_shared>>
        tpu.wait_indirect_dma semaphore(%arg13 : memref<!tpu.dma_semaphore, #tpu.memory_space<semaphore_mem>>) src(%arg8 : memref<80x128xf32, #tpu.memory_space<vmem>>) dst(%dma_wait3A_324 : memref<10240x128xf32, #tpu.memory_space<vmem_shared>>)
        %add3A_325 = arith.constant 2 : i32
        %add3A_326 = arith.addi %mul3A_267, %add3A_325 : i32
        %dma_start3A_327 = arith.constant 0 : i32
        %dma_start3A_328 = tpu.memref_slice %arg6[%add3A_326, %dma_start3A_327] : memref<50x80xi32, #tpu.memory_space<vmem>> -> memref<1x80xi32, #tpu.memory_space<vmem>>
        %dma_start3A_329 = tpu.memref_squeeze %dma_start3A_328 : memref<1x80xi32, #tpu.memory_space<vmem>> -> memref<80xi32, #tpu.memory_space<vmem>>
        %dma_start3A_330 = arith.constant 0 : i32
        %dma_start3A_331 = arith.constant 0 : i32
        %dma_start3A_332 = tpu.memref_slice %arg2[%arg0, %dma_start3A_330, %dma_start3A_331] : memref<2x10240x128xf32, #tpu.memory_space<hbm>> -> memref<1x10240x128xf32, #tpu.memory_space<hbm>>
        %dma_start3A_333 = tpu.memref_squeeze %dma_start3A_332 : memref<1x10240x128xf32, #tpu.memory_space<hbm>> -> memref<10240x128xf32, #tpu.memory_space<hbm>>
        %dma_start3A_334 = arith.constant 0 : i32
        %dma_start3A_335 = arith.constant 0 : i32
        %dma_start3A_336 = tpu.memref_slice %dma_start3A_333[%dma_start3A_334, %dma_start3A_335] : memref<10240x128xf32, #tpu.memory_space<hbm>> -> memref<10240x128xf32, #tpu.memory_space<hbm>>
        tpu.enqueue_indirect_dma source(%dma_start3A_336 : memref<10240x128xf32, #tpu.memory_space<hbm>>) target(%arg8 : memref<80x128xf32, #tpu.memory_space<vmem>>) offsets(%dma_start3A_329 : memref<80xi32, #tpu.memory_space<vmem>>) semaphore(%arg11 : memref<!tpu.dma_semaphore, #tpu.memory_space<semaphore_mem>>)
      } else {
      }
      %add3A_310 = arith.constant 2 : i32
      %add3A_311 = arith.addi %add3A_271, %add3A_310 : i32
      %lt3A_312 = arith.constant 50 : i32
      %lt3A_313 = arith.cmpi slt, %add3A_311, %lt3A_312 : i32
      %convert_element_type3A_314 = arith.extui %lt3A_313 : i1 to i32
      %cond3A_315 = arith.constant 0 : i32
      %cond3A_316 = arith.cmpi ne, %convert_element_type3A_314, %cond3A_315 : i32
      scf.if %cond3A_316 {
        %dma_wait3A_318 = arith.constant 0 : i32
        %dma_wait3A_319 = arith.constant 0 : i32
        %dma_wait3A_320 = tpu.memref_slice %arg7[%dma_wait3A_318, %dma_wait3A_319] : memref<50x80xi32, #tpu.memory_space<vmem>> -> memref<1x80xi32, #tpu.memory_space<vmem>>
        %dma_wait3A_321 = tpu.memref_squeeze %dma_wait3A_320 : memref<1x80xi32, #tpu.memory_space<vmem>> -> memref<80xi32, #tpu.memory_space<vmem>>
        %dma_wait3A_322 = arith.constant 0 : i32
        %dma_wait3A_323 = arith.constant 0 : i32
        %dma_wait3A_324 = tpu.memref_slice %arg10[%dma_wait3A_322, %dma_wait3A_323] : memref<10240x128xf32, #tpu.memory_space<vmem_shared>> -> memref<10240x128xf32, #tpu.memory_space<vmem_shared>>
        tpu.wait_indirect_dma semaphore(%arg14 : memref<!tpu.dma_semaphore, #tpu.memory_space<semaphore_mem>>) src(%arg9 : memref<80x128xf32, #tpu.memory_space<vmem>>) dst(%dma_wait3A_324 : memref<10240x128xf32, #tpu.memory_space<vmem_shared>>)
        %add3A_325 = arith.constant 2 : i32
        %add3A_326 = arith.addi %add3A_271, %add3A_325 : i32
        %dma_start3A_327 = arith.constant 0 : i32
        %dma_start3A_328 = tpu.memref_slice %arg6[%add3A_326, %dma_start3A_327] : memref<50x80xi32, #tpu.memory_space<vmem>> -> memref<1x80xi32, #tpu.memory_space<vmem>>
        %dma_start3A_329 = tpu.memref_squeeze %dma_start3A_328 : memref<1x80xi32, #tpu.memory_space<vmem>> -> memref<80xi32, #tpu.memory_space<vmem>>
        %dma_start3A_330 = arith.constant 0 : i32
        %dma_start3A_331 = arith.constant 0 : i32
        %dma_start3A_332 = tpu.memref_slice %arg2[%arg0, %dma_start3A_330, %dma_start3A_331] : memref<2x10240x128xf32, #tpu.memory_space<hbm>> -> memref<1x10240x128xf32, #tpu.memory_space<hbm>>
        %dma_start3A_333 = tpu.memref_squeeze %dma_start3A_332 : memref<1x10240x128xf32, #tpu.memory_space<hbm>> -> memref<10240x128xf32, #tpu.memory_space<hbm>>
        %dma_start3A_334 = arith.constant 0 : i32
        %dma_start3A_335 = arith.constant 0 : i32
        %dma_start3A_336 = tpu.memref_slice %dma_start3A_333[%dma_start3A_334, %dma_start3A_335] : memref<10240x128xf32, #tpu.memory_space<hbm>> -> memref<10240x128xf32, #tpu.memory_space<hbm>>
        tpu.enqueue_indirect_dma source(%dma_start3A_336 : memref<10240x128xf32, #tpu.memory_space<hbm>>) target(%arg9 : memref<80x128xf32, #tpu.memory_space<vmem>>) offsets(%dma_start3A_329 : memref<80xi32, #tpu.memory_space<vmem>>) semaphore(%arg12 : memref<!tpu.dma_semaphore, #tpu.memory_space<semaphore_mem>>)
      } else {
      }
      %scan3A_317 = arith.constant 0 : i32
      scf.yield %scan3A_317 : i32
    }
    %scan3A_199 = arith.constant 25 : i32
    %dma_wait3A_200 = arith.constant 0 : i32
    %dma_wait3A_201 = arith.constant 0 : i32
    %dma_wait3A_202 = tpu.memref_slice %arg7[%dma_wait3A_200, %dma_wait3A_201] : memref<50x80xi32, #tpu.memory_space<vmem>> -> memref<1x80xi32, #tpu.memory_space<vmem>>
    %dma_wait3A_203 = tpu.memref_squeeze %dma_wait3A_202 : memref<1x80xi32, #tpu.memory_space<vmem>> -> memref<80xi32, #tpu.memory_space<vmem>>
    %dma_wait3A_204 = arith.constant 0 : i32
    %dma_wait3A_205 = arith.constant 0 : i32
    %dma_wait3A_206 = tpu.memref_slice %arg10[%dma_wait3A_204, %dma_wait3A_205] : memref<10240x128xf32, #tpu.memory_space<vmem_shared>> -> memref<10240x128xf32, #tpu.memory_space<vmem_shared>>
    tpu.wait_indirect_dma semaphore(%arg13 : memref<!tpu.dma_semaphore, #tpu.memory_space<semaphore_mem>>) src(%arg8 : memref<80x128xf32, #tpu.memory_space<vmem>>) dst(%dma_wait3A_206 : memref<10240x128xf32, #tpu.memory_space<vmem_shared>>)
    %dma_wait3A_207 = arith.constant 0 : i32
    %dma_wait3A_208 = arith.constant 0 : i32
    %dma_wait3A_209 = tpu.memref_slice %arg7[%dma_wait3A_207, %dma_wait3A_208] : memref<50x80xi32, #tpu.memory_space<vmem>> -> memref<1x80xi32, #tpu.memory_space<vmem>>
    %dma_wait3A_210 = tpu.memref_squeeze %dma_wait3A_209 : memref<1x80xi32, #tpu.memory_space<vmem>> -> memref<80xi32, #tpu.memory_space<vmem>>
    %dma_wait3A_211 = arith.constant 0 : i32
    %dma_wait3A_212 = arith.constant 0 : i32
    %dma_wait3A_213 = tpu.memref_slice %arg10[%dma_wait3A_211, %dma_wait3A_212] : memref<10240x128xf32, #tpu.memory_space<vmem_shared>> -> memref<10240x128xf32, #tpu.memory_space<vmem_shared>>
    tpu.wait_indirect_dma semaphore(%arg14 : memref<!tpu.dma_semaphore, #tpu.memory_space<semaphore_mem>>) src(%arg9 : memref<80x128xf32, #tpu.memory_space<vmem>>) dst(%dma_wait3A_213 : memref<10240x128xf32, #tpu.memory_space<vmem_shared>>)
    %run_scoped3A_214 = arith.constant 4 : i32
    "tpu.region"() ({
      %run_scoped3A_264 = tpu.sem_alloc : memref<!tpu.dma_semaphore, #tpu.memory_space<semaphore_mem>>
      %dma_start3A_265 = arith.constant 0 : i32
      %dma_start3A_266 = arith.constant 0 : i32
      %dma_start3A_267 = tpu.memref_slice %arg3[%arg0, %arg1, %run_scoped3A_214, %dma_start3A_265, %dma_start3A_266] : memref<2x16x5x50x80xi32, #tpu.memory_space<hbm>> -> memref<1x1x1x50x80xi32, #tpu.memory_space<hbm>>
      %dma_start3A_268 = tpu.memref_squeeze %dma_start3A_267 : memref<1x1x1x50x80xi32, #tpu.memory_space<hbm>> -> memref<50x80xi32, #tpu.memory_space<hbm>>
      %dma_start3A_269 = arith.constant 0 : i32
      %dma_start3A_270 = arith.constant 0 : i32
      %dma_start3A_271 = tpu.memref_slice %arg3[%arg0, %arg1, %run_scoped3A_214, %dma_start3A_269, %dma_start3A_270] : memref<2x16x5x50x80xi32, #tpu.memory_space<hbm>> -> memref<1x1x1x50x80xi32, #tpu.memory_space<hbm>>
      %dma_start3A_272 = tpu.memref_squeeze %dma_start3A_271 : memref<1x1x1x50x80xi32, #tpu.memory_space<hbm>> -> memref<50x80xi32, #tpu.memory_space<hbm>>
      tpu.enqueue_dma source(%dma_start3A_272 : memref<50x80xi32, #tpu.memory_space<hbm>>) target(%arg6 : memref<50x80xi32, #tpu.memory_space<vmem>>) target_semaphore(%run_scoped3A_264 : memref<!tpu.dma_semaphore, #tpu.memory_space<semaphore_mem>>)
      %dma_wait3A_273 = arith.constant 0 : i32
      %dma_wait3A_274 = arith.constant 0 : i32
      %dma_wait3A_275 = tpu.memref_slice %arg3[%arg0, %arg1, %run_scoped3A_214, %dma_wait3A_273, %dma_wait3A_274] : memref<2x16x5x50x80xi32, #tpu.memory_space<hbm>> -> memref<1x1x1x50x80xi32, #tpu.memory_space<hbm>>
      %dma_wait3A_276 = tpu.memref_squeeze %dma_wait3A_275 : memref<1x1x1x50x80xi32, #tpu.memory_space<hbm>> -> memref<50x80xi32, #tpu.memory_space<hbm>>
      %dma_wait3A_277 = arith.constant 0 : i32
      %dma_wait3A_278 = arith.constant 0 : i32
      %dma_wait3A_279 = tpu.memref_slice %arg3[%arg0, %arg1, %run_scoped3A_214, %dma_wait3A_277, %dma_wait3A_278] : memref<2x16x5x50x80xi32, #tpu.memory_space<hbm>> -> memref<1x1x1x50x80xi32, #tpu.memory_space<hbm>>
      %dma_wait3A_280 = tpu.memref_squeeze %dma_wait3A_279 : memref<1x1x1x50x80xi32, #tpu.memory_space<hbm>> -> memref<50x80xi32, #tpu.memory_space<hbm>>
      tpu.wait_dma2 semaphore(%run_scoped3A_264 : memref<!tpu.dma_semaphore, #tpu.memory_space<semaphore_mem>>) src(%dma_wait3A_280 : memref<50x80xi32, #tpu.memory_space<hbm>>) dst(%arg6 : memref<50x80xi32, #tpu.memory_space<vmem>>)
      tpu.yield
    }) : () -> ()
    %run_scoped3A_215 = arith.constant 4 : i32
    "tpu.region"() ({
      %run_scoped3A_264 = tpu.sem_alloc : memref<!tpu.dma_semaphore, #tpu.memory_space<semaphore_mem>>
      %dma_start3A_265 = arith.constant 0 : i32
      %dma_start3A_266 = arith.constant 0 : i32
      %dma_start3A_267 = tpu.memref_slice %arg4[%arg0, %arg1, %run_scoped3A_215, %dma_start3A_265, %dma_start3A_266] : memref<2x16x5x50x80xi32, #tpu.memory_space<hbm>> -> memref<1x1x1x50x80xi32, #tpu.memory_space<hbm>>
      %dma_start3A_268 = tpu.memref_squeeze %dma_start3A_267 : memref<1x1x1x50x80xi32, #tpu.memory_space<hbm>> -> memref<50x80xi32, #tpu.memory_space<hbm>>
      %dma_start3A_269 = arith.constant 0 : i32
      %dma_start3A_270 = arith.constant 0 : i32
      %dma_start3A_271 = tpu.memref_slice %arg4[%arg0, %arg1, %run_scoped3A_215, %dma_start3A_269, %dma_start3A_270] : memref<2x16x5x50x80xi32, #tpu.memory_space<hbm>> -> memref<1x1x1x50x80xi32, #tpu.memory_space<hbm>>
      %dma_start3A_272 = tpu.memref_squeeze %dma_start3A_271 : memref<1x1x1x50x80xi32, #tpu.memory_space<hbm>> -> memref<50x80xi32, #tpu.memory_space<hbm>>
      tpu.enqueue_dma source(%dma_start3A_272 : memref<50x80xi32, #tpu.memory_space<hbm>>) target(%arg7 : memref<50x80xi32, #tpu.memory_space<vmem>>) target_semaphore(%run_scoped3A_264 : memref<!tpu.dma_semaphore, #tpu.memory_space<semaphore_mem>>)
      %dma_wait3A_273 = arith.constant 0 : i32
      %dma_wait3A_274 = arith.constant 0 : i32
      %dma_wait3A_275 = tpu.memref_slice %arg4[%arg0, %arg1, %run_scoped3A_215, %dma_wait3A_273, %dma_wait3A_274] : memref<2x16x5x50x80xi32, #tpu.memory_space<hbm>> -> memref<1x1x1x50x80xi32, #tpu.memory_space<hbm>>
      %dma_wait3A_276 = tpu.memref_squeeze %dma_wait3A_275 : memref<1x1x1x50x80xi32, #tpu.memory_space<hbm>> -> memref<50x80xi32, #tpu.memory_space<hbm>>
      %dma_wait3A_277 = arith.constant 0 : i32
      %dma_wait3A_278 = arith.constant 0 : i32
      %dma_wait3A_279 = tpu.memref_slice %arg4[%arg0, %arg1, %run_scoped3A_215, %dma_wait3A_277, %dma_wait3A_278] : memref<2x16x5x50x80xi32, #tpu.memory_space<hbm>> -> memref<1x1x1x50x80xi32, #tpu.memory_space<hbm>>
      %dma_wait3A_280 = tpu.memref_squeeze %dma_wait3A_279 : memref<1x1x1x50x80xi32, #tpu.memory_space<hbm>> -> memref<50x80xi32, #tpu.memory_space<hbm>>
      tpu.wait_dma2 semaphore(%run_scoped3A_264 : memref<!tpu.dma_semaphore, #tpu.memory_space<semaphore_mem>>) src(%dma_wait3A_280 : memref<50x80xi32, #tpu.memory_space<hbm>>) dst(%arg7 : memref<50x80xi32, #tpu.memory_space<vmem>>)
      tpu.yield
    }) : () -> ()
    %dma_start3A_216 = arith.constant 0 : i32
    %dma_start3A_217 = arith.constant 0 : i32
    %dma_start3A_218 = tpu.memref_slice %arg6[%dma_start3A_216, %dma_start3A_217] : memref<50x80xi32, #tpu.memory_space<vmem>> -> memref<1x80xi32, #tpu.memory_space<vmem>>
    %dma_start3A_219 = tpu.memref_squeeze %dma_start3A_218 : memref<1x80xi32, #tpu.memory_space<vmem>> -> memref<80xi32, #tpu.memory_space<vmem>>
    %dma_start3A_220 = arith.constant 0 : i32
    %dma_start3A_221 = arith.constant 0 : i32
    %dma_start3A_222 = tpu.memref_slice %arg2[%arg0, %dma_start3A_220, %dma_start3A_221] : memref<2x10240x128xf32, #tpu.memory_space<hbm>> -> memref<1x10240x128xf32, #tpu.memory_space<hbm>>
    %dma_start3A_223 = tpu.memref_squeeze %dma_start3A_222 : memref<1x10240x128xf32, #tpu.memory_space<hbm>> -> memref<10240x128xf32, #tpu.memory_space<hbm>>
    %dma_start3A_224 = arith.constant 0 : i32
    %dma_start3A_225 = arith.constant 0 : i32
    %dma_start3A_226 = tpu.memref_slice %dma_start3A_223[%dma_start3A_224, %dma_start3A_225] : memref<10240x128xf32, #tpu.memory_space<hbm>> -> memref<10240x128xf32, #tpu.memory_space<hbm>>
    tpu.enqueue_indirect_dma source(%dma_start3A_226 : memref<10240x128xf32, #tpu.memory_space<hbm>>) target(%arg8 : memref<80x128xf32, #tpu.memory_space<vmem>>) offsets(%dma_start3A_219 : memref<80xi32, #tpu.memory_space<vmem>>) semaphore(%arg11 : memref<!tpu.dma_semaphore, #tpu.memory_space<semaphore_mem>>)
    %dma_start3A_227 = arith.constant 1 : i32
    %dma_start3A_228 = arith.constant 0 : i32
    %dma_start3A_229 = tpu.memref_slice %arg6[%dma_start3A_227, %dma_start3A_228] : memref<50x80xi32, #tpu.memory_space<vmem>> -> memref<1x80xi32, #tpu.memory_space<vmem>>
    %dma_start3A_230 = tpu.memref_squeeze %dma_start3A_229 : memref<1x80xi32, #tpu.memory_space<vmem>> -> memref<80xi32, #tpu.memory_space<vmem>>
    %dma_start3A_231 = arith.constant 0 : i32
    %dma_start3A_232 = arith.constant 0 : i32
    %dma_start3A_233 = tpu.memref_slice %arg2[%arg0, %dma_start3A_231, %dma_start3A_232] : memref<2x10240x128xf32, #tpu.memory_space<hbm>> -> memref<1x10240x128xf32, #tpu.memory_space<hbm>>
    %dma_start3A_234 = tpu.memref_squeeze %dma_start3A_233 : memref<1x10240x128xf32, #tpu.memory_space<hbm>> -> memref<10240x128xf32, #tpu.memory_space<hbm>>
    %dma_start3A_235 = arith.constant 0 : i32
    %dma_start3A_236 = arith.constant 0 : i32
    %dma_start3A_237 = tpu.memref_slice %dma_start3A_234[%dma_start3A_235, %dma_start3A_236] : memref<10240x128xf32, #tpu.memory_space<hbm>> -> memref<10240x128xf32, #tpu.memory_space<hbm>>
    tpu.enqueue_indirect_dma source(%dma_start3A_237 : memref<10240x128xf32, #tpu.memory_space<hbm>>) target(%arg9 : memref<80x128xf32, #tpu.memory_space<vmem>>) offsets(%dma_start3A_230 : memref<80xi32, #tpu.memory_space<vmem>>) semaphore(%arg12 : memref<!tpu.dma_semaphore, #tpu.memory_space<semaphore_mem>>)
    %scan3A_238 = arith.constant 0 : i32
    %scan3A_239 = arith.constant 0 : i32
    %scan3A_240 = arith.constant 25 : i32
    %scan3A_241 = arith.addi %scan3A_239, %scan3A_240 : i32
    %scan3A_242 = arith.constant 1 : i32
    %scan3A_243 = scf.for %scan3A_264 = %scan3A_239 to %scan3A_241 step %scan3A_242 iter_args(%scan3A_265 = %scan3A_238) -> (i32)  : i32 {
      %mul3A_266 = arith.constant 2 : i32
      %mul3A_267 = arith.muli %mul3A_266, %scan3A_264 : i32
      %mul3A_268 = arith.constant 2 : i32
      %mul3A_269 = arith.muli %mul3A_268, %scan3A_264 : i32
      %add3A_270 = arith.constant 1 : i32
      %add3A_271 = arith.addi %mul3A_269, %add3A_270 : i32
      %dma_wait3A_272 = arith.constant 0 : i32
      %dma_wait3A_273 = arith.constant 0 : i32
      %dma_wait3A_274 = tpu.memref_slice %arg6[%dma_wait3A_272, %dma_wait3A_273] : memref<50x80xi32, #tpu.memory_space<vmem>> -> memref<1x80xi32, #tpu.memory_space<vmem>>
      %dma_wait3A_275 = tpu.memref_squeeze %dma_wait3A_274 : memref<1x80xi32, #tpu.memory_space<vmem>> -> memref<80xi32, #tpu.memory_space<vmem>>
      %dma_wait3A_276 = arith.constant 0 : i32
      %dma_wait3A_277 = arith.constant 0 : i32
      %dma_wait3A_278 = tpu.memref_slice %arg2[%arg0, %dma_wait3A_276, %dma_wait3A_277] : memref<2x10240x128xf32, #tpu.memory_space<hbm>> -> memref<1x10240x128xf32, #tpu.memory_space<hbm>>
      %dma_wait3A_279 = tpu.memref_squeeze %dma_wait3A_278 : memref<1x10240x128xf32, #tpu.memory_space<hbm>> -> memref<10240x128xf32, #tpu.memory_space<hbm>>
      %dma_wait3A_280 = arith.constant 0 : i32
      %dma_wait3A_281 = arith.constant 0 : i32
      %dma_wait3A_282 = tpu.memref_slice %dma_wait3A_279[%dma_wait3A_280, %dma_wait3A_281] : memref<10240x128xf32, #tpu.memory_space<hbm>> -> memref<10240x128xf32, #tpu.memory_space<hbm>>
      tpu.wait_indirect_dma semaphore(%arg11 : memref<!tpu.dma_semaphore, #tpu.memory_space<semaphore_mem>>) src(%dma_wait3A_282 : memref<10240x128xf32, #tpu.memory_space<hbm>>) dst(%arg8 : memref<80x128xf32, #tpu.memory_space<vmem>>)
      %dma_start3A_283 = arith.constant 0 : i32
      %dma_start3A_284 = tpu.memref_slice %arg7[%mul3A_267, %dma_start3A_283] : memref<50x80xi32, #tpu.memory_space<vmem>> -> memref<1x80xi32, #tpu.memory_space<vmem>>
      %dma_start3A_285 = tpu.memref_squeeze %dma_start3A_284 : memref<1x80xi32, #tpu.memory_space<vmem>> -> memref<80xi32, #tpu.memory_space<vmem>>
      %dma_start3A_286 = arith.constant 0 : i32
      %dma_start3A_287 = arith.constant 0 : i32
      %dma_start3A_288 = tpu.memref_slice %arg10[%dma_start3A_286, %dma_start3A_287] : memref<10240x128xf32, #tpu.memory_space<vmem_shared>> -> memref<10240x128xf32, #tpu.memory_space<vmem_shared>>
      tpu.enqueue_indirect_dma source(%arg8 : memref<80x128xf32, #tpu.memory_space<vmem>>) target(%dma_start3A_288 : memref<10240x128xf32, #tpu.memory_space<vmem_shared>>) offsets(%dma_start3A_285 : memref<80xi32, #tpu.memory_space<vmem>>) semaphore(%arg13 : memref<!tpu.dma_semaphore, #tpu.memory_space<semaphore_mem>>) {add = true}
      %dma_wait3A_289 = arith.constant 0 : i32
      %dma_wait3A_290 = arith.constant 0 : i32
      %dma_wait3A_291 = tpu.memref_slice %arg6[%dma_wait3A_289, %dma_wait3A_290] : memref<50x80xi32, #tpu.memory_space<vmem>> -> memref<1x80xi32, #tpu.memory_space<vmem>>
      %dma_wait3A_292 = tpu.memref_squeeze %dma_wait3A_291 : memref<1x80xi32, #tpu.memory_space<vmem>> -> memref<80xi32, #tpu.memory_space<vmem>>
      %dma_wait3A_293 = arith.constant 0 : i32
      %dma_wait3A_294 = arith.constant 0 : i32
      %dma_wait3A_295 = tpu.memref_slice %arg2[%arg0, %dma_wait3A_293, %dma_wait3A_294] : memref<2x10240x128xf32, #tpu.memory_space<hbm>> -> memref<1x10240x128xf32, #tpu.memory_space<hbm>>
      %dma_wait3A_296 = tpu.memref_squeeze %dma_wait3A_295 : memref<1x10240x128xf32, #tpu.memory_space<hbm>> -> memref<10240x128xf32, #tpu.memory_space<hbm>>
      %dma_wait3A_297 = arith.constant 0 : i32
      %dma_wait3A_298 = arith.constant 0 : i32
      %dma_wait3A_299 = tpu.memref_slice %dma_wait3A_296[%dma_wait3A_297, %dma_wait3A_298] : memref<10240x128xf32, #tpu.memory_space<hbm>> -> memref<10240x128xf32, #tpu.memory_space<hbm>>
      tpu.wait_indirect_dma semaphore(%arg12 : memref<!tpu.dma_semaphore, #tpu.memory_space<semaphore_mem>>) src(%dma_wait3A_299 : memref<10240x128xf32, #tpu.memory_space<hbm>>) dst(%arg9 : memref<80x128xf32, #tpu.memory_space<vmem>>)
      %dma_start3A_300 = arith.constant 0 : i32
      %dma_start3A_301 = tpu.memref_slice %arg7[%add3A_271, %dma_start3A_300] : memref<50x80xi32, #tpu.memory_space<vmem>> -> memref<1x80xi32, #tpu.memory_space<vmem>>
      %dma_start3A_302 = tpu.memref_squeeze %dma_start3A_301 : memref<1x80xi32, #tpu.memory_space<vmem>> -> memref<80xi32, #tpu.memory_space<vmem>>
      %dma_start3A_303 = arith.constant 0 : i32
      %dma_start3A_304 = arith.constant 0 : i32
      %dma_start3A_305 = tpu.memref_slice %arg10[%dma_start3A_303, %dma_start3A_304] : memref<10240x128xf32, #tpu.memory_space<vmem_shared>> -> memref<10240x128xf32, #tpu.memory_space<vmem_shared>>
      tpu.enqueue_indirect_dma source(%arg9 : memref<80x128xf32, #tpu.memory_space<vmem>>) target(%dma_start3A_305 : memref<10240x128xf32, #tpu.memory_space<vmem_shared>>) offsets(%dma_start3A_302 : memref<80xi32, #tpu.memory_space<vmem>>) semaphore(%arg14 : memref<!tpu.dma_semaphore, #tpu.memory_space<semaphore_mem>>) {add = true}
      %add3A_306 = arith.constant 2 : i32
      %add3A_307 = arith.addi %mul3A_267, %add3A_306 : i32
      %lt3A = arith.constant 50 : i32
      %lt3A_308 = arith.cmpi slt, %add3A_307, %lt3A : i32
      %convert_element_type3A = arith.extui %lt3A_308 : i1 to i32
      %cond3A = arith.constant 0 : i32
      %cond3A_309 = arith.cmpi ne, %convert_element_type3A, %cond3A : i32
      scf.if %cond3A_309 {
        %dma_wait3A_318 = arith.constant 0 : i32
        %dma_wait3A_319 = arith.constant 0 : i32
        %dma_wait3A_320 = tpu.memref_slice %arg7[%dma_wait3A_318, %dma_wait3A_319] : memref<50x80xi32, #tpu.memory_space<vmem>> -> memref<1x80xi32, #tpu.memory_space<vmem>>
        %dma_wait3A_321 = tpu.memref_squeeze %dma_wait3A_320 : memref<1x80xi32, #tpu.memory_space<vmem>> -> memref<80xi32, #tpu.memory_space<vmem>>
        %dma_wait3A_322 = arith.constant 0 : i32
        %dma_wait3A_323 = arith.constant 0 : i32
        %dma_wait3A_324 = tpu.memref_slice %arg10[%dma_wait3A_322, %dma_wait3A_323] : memref<10240x128xf32, #tpu.memory_space<vmem_shared>> -> memref<10240x128xf32, #tpu.memory_space<vmem_shared>>
        tpu.wait_indirect_dma semaphore(%arg13 : memref<!tpu.dma_semaphore, #tpu.memory_space<semaphore_mem>>) src(%arg8 : memref<80x128xf32, #tpu.memory_space<vmem>>) dst(%dma_wait3A_324 : memref<10240x128xf32, #tpu.memory_space<vmem_shared>>)
        %add3A_325 = arith.constant 2 : i32
        %add3A_326 = arith.addi %mul3A_267, %add3A_325 : i32
        %dma_start3A_327 = arith.constant 0 : i32
        %dma_start3A_328 = tpu.memref_slice %arg6[%add3A_326, %dma_start3A_327] : memref<50x80xi32, #tpu.memory_space<vmem>> -> memref<1x80xi32, #tpu.memory_space<vmem>>
        %dma_start3A_329 = tpu.memref_squeeze %dma_start3A_328 : memref<1x80xi32, #tpu.memory_space<vmem>> -> memref<80xi32, #tpu.memory_space<vmem>>
        %dma_start3A_330 = arith.constant 0 : i32
        %dma_start3A_331 = arith.constant 0 : i32
        %dma_start3A_332 = tpu.memref_slice %arg2[%arg0, %dma_start3A_330, %dma_start3A_331] : memref<2x10240x128xf32, #tpu.memory_space<hbm>> -> memref<1x10240x128xf32, #tpu.memory_space<hbm>>
        %dma_start3A_333 = tpu.memref_squeeze %dma_start3A_332 : memref<1x10240x128xf32, #tpu.memory_space<hbm>> -> memref<10240x128xf32, #tpu.memory_space<hbm>>
        %dma_start3A_334 = arith.constant 0 : i32
        %dma_start3A_335 = arith.constant 0 : i32
        %dma_start3A_336 = tpu.memref_slice %dma_start3A_333[%dma_start3A_334, %dma_start3A_335] : memref<10240x128xf32, #tpu.memory_space<hbm>> -> memref<10240x128xf32, #tpu.memory_space<hbm>>
        tpu.enqueue_indirect_dma source(%dma_start3A_336 : memref<10240x128xf32, #tpu.memory_space<hbm>>) target(%arg8 : memref<80x128xf32, #tpu.memory_space<vmem>>) offsets(%dma_start3A_329 : memref<80xi32, #tpu.memory_space<vmem>>) semaphore(%arg11 : memref<!tpu.dma_semaphore, #tpu.memory_space<semaphore_mem>>)
      } else {
      }
      %add3A_310 = arith.constant 2 : i32
      %add3A_311 = arith.addi %add3A_271, %add3A_310 : i32
      %lt3A_312 = arith.constant 50 : i32
      %lt3A_313 = arith.cmpi slt, %add3A_311, %lt3A_312 : i32
      %convert_element_type3A_314 = arith.extui %lt3A_313 : i1 to i32
      %cond3A_315 = arith.constant 0 : i32
      %cond3A_316 = arith.cmpi ne, %convert_element_type3A_314, %cond3A_315 : i32
      scf.if %cond3A_316 {
        %dma_wait3A_318 = arith.constant 0 : i32
        %dma_wait3A_319 = arith.constant 0 : i32
        %dma_wait3A_320 = tpu.memref_slice %arg7[%dma_wait3A_318, %dma_wait3A_319] : memref<50x80xi32, #tpu.memory_space<vmem>> -> memref<1x80xi32, #tpu.memory_space<vmem>>
        %dma_wait3A_321 = tpu.memref_squeeze %dma_wait3A_320 : memref<1x80xi32, #tpu.memory_space<vmem>> -> memref<80xi32, #tpu.memory_space<vmem>>
        %dma_wait3A_322 = arith.constant 0 : i32
        %dma_wait3A_323 = arith.constant 0 : i32
        %dma_wait3A_324 = tpu.memref_slice %arg10[%dma_wait3A_322, %dma_wait3A_323] : memref<10240x128xf32, #tpu.memory_space<vmem_shared>> -> memref<10240x128xf32, #tpu.memory_space<vmem_shared>>
        tpu.wait_indirect_dma semaphore(%arg14 : memref<!tpu.dma_semaphore, #tpu.memory_space<semaphore_mem>>) src(%arg9 : memref<80x128xf32, #tpu.memory_space<vmem>>) dst(%dma_wait3A_324 : memref<10240x128xf32, #tpu.memory_space<vmem_shared>>)
        %add3A_325 = arith.constant 2 : i32
        %add3A_326 = arith.addi %add3A_271, %add3A_325 : i32
        %dma_start3A_327 = arith.constant 0 : i32
        %dma_start3A_328 = tpu.memref_slice %arg6[%add3A_326, %dma_start3A_327] : memref<50x80xi32, #tpu.memory_space<vmem>> -> memref<1x80xi32, #tpu.memory_space<vmem>>
        %dma_start3A_329 = tpu.memref_squeeze %dma_start3A_328 : memref<1x80xi32, #tpu.memory_space<vmem>> -> memref<80xi32, #tpu.memory_space<vmem>>
        %dma_start3A_330 = arith.constant 0 : i32
        %dma_start3A_331 = arith.constant 0 : i32
        %dma_start3A_332 = tpu.memref_slice %arg2[%arg0, %dma_start3A_330, %dma_start3A_331] : memref<2x10240x128xf32, #tpu.memory_space<hbm>> -> memref<1x10240x128xf32, #tpu.memory_space<hbm>>
        %dma_start3A_333 = tpu.memref_squeeze %dma_start3A_332 : memref<1x10240x128xf32, #tpu.memory_space<hbm>> -> memref<10240x128xf32, #tpu.memory_space<hbm>>
        %dma_start3A_334 = arith.constant 0 : i32
        %dma_start3A_335 = arith.constant 0 : i32
        %dma_start3A_336 = tpu.memref_slice %dma_start3A_333[%dma_start3A_334, %dma_start3A_335] : memref<10240x128xf32, #tpu.memory_space<hbm>> -> memref<10240x128xf32, #tpu.memory_space<hbm>>
        tpu.enqueue_indirect_dma source(%dma_start3A_336 : memref<10240x128xf32, #tpu.memory_space<hbm>>) target(%arg9 : memref<80x128xf32, #tpu.memory_space<vmem>>) offsets(%dma_start3A_329 : memref<80xi32, #tpu.memory_space<vmem>>) semaphore(%arg12 : memref<!tpu.dma_semaphore, #tpu.memory_space<semaphore_mem>>)
      } else {
      }
      %scan3A_317 = arith.constant 0 : i32
      scf.yield %scan3A_317 : i32
    }
    %scan3A_244 = arith.constant 25 : i32
    %dma_wait3A_245 = arith.constant 0 : i32
    %dma_wait3A_246 = arith.constant 0 : i32
    %dma_wait3A_247 = tpu.memref_slice %arg7[%dma_wait3A_245, %dma_wait3A_246] : memref<50x80xi32, #tpu.memory_space<vmem>> -> memref<1x80xi32, #tpu.memory_space<vmem>>
    %dma_wait3A_248 = tpu.memref_squeeze %dma_wait3A_247 : memref<1x80xi32, #tpu.memory_space<vmem>> -> memref<80xi32, #tpu.memory_space<vmem>>
    %dma_wait3A_249 = arith.constant 0 : i32
    %dma_wait3A_250 = arith.constant 0 : i32
    %dma_wait3A_251 = tpu.memref_slice %arg10[%dma_wait3A_249, %dma_wait3A_250] : memref<10240x128xf32, #tpu.memory_space<vmem_shared>> -> memref<10240x128xf32, #tpu.memory_space<vmem_shared>>
    tpu.wait_indirect_dma semaphore(%arg13 : memref<!tpu.dma_semaphore, #tpu.memory_space<semaphore_mem>>) src(%arg8 : memref<80x128xf32, #tpu.memory_space<vmem>>) dst(%dma_wait3A_251 : memref<10240x128xf32, #tpu.memory_space<vmem_shared>>)
    %dma_wait3A_252 = arith.constant 0 : i32
    %dma_wait3A_253 = arith.constant 0 : i32
    %dma_wait3A_254 = tpu.memref_slice %arg7[%dma_wait3A_252, %dma_wait3A_253] : memref<50x80xi32, #tpu.memory_space<vmem>> -> memref<1x80xi32, #tpu.memory_space<vmem>>
    %dma_wait3A_255 = tpu.memref_squeeze %dma_wait3A_254 : memref<1x80xi32, #tpu.memory_space<vmem>> -> memref<80xi32, #tpu.memory_space<vmem>>
    %dma_wait3A_256 = arith.constant 0 : i32
    %dma_wait3A_257 = arith.constant 0 : i32
    %dma_wait3A_258 = tpu.memref_slice %arg10[%dma_wait3A_256, %dma_wait3A_257] : memref<10240x128xf32, #tpu.memory_space<vmem_shared>> -> memref<10240x128xf32, #tpu.memory_space<vmem_shared>>
    tpu.wait_indirect_dma semaphore(%arg14 : memref<!tpu.dma_semaphore, #tpu.memory_space<semaphore_mem>>) src(%arg9 : memref<80x128xf32, #tpu.memory_space<vmem>>) dst(%dma_wait3A_258 : memref<10240x128xf32, #tpu.memory_space<vmem_shared>>)
    %barrier3A_259 = arith.constant 0 : index
    tpu.barrier barrier_id(%barrier3A_259)
    %mul3A_260 = arith.constant 640 : i32
    %mul3A_261 = arith.muli %arg1, %mul3A_260 : i32
    %mul3A_262 = arith.constant 640 : i32
    %mul3A_263 = arith.muli %arg1, %mul3A_262 : i32
    "tpu.region"() ({
      %run_scoped3A_264 = tpu.sem_alloc : memref<!tpu.dma_semaphore, #tpu.memory_space<semaphore_mem>>
      %dma_start3A_265 = arith.constant 0 : i32
      %dma_start3A_266 = tpu.memref_slice %arg5[%arg0, %mul3A_263, %dma_start3A_265] : memref<2x10240x128xf32, #tpu.memory_space<hbm>> -> memref<1x640x128xf32, #tpu.memory_space<hbm>>
      %dma_start3A_267 = tpu.memref_squeeze %dma_start3A_266 : memref<1x640x128xf32, #tpu.memory_space<hbm>> -> memref<640x128xf32, #tpu.memory_space<hbm>>
      %dma_start3A_268 = arith.constant 0 : i32
      %dma_start3A_269 = tpu.memref_slice %arg10[%mul3A_261, %dma_start3A_268] : memref<10240x128xf32, #tpu.memory_space<vmem_shared>> -> memref<640x128xf32, #tpu.memory_space<vmem_shared>>
      tpu.enqueue_dma source(%dma_start3A_269 : memref<640x128xf32, #tpu.memory_space<vmem_shared>>) target(%dma_start3A_267 : memref<640x128xf32, #tpu.memory_space<hbm>>) target_semaphore(%run_scoped3A_264 : memref<!tpu.dma_semaphore, #tpu.memory_space<semaphore_mem>>)
      %dma_wait3A_270 = arith.constant 0 : i32
      %dma_wait3A_271 = tpu.memref_slice %arg5[%arg0, %mul3A_263, %dma_wait3A_270] : memref<2x10240x128xf32, #tpu.memory_space<hbm>> -> memref<1x640x128xf32, #tpu.memory_space<hbm>>
      %dma_wait3A_272 = tpu.memref_squeeze %dma_wait3A_271 : memref<1x640x128xf32, #tpu.memory_space<hbm>> -> memref<640x128xf32, #tpu.memory_space<hbm>>
      %dma_wait3A_273 = arith.constant 0 : i32
      %dma_wait3A_274 = tpu.memref_slice %arg10[%mul3A_261, %dma_wait3A_273] : memref<10240x128xf32, #tpu.memory_space<vmem_shared>> -> memref<640x128xf32, #tpu.memory_space<vmem_shared>>
      tpu.wait_dma2 semaphore(%run_scoped3A_264 : memref<!tpu.dma_semaphore, #tpu.memory_space<semaphore_mem>>) src(%dma_wait3A_274 : memref<640x128xf32, #tpu.memory_space<vmem_shared>>) dst(%dma_wait3A_272 : memref<640x128xf32, #tpu.memory_space<hbm>>)
      tpu.yield
    }) : () -> ()
    return
  }
}

module attributes {stable_mosaic.version = 14 : i64} {
  func.func @_tc_prep_body(%arg0: memref<4x16x10240xf32, #tpu.memory_space<vmem>>, %arg1: memref<10000x128xf32, #tpu.memory_space<vmem>>, %arg2: memref<10000x128xf32, #tpu.memory_space<vmem>>, %arg3: memref<10000x3xf32, #tpu.memory_space<vmem>>, %arg4: memref<128x128xf32, #tpu.memory_space<vmem>>, %arg5: memref<3x128xf32, #tpu.memory_space<vmem>>, %arg6: memref<1x128xf32, #tpu.memory_space<vmem>>, %arg7: memref<128x128xf32, #tpu.memory_space<vmem>>, %arg8: memref<1x128xf32, #tpu.memory_space<vmem>>, %arg9: memref<10240x4xf32, #tpu.memory_space<vmem>>, %arg10: memref<2x10240x128xf32, #tpu.memory_space<vmem>>, %arg11: memref<10000x128xf32, #tpu.memory_space<vmem>>) attributes {dimension_semantics = [], scalar_prefetch = 0 : i64, scratch_operands = 0 : i64, tpu.core_type = #tpu.core_type<tc>} {
    %get3A = arith.constant 0 : index
    %get3A_0 = arith.constant 0 : index
    %get3A_1 = arith.constant 0 : index
    %get3A_2 = vector.load %arg0[%get3A, %get3A_0, %get3A_1] : memref<4x16x10240xf32, #tpu.memory_space<vmem>>, vector<4x16x10240xf32>
    %reduce_sum3A = arith.constant dense<0.000000e+00> : vector<4x10240xf32>
    %reduce_sum3A_3 = vector.multi_reduction <add>, %get3A_2, %reduce_sum3A [1] : vector<4x16x10240xf32> to vector<4x10240xf32>
    %gt3A = arith.constant 0.000000e+00 : f32
    %gt3A_4 = vector.broadcast %gt3A : f32 to vector<4x10240xf32>
    %gt3A_5 = arith.cmpf ogt, %reduce_sum3A_3, %gt3A_4 : vector<4x10240xf32>
    %max3A = arith.constant 1.000000e+00 : f32
    %max3A_6 = vector.broadcast %max3A : f32 to vector<4x10240xf32>
    %max3A_7 = arith.maximumf %reduce_sum3A_3, %max3A_6 : vector<4x10240xf32>
    %rsqrt3A = math.rsqrt %max3A_7 : vector<4x10240xf32>
    %jit3A = arith.constant 0.000000e+00 : f32
    %broadcast_in_dim3A = vector.broadcast %jit3A : f32 to vector<4x10240xf32>
    %select_n3A = arith.select %gt3A_5, %rsqrt3A, %broadcast_in_dim3A : vector<4x10240xi1>, vector<4x10240xf32>
    %transpose3A = tpu.transpose %select_n3A, [1, 0] : vector<4x10240xf32> -> vector<10240x4xf32>
    %swap3A = arith.constant 0 : index
    %swap3A_8 = arith.constant 0 : index
    %swap3A_9 = vector.load %arg9[%swap3A, %swap3A_8] : memref<10240x4xf32, #tpu.memory_space<vmem>>, vector<10240x4xf32>
    tpu.vector_store %arg9[%swap3A, %swap3A_8], %transpose3A {strides = array<i32>} : memref<10240x4xf32, #tpu.memory_space<vmem>>, vector<10240x4xf32>,
    %get3A_10 = arith.constant 0 : index
    %get3A_11 = arith.constant 0 : index
    %get3A_12 = vector.load %arg1[%get3A_10, %get3A_11] : memref<10000x128xf32, #tpu.memory_space<vmem>>, vector<10000x128xf32>
    %slice3A = vector.extract_strided_slice %transpose3A {offsets = [0, 0], sizes = [10000, 1], strides = [1, 1]} : vector<10240x4xf32> to vector<10000x1xf32>
    %mul3A = vector.broadcast %slice3A : vector<10000x1xf32> to vector<10000x128xf32>
    %mul3A_13 = arith.mulf %get3A_12, %mul3A : vector<10000x128xf32>
    %get3A_14 = arith.constant 0 : index
    %get3A_15 = arith.constant 0 : index
    %get3A_16 = vector.load %arg4[%get3A_14, %get3A_15] : memref<128x128xf32, #tpu.memory_space<vmem>>, vector<128x128xf32>
    %dot_general3A = arith.constant dense<0.000000e+00> : vector<10000x128xf32>
    %dot_general3A_17 = tpu.matmul %mul3A_13, %get3A_16, %dot_general3A {dimension_numbers = #tpu.dot_dimension_numbers<[1], [0], [0], [1], [0, 0, 1, 1], [], []>, transpose_lhs_hint = false} : vector<10000x128xf32>, vector<128x128xf32>, vector<10000x128xf32> -> vector<10000x128xf32>
    %swap3A_18 = arith.constant 0 : index
    %swap3A_19 = arith.constant 0 : index
    %swap3A_20 = arith.constant 0 : index
    %swap3A_21 = vector.load %arg10[%swap3A_18, %swap3A_19, %swap3A_20] : memref<2x10240x128xf32, #tpu.memory_space<vmem>>, vector<1x10000x128xf32>
    %swap3A_22 = vector.shape_cast %swap3A_21 : vector<1x10000x128xf32> to vector<10000x128xf32>
    %swap3A_23 = vector.shape_cast %dot_general3A_17 : vector<10000x128xf32> to vector<1x10000x128xf32>
    tpu.vector_store %arg10[%swap3A_18, %swap3A_19, %swap3A_20], %swap3A_23 {strides = array<i32>} : memref<2x10240x128xf32, #tpu.memory_space<vmem>>, vector<1x10000x128xf32>,
    %get3A_24 = arith.constant 0 : index
    %get3A_25 = arith.constant 0 : index
    %get3A_26 = vector.load %arg2[%get3A_24, %get3A_25] : memref<10000x128xf32, #tpu.memory_space<vmem>>, vector<10000x128xf32>
    %slice3A_27 = vector.extract_strided_slice %transpose3A {offsets = [0, 2], sizes = [10000, 1], strides = [1, 1]} : vector<10240x4xf32> to vector<10000x1xf32>
    %mul3A_28 = vector.broadcast %slice3A_27 : vector<10000x1xf32> to vector<10000x128xf32>
    %mul3A_29 = arith.mulf %get3A_26, %mul3A_28 : vector<10000x128xf32>
    %get3A_30 = arith.constant 0 : index
    %get3A_31 = arith.constant 0 : index
    %get3A_32 = vector.load %arg4[%get3A_30, %get3A_31] : memref<128x128xf32, #tpu.memory_space<vmem>>, vector<128x128xf32>
    %dot_general3A_33 = arith.constant dense<0.000000e+00> : vector<10000x128xf32>
    %dot_general3A_34 = tpu.matmul %mul3A_29, %get3A_32, %dot_general3A_33 {dimension_numbers = #tpu.dot_dimension_numbers<[1], [0], [0], [1], [0, 0, 1, 1], [], []>, transpose_lhs_hint = false} : vector<10000x128xf32>, vector<128x128xf32>, vector<10000x128xf32> -> vector<10000x128xf32>
    %swap3A_35 = arith.constant 1 : index
    %swap3A_36 = arith.constant 0 : index
    %swap3A_37 = arith.constant 0 : index
    %swap3A_38 = vector.load %arg10[%swap3A_35, %swap3A_36, %swap3A_37] : memref<2x10240x128xf32, #tpu.memory_space<vmem>>, vector<1x10000x128xf32>
    %swap3A_39 = vector.shape_cast %swap3A_38 : vector<1x10000x128xf32> to vector<10000x128xf32>
    %swap3A_40 = vector.shape_cast %dot_general3A_34 : vector<10000x128xf32> to vector<1x10000x128xf32>
    tpu.vector_store %arg10[%swap3A_35, %swap3A_36, %swap3A_37], %swap3A_40 {strides = array<i32>} : memref<2x10240x128xf32, #tpu.memory_space<vmem>>, vector<1x10000x128xf32>,
    %get3A_41 = arith.constant 0 : index
    %get3A_42 = arith.constant 0 : index
    %get3A_43 = vector.load %arg3[%get3A_41, %get3A_42] : memref<10000x3xf32, #tpu.memory_space<vmem>>, vector<10000x3xf32>
    %get3A_44 = arith.constant 0 : index
    %get3A_45 = arith.constant 0 : index
    %get3A_46 = vector.load %arg5[%get3A_44, %get3A_45] : memref<3x128xf32, #tpu.memory_space<vmem>>, vector<3x128xf32>
    %dot_general3A_47 = arith.constant dense<0.000000e+00> : vector<10000x128xf32>
    %dot_general3A_48 = tpu.matmul %get3A_43, %get3A_46, %dot_general3A_47 {dimension_numbers = #tpu.dot_dimension_numbers<[1], [0], [0], [1], [0, 0, 1, 1], [], []>, transpose_lhs_hint = false} : vector<10000x3xf32>, vector<3x128xf32>, vector<10000x128xf32> -> vector<10000x128xf32>
    %get3A_49 = arith.constant 0 : index
    %get3A_50 = arith.constant 0 : index
    %get3A_51 = vector.load %arg6[%get3A_49, %get3A_50] : memref<1x128xf32, #tpu.memory_space<vmem>>, vector<1x128xf32>
    %add3A = vector.broadcast %get3A_51 : vector<1x128xf32> to vector<10000x128xf32>
    %add3A_52 = arith.addf %dot_general3A_48, %add3A : vector<10000x128xf32>
    %max3A_53 = arith.constant 0.000000e+00 : f32
    %max3A_54 = vector.broadcast %max3A_53 : f32 to vector<10000x128xf32>
    %max3A_55 = arith.maximumf %add3A_52, %max3A_54 : vector<10000x128xf32>
    %get3A_56 = arith.constant 0 : index
    %get3A_57 = arith.constant 0 : index
    %get3A_58 = vector.load %arg7[%get3A_56, %get3A_57] : memref<128x128xf32, #tpu.memory_space<vmem>>, vector<128x128xf32>
    %dot_general3A_59 = arith.constant dense<0.000000e+00> : vector<10000x128xf32>
    %dot_general3A_60 = tpu.matmul %max3A_55, %get3A_58, %dot_general3A_59 {dimension_numbers = #tpu.dot_dimension_numbers<[1], [0], [0], [1], [0, 0, 1, 1], [], []>, transpose_lhs_hint = false} : vector<10000x128xf32>, vector<128x128xf32>, vector<10000x128xf32> -> vector<10000x128xf32>
    %get3A_61 = arith.constant 0 : index
    %get3A_62 = arith.constant 0 : index
    %get3A_63 = vector.load %arg8[%get3A_61, %get3A_62] : memref<1x128xf32, #tpu.memory_space<vmem>>, vector<1x128xf32>
    %add3A_64 = vector.broadcast %get3A_63 : vector<1x128xf32> to vector<10000x128xf32>
    %add3A_65 = arith.addf %dot_general3A_60, %add3A_64 : vector<10000x128xf32>
    %max3A_66 = arith.constant 0.000000e+00 : f32
    %max3A_67 = vector.broadcast %max3A_66 : f32 to vector<10000x128xf32>
    %max3A_68 = arith.maximumf %add3A_65, %max3A_67 : vector<10000x128xf32>
    %swap3A_69 = arith.constant 0 : index
    %swap3A_70 = arith.constant 0 : index
    %swap3A_71 = vector.load %arg11[%swap3A_69, %swap3A_70] : memref<10000x128xf32, #tpu.memory_space<vmem>>, vector<10000x128xf32>
    tpu.vector_store %arg11[%swap3A_69, %swap3A_70], %max3A_68 {strides = array<i32>} : memref<10000x128xf32, #tpu.memory_space<vmem>>, vector<10000x128xf32>,
    return
  }
}

module attributes {stable_mosaic.version = 14 : i64} {
  func.func @_tc_mid_body(%arg0: memref<2x10240x128xf32, #tpu.memory_space<vmem>>, %arg1: memref<10240x4xf32, #tpu.memory_space<vmem>>, %arg2: memref<1x128xf32, #tpu.memory_space<vmem>>, %arg3: memref<128x128xf32, #tpu.memory_space<vmem>>, %arg4: memref<2x10240x128xf32, #tpu.memory_space<vmem>>) attributes {dimension_semantics = [], scalar_prefetch = 0 : i64, scratch_operands = 0 : i64, tpu.core_type = #tpu.core_type<tc>} {
    %get3A = arith.constant 0 : index
    %get3A_0 = arith.constant 0 : index
    %get3A_1 = arith.constant 0 : index
    %get3A_2 = vector.load %arg0[%get3A, %get3A_0, %get3A_1] : memref<2x10240x128xf32, #tpu.memory_space<vmem>>, vector<1x10240x128xf32>
    %get3A_3 = vector.shape_cast %get3A_2 : vector<1x10240x128xf32> to vector<10240x128xf32>
    %get3A_4 = arith.constant 0 : index
    %get3A_5 = arith.constant 1 : index
    %get3A_6 = vector.load %arg1[%get3A_4, %get3A_5] : memref<10240x4xf32, #tpu.memory_space<vmem>>, vector<10240x1xf32>
    %mul3A = vector.broadcast %get3A_6 : vector<10240x1xf32> to vector<10240x128xf32>
    %mul3A_7 = arith.mulf %get3A_3, %mul3A : vector<10240x128xf32>
    %get3A_8 = arith.constant 0 : index
    %get3A_9 = arith.constant 0 : index
    %get3A_10 = vector.load %arg2[%get3A_8, %get3A_9] : memref<1x128xf32, #tpu.memory_space<vmem>>, vector<1x128xf32>
    %add3A = vector.broadcast %get3A_10 : vector<1x128xf32> to vector<10240x128xf32>
    %add3A_11 = arith.addf %mul3A_7, %add3A : vector<10240x128xf32>
    %max3A = arith.constant 0.000000e+00 : f32
    %max3A_12 = vector.broadcast %max3A : f32 to vector<10240x128xf32>
    %max3A_13 = arith.maximumf %add3A_11, %max3A_12 : vector<10240x128xf32>
    %get3A_14 = arith.constant 0 : index
    %get3A_15 = arith.constant 0 : index
    %get3A_16 = vector.load %arg1[%get3A_14, %get3A_15] : memref<10240x4xf32, #tpu.memory_space<vmem>>, vector<10240x1xf32>
    %mul3A_17 = vector.broadcast %get3A_16 : vector<10240x1xf32> to vector<10240x128xf32>
    %mul3A_18 = arith.mulf %max3A_13, %mul3A_17 : vector<10240x128xf32>
    %get3A_19 = arith.constant 0 : index
    %get3A_20 = arith.constant 0 : index
    %get3A_21 = vector.load %arg3[%get3A_19, %get3A_20] : memref<128x128xf32, #tpu.memory_space<vmem>>, vector<128x128xf32>
    %dot_general3A = arith.constant dense<0.000000e+00> : vector<10240x128xf32>
    %dot_general3A_22 = tpu.matmul %mul3A_18, %get3A_21, %dot_general3A {dimension_numbers = #tpu.dot_dimension_numbers<[1], [0], [0], [1], [0, 0, 1, 1], [], []>, transpose_lhs_hint = false} : vector<10240x128xf32>, vector<128x128xf32>, vector<10240x128xf32> -> vector<10240x128xf32>
    %swap3A = arith.constant 0 : index
    %swap3A_23 = arith.constant 0 : index
    %swap3A_24 = arith.constant 0 : index
    %swap3A_25 = vector.load %arg4[%swap3A, %swap3A_23, %swap3A_24] : memref<2x10240x128xf32, #tpu.memory_space<vmem>>, vector<1x10240x128xf32>
    %swap3A_26 = vector.shape_cast %swap3A_25 : vector<1x10240x128xf32> to vector<10240x128xf32>
    %swap3A_27 = vector.shape_cast %dot_general3A_22 : vector<10240x128xf32> to vector<1x10240x128xf32>
    tpu.vector_store %arg4[%swap3A, %swap3A_23, %swap3A_24], %swap3A_27 {strides = array<i32>} : memref<2x10240x128xf32, #tpu.memory_space<vmem>>, vector<1x10240x128xf32>,
    %get3A_28 = arith.constant 1 : index
    %get3A_29 = arith.constant 0 : index
    %get3A_30 = arith.constant 0 : index
    %get3A_31 = vector.load %arg0[%get3A_28, %get3A_29, %get3A_30] : memref<2x10240x128xf32, #tpu.memory_space<vmem>>, vector<1x10240x128xf32>
    %get3A_32 = vector.shape_cast %get3A_31 : vector<1x10240x128xf32> to vector<10240x128xf32>
    %get3A_33 = arith.constant 0 : index
    %get3A_34 = arith.constant 3 : index
    %get3A_35 = vector.load %arg1[%get3A_33, %get3A_34] : memref<10240x4xf32, #tpu.memory_space<vmem>>, vector<10240x1xf32>
    %mul3A_36 = vector.broadcast %get3A_35 : vector<10240x1xf32> to vector<10240x128xf32>
    %mul3A_37 = arith.mulf %get3A_32, %mul3A_36 : vector<10240x128xf32>
    %get3A_38 = arith.constant 0 : index
    %get3A_39 = arith.constant 0 : index
    %get3A_40 = vector.load %arg2[%get3A_38, %get3A_39] : memref<1x128xf32, #tpu.memory_space<vmem>>, vector<1x128xf32>
    %add3A_41 = vector.broadcast %get3A_40 : vector<1x128xf32> to vector<10240x128xf32>
    %add3A_42 = arith.addf %mul3A_37, %add3A_41 : vector<10240x128xf32>
    %max3A_43 = arith.constant 0.000000e+00 : f32
    %max3A_44 = vector.broadcast %max3A_43 : f32 to vector<10240x128xf32>
    %max3A_45 = arith.maximumf %add3A_42, %max3A_44 : vector<10240x128xf32>
    %get3A_46 = arith.constant 0 : index
    %get3A_47 = arith.constant 2 : index
    %get3A_48 = vector.load %arg1[%get3A_46, %get3A_47] : memref<10240x4xf32, #tpu.memory_space<vmem>>, vector<10240x1xf32>
    %mul3A_49 = vector.broadcast %get3A_48 : vector<10240x1xf32> to vector<10240x128xf32>
    %mul3A_50 = arith.mulf %max3A_45, %mul3A_49 : vector<10240x128xf32>
    %get3A_51 = arith.constant 0 : index
    %get3A_52 = arith.constant 0 : index
    %get3A_53 = vector.load %arg3[%get3A_51, %get3A_52] : memref<128x128xf32, #tpu.memory_space<vmem>>, vector<128x128xf32>
    %dot_general3A_54 = arith.constant dense<0.000000e+00> : vector<10240x128xf32>
    %dot_general3A_55 = tpu.matmul %mul3A_50, %get3A_53, %dot_general3A_54 {dimension_numbers = #tpu.dot_dimension_numbers<[1], [0], [0], [1], [0, 0, 1, 1], [], []>, transpose_lhs_hint = false} : vector<10240x128xf32>, vector<128x128xf32>, vector<10240x128xf32> -> vector<10240x128xf32>
    %swap3A_56 = arith.constant 1 : index
    %swap3A_57 = arith.constant 0 : index
    %swap3A_58 = arith.constant 0 : index
    %swap3A_59 = vector.load %arg4[%swap3A_56, %swap3A_57, %swap3A_58] : memref<2x10240x128xf32, #tpu.memory_space<vmem>>, vector<1x10240x128xf32>
    %swap3A_60 = vector.shape_cast %swap3A_59 : vector<1x10240x128xf32> to vector<10240x128xf32>
    %swap3A_61 = vector.shape_cast %dot_general3A_55 : vector<10240x128xf32> to vector<1x10240x128xf32>
    tpu.vector_store %arg4[%swap3A_56, %swap3A_57, %swap3A_58], %swap3A_61 {strides = array<i32>} : memref<2x10240x128xf32, #tpu.memory_space<vmem>>, vector<1x10240x128xf32>,
    return
  }
}

module attributes {stable_mosaic.version = 14 : i64} {
  func.func @_tc_flash_body(%arg0: i32, %arg1: memref<1x1000x128xf32, #tpu.memory_space<vmem>>, %arg2: memref<1x10240x128xf32, #tpu.memory_space<vmem>>, %arg3: memref<1000x4xf32, #tpu.memory_space<vmem>>, %arg4: memref<10240x4xf32, #tpu.memory_space<vmem>>, %arg5: memref<1000x128xf32, #tpu.memory_space<vmem>>, %arg6: memref<1x128xf32, #tpu.memory_space<vmem>>, %arg7: memref<128x128xf32, #tpu.memory_space<vmem>>, %arg8: memref<128x1xf32, #tpu.memory_space<vmem>>, %arg9: memref<1x1xf32, #tpu.memory_space<vmem>>, %arg10: memref<1000x1xf32, #tpu.memory_space<vmem>>, %arg11: memref<10240x128xf32, #tpu.memory_space<vmem>>) attributes {dimension_semantics = [#tpu.dimension_semantics<arbitrary>], iteration_bounds = array<i64: 10>, scalar_prefetch = 0 : i64, scratch_operands = 1 : i64, tpu.core_type = #tpu.core_type<tc>, window_params = [{transform_indices = @transform_0, window_bounds = array<i64: 1, 1000, 128>}, {transform_indices = @transform_1, window_bounds = array<i64: 1, 10240, 128>}, {transform_indices = @transform_2, window_bounds = array<i64: 1000, 4>}, {pipeline_mode = #tpu.pipeline_mode<synchronous>, transform_indices = @transform_3, window_bounds = array<i64: 10240, 4>}, {transform_indices = @transform_4, window_bounds = array<i64: 1000, 128>}, {pipeline_mode = #tpu.pipeline_mode<synchronous>, transform_indices = @transform_5, window_bounds = array<i64: 1, 128>}, {pipeline_mode = #tpu.pipeline_mode<synchronous>, transform_indices = @transform_6, window_bounds = array<i64: 128, 128>}, {pipeline_mode = #tpu.pipeline_mode<synchronous>, transform_indices = @transform_7, window_bounds = array<i64: 128, 1>}, {pipeline_mode = #tpu.pipeline_mode<synchronous>, transform_indices = @transform_8, window_bounds = array<i64: 1, 1>}, {transform_indices = @transform_9, window_bounds = array<i64: 1000, 1>}]} {
    %eq3A = arith.constant 0 : i32
    %eq3A_0 = arith.cmpi eq, %arg0, %eq3A : i32
    %convert_element_type3A = arith.extui %eq3A_0 : i1 to i32
    %cond3A = arith.constant 0 : i32
    %cond3A_1 = arith.cmpi ne, %convert_element_type3A, %cond3A : i32
    scf.if %cond3A_1 {
      %iota3A = tpu.iota {dimensions = array<i32: 0>} : vector<10240x1xi32>
      %get3A_120 = arith.constant 0 : index
      %get3A_121 = arith.constant 0 : index
      %get3A_122 = arith.constant 0 : index
      %get3A_123 = vector.load %arg2[%get3A_120, %get3A_121, %get3A_122] : memref<1x10240x128xf32, #tpu.memory_space<vmem>>, vector<1x10240x128xf32>
      %get3A_124 = vector.shape_cast %get3A_123 : vector<1x10240x128xf32> to vector<10240x128xf32>
      %get3A_125 = arith.constant 0 : index
      %get3A_126 = arith.constant 3 : index
      %get3A_127 = vector.load %arg4[%get3A_125, %get3A_126] : memref<10240x4xf32, #tpu.memory_space<vmem>>, vector<10240x1xf32>
      %mul3A_128 = vector.broadcast %get3A_127 : vector<10240x1xf32> to vector<10240x128xf32>
      %mul3A_129 = arith.mulf %get3A_124, %mul3A_128 : vector<10240x128xf32>
      %get3A_130 = arith.constant 0 : index
      %get3A_131 = arith.constant 0 : index
      %get3A_132 = vector.load %arg6[%get3A_130, %get3A_131] : memref<1x128xf32, #tpu.memory_space<vmem>>, vector<1x128xf32>
      %add3A_133 = vector.broadcast %get3A_132 : vector<1x128xf32> to vector<10240x128xf32>
      %add3A_134 = arith.addf %mul3A_129, %add3A_133 : vector<10240x128xf32>
      %max3A_135 = arith.constant 0.000000e+00 : f32
      %max3A_136 = vector.broadcast %max3A_135 : f32 to vector<10240x128xf32>
      %max3A_137 = arith.maximumf %add3A_134, %max3A_136 : vector<10240x128xf32>
      %lt3A = arith.constant 10000 : i32
      %lt3A_138 = vector.broadcast %lt3A : i32 to vector<10240x1xi32>
      %lt3A_139 = arith.cmpi slt, %iota3A, %lt3A_138 : vector<10240x1xi32>
      %jit3A = arith.constant 0.000000e+00 : f32
      %broadcast_in_dim3A_140 = vector.shape_cast %lt3A_139 : vector<10240x1xi1> to vector<10240x1xi1>
      %broadcast_in_dim3A_141 = vector.broadcast %broadcast_in_dim3A_140 : vector<10240x1xi1> to vector<10240x128xi1>
      %broadcast_in_dim3A_142 = vector.broadcast %jit3A : f32 to vector<10240x128xf32>
      %select_n3A = arith.select %broadcast_in_dim3A_141, %max3A_137, %broadcast_in_dim3A_142 : vector<10240x128xi1>, vector<10240x128xf32>
      %swap3A_143 = arith.constant 0 : index
      %swap3A_144 = arith.constant 0 : index
      %swap3A_145 = vector.load %arg11[%swap3A_143, %swap3A_144] : memref<10240x128xf32, #tpu.memory_space<vmem>>, vector<10240x128xf32>
      tpu.vector_store %arg11[%swap3A_143, %swap3A_144], %select_n3A {strides = array<i32>} : memref<10240x128xf32, #tpu.memory_space<vmem>>, vector<10240x128xf32>,
    } else {
    }
    %get3A = arith.constant 0 : index
    %get3A_2 = arith.constant 0 : index
    %get3A_3 = arith.constant 0 : index
    %get3A_4 = vector.load %arg1[%get3A, %get3A_2, %get3A_3] : memref<1x1000x128xf32, #tpu.memory_space<vmem>>, vector<1x1000x128xf32>
    %get3A_5 = vector.shape_cast %get3A_4 : vector<1x1000x128xf32> to vector<1000x128xf32>
    %get3A_6 = arith.constant 0 : index
    %get3A_7 = arith.constant 1 : index
    %get3A_8 = vector.load %arg3[%get3A_6, %get3A_7] : memref<1000x4xf32, #tpu.memory_space<vmem>>, vector<1000x1xf32>
    %mul3A = vector.broadcast %get3A_8 : vector<1000x1xf32> to vector<1000x128xf32>
    %mul3A_9 = arith.mulf %get3A_5, %mul3A : vector<1000x128xf32>
    %get3A_10 = arith.constant 0 : index
    %get3A_11 = arith.constant 0 : index
    %get3A_12 = vector.load %arg6[%get3A_10, %get3A_11] : memref<1x128xf32, #tpu.memory_space<vmem>>, vector<1x128xf32>
    %add3A = vector.broadcast %get3A_12 : vector<1x128xf32> to vector<1000x128xf32>
    %add3A_13 = arith.addf %mul3A_9, %add3A : vector<1000x128xf32>
    %max3A = arith.constant 0.000000e+00 : f32
    %max3A_14 = vector.broadcast %max3A : f32 to vector<1000x128xf32>
    %max3A_15 = arith.maximumf %add3A_13, %max3A_14 : vector<1000x128xf32>
    %get3A_16 = arith.constant 0 : index
    %get3A_17 = arith.constant 0 : index
    %get3A_18 = vector.load %arg7[%get3A_16, %get3A_17] : memref<128x128xf32, #tpu.memory_space<vmem>>, vector<128x128xf32>
    %dot_general3A = arith.constant dense<0.000000e+00> : vector<1000x128xf32>
    %dot_general3A_19 = tpu.matmul %max3A_15, %get3A_18, %dot_general3A {dimension_numbers = #tpu.dot_dimension_numbers<[1], [0], [0], [1], [0, 0, 1, 1], [], []>, transpose_lhs_hint = false} : vector<1000x128xf32>, vector<128x128xf32>, vector<1000x128xf32> -> vector<1000x128xf32>
    %mul3A_20 = arith.constant 0.127517432 : f32
    %mul3A_21 = vector.broadcast %mul3A_20 : f32 to vector<1000x128xf32>
    %mul3A_22 = arith.mulf %dot_general3A_19, %mul3A_21 : vector<1000x128xf32>
    %convert_element_type3A_23 = arith.truncf %mul3A_22 : vector<1000x128xf32> to vector<1000x128xbf16>
    %broadcast_in_dim3A = arith.constant 0.000000e+00 : f32
    %broadcast_in_dim3A_24 = vector.broadcast %broadcast_in_dim3A : f32 to vector<1000x1xf32>
    %broadcast_in_dim3A_25 = arith.constant 0.000000e+00 : f32
    %broadcast_in_dim3A_26 = vector.broadcast %broadcast_in_dim3A_25 : f32 to vector<1000x128xf32>
    %get3A_27 = arith.constant 0 : index
    %get3A_28 = arith.constant 0 : index
    %get3A_29 = vector.load %arg11[%get3A_27, %get3A_28] : memref<10240x128xf32, #tpu.memory_space<vmem>>, vector<2048x128xf32>
    %convert_element_type3A_30 = arith.truncf %get3A_29 : vector<2048x128xf32> to vector<2048x128xbf16>
    %dot_general3A_31 = arith.constant dense<0.000000e+00> : vector<1000x2048xf32>
    %dot_general3A_32 = tpu.matmul %convert_element_type3A_23, %convert_element_type3A_30, %dot_general3A_31 {dimension_numbers = #tpu.dot_dimension_numbers<[1], [1], [0], [0], [0, 0, 1, 0], [], []>, transpose_lhs_hint = false} : vector<1000x128xbf16>, vector<2048x128xbf16>, vector<1000x2048xf32> -> vector<1000x2048xf32>
    %exp23A = math.exp2 %dot_general3A_32 : vector<1000x2048xf32>
    %reduce_sum3A = arith.constant dense<0.000000e+00> : vector<1000xf32>
    %reduce_sum3A_33 = vector.multi_reduction <add>, %exp23A, %reduce_sum3A [1] : vector<1000x2048xf32> to vector<1000xf32>
    %broadcast_in_dim3A_34 = vector.shape_cast %reduce_sum3A_33 : vector<1000xf32> to vector<1000x1xf32>
    %add3A_35 = arith.addf %broadcast_in_dim3A_24, %broadcast_in_dim3A_34 : vector<1000x1xf32>
    %convert_element_type3A_36 = arith.truncf %exp23A : vector<1000x2048xf32> to vector<1000x2048xbf16>
    %dot_general3A_37 = arith.constant dense<0.000000e+00> : vector<1000x128xf32>
    %dot_general3A_38 = tpu.matmul %convert_element_type3A_36, %convert_element_type3A_30, %dot_general3A_37 {dimension_numbers = #tpu.dot_dimension_numbers<[1], [0], [0], [1], [0, 0, 1, 1], [], []>, transpose_lhs_hint = false} : vector<1000x2048xbf16>, vector<2048x128xbf16>, vector<1000x128xf32> -> vector<1000x128xf32>
    %add3A_39 = arith.addf %broadcast_in_dim3A_26, %dot_general3A_38 : vector<1000x128xf32>
    %get3A_40 = arith.constant 2048 : index
    %get3A_41 = arith.constant 0 : index
    %get3A_42 = vector.load %arg11[%get3A_40, %get3A_41] : memref<10240x128xf32, #tpu.memory_space<vmem>>, vector<2048x128xf32>
    %convert_element_type3A_43 = arith.truncf %get3A_42 : vector<2048x128xf32> to vector<2048x128xbf16>
    %dot_general3A_44 = arith.constant dense<0.000000e+00> : vector<1000x2048xf32>
    %dot_general3A_45 = tpu.matmul %convert_element_type3A_23, %convert_element_type3A_43, %dot_general3A_44 {dimension_numbers = #tpu.dot_dimension_numbers<[1], [1], [0], [0], [0, 0, 1, 0], [], []>, transpose_lhs_hint = false} : vector<1000x128xbf16>, vector<2048x128xbf16>, vector<1000x2048xf32> -> vector<1000x2048xf32>
    %exp23A_46 = math.exp2 %dot_general3A_45 : vector<1000x2048xf32>
    %reduce_sum3A_47 = arith.constant dense<0.000000e+00> : vector<1000xf32>
    %reduce_sum3A_48 = vector.multi_reduction <add>, %exp23A_46, %reduce_sum3A_47 [1] : vector<1000x2048xf32> to vector<1000xf32>
    %broadcast_in_dim3A_49 = vector.shape_cast %reduce_sum3A_48 : vector<1000xf32> to vector<1000x1xf32>
    %add3A_50 = arith.addf %add3A_35, %broadcast_in_dim3A_49 : vector<1000x1xf32>
    %convert_element_type3A_51 = arith.truncf %exp23A_46 : vector<1000x2048xf32> to vector<1000x2048xbf16>
    %dot_general3A_52 = arith.constant dense<0.000000e+00> : vector<1000x128xf32>
    %dot_general3A_53 = tpu.matmul %convert_element_type3A_51, %convert_element_type3A_43, %dot_general3A_52 {dimension_numbers = #tpu.dot_dimension_numbers<[1], [0], [0], [1], [0, 0, 1, 1], [], []>, transpose_lhs_hint = false} : vector<1000x2048xbf16>, vector<2048x128xbf16>, vector<1000x128xf32> -> vector<1000x128xf32>
    %add3A_54 = arith.addf %add3A_39, %dot_general3A_53 : vector<1000x128xf32>
    %get3A_55 = arith.constant 4096 : index
    %get3A_56 = arith.constant 0 : index
    %get3A_57 = vector.load %arg11[%get3A_55, %get3A_56] : memref<10240x128xf32, #tpu.memory_space<vmem>>, vector<2048x128xf32>
    %convert_element_type3A_58 = arith.truncf %get3A_57 : vector<2048x128xf32> to vector<2048x128xbf16>
    %dot_general3A_59 = arith.constant dense<0.000000e+00> : vector<1000x2048xf32>
    %dot_general3A_60 = tpu.matmul %convert_element_type3A_23, %convert_element_type3A_58, %dot_general3A_59 {dimension_numbers = #tpu.dot_dimension_numbers<[1], [1], [0], [0], [0, 0, 1, 0], [], []>, transpose_lhs_hint = false} : vector<1000x128xbf16>, vector<2048x128xbf16>, vector<1000x2048xf32> -> vector<1000x2048xf32>
    %exp23A_61 = math.exp2 %dot_general3A_60 : vector<1000x2048xf32>
    %reduce_sum3A_62 = arith.constant dense<0.000000e+00> : vector<1000xf32>
    %reduce_sum3A_63 = vector.multi_reduction <add>, %exp23A_61, %reduce_sum3A_62 [1] : vector<1000x2048xf32> to vector<1000xf32>
    %broadcast_in_dim3A_64 = vector.shape_cast %reduce_sum3A_63 : vector<1000xf32> to vector<1000x1xf32>
    %add3A_65 = arith.addf %add3A_50, %broadcast_in_dim3A_64 : vector<1000x1xf32>
    %convert_element_type3A_66 = arith.truncf %exp23A_61 : vector<1000x2048xf32> to vector<1000x2048xbf16>
    %dot_general3A_67 = arith.constant dense<0.000000e+00> : vector<1000x128xf32>
    %dot_general3A_68 = tpu.matmul %convert_element_type3A_66, %convert_element_type3A_58, %dot_general3A_67 {dimension_numbers = #tpu.dot_dimension_numbers<[1], [0], [0], [1], [0, 0, 1, 1], [], []>, transpose_lhs_hint = false} : vector<1000x2048xbf16>, vector<2048x128xbf16>, vector<1000x128xf32> -> vector<1000x128xf32>
    %add3A_69 = arith.addf %add3A_54, %dot_general3A_68 : vector<1000x128xf32>
    %get3A_70 = arith.constant 6144 : index
    %get3A_71 = arith.constant 0 : index
    %get3A_72 = vector.load %arg11[%get3A_70, %get3A_71] : memref<10240x128xf32, #tpu.memory_space<vmem>>, vector<2048x128xf32>
    %convert_element_type3A_73 = arith.truncf %get3A_72 : vector<2048x128xf32> to vector<2048x128xbf16>
    %dot_general3A_74 = arith.constant dense<0.000000e+00> : vector<1000x2048xf32>
    %dot_general3A_75 = tpu.matmul %convert_element_type3A_23, %convert_element_type3A_73, %dot_general3A_74 {dimension_numbers = #tpu.dot_dimension_numbers<[1], [1], [0], [0], [0, 0, 1, 0], [], []>, transpose_lhs_hint = false} : vector<1000x128xbf16>, vector<2048x128xbf16>, vector<1000x2048xf32> -> vector<1000x2048xf32>
    %exp23A_76 = math.exp2 %dot_general3A_75 : vector<1000x2048xf32>
    %reduce_sum3A_77 = arith.constant dense<0.000000e+00> : vector<1000xf32>
    %reduce_sum3A_78 = vector.multi_reduction <add>, %exp23A_76, %reduce_sum3A_77 [1] : vector<1000x2048xf32> to vector<1000xf32>
    %broadcast_in_dim3A_79 = vector.shape_cast %reduce_sum3A_78 : vector<1000xf32> to vector<1000x1xf32>
    %add3A_80 = arith.addf %add3A_65, %broadcast_in_dim3A_79 : vector<1000x1xf32>
    %convert_element_type3A_81 = arith.truncf %exp23A_76 : vector<1000x2048xf32> to vector<1000x2048xbf16>
    %dot_general3A_82 = arith.constant dense<0.000000e+00> : vector<1000x128xf32>
    %dot_general3A_83 = tpu.matmul %convert_element_type3A_81, %convert_element_type3A_73, %dot_general3A_82 {dimension_numbers = #tpu.dot_dimension_numbers<[1], [0], [0], [1], [0, 0, 1, 1], [], []>, transpose_lhs_hint = false} : vector<1000x2048xbf16>, vector<2048x128xbf16>, vector<1000x128xf32> -> vector<1000x128xf32>
    %add3A_84 = arith.addf %add3A_69, %dot_general3A_83 : vector<1000x128xf32>
    %get3A_85 = arith.constant 8192 : index
    %get3A_86 = arith.constant 0 : index
    %get3A_87 = vector.load %arg11[%get3A_85, %get3A_86] : memref<10240x128xf32, #tpu.memory_space<vmem>>, vector<2048x128xf32>
    %convert_element_type3A_88 = arith.truncf %get3A_87 : vector<2048x128xf32> to vector<2048x128xbf16>
    %dot_general3A_89 = arith.constant dense<0.000000e+00> : vector<1000x2048xf32>
    %dot_general3A_90 = tpu.matmul %convert_element_type3A_23, %convert_element_type3A_88, %dot_general3A_89 {dimension_numbers = #tpu.dot_dimension_numbers<[1], [1], [0], [0], [0, 0, 1, 0], [], []>, transpose_lhs_hint = false} : vector<1000x128xbf16>, vector<2048x128xbf16>, vector<1000x2048xf32> -> vector<1000x2048xf32>
    %exp23A_91 = math.exp2 %dot_general3A_90 : vector<1000x2048xf32>
    %reduce_sum3A_92 = arith.constant dense<0.000000e+00> : vector<1000xf32>
    %reduce_sum3A_93 = vector.multi_reduction <add>, %exp23A_91, %reduce_sum3A_92 [1] : vector<1000x2048xf32> to vector<1000xf32>
    %broadcast_in_dim3A_94 = vector.shape_cast %reduce_sum3A_93 : vector<1000xf32> to vector<1000x1xf32>
    %add3A_95 = arith.addf %add3A_80, %broadcast_in_dim3A_94 : vector<1000x1xf32>
    %convert_element_type3A_96 = arith.truncf %exp23A_91 : vector<1000x2048xf32> to vector<1000x2048xbf16>
    %dot_general3A_97 = arith.constant dense<0.000000e+00> : vector<1000x128xf32>
    %dot_general3A_98 = tpu.matmul %convert_element_type3A_96, %convert_element_type3A_88, %dot_general3A_97 {dimension_numbers = #tpu.dot_dimension_numbers<[1], [0], [0], [1], [0, 0, 1, 1], [], []>, transpose_lhs_hint = false} : vector<1000x2048xbf16>, vector<2048x128xbf16>, vector<1000x128xf32> -> vector<1000x128xf32>
    %add3A_99 = arith.addf %add3A_84, %dot_general3A_98 : vector<1000x128xf32>
    %sub3A = arith.constant 2.400000e+02 : f32
    %sub3A_100 = vector.broadcast %sub3A : f32 to vector<1000x1xf32>
    %sub3A_101 = arith.subf %add3A_95, %sub3A_100 : vector<1000x1xf32>
    %div3A = vector.broadcast %sub3A_101 : vector<1000x1xf32> to vector<1000x128xf32>
    %div3A_102 = arith.divf %add3A_99, %div3A : vector<1000x128xf32>
    %add3A_103 = arith.addf %div3A_102, %max3A_15 : vector<1000x128xf32>
    %get3A_104 = arith.constant 0 : index
    %get3A_105 = arith.constant 0 : index
    %get3A_106 = vector.load %arg5[%get3A_104, %get3A_105] : memref<1000x128xf32, #tpu.memory_space<vmem>>, vector<1000x128xf32>
    %add3A_107 = arith.addf %add3A_103, %get3A_106 : vector<1000x128xf32>
    %get3A_108 = arith.constant 0 : index
    %get3A_109 = arith.constant 0 : index
    %get3A_110 = vector.load %arg8[%get3A_108, %get3A_109] : memref<128x1xf32, #tpu.memory_space<vmem>>, vector<128x1xf32>
    %dot_general3A_111 = arith.constant dense<0.000000e+00> : vector<1000x1xf32>
    %dot_general3A_112 = tpu.matmul %add3A_107, %get3A_110, %dot_general3A_111 {dimension_numbers = #tpu.dot_dimension_numbers<[1], [0], [0], [1], [0, 0, 1, 1], [], []>, transpose_lhs_hint = false} : vector<1000x128xf32>, vector<128x1xf32>, vector<1000x1xf32> -> vector<1000x1xf32>
    %get3A_113 = arith.constant 0 : index
    %get3A_114 = arith.constant 0 : index
    %get3A_115 = vector.load %arg9[%get3A_113, %get3A_114] : memref<1x1xf32, #tpu.memory_space<vmem>>, vector<1x1xf32>
    %add3A_116 = vector.broadcast %get3A_115 : vector<1x1xf32> to vector<1000x1xf32>
    %add3A_117 = arith.addf %dot_general3A_112, %add3A_116 : vector<1000x1xf32>
    %swap3A = arith.constant 0 : index
    %swap3A_118 = arith.constant 0 : index
    %swap3A_119 = vector.load %arg10[%swap3A, %swap3A_118] : memref<1000x1xf32, #tpu.memory_space<vmem>>, vector<1000x1xf32>
    tpu.vector_store %arg10[%swap3A, %swap3A_118], %add3A_117 {strides = array<i32>} : memref<1000x1xf32, #tpu.memory_space<vmem>>, vector<1000x1xf32>,
    return
  }
  func.func @transform_0(%arg0: i32) -> (i32, i32, i32) {
    %c0_i32 = arith.constant 0 : i32
    %c0_i32_0 = arith.constant 0 : i32
    %c0_i32_1 = arith.constant 0 : i32
    return %c0_i32, %arg0, %c0_i32_0 : i32, i32, i32
  }
  func.func @transform_1(%arg0: i32) -> (i32, i32, i32) {
    %c1_i32 = arith.constant 1 : i32
    %c0_i32 = arith.constant 0 : i32
    %c0_i32_0 = arith.constant 0 : i32
    %c0_i32_1 = arith.constant 0 : i32
    return %c1_i32, %c0_i32, %c0_i32_0 : i32, i32, i32
  }
  func.func @transform_2(%arg0: i32) -> (i32, i32) {
    %c0_i32 = arith.constant 0 : i32
    %c0_i32_0 = arith.constant 0 : i32
    return %arg0, %c0_i32 : i32, i32
  }
  func.func @transform_3(%arg0: i32) -> (i32, i32) {
    %c0_i32 = arith.constant 0 : i32
    %c0_i32_0 = arith.constant 0 : i32
    %c0_i32_1 = arith.constant 0 : i32
    return %c0_i32, %c0_i32_0 : i32, i32
  }
  func.func @transform_4(%arg0: i32) -> (i32, i32) {
    %c0_i32 = arith.constant 0 : i32
    %c0_i32_0 = arith.constant 0 : i32
    return %arg0, %c0_i32 : i32, i32
  }
  func.func @transform_5(%arg0: i32) -> (i32, i32) {
    %c0_i32 = arith.constant 0 : i32
    %c0_i32_0 = arith.constant 0 : i32
    %c0_i32_1 = arith.constant 0 : i32
    return %c0_i32, %c0_i32_0 : i32, i32
  }
  func.func @transform_6(%arg0: i32) -> (i32, i32) {
    %c0_i32 = arith.constant 0 : i32
    %c0_i32_0 = arith.constant 0 : i32
    %c0_i32_1 = arith.constant 0 : i32
    return %c0_i32, %c0_i32_0 : i32, i32
  }
  func.func @transform_7(%arg0: i32) -> (i32, i32) {
    %c0_i32 = arith.constant 0 : i32
    %c0_i32_0 = arith.constant 0 : i32
    %c0_i32_1 = arith.constant 0 : i32
    return %c0_i32, %c0_i32_0 : i32, i32
  }
  func.func @transform_8(%arg0: i32) -> (i32, i32) {
    %c0_i32 = arith.constant 0 : i32
    %c0_i32_0 = arith.constant 0 : i32
    %c0_i32_1 = arith.constant 0 : i32
    return %c0_i32, %c0_i32_0 : i32, i32
  }
  func.func @transform_9(%arg0: i32) -> (i32, i32) {
    %c0_i32 = arith.constant 0 : i32
    %c0_i32_0 = arith.constant 0 : i32
    return %arg0, %c0_i32 : i32, i32
  }
}

</mosaic_0001>

<sc_bundles>
// kernel: kernel.11.cloned.1.call-start
scs
__scs_entry_jumppad:
0x0: {  	(pc) =	sbr.rel $0x88, $3  }
0x1: {  	(tag) =	ssettag $0x0;
	lr =	simm.s32 $0x1  }
0x2: {  	[smem:$0x3F91] =	sst lr;
	_ =	strace $0xD0000000  }
0x3: {  	_ = 	snop  }
0x4: {  	_ = 	snop  }
0x5: {  	_ = 	snop  }
0x6: {  	_ = 	snop  }
0x7: {  	_ = 	snop  }
__scs_overlays_trampoline_lowered:
0x8: {  	[smem:$0x3FA0] =	sst s0  }
0x9: {  	[smem:$0x3FA1] =	sst s1  }
0xa: {  	[smem:$0x3FA2] =	sst s2  }
0xb: {  	[smem:$0x3FA3] =	sst s3  }
0xc: {  	[smem:$0x3FA4] =	sst s4  }
0xd: {  	[smem:$0x3FA5] =	sst s5  }
0xe: {  	[smem:$0x3FA6] =	sst s6  }
0xf: {  	[smem:$0x3FA7] =	sst s7  }
0x10: {  	[smem:$0x3FA8] =	sst s8  }
0x11: {  	[smem:$0x3FA9] =	sst s9;
	s0 =	simm.s32 @!p0 $0x0  }
0x12: {  	s1 =	sld [smem:$0x3F8F];
	s0 =	simm.s32 @p0 $0x1  }
0x13: {  	[smem:$0x3FAA] =	sst s0;
	s0 =	simm.s32 @!p1 $0x0  }
0x14: {  	s2 =	sld [smem:$0x3F8E];
	s0 =	simm.s32 @p1 $0x1  }
0x15: {  	[smem:$0x3FAB] =	sst s0;
	s0 =	simm.s32 @!p2 $0x0  }
0x16: {  	s3 =	sld [smem:$0x3FDB];
	s0 =	simm.s32 @p2 $0x1  }
0x17: {  	s4 =	simm.s32 $0x1BF5;
	[smem:$0x3FAD] =	sst s0  }
0x18: {  	s0 =	sld [smem:$0x3F90];
	_ =	swait.ge [sflag:s4], $0x0  }
0x19: {  	s7 =	sld [smem:$0x3F91]  }
0x1a: {  	s8 =	sadd.s32 $0xFFFFE003, lr  }
0x1b: {  	s9 =	sadd.s32 $0xFFFFFEF7, lr;
	s5 =	simm.s32 $0xFFFFFFFF;
	p2 =	slt.u32 s8, $0xFFFFF086  }
0x1c: {  	p1 =	slt.u32 s9, $0xF7A;
	s5 =	simm.s32 @!p2 $0x0  }
0x1d: {  	s5 =	simm.s32 @p1 $0x1;
	p0 =	seq.s32 s7, s2  }
0x1e: {  	s7 =	smul.u32 @!p0 $0xF7A, s2;
	p2 =	seq.s32 @!p0 s5, $0x0  }
0x1f: {  	s9 =	smul.u32 $0xF7A, s1;
	s8 =	simm.s32 @!p0 $0x1BF5;
	p2 =	por !p2, p0  }
0x20: {  	[sflag:s8] =	ssyncset.s32 @!p0 $0xFFFFF086;
	s6 =	sadd.s32 @!p0 s3, s7;
	s7 =	simm.s32 @!p0 $0x108  }
0x21: {  	s3 =	sadd.s32 s3, s9;
	s6 =	sadd.s32 @!p0 $0x88, s6;
	s7 =	simm.s32 @p2 $0x1082  }
0x22: {  	[simem:s7], [sflag:s8] =	dma.local @!p0 [hbm:s6], $0xF7A  }
0x23: {  	s9 =	sor.u32 $0xD0000000, s2;
	s6 =	simm.s32 $0x108;
	_ =	swait.ge @!p0 [sflag:s8], $0x0  }
0x24: {  	s3 =	sadd.s32 $0x88, s3;
	s6 =	simm.s32 @!p1 $0x1082;
	[sflag:s4] =	ssyncset.s32 $0xFFFFF086  }
0x25: {  	[simem:s6], [sflag:s4] =	dma.local [hbm:s3], $0xF7A  }
0x26: {  	[smem:$0x3F91] =	sst s1;
	(tag) =	ssettag s2;
	_ =	strace s9  }
0x27: {  	s1 =	sld [smem:$0x3FA1]  }
0x28: {  	s2 =	sld [smem:$0x3FA2]  }
0x29: {  	s4 =	sld [smem:$0x3FA4]  }
0x2a: {  	p0 =	seq.s32 s5, $0x0;
	s5 =	sld [smem:$0x3FA5]  }
0x2b: {  	s6 =	sld [smem:$0x3FA6]  }
0x2c: {  	s7 =	sld [smem:$0x3FA7]  }
0x2d: {  	s3 =	simm.s32 $0x108;
	s8 =	sld [smem:$0x3FA8]  }
0x2e: {  	s3 =	simm.s32 @!p0 $0x1082;
	s9 =	sld [smem:$0x3FA9]  }
0x2f: {  	lr =	sadd.s32 s0, s3;
	s0 =	sld [smem:$0x3FA0]  }
0x30: {  	s3 =	sld [smem:$0x3FA3]  }
0x31: {  	[smem:$0x3FAC] =	sst s10  }
0x32: {  	s10 =	sld [smem:$0x3FAA];
	_ =	sdelay $0x3  }
0x33: {  	p0 =	seq.s32 s10, $0x1;
	s10 =	sld [smem:$0x3FAC];
	_ =	sdelay $0x3  }
0x34: {  	[smem:$0x3FAC] =	sst s10  }
0x35: {  	s10 =	sld [smem:$0x3FAB];
	_ =	sdelay $0x3  }
0x36: {  	p1 =	seq.s32 s10, $0x1;
	s10 =	sld [smem:$0x3FAC];
	_ =	sdelay $0x3  }
0x37: {  	[smem:$0x3FAC] =	sst s10  }
0x38: {  	s10 =	sld [smem:$0x3FAD]  }
0x39: {  	_ = 	snop;
	(pc) =	sbr.ind lr, $3  }
0x3a: {  	_ = 	snop  }
0x3b: {  	_ = 	snop  }
0x3c: {  	p2 =	seq.s32 s10, $0x1;
	s10 =	sld [smem:$0x3FAC]  }
0x3d: {  	_ =	shalt  }
0x3e: {  	_ =	shalt  }
0x3f: {  	_ =	shalt  }
0x40: {  	_ =	shalt  }
0x41: {  	_ =	shalt  }
0x42: {  	_ =	shalt  }
0x43: {  	_ =	shalt  }
0x44: {  	_ =	shalt  }
0x45: {  	_ =	shalt  }
0x46: {  	_ =	shalt  }
0x47: {  	_ =	shalt  }
0x48: {  	_ =	shalt  }
0x49: {  	_ =	shalt  }
0x4a: {  	_ =	shalt  }
0x4b: {  	_ =	shalt  }
0x4c: {  	_ =	shalt  }
0x4d: {  	_ =	shalt  }
0x4e: {  	_ =	shalt  }
0x4f: {  	_ =	shalt  }
0x50: {  	_ =	shalt  }
0x51: {  	_ =	shalt  }
0x52: {  	_ =	shalt  }
0x53: {  	_ =	shalt  }
0x54: {  	_ =	shalt  }
0x55: {  	_ =	shalt  }
0x56: {  	_ =	shalt  }
0x57: {  	_ =	shalt  }
0x58: {  	_ =	shalt  }
0x59: {  	_ =	shalt  }
0x5a: {  	_ =	shalt  }
0x5b: {  	_ =	shalt  }
0x5c: {  	_ =	shalt  }
0x5d: {  	_ =	shalt  }
0x5e: {  	_ =	shalt  }
0x5f: {  	_ =	shalt  }
0x60: {  	_ =	shalt  }
0x61: {  	_ =	shalt  }
0x62: {  	_ =	shalt  }
0x63: {  	_ =	shalt  }
0x64: {  	_ =	shalt  }
0x65: {  	_ =	shalt  }
0x66: {  	_ =	shalt  }
0x67: {  	_ =	shalt  }
0x68: {  	_ =	shalt  }
0x69: {  	_ =	shalt  }
0x6a: {  	_ =	shalt  }
0x6b: {  	_ =	shalt  }
0x6c: {  	_ =	shalt  }
0x6d: {  	_ =	shalt  }
0x6e: {  	_ =	shalt  }
0x6f: {  	_ =	shalt  }
0x70: {  	_ =	shalt  }
0x71: {  	_ =	shalt  }
0x72: {  	_ =	shalt  }
0x73: {  	_ =	shalt  }
0x74: {  	_ =	shalt  }
0x75: {  	_ =	shalt  }
0x76: {  	_ =	shalt  }
0x77: {  	_ =	shalt  }
0x78: {  	_ =	shalt  }
0x79: {  	_ =	shalt  }
0x7a: {  	_ =	shalt  }
0x7b: {  	_ =	shalt  }
0x7c: {  	_ =	shalt  }
0x7d: {  	_ =	shalt  }
0x7e: {  	_ =	shalt  }
0x7f: {  	_ =	shalt  }
0x80: {  	_ =	shalt  }
0x81: {  	_ =	shalt  }
0x82: {  	_ =	shalt  }
0x83: {  	_ =	shalt  }
0x84: {  	_ =	shalt  }
0x85: {  	_ =	shalt  }
0x86: {  	_ =	shalt  }
0x87: {  	_ =	shalt  }
.Lfunc_end0:
.L_simem_size_0:
called_computation.1_lowered:
.L_overlay_start_0:
0x88: {  	s2 =	sld [smem:$0x3FD9]  }
0x89: {  	s3 =	sld [smem:$0x3FFE];
	_ =	sdelay $0x1  }
0x8a: {  	s1 =	srdreg.scid  }
0x8b: {  	s0 =	sand.u32 $0x1, s1  }
0x8c: {  	s16 =	sshll.u32 s0, $0xA;
	s2 =	sadd.s32 s3, s2  }
0x8d: {  	s2 =	sadd.s32 s2, s16  }
0x8e: {  	[smem:$0x3FB8] =	sst s2  }
0x8f: {  	_ = 	snop  }
0x90: {  	(tm) =	ssettm $0x1  }
0x91: {  	s17 =	sld [smem:$0x3FFB];
	_ =	sdelay $0x3  }
0x92: {  	_ =	strace s17  }
0x93: {  	s2 =	sld [smem:$0x3FFC];
	_ =	sdelay $0x3  }
0x94: {  	_ =	strace s2  }
0x95: {  	s2 =	sld [smem:$0x3FFD];
	_ =	sdelay $0x3  }
0x96: {  	_ =	strace s2  }
0x97: {  	_ =	strace $0x8FFFFFFF  }
0x98: {  	s18 =	sld [smem:$0x3FDB];
	_ =	sdelay $0x1  }
0x99: {  	s19 =	simm.s32 $_scs_section_size  }
0x9a: {  	s4 =	simm.s32 $_size__tile_overlayer_lowered;
	s5 =	simm.s32 $_tile_overlayer_lowered  }
0x9b: {  	s22 =	simm.s32 $0x1BFF;
	s21 =	sshll.u32 s5, $0x1;
	s2 =	sadd.s32 s19, s18  }
0x9c: {  	s6 =	simm.s32 $0x0;
	s20 =	sshll.u32 s4, $0x1;
	s4 =	sadd.s32 s21, s2  }
0x9d: {  	[timem:s6], [sflag:s22] =	dma.local [hbm:s4], s20  }
0x9e: {  	_ =	swait.ge [sflag:s22], s20  }
0x9f: {  	s3 =	ssub.s32 $0x0, s20;
	[sflag:s22] =	ssyncset.done $0x0  }
0xa0: {  	[sflag:s22] =	ssyncadd.s32 s3;
	_ =	sdelay $0x1  }
0xa1: {  	s23 =	simm.s32 $0x1B8B  }
0xa2: {  	_ =	swait.ge [sflag:s23], $0x1  }
0xa3: {  	[sflag:s23] =	ssyncset.done $0x0  }
0xa4: {  	s25 =	simm.s32 $0x1B8E;
	s24 =	sld [smem:$0x3FFE];
	[sflag:s23] =	ssyncadd.s32 $0xFFFFFFFF  }
0xa5: {  	s26 =	simm.s32 $execute0_lowered;
	[smem:$0x3FD2] =	sst s25  }
0xa6: {  	s4 =	sshll.u32 s26, $0x1;
	_ =	strace $0x80000049;
	[dreg:$0x1] =	wrdreg $0xFFFFFFFF  }
0xa7: {  	s28 =	simm.s32 $_size_execute0_lowered;
	s2 =	sadd.s32 s2, s4;
	[dreg:$0x0] =	wrdreg $0x0  }
0xa8: {  	s4 =	sshll.u32 s28, $0x1;
	[dreg:$0x2] =	wrdreg s2  }
0xa9: {  	[dreg:$0x3] =	wrdreg s4  }
0xaa: {  	[dreg:$0x4] =	wrdreg $0xC0  }
0xab: {  	_ =	task [dreg:s6], $0x5FFFF  }
0xac: {  	[dreg:$0x1] =	wrdreg $0xFFFFFFFF  }
0xad: {  	[dreg:$0x0] =	wrdreg $0x60  }
0xae: {  	[dreg:$0x2] =	wrdreg s24  }
0xaf: {  	[dreg:$0x3] =	wrdreg $0x88000  }
0xb0: {  	[dreg:$0x4] =	wrdreg $0x9  }
0xb1: {  	_ =	task.clear_ibuf [dreg:s6], $0x5FFFF;
	_ =	strace $0x90000049  }
0xb2: {  	s29 =	simm.s32 $0x9;
	_ =	strace $0x8000004B  }
0xb3: {  	_ =	swait.ge [sflag:s29], $0x1  }
0xb4: {  	[sflag:s29] =	ssyncadd.s32 $0xFFFFFFFF  }
0xb5: {  	_ =	strace $0x9000004B  }
0xb6: {  	_ =	sfence  }
0xb7: {  	s30 =	sld [smem:$0x0];
	_ =	sdelay $0x2  }
0xb8: {  	s31 =	sshll.u32 s1, $0xD;
	s1 =	sshrl.u32 s1, $0x2  }
0xb9: {  	s3 =	sand.u32 $0x4000, s31;
	s1 =	sadd.s32 s1, s30  }
0xba: {  	s0 =	sor.u32 s3, s0;
	s1 =	sshll.u32 s1, $0x11  }
0xbb: {  	s0 =	sor.u32 s1, s0  }
0xbc: {  	s0 =	sadd.s32 $0x8F2B, s0  }
0xbd: {  	[sflag:s0] =	ssyncadd.remote.s32 $0x1  }
0xbe: {  	_ =	sfence.sel $0xFFFF  }
0xbf: {  	[dreg:$0x0] =	wrdreg $0xFFFFFFFF;
	(pc) =	sbr.abs _section_cstart, $3  }
0xc0: {  	[dreg:$0x1] =	wrdreg $0xFFFFFFFF  }
0xc1: {  	_ =	task.clear_ibuf [dreg:s6], $0x2FFFF;
	_ =	strace $0x9FFFFFFF  }
0xc2: {  	(tm) =	ssettm $0x7FFFFFFF  }
0xc3: {  	_ =	shalt  }
tec
execute0_lowered:
.L_overlay_start_1:
0x0: {  	(tag) =	ssettag $0x1  }
0x1: {  	s0 =	rddreg [dreg:$0x0];
	s1 =	srdreg.scid  }
0x2: {  	s2 =	rddreg [dreg:$0x1];
	s10 =	stileid.u32  }
0x3: {  	s3 =	simm.s32 $0x0;
	s28 =	simm.s32 $0x1C00;
	s5 =	smul.u32 $0x14000, s10  }
0x4: {  	s29 =	simm.s32 $0x50;
	s30 =	simm.s32 $0x80;
	s14 =	smul.u32 $0x50000, s10  }
0x5: {  	s31 =	simm.s32 $0x6000;
	s1 =	sand.u32 $0x1, s1;
	s10 =	smul.u32 $0x8C00, s10  }
0x6: {  	[smem:$0x7FF] =	sst s3;
	s7 =	sadd.s32 $0x7E600, s0;
	s4 =	smul.u32 $0x140000, s1  }
0x7: {  	s8 =	sadd.s32 $0xA1600, s0;
	s9 =	ssub.s32 $0x2, s1;
	s1 =	smul.u32 $0x8C000, s1  }
0x8: {  	_ =	strace $0x8000004A;
	s15 =	sshrl.u32 s14, $0x2;
	s16 =	sshrl.u32 s9, $0x1  }
0x9: {  	s6 =	sshrl.u32 s4, $0x3;
	s4 =	sadd.s32 s5, s4;
	s1 =	sadd.s32 s10, s1  }
0xa: {  	s5 =	simm.s32 $0x3;
	s11 =	sadd.s32 s6, s0;
	s4 =	sshrl.u32 s4, $0x3  }
0xb: {  	s6 =	ssub.s32 s9, s16;
	s1 =	sshrl.u32 s1, $0x3;
	s0 =	sadd.s32 s4, s0  }
0xc: {  	s4 =	sadd.s32 s15, s2;
	s12 =	sadd.s32 s7, s1;
	s13 =	sadd.s32 s8, s1  }
0xd: {  	s14 =	sadd.s32 $0x3400, s11;
	s24 =	sadd.s32 $0x380, s1;
	s17 =	sadd.s32 $0x2800, s4  }
0xe: {  	s25 =	sadd.s32 $0x700, s1;
	s18 =	sadd.s32 $0x5000, s4;
	[dreg:$0x3] =	wrdreg s17  }
0xf: {  	s26 =	sadd.s32 $0xA80, s1;
	s19 =	sadd.s32 $0x7800, s4;
	[dreg:$0x4] =	wrdreg s18  }
0x10: {  	s1 =	sadd.s32 $0xE00, s1;
	s20 =	sadd.s32 $0xA000, s4;
	[dreg:$0x5] =	wrdreg s19  }
0x11: {  	s21 =	sadd.s32 $0xC800, s4;
	s22 =	sadd.s32 $0xF000, s4;
	[dreg:$0x6] =	wrdreg s20  }
0x12: {  	s23 =	sadd.s32 $0x11800, s4;
	s15 =	sadd.s32 s7, s24;
	[dreg:$0x7] =	wrdreg s21  }
0x13: {  	s16 =	sadd.s32 s8, s24;
	s24 =	smax.u32 s6, $0x1;
	[dreg:$0x8] =	wrdreg s22  }
0x14: {  	s6 =	simm.s32 $0x4;
	[dreg:$0x9] =	wrdreg s23;
	s17 =	sadd.s32 s7, s25  }
0x15: {  	s18 =	sadd.s32 s8, s25;
	s19 =	sadd.s32 s7, s26;
	s20 =	sadd.s32 s8, s26  }
0x16: {  	s21 =	sadd.s32 s7, s1;
	s22 =	sadd.s32 s8, s1;
	s23 =	sadd.s32 $0xEC600, s0  }
0x17: {  	s25 =	simm.s32 $0x3800;
	s26 =	simm.s32 $0x5;
	s0 =	simm.s32 $0x1  }
0x18: {  	v0 =	vimm.f32 $0.0e+00;
	s1 =	simm.s32 $0x2;
	s7 =	simm.s32 $0x3400;
	s8 =	simm.s32 $0x3480  }
.LBB2_1:
0x19: {  	s9 =	simm.s32 $0x0;
	s10 =	simm.s32 $0x200  }
.LBB2_2:
0x1a: {  	p0 =	sne.s32 s10, $0x9E00;
	[tilespmem:s9+$0x3870] =	vst v0  }
0x1b: {  	[tilespmem:s9+$0x3800] =	vst v0  }
0x1c: {  	[tilespmem:s9+$0x3810] =	vst v0  }
.Ltmp0:
0x1d: {  	[tilespmem:s9+$0x3820] =	vst v0;
	(pc) =	sbr.rel @p0 .LBB2_2-.Ltmp0, $4  }
0x1e: {  	[tilespmem:s9+$0x3830] =	vst v0  }
0x1f: {  	[tilespmem:s9+$0x3840] =	vst v0  }
0x20: {  	[tilespmem:s9+$0x3850] =	vst v0  }
0x21: {  	[tilespmem:s9+$0x3860] =	vst v0;
	s9 =	sshra.s32 s10, $0x2;
	s10 =	sadd.s32 $0x200, s10  }
0x22: {  	[tilespmem:s9+$0x3870] =	vst v0  }
0x23: {  	[tilespmem:s9+$0x3800] =	vst v0  }
0x24: {  	[tilespmem:s9+$0x3810] =	vst v0  }
0x25: {  	[tilespmem:s9+$0x3820] =	vst v0  }
0x26: {  	[tilespmem:s9+$0x3830] =	vst v0  }
0x27: {  	[tilespmem:s9+$0x3840] =	vst v0  }
0x28: {  	[tilespmem:s9+$0x3850] =	vst v0  }
0x29: {  	[tilespmem:s9+$0x3860] =	vst v0  }
0x2a: {  	[spmem:s4] =	stream.linear.scatter [tilespmem:s25], [sflag:$0x5], $0x2800, $0x38;
	[tilespmem:$0x1C800] =	vst v63  }
0x2b: {  	_ =	swait.ge [sflag:s26], $0x2800  }
0x2c: {  	[sflag:s26] =	ssyncset.done $0x0  }
0x2d: {  	s11 =	rddreg [dreg:$0x3];
	[sflag:s26] =	ssyncadd.s32 $0xFFFFD800  }
0x2e: {  	[spmem:s11] =	stream.linear.scatter [tilespmem:s25], [sflag:$0x5], $0x2800, $0x38;
	[tilespmem:$0x1C800] =	vst v63  }
0x2f: {  	_ =	swait.ge [sflag:s26], $0x2800  }
0x30: {  	[sflag:s26] =	ssyncset.done $0x0  }
0x31: {  	s10 =	rddreg [dreg:$0x4];
	[sflag:s26] =	ssyncadd.s32 $0xFFFFD800  }
0x32: {  	[spmem:s10] =	stream.linear.scatter [tilespmem:s25], [sflag:$0x5], $0x2800, $0x38;
	[tilespmem:$0x1C800] =	vst v63  }
0x33: {  	_ =	swait.ge [sflag:s26], $0x2800  }
0x34: {  	[sflag:s26] =	ssyncset.done $0x0  }
0x35: {  	s11 =	rddreg [dreg:$0x5];
	[sflag:s26] =	ssyncadd.s32 $0xFFFFD800  }
0x36: {  	[spmem:s11] =	stream.linear.scatter [tilespmem:s25], [sflag:$0x5], $0x2800, $0x38;
	[tilespmem:$0x1C800] =	vst v63  }
0x37: {  	_ =	swait.ge [sflag:s26], $0x2800  }
0x38: {  	[sflag:s26] =	ssyncset.done $0x0  }
0x39: {  	s10 =	rddreg [dreg:$0x6];
	[sflag:s26] =	ssyncadd.s32 $0xFFFFD800  }
0x3a: {  	[spmem:s10] =	stream.linear.scatter [tilespmem:s25], [sflag:$0x5], $0x2800, $0x38;
	[tilespmem:$0x1C800] =	vst v63  }
0x3b: {  	_ =	swait.ge [sflag:s26], $0x2800  }
0x3c: {  	[sflag:s26] =	ssyncset.done $0x0  }
0x3d: {  	s11 =	rddreg [dreg:$0x7];
	[sflag:s26] =	ssyncadd.s32 $0xFFFFD800  }
0x3e: {  	[spmem:s11] =	stream.linear.scatter [tilespmem:s25], [sflag:$0x5], $0x2800, $0x38;
	[tilespmem:$0x1C800] =	vst v63  }
0x3f: {  	_ =	swait.ge [sflag:s26], $0x2800  }
0x40: {  	[sflag:s26] =	ssyncset.done $0x0  }
0x41: {  	s10 =	rddreg [dreg:$0x8];
	[sflag:s26] =	ssyncadd.s32 $0xFFFFD800  }
0x42: {  	[spmem:s10] =	stream.linear.scatter [tilespmem:s25], [sflag:$0x5], $0x2800, $0x38;
	[tilespmem:$0x1C800] =	vst v63  }
0x43: {  	_ =	swait.ge [sflag:s26], $0x2800  }
0x44: {  	[sflag:s26] =	ssyncset.done $0x0  }
0x45: {  	s11 =	rddreg [dreg:$0x9];
	[sflag:s26] =	ssyncadd.s32 $0xFFFFD800  }
0x46: {  	[spmem:s11] =	stream.linear.scatter [tilespmem:s25], [sflag:$0x5], $0x2800, $0x38;
	[tilespmem:$0x1C800] =	vst v63  }
0x47: {  	_ =	swait.ge [sflag:s26], $0x2800  }
0x48: {  	[sflag:s26] =	ssyncset.done $0x0  }
0x49: {  	[sflag:s26] =	ssyncadd.s32 $0xFFFFD800  }
0x4a: {  	s10 =	simm.s32 $0x0;
	[bflag:$0x0] =	sbarrier.arrive $0xFFFF  }
0x4b: {  	[tilespmem:s10], [sflag:$0x5] =	stream.linear.gather [hbm4b:s12+s10], $0x1900, $0x38;
	[tilespmem:$0x1C800] =	vst v63  }
0x4c: {  	_ =	swait.ge [sflag:s26], $0x1900  }
0x4d: {  	[sflag:s26] =	ssyncset.done $0x0  }
0x4e: {  	[sflag:s26] =	ssyncadd.s32 $0xFFFFE700  }
0x4f: {  	[tilespmem:s28], [sflag:$0x5] =	stream.linear.gather [hbm4b:s13+s10], $0x1900, $0x38;
	[tilespmem:$0x1C800] =	vst v63  }
0x50: {  	_ =	swait.ge [sflag:s26], $0x1900  }
0x51: {  	[sflag:s26] =	ssyncset.done $0x0  }
0x52: {  	[sflag:s26] =	ssyncadd.s32 $0xFFFFE700  }
0x53: {  	[tilespmem:s25], [sflag:$0x1] =	stream.indirect.gather [hbm4b:s14+s29], $0x80, s10, s29, $0xb8;
	[tilespmem:$0x1C800] =	vst v63  }
0x54: {  	_ = 	snop  }
0x55: {  	[tilespmem:s31], [sflag:$0x2] =	stream.indirect.gather [hbm4b:s14+s29], $0x80, s30, s29, $0xb8;
	[tilespmem:$0x1C800] =	vst v63  }
0x56: {  	_ =	swait.ge [sflag:s0], $0x2800  }
0x57: {  	[sflag:s0] =	ssyncset.done $0x0  }
0x58: {  	s11 =	simm.s32 $0x1C00;
	[sflag:s0] =	ssyncadd.s32 $0xFFFFD800  }
0x59: {  	[spmem:s2] =	stream.indirect.scatter.add.f32 [tilespmem:s25], [sflag:$0x3], $0x80, s11, s29, $0xb8;
	[tilespmem:$0x1C800] =	vst v63  }
0x5a: {  	_ =	swait.ge [sflag:s1], $0x2800  }
0x5b: {  	[sflag:s1] =	ssyncset.done $0x0  }
0x5c: {  	s10 =	simm.s32 $0x1C80;
	[sflag:s1] =	ssyncadd.s32 $0xFFFFD800  }
0x5d: {  	[spmem:s2] =	stream.indirect.scatter.add.f32 [tilespmem:s31], [sflag:$0x4], $0x80, s10, s29, $0xb8;
	[tilespmem:$0x1C800] =	vst v63  }
0x5e: {  	_ =	swait.ge [sflag:s5], $0x2800  }
0x5f: {  	[sflag:s5] =	ssyncset.done $0x0  }
0x60: {  	s11 =	simm.s32 $0x100;
	[sflag:s5] =	ssyncadd.s32 $0xFFFFD800  }
0x61: {  	[tilespmem:s25], [sflag:$0x1] =	stream.indirect.gather [hbm4b:s14+s29], $0x80, s11, s29, $0xb8;
	[tilespmem:$0x1C800] =	vst v63  }
0x62: {  	_ =	swait.ge [sflag:s6], $0x2800  }
0x63: {  	[sflag:s6] =	ssyncset.done $0x0  }
0x64: {  	s9 =	simm.s32 $0x400;
	s10 =	simm.s32 $0x180;
	[sflag:s6] =	ssyncadd.s32 $0xFFFFD800  }
.LBB2_4:
0x65: {  	[tilespmem:s31], [sflag:$0x2] =	stream.indirect.gather [hbm4b:s14+s29], $0x80, s10, s29, $0xb8;
	[tilespmem:$0x1C800] =	vst v63  }
0x66: {  	s10 =	smov.u32 s9  }
0x67: {  	p0 =	sne.s32 s9, $0x5C00;
	s9 =	sadd.s32 $0x400, s9;
	_ =	swait.ge [sflag:s0], $0x2800  }
0x68: {  	s10 =	sshra.s32 s10, $0x2;
	[sflag:s0] =	ssyncset.done $0x0  }
0x69: {  	s11 =	sadd.s32 $0x1C00, s10;
	[sflag:s0] =	ssyncadd.s32 $0xFFFFD800  }
0x6a: {  	[spmem:s2] =	stream.indirect.scatter.add.f32 [tilespmem:s25], [sflag:$0x3], $0x80, s11, s29, $0xb8;
	[tilespmem:$0x1C800] =	vst v63  }
0x6b: {  	_ =	swait.ge [sflag:s1], $0x2800  }
0x6c: {  	[sflag:s1] =	ssyncset.done $0x0  }
0x6d: {  	s11 =	sadd.s32 $0x1C80, s10;
	[sflag:s1] =	ssyncadd.s32 $0xFFFFD800  }
0x6e: {  	[spmem:s2] =	stream.indirect.scatter.add.f32 [tilespmem:s31], [sflag:$0x4], $0x80, s11, s29, $0xb8;
	[tilespmem:$0x1C800] =	vst v63  }
0x6f: {  	_ =	swait.ge [sflag:s5], $0x2800  }
0x70: {  	[sflag:s5] =	ssyncset.done $0x0  }
.Ltmp1:
0x71: {  	s11 =	sadd.s32 $0x100, s10;
	[sflag:s5] =	ssyncadd.s32 $0xFFFFD800;
	(pc) =	sbr.rel @p0 .LBB2_4-.Ltmp1, $4  }
0x72: {  	[tilespmem:s25], [sflag:$0x1] =	stream.indirect.gather [hbm4b:s14+s29], $0x80, s11, s29, $0xb8;
	[tilespmem:$0x1C800] =	vst v63  }
0x73: {  	_ =	swait.ge [sflag:s6], $0x2800  }
0x74: {  	[sflag:s6] =	ssyncset.done $0x0  }
0x75: {  	s10 =	sadd.s32 $0x180, s10;
	[sflag:s6] =	ssyncadd.s32 $0xFFFFD800  }
0x76: {  	[tilespmem:s31], [sflag:$0x2] =	stream.indirect.gather [hbm4b:s14+s29], $0x80, s10, s29, $0xb8;
	[tilespmem:$0x1C800] =	vst v63  }
0x77: {  	_ =	swait.ge [sflag:s0], $0x2800  }
0x78: {  	[sflag:s0] =	ssyncset.done $0x0  }
0x79: {  	[sflag:s0] =	ssyncadd.s32 $0xFFFFD800  }
0x7a: {  	[spmem:s2] =	stream.indirect.scatter.add.f32 [tilespmem:s25], [sflag:$0x3], $0x80, s7, s29, $0xb8;
	[tilespmem:$0x1C800] =	vst v63  }
0x7b: {  	_ =	swait.ge [sflag:s1], $0x2800  }
0x7c: {  	[sflag:s1] =	ssyncset.done $0x0  }
0x7d: {  	[sflag:s1] =	ssyncadd.s32 $0xFFFFD800  }
0x7e: {  	[spmem:s2] =	stream.indirect.scatter.add.f32 [tilespmem:s31], [sflag:$0x4], $0x80, s8, s29, $0xb8;
	[tilespmem:$0x1C800] =	vst v63  }
0x7f: {  	_ =	swait.ge [sflag:s5], $0x2800  }
0x80: {  	[sflag:s5] =	ssyncset.done $0x0  }
0x81: {  	[sflag:s5] =	ssyncadd.s32 $0xFFFFD800  }
0x82: {  	_ =	swait.ge [sflag:s6], $0x2800  }
0x83: {  	[sflag:s6] =	ssyncset.done $0x0  }
0x84: {  	s9 =	simm.s32 $0x0;
	[sflag:s6] =	ssyncadd.s32 $0xFFFFD800  }
0x85: {  	[tilespmem:s9], [sflag:$0x5] =	stream.linear.gather [hbm4b:s15+s9], $0x1900, $0x38;
	[tilespmem:$0x1C800] =	vst v63  }
0x86: {  	_ =	swait.ge [sflag:s26], $0x1900  }
0x87: {  	[sflag:s26] =	ssyncset.done $0x0  }
0x88: {  	[sflag:s26] =	ssyncadd.s32 $0xFFFFE700  }
0x89: {  	[tilespmem:s28], [sflag:$0x5] =	stream.linear.gather [hbm4b:s16+s9], $0x1900, $0x38;
	[tilespmem:$0x1C800] =	vst v63  }
0x8a: {  	_ =	swait.ge [sflag:s26], $0x1900  }
0x8b: {  	[sflag:s26] =	ssyncset.done $0x0  }
0x8c: {  	[sflag:s26] =	ssyncadd.s32 $0xFFFFE700  }
0x8d: {  	[tilespmem:s25], [sflag:$0x1] =	stream.indirect.gather [hbm4b:s14+s29], $0x80, s9, s29, $0xb8;
	[tilespmem:$0x1C800] =	vst v63  }
0x8e: {  	_ = 	snop  }
0x8f: {  	[tilespmem:s31], [sflag:$0x2] =	stream.indirect.gather [hbm4b:s14+s29], $0x80, s30, s29, $0xb8;
	[tilespmem:$0x1C800] =	vst v63  }
0x90: {  	_ =	swait.ge [sflag:s0], $0x2800  }
0x91: {  	[sflag:s0] =	ssyncset.done $0x0  }
0x92: {  	s11 =	simm.s32 $0x1C00;
	[sflag:s0] =	ssyncadd.s32 $0xFFFFD800  }
0x93: {  	[spmem:s2] =	stream.indirect.scatter.add.f32 [tilespmem:s25], [sflag:$0x3], $0x80, s11, s29, $0xb8;
	[tilespmem:$0x1C800] =	vst v63  }
0x94: {  	_ =	swait.ge [sflag:s1], $0x2800  }
0x95: {  	[sflag:s1] =	ssyncset.done $0x0  }
0x96: {  	s10 =	simm.s32 $0x1C80;
	[sflag:s1] =	ssyncadd.s32 $0xFFFFD800  }
0x97: {  	[spmem:s2] =	stream.indirect.scatter.add.f32 [tilespmem:s31], [sflag:$0x4], $0x80, s10, s29, $0xb8;
	[tilespmem:$0x1C800] =	vst v63  }
0x98: {  	_ =	swait.ge [sflag:s5], $0x2800  }
0x99: {  	[sflag:s5] =	ssyncset.done $0x0  }
0x9a: {  	s11 =	simm.s32 $0x100;
	[sflag:s5] =	ssyncadd.s32 $0xFFFFD800  }
0x9b: {  	[tilespmem:s25], [sflag:$0x1] =	stream.indirect.gather [hbm4b:s14+s29], $0x80, s11, s29, $0xb8;
	[tilespmem:$0x1C800] =	vst v63  }
0x9c: {  	_ =	swait.ge [sflag:s6], $0x2800  }
0x9d: {  	[sflag:s6] =	ssyncset.done $0x0  }
0x9e: {  	s9 =	simm.s32 $0x400;
	s10 =	simm.s32 $0x180;
	[sflag:s6] =	ssyncadd.s32 $0xFFFFD800  }
.LBB2_6:
0x9f: {  	[tilespmem:s31], [sflag:$0x2] =	stream.indirect.gather [hbm4b:s14+s29], $0x80, s10, s29, $0xb8;
	[tilespmem:$0x1C800] =	vst v63  }
0xa0: {  	s10 =	smov.u32 s9  }
0xa1: {  	p0 =	sne.s32 s9, $0x5C00;
	s9 =	sadd.s32 $0x400, s9;
	_ =	swait.ge [sflag:s0], $0x2800  }
0xa2: {  	s10 =	sshra.s32 s10, $0x2;
	[sflag:s0] =	ssyncset.done $0x0  }
0xa3: {  	s11 =	sadd.s32 $0x1C00, s10;
	[sflag:s0] =	ssyncadd.s32 $0xFFFFD800  }
0xa4: {  	[spmem:s2] =	stream.indirect.scatter.add.f32 [tilespmem:s25], [sflag:$0x3], $0x80, s11, s29, $0xb8;
	[tilespmem:$0x1C800] =	vst v63  }
0xa5: {  	_ =	swait.ge [sflag:s1], $0x2800  }
0xa6: {  	[sflag:s1] =	ssyncset.done $0x0  }
0xa7: {  	s11 =	sadd.s32 $0x1C80, s10;
	[sflag:s1] =	ssyncadd.s32 $0xFFFFD800  }
0xa8: {  	[spmem:s2] =	stream.indirect.scatter.add.f32 [tilespmem:s31], [sflag:$0x4], $0x80, s11, s29, $0xb8;
	[tilespmem:$0x1C800] =	vst v63  }
0xa9: {  	_ =	swait.ge [sflag:s5], $0x2800  }
0xaa: {  	[sflag:s5] =	ssyncset.done $0x0  }
.Ltmp2:
0xab: {  	s11 =	sadd.s32 $0x100, s10;
	[sflag:s5] =	ssyncadd.s32 $0xFFFFD800;
	(pc) =	sbr.rel @p0 .LBB2_6-.Ltmp2, $4  }
0xac: {  	[tilespmem:s25], [sflag:$0x1] =	stream.indirect.gather [hbm4b:s14+s29], $0x80, s11, s29, $0xb8;
	[tilespmem:$0x1C800] =	vst v63  }
0xad: {  	_ =	swait.ge [sflag:s6], $0x2800  }
0xae: {  	[sflag:s6] =	ssyncset.done $0x0  }
0xaf: {  	s10 =	sadd.s32 $0x180, s10;
	[sflag:s6] =	ssyncadd.s32 $0xFFFFD800  }
0xb0: {  	[tilespmem:s31], [sflag:$0x2] =	stream.indirect.gather [hbm4b:s14+s29], $0x80, s10, s29, $0xb8;
	[tilespmem:$0x1C800] =	vst v63  }
0xb1: {  	_ =	swait.ge [sflag:s0], $0x2800  }
0xb2: {  	[sflag:s0] =	ssyncset.done $0x0  }
0xb3: {  	[sflag:s0] =	ssyncadd.s32 $0xFFFFD800  }
0xb4: {  	[spmem:s2] =	stream.indirect.scatter.add.f32 [tilespmem:s25], [sflag:$0x3], $0x80, s7, s29, $0xb8;
	[tilespmem:$0x1C800] =	vst v63  }
0xb5: {  	_ =	swait.ge [sflag:s1], $0x2800  }
0xb6: {  	[sflag:s1] =	ssyncset.done $0x0  }
0xb7: {  	[sflag:s1] =	ssyncadd.s32 $0xFFFFD800  }
0xb8: {  	[spmem:s2] =	stream.indirect.scatter.add.f32 [tilespmem:s31], [sflag:$0x4], $0x80, s8, s29, $0xb8;
	[tilespmem:$0x1C800] =	vst v63  }
0xb9: {  	_ =	swait.ge [sflag:s5], $0x2800  }
0xba: {  	[sflag:s5] =	ssyncset.done $0x0  }
0xbb: {  	[sflag:s5] =	ssyncadd.s32 $0xFFFFD800  }
0xbc: {  	_ =	swait.ge [sflag:s6], $0x2800  }
0xbd: {  	[sflag:s6] =	ssyncset.done $0x0  }
0xbe: {  	s9 =	simm.s32 $0x0;
	[sflag:s6] =	ssyncadd.s32 $0xFFFFD800  }
0xbf: {  	[tilespmem:s9], [sflag:$0x5] =	stream.linear.gather [hbm4b:s17+s9], $0x1900, $0x38;
	[tilespmem:$0x1C800] =	vst v63  }
0xc0: {  	_ =	swait.ge [sflag:s26], $0x1900  }
0xc1: {  	[sflag:s26] =	ssyncset.done $0x0  }
0xc2: {  	[sflag:s26] =	ssyncadd.s32 $0xFFFFE700  }
0xc3: {  	[tilespmem:s28], [sflag:$0x5] =	stream.linear.gather [hbm4b:s18+s9], $0x1900, $0x38;
	[tilespmem:$0x1C800] =	vst v63  }
0xc4: {  	_ =	swait.ge [sflag:s26], $0x1900  }
0xc5: {  	[sflag:s26] =	ssyncset.done $0x0  }
0xc6: {  	[sflag:s26] =	ssyncadd.s32 $0xFFFFE700  }
0xc7: {  	[tilespmem:s25], [sflag:$0x1] =	stream.indirect.gather [hbm4b:s14+s29], $0x80, s9, s29, $0xb8;
	[tilespmem:$0x1C800] =	vst v63  }
0xc8: {  	_ = 	snop  }
0xc9: {  	[tilespmem:s31], [sflag:$0x2] =	stream.indirect.gather [hbm4b:s14+s29], $0x80, s30, s29, $0xb8;
	[tilespmem:$0x1C800] =	vst v63  }
0xca: {  	_ =	swait.ge [sflag:s0], $0x2800  }
0xcb: {  	[sflag:s0] =	ssyncset.done $0x0  }
0xcc: {  	s11 =	simm.s32 $0x1C00;
	[sflag:s0] =	ssyncadd.s32 $0xFFFFD800  }
0xcd: {  	[spmem:s2] =	stream.indirect.scatter.add.f32 [tilespmem:s25], [sflag:$0x3], $0x80, s11, s29, $0xb8;
	[tilespmem:$0x1C800] =	vst v63  }
0xce: {  	_ =	swait.ge [sflag:s1], $0x2800  }
0xcf: {  	[sflag:s1] =	ssyncset.done $0x0  }
0xd0: {  	s10 =	simm.s32 $0x1C80;
	[sflag:s1] =	ssyncadd.s32 $0xFFFFD800  }
0xd1: {  	[spmem:s2] =	stream.indirect.scatter.add.f32 [tilespmem:s31], [sflag:$0x4], $0x80, s10, s29, $0xb8;
	[tilespmem:$0x1C800] =	vst v63  }
0xd2: {  	_ =	swait.ge [sflag:s5], $0x2800  }
0xd3: {  	[sflag:s5] =	ssyncset.done $0x0  }
0xd4: {  	s11 =	simm.s32 $0x100;
	[sflag:s5] =	ssyncadd.s32 $0xFFFFD800  }
0xd5: {  	[tilespmem:s25], [sflag:$0x1] =	stream.indirect.gather [hbm4b:s14+s29], $0x80, s11, s29, $0xb8;
	[tilespmem:$0x1C800] =	vst v63  }
0xd6: {  	_ =	swait.ge [sflag:s6], $0x2800  }
0xd7: {  	[sflag:s6] =	ssyncset.done $0x0  }
0xd8: {  	s9 =	simm.s32 $0x400;
	s10 =	simm.s32 $0x180;
	[sflag:s6] =	ssyncadd.s32 $0xFFFFD800  }
.LBB2_8:
0xd9: {  	[tilespmem:s31], [sflag:$0x2] =	stream.indirect.gather [hbm4b:s14+s29], $0x80, s10, s29, $0xb8;
	[tilespmem:$0x1C800] =	vst v63  }
0xda: {  	s10 =	smov.u32 s9  }
0xdb: {  	p0 =	sne.s32 s9, $0x5C00;
	s9 =	sadd.s32 $0x400, s9;
	_ =	swait.ge [sflag:s0], $0x2800  }
0xdc: {  	s10 =	sshra.s32 s10, $0x2;
	[sflag:s0] =	ssyncset.done $0x0  }
0xdd: {  	s11 =	sadd.s32 $0x1C00, s10;
	[sflag:s0] =	ssyncadd.s32 $0xFFFFD800  }
0xde: {  	[spmem:s2] =	stream.indirect.scatter.add.f32 [tilespmem:s25], [sflag:$0x3], $0x80, s11, s29, $0xb8;
	[tilespmem:$0x1C800] =	vst v63  }
0xdf: {  	_ =	swait.ge [sflag:s1], $0x2800  }
0xe0: {  	[sflag:s1] =	ssyncset.done $0x0  }
0xe1: {  	s11 =	sadd.s32 $0x1C80, s10;
	[sflag:s1] =	ssyncadd.s32 $0xFFFFD800  }
0xe2: {  	[spmem:s2] =	stream.indirect.scatter.add.f32 [tilespmem:s31], [sflag:$0x4], $0x80, s11, s29, $0xb8;
	[tilespmem:$0x1C800] =	vst v63  }
0xe3: {  	_ =	swait.ge [sflag:s5], $0x2800  }
0xe4: {  	[sflag:s5] =	ssyncset.done $0x0  }
.Ltmp3:
0xe5: {  	s11 =	sadd.s32 $0x100, s10;
	[sflag:s5] =	ssyncadd.s32 $0xFFFFD800;
	(pc) =	sbr.rel @p0 .LBB2_8-.Ltmp3, $4  }
0xe6: {  	[tilespmem:s25], [sflag:$0x1] =	stream.indirect.gather [hbm4b:s14+s29], $0x80, s11, s29, $0xb8;
	[tilespmem:$0x1C800] =	vst v63  }
0xe7: {  	_ =	swait.ge [sflag:s6], $0x2800  }
0xe8: {  	[sflag:s6] =	ssyncset.done $0x0  }
0xe9: {  	s10 =	sadd.s32 $0x180, s10;
	[sflag:s6] =	ssyncadd.s32 $0xFFFFD800  }
0xea: {  	[tilespmem:s31], [sflag:$0x2] =	stream.indirect.gather [hbm4b:s14+s29], $0x80, s10, s29, $0xb8;
	[tilespmem:$0x1C800] =	vst v63  }
0xeb: {  	_ =	swait.ge [sflag:s0], $0x2800  }
0xec: {  	[sflag:s0] =	ssyncset.done $0x0  }
0xed: {  	[sflag:s0] =	ssyncadd.s32 $0xFFFFD800  }
0xee: {  	[spmem:s2] =	stream.indirect.scatter.add.f32 [tilespmem:s25], [sflag:$0x3], $0x80, s7, s29, $0xb8;
	[tilespmem:$0x1C800] =	vst v63  }
0xef: {  	_ =	swait.ge [sflag:s1], $0x2800  }
0xf0: {  	[sflag:s1] =	ssyncset.done $0x0  }
0xf1: {  	[sflag:s1] =	ssyncadd.s32 $0xFFFFD800  }
0xf2: {  	[spmem:s2] =	stream.indirect.scatter.add.f32 [tilespmem:s31], [sflag:$0x4], $0x80, s8, s29, $0xb8;
	[tilespmem:$0x1C800] =	vst v63  }
0xf3: {  	_ =	swait.ge [sflag:s5], $0x2800  }
0xf4: {  	[sflag:s5] =	ssyncset.done $0x0  }
0xf5: {  	[sflag:s5] =	ssyncadd.s32 $0xFFFFD800  }
0xf6: {  	_ =	swait.ge [sflag:s6], $0x2800  }
0xf7: {  	[sflag:s6] =	ssyncset.done $0x0  }
0xf8: {  	s9 =	simm.s32 $0x0;
	[sflag:s6] =	ssyncadd.s32 $0xFFFFD800  }
0xf9: {  	[tilespmem:s9], [sflag:$0x5] =	stream.linear.gather [hbm4b:s19+s9], $0x1900, $0x38;
	[tilespmem:$0x1C800] =	vst v63  }
0xfa: {  	_ =	swait.ge [sflag:s26], $0x1900  }
0xfb: {  	[sflag:s26] =	ssyncset.done $0x0  }
0xfc: {  	[sflag:s26] =	ssyncadd.s32 $0xFFFFE700  }
0xfd: {  	[tilespmem:s28], [sflag:$0x5] =	stream.linear.gather [hbm4b:s20+s9], $0x1900, $0x38;
	[tilespmem:$0x1C800] =	vst v63  }
0xfe: {  	_ =	swait.ge [sflag:s26], $0x1900  }
0xff: {  	[sflag:s26] =	ssyncset.done $0x0  }
0x100: {  	[sflag:s26] =	ssyncadd.s32 $0xFFFFE700  }
0x101: {  	[tilespmem:s25], [sflag:$0x1] =	stream.indirect.gather [hbm4b:s14+s29], $0x80, s9, s29, $0xb8;
	[tilespmem:$0x1C800] =	vst v63  }
0x102: {  	_ = 	snop  }
0x103: {  	[tilespmem:s31], [sflag:$0x2] =	stream.indirect.gather [hbm4b:s14+s29], $0x80, s30, s29, $0xb8;
	[tilespmem:$0x1C800] =	vst v63  }
0x104: {  	_ =	swait.ge [sflag:s0], $0x2800  }
0x105: {  	[sflag:s0] =	ssyncset.done $0x0  }
0x106: {  	s11 =	simm.s32 $0x1C00;
	[sflag:s0] =	ssyncadd.s32 $0xFFFFD800  }
0x107: {  	[spmem:s2] =	stream.indirect.scatter.add.f32 [tilespmem:s25], [sflag:$0x3], $0x80, s11, s29, $0xb8;
	[tilespmem:$0x1C800] =	vst v63  }
0x108: {  	_ =	swait.ge [sflag:s1], $0x2800  }
0x109: {  	[sflag:s1] =	ssyncset.done $0x0  }
0x10a: {  	s10 =	simm.s32 $0x1C80;
	[sflag:s1] =	ssyncadd.s32 $0xFFFFD800  }
0x10b: {  	[spmem:s2] =	stream.indirect.scatter.add.f32 [tilespmem:s31], [sflag:$0x4], $0x80, s10, s29, $0xb8;
	[tilespmem:$0x1C800] =	vst v63  }
0x10c: {  	_ =	swait.ge [sflag:s5], $0x2800  }
0x10d: {  	[sflag:s5] =	ssyncset.done $0x0  }
0x10e: {  	s11 =	simm.s32 $0x100;
	[sflag:s5] =	ssyncadd.s32 $0xFFFFD800  }
0x10f: {  	[tilespmem:s25], [sflag:$0x1] =	stream.indirect.gather [hbm4b:s14+s29], $0x80, s11, s29, $0xb8;
	[tilespmem:$0x1C800] =	vst v63  }
0x110: {  	_ =	swait.ge [sflag:s6], $0x2800  }
0x111: {  	[sflag:s6] =	ssyncset.done $0x0  }
0x112: {  	s9 =	simm.s32 $0x400;
	s10 =	simm.s32 $0x180;
	[sflag:s6] =	ssyncadd.s32 $0xFFFFD800  }
.LBB2_10:
0x113: {  	[tilespmem:s31], [sflag:$0x2] =	stream.indirect.gather [hbm4b:s14+s29], $0x80, s10, s29, $0xb8;
	[tilespmem:$0x1C800] =	vst v63  }
0x114: {  	s10 =	smov.u32 s9  }
0x115: {  	p0 =	sne.s32 s9, $0x5C00;
	s9 =	sadd.s32 $0x400, s9;
	_ =	swait.ge [sflag:s0], $0x2800  }
0x116: {  	s10 =	sshra.s32 s10, $0x2;
	[sflag:s0] =	ssyncset.done $0x0  }
0x117: {  	s11 =	sadd.s32 $0x1C00, s10;
	[sflag:s0] =	ssyncadd.s32 $0xFFFFD800  }
0x118: {  	[spmem:s2] =	stream.indirect.scatter.add.f32 [tilespmem:s25], [sflag:$0x3], $0x80, s11, s29, $0xb8;
	[tilespmem:$0x1C800] =	vst v63  }
0x119: {  	_ =	swait.ge [sflag:s1], $0x2800  }
0x11a: {  	[sflag:s1] =	ssyncset.done $0x0  }
0x11b: {  	s11 =	sadd.s32 $0x1C80, s10;
	[sflag:s1] =	ssyncadd.s32 $0xFFFFD800  }
0x11c: {  	[spmem:s2] =	stream.indirect.scatter.add.f32 [tilespmem:s31], [sflag:$0x4], $0x80, s11, s29, $0xb8;
	[tilespmem:$0x1C800] =	vst v63  }
0x11d: {  	_ =	swait.ge [sflag:s5], $0x2800  }
0x11e: {  	[sflag:s5] =	ssyncset.done $0x0  }
.Ltmp4:
0x11f: {  	s11 =	sadd.s32 $0x100, s10;
	[sflag:s5] =	ssyncadd.s32 $0xFFFFD800;
	(pc) =	sbr.rel @p0 .LBB2_10-.Ltmp4, $4  }
0x120: {  	[tilespmem:s25], [sflag:$0x1] =	stream.indirect.gather [hbm4b:s14+s29], $0x80, s11, s29, $0xb8;
	[tilespmem:$0x1C800] =	vst v63  }
0x121: {  	_ =	swait.ge [sflag:s6], $0x2800  }
0x122: {  	[sflag:s6] =	ssyncset.done $0x0  }
0x123: {  	s10 =	sadd.s32 $0x180, s10;
	[sflag:s6] =	ssyncadd.s32 $0xFFFFD800  }
0x124: {  	[tilespmem:s31], [sflag:$0x2] =	stream.indirect.gather [hbm4b:s14+s29], $0x80, s10, s29, $0xb8;
	[tilespmem:$0x1C800] =	vst v63  }
0x125: {  	_ =	swait.ge [sflag:s0], $0x2800  }
0x126: {  	[sflag:s0] =	ssyncset.done $0x0  }
0x127: {  	[sflag:s0] =	ssyncadd.s32 $0xFFFFD800  }
0x128: {  	[spmem:s2] =	stream.indirect.scatter.add.f32 [tilespmem:s25], [sflag:$0x3], $0x80, s7, s29, $0xb8;
	[tilespmem:$0x1C800] =	vst v63  }
0x129: {  	_ =	swait.ge [sflag:s1], $0x2800  }
0x12a: {  	[sflag:s1] =	ssyncset.done $0x0  }
0x12b: {  	[sflag:s1] =	ssyncadd.s32 $0xFFFFD800  }
0x12c: {  	[spmem:s2] =	stream.indirect.scatter.add.f32 [tilespmem:s31], [sflag:$0x4], $0x80, s8, s29, $0xb8;
	[tilespmem:$0x1C800] =	vst v63  }
0x12d: {  	_ =	swait.ge [sflag:s5], $0x2800  }
0x12e: {  	[sflag:s5] =	ssyncset.done $0x0  }
0x12f: {  	[sflag:s5] =	ssyncadd.s32 $0xFFFFD800  }
0x130: {  	_ =	swait.ge [sflag:s6], $0x2800  }
0x131: {  	[sflag:s6] =	ssyncset.done $0x0  }
0x132: {  	s9 =	simm.s32 $0x0;
	[sflag:s6] =	ssyncadd.s32 $0xFFFFD800  }
0x133: {  	[tilespmem:s9], [sflag:$0x5] =	stream.linear.gather [hbm4b:s21+s9], $0x1900, $0x38;
	[tilespmem:$0x1C800] =	vst v63  }
0x134: {  	_ =	swait.ge [sflag:s26], $0x1900  }
0x135: {  	[sflag:s26] =	ssyncset.done $0x0  }
0x136: {  	[sflag:s26] =	ssyncadd.s32 $0xFFFFE700  }
0x137: {  	[tilespmem:s28], [sflag:$0x5] =	stream.linear.gather [hbm4b:s22+s9], $0x1900, $0x38;
	[tilespmem:$0x1C800] =	vst v63  }
0x138: {  	_ =	swait.ge [sflag:s26], $0x1900  }
0x139: {  	[sflag:s26] =	ssyncset.done $0x0  }
0x13a: {  	[sflag:s26] =	ssyncadd.s32 $0xFFFFE700  }
0x13b: {  	[tilespmem:s25], [sflag:$0x1] =	stream.indirect.gather [hbm4b:s14+s29], $0x80, s9, s29, $0xb8;
	[tilespmem:$0x1C800] =	vst v63  }
0x13c: {  	_ = 	snop  }
0x13d: {  	[tilespmem:s31], [sflag:$0x2] =	stream.indirect.gather [hbm4b:s14+s29], $0x80, s30, s29, $0xb8;
	[tilespmem:$0x1C800] =	vst v63  }
0x13e: {  	_ =	swait.ge [sflag:s0], $0x2800  }
0x13f: {  	[sflag:s0] =	ssyncset.done $0x0  }
0x140: {  	s11 =	simm.s32 $0x1C00;
	[sflag:s0] =	ssyncadd.s32 $0xFFFFD800  }
0x141: {  	[spmem:s2] =	stream.indirect.scatter.add.f32 [tilespmem:s25], [sflag:$0x3], $0x80, s11, s29, $0xb8;
	[tilespmem:$0x1C800] =	vst v63  }
0x142: {  	_ =	swait.ge [sflag:s1], $0x2800  }
0x143: {  	[sflag:s1] =	ssyncset.done $0x0  }
0x144: {  	s10 =	simm.s32 $0x1C80;
	[sflag:s1] =	ssyncadd.s32 $0xFFFFD800  }
0x145: {  	[spmem:s2] =	stream.indirect.scatter.add.f32 [tilespmem:s31], [sflag:$0x4], $0x80, s10, s29, $0xb8;
	[tilespmem:$0x1C800] =	vst v63  }
0x146: {  	_ =	swait.ge [sflag:s5], $0x2800  }
0x147: {  	[sflag:s5] =	ssyncset.done $0x0  }
0x148: {  	s11 =	simm.s32 $0x100;
	[sflag:s5] =	ssyncadd.s32 $0xFFFFD800  }
0x149: {  	[tilespmem:s25], [sflag:$0x1] =	stream.indirect.gather [hbm4b:s14+s29], $0x80, s11, s29, $0xb8;
	[tilespmem:$0x1C800] =	vst v63  }
0x14a: {  	_ =	swait.ge [sflag:s6], $0x2800  }
0x14b: {  	[sflag:s6] =	ssyncset.done $0x0  }
0x14c: {  	s9 =	simm.s32 $0x400;
	s10 =	simm.s32 $0x180;
	[sflag:s6] =	ssyncadd.s32 $0xFFFFD800  }
.LBB2_12:
0x14d: {  	[tilespmem:s31], [sflag:$0x2] =	stream.indirect.gather [hbm4b:s14+s29], $0x80, s10, s29, $0xb8;
	[tilespmem:$0x1C800] =	vst v63  }
0x14e: {  	s10 =	smov.u32 s9  }
0x14f: {  	p0 =	sne.s32 s9, $0x5C00;
	s9 =	sadd.s32 $0x400, s9;
	_ =	swait.ge [sflag:s0], $0x2800  }
0x150: {  	s10 =	sshra.s32 s10, $0x2;
	[sflag:s0] =	ssyncset.done $0x0  }
0x151: {  	s11 =	sadd.s32 $0x1C00, s10;
	[sflag:s0] =	ssyncadd.s32 $0xFFFFD800  }
0x152: {  	[spmem:s2] =	stream.indirect.scatter.add.f32 [tilespmem:s25], [sflag:$0x3], $0x80, s11, s29, $0xb8;
	[tilespmem:$0x1C800] =	vst v63  }
0x153: {  	_ =	swait.ge [sflag:s1], $0x2800  }
0x154: {  	[sflag:s1] =	ssyncset.done $0x0  }
0x155: {  	s11 =	sadd.s32 $0x1C80, s10;
	[sflag:s1] =	ssyncadd.s32 $0xFFFFD800  }
0x156: {  	[spmem:s2] =	stream.indirect.scatter.add.f32 [tilespmem:s31], [sflag:$0x4], $0x80, s11, s29, $0xb8;
	[tilespmem:$0x1C800] =	vst v63  }
0x157: {  	_ =	swait.ge [sflag:s5], $0x2800  }
0x158: {  	[sflag:s5] =	ssyncset.done $0x0  }
.Ltmp5:
0x159: {  	s11 =	sadd.s32 $0x100, s10;
	[sflag:s5] =	ssyncadd.s32 $0xFFFFD800;
	(pc) =	sbr.rel @p0 .LBB2_12-.Ltmp5, $4  }
0x15a: {  	[tilespmem:s25], [sflag:$0x1] =	stream.indirect.gather [hbm4b:s14+s29], $0x80, s11, s29, $0xb8;
	[tilespmem:$0x1C800] =	vst v63  }
0x15b: {  	_ =	swait.ge [sflag:s6], $0x2800  }
0x15c: {  	[sflag:s6] =	ssyncset.done $0x0  }
0x15d: {  	s10 =	sadd.s32 $0x180, s10;
	[sflag:s6] =	ssyncadd.s32 $0xFFFFD800  }
0x15e: {  	[tilespmem:s31], [sflag:$0x2] =	stream.indirect.gather [hbm4b:s14+s29], $0x80, s10, s29, $0xb8;
	[tilespmem:$0x1C800] =	vst v63  }
0x15f: {  	_ =	swait.ge [sflag:s0], $0x2800  }
0x160: {  	[sflag:s0] =	ssyncset.done $0x0  }
0x161: {  	[sflag:s0] =	ssyncadd.s32 $0xFFFFD800  }
0x162: {  	[spmem:s2] =	stream.indirect.scatter.add.f32 [tilespmem:s25], [sflag:$0x3], $0x80, s7, s29, $0xb8;
	[tilespmem:$0x1C800] =	vst v63  }
0x163: {  	_ =	swait.ge [sflag:s1], $0x2800  }
0x164: {  	[sflag:s1] =	ssyncset.done $0x0  }
0x165: {  	[sflag:s1] =	ssyncadd.s32 $0xFFFFD800  }
0x166: {  	[spmem:s2] =	stream.indirect.scatter.add.f32 [tilespmem:s31], [sflag:$0x4], $0x80, s8, s29, $0xb8;
	[tilespmem:$0x1C800] =	vst v63  }
0x167: {  	_ =	swait.ge [sflag:s5], $0x2800  }
0x168: {  	[sflag:s5] =	ssyncset.done $0x0  }
0x169: {  	[sflag:s5] =	ssyncadd.s32 $0xFFFFD800  }
0x16a: {  	s9 =	stileid.u32;
	_ =	swait.ge [sflag:s6], $0x2800  }
0x16b: {  	s11 =	sshrl.u32 s4, $0x3;
	s3 =	sadd.s32 $0x1, s3;
	[sflag:s6] =	ssyncset.done $0x0  }
0x16c: {  	s9 =	sshll.u32 s9, $0x6;
	p0 =	sne.s32 s3, s24;
	[sflag:s6] =	ssyncadd.s32 $0xFFFFD800  }
.Ltmp6:
0x16d: {  	s9 =	sor.u32 $0x1C05, s9;
	[bflag:$0x0] =	sbarrier.arrive $0xFFFF;
	(pc) =	sbr.rel @p0 .LBB2_1-.Ltmp6, $4  }
0x16e: {  	[hbm:s23], [sflag:s9] =	dma.local [spmem:s11], $0x2800  }
0x16f: {  	_ =	swait.ge [sflag:s26], $0x2800  }
0x170: {  	[sflag:s26] =	ssyncset.done $0x0  }
0x171: {  	[sflag:s26] =	ssyncadd.s32 $0xFFFFD800  }
0x172: {  	_ =	sfence.sel $0x180000  }
0x173: {  	[bflag:$0x0] =	sbarrier.arrive $0xFFFF  }
0x174: {  	_ =	strace $0x9000004A  }
0x175: {  	s0 =	stileid.u32;
	[bflag:$0x2] =	sbarrier.arrive $0xFFFF  }
0x176: {  	p0 =	sne.s32 s0, $0x0;
	s0 =	rddreg [dreg:$0x2]  }
0x177: {  	s0 =	sadd.s32 @!p0 $0x100000, s0  }
0x178: {  	[sflag:s0] =	ssyncadd.tile.s32 @!p0 $0x1;
	_ =	shalt  }
.Lfunc_end2:
_tile_overlayer_lowered:
.L_overlay_start_2:
0x179: {  	(tag) =	ssettag $0x2  }
0x17a: {  	s0 =	rddreg [dreg:$0x0];
	s2 =	stileid.u32  }
0x17b: {  	s1 =	rddreg [dreg:$0x1];
	p0 =	sne.s32 s2, $0x0  }
0x17c: {  	s3 =	rddreg [dreg:$0x2];
	[bflag:$0x3] =	sbarrier.arrive $0xFFFF;
	s2 =	simm.s32 @!p0 $0x1C05  }
0x17d: {  	[timem:s3], [sflag:s2] =	dma.local @!p0 [hbm:s0], s1  }
0x17e: {  	s0 =	simm.s32 @!p0 $0x5  }
0x17f: {  	_ =	swait.ge @!p0 [sflag:s0], s1  }
0x180: {  	s1 =	ssub.s32 @!p0 $0x0, s1;
	[sflag:s0] =	ssyncset.done @!p0 $0x0  }
0x181: {  	[sflag:s0] =	ssyncadd.s32 @!p0 s1  }
0x182: {  	[bflag:$0x3] =	sbarrier.arrive $0xFFFF  }
0x183: {  	_ =	shalt  }

// kernel: kernel.14.cloned.1.call-start
scs
__scs_entry_jumppad:
0x0: {  	(pc) =	sbr.rel $0x88, $3  }
0x1: {  	(tag) =	ssettag $0x0;
	lr =	simm.s32 $0x1  }
0x2: {  	[smem:$0x3F91] =	sst lr;
	_ =	strace $0xD0000000  }
0x3: {  	_ = 	snop  }
0x4: {  	_ = 	snop  }
0x5: {  	_ = 	snop  }
0x6: {  	_ = 	snop  }
0x7: {  	_ = 	snop  }
__scs_overlays_trampoline_lowered:
0x8: {  	[smem:$0x3FA0] =	sst s0  }
0x9: {  	[smem:$0x3FA1] =	sst s1  }
0xa: {  	[smem:$0x3FA2] =	sst s2  }
0xb: {  	[smem:$0x3FA3] =	sst s3  }
0xc: {  	[smem:$0x3FA4] =	sst s4  }
0xd: {  	[smem:$0x3FA5] =	sst s5  }
0xe: {  	[smem:$0x3FA6] =	sst s6  }
0xf: {  	[smem:$0x3FA7] =	sst s7  }
0x10: {  	[smem:$0x3FA8] =	sst s8  }
0x11: {  	[smem:$0x3FA9] =	sst s9;
	s0 =	simm.s32 @!p0 $0x0  }
0x12: {  	s1 =	sld [smem:$0x3F8F];
	s0 =	simm.s32 @p0 $0x1  }
0x13: {  	[smem:$0x3FAA] =	sst s0;
	s0 =	simm.s32 @!p1 $0x0  }
0x14: {  	s2 =	sld [smem:$0x3F8E];
	s0 =	simm.s32 @p1 $0x1  }
0x15: {  	[smem:$0x3FAB] =	sst s0;
	s0 =	simm.s32 @!p2 $0x0  }
0x16: {  	s3 =	sld [smem:$0x3FDB];
	s0 =	simm.s32 @p2 $0x1  }
0x17: {  	s4 =	simm.s32 $0x1BF5;
	[smem:$0x3FAD] =	sst s0  }
0x18: {  	s0 =	sld [smem:$0x3F90];
	_ =	swait.ge [sflag:s4], $0x0  }
0x19: {  	s7 =	sld [smem:$0x3F91]  }
0x1a: {  	s8 =	sadd.s32 $0xFFFFE003, lr  }
0x1b: {  	s9 =	sadd.s32 $0xFFFFFEF7, lr;
	s5 =	simm.s32 $0xFFFFFFFF;
	p2 =	slt.u32 s8, $0xFFFFF086  }
0x1c: {  	p1 =	slt.u32 s9, $0xF7A;
	s5 =	simm.s32 @!p2 $0x0  }
0x1d: {  	s5 =	simm.s32 @p1 $0x1;
	p0 =	seq.s32 s7, s2  }
0x1e: {  	s7 =	smul.u32 @!p0 $0xF7A, s2;
	p2 =	seq.s32 @!p0 s5, $0x0  }
0x1f: {  	s9 =	smul.u32 $0xF7A, s1;
	s8 =	simm.s32 @!p0 $0x1BF5;
	p2 =	por !p2, p0  }
0x20: {  	[sflag:s8] =	ssyncset.s32 @!p0 $0xFFFFF086;
	s6 =	sadd.s32 @!p0 s3, s7;
	s7 =	simm.s32 @!p0 $0x108  }
0x21: {  	s3 =	sadd.s32 s3, s9;
	s6 =	sadd.s32 @!p0 $0x88, s6;
	s7 =	simm.s32 @p2 $0x1082  }
0x22: {  	[simem:s7], [sflag:s8] =	dma.local @!p0 [hbm:s6], $0xF7A  }
0x23: {  	s9 =	sor.u32 $0xD0000000, s2;
	s6 =	simm.s32 $0x108;
	_ =	swait.ge @!p0 [sflag:s8], $0x0  }
0x24: {  	s3 =	sadd.s32 $0x88, s3;
	s6 =	simm.s32 @!p1 $0x1082;
	[sflag:s4] =	ssyncset.s32 $0xFFFFF086  }
0x25: {  	[simem:s6], [sflag:s4] =	dma.local [hbm:s3], $0xF7A  }
0x26: {  	[smem:$0x3F91] =	sst s1;
	(tag) =	ssettag s2;
	_ =	strace s9  }
0x27: {  	s1 =	sld [smem:$0x3FA1]  }
0x28: {  	s2 =	sld [smem:$0x3FA2]  }
0x29: {  	s4 =	sld [smem:$0x3FA4]  }
0x2a: {  	p0 =	seq.s32 s5, $0x0;
	s5 =	sld [smem:$0x3FA5]  }
0x2b: {  	s6 =	sld [smem:$0x3FA6]  }
0x2c: {  	s7 =	sld [smem:$0x3FA7]  }
0x2d: {  	s3 =	simm.s32 $0x108;
	s8 =	sld [smem:$0x3FA8]  }
0x2e: {  	s3 =	simm.s32 @!p0 $0x1082;
	s9 =	sld [smem:$0x3FA9]  }
0x2f: {  	lr =	sadd.s32 s0, s3;
	s0 =	sld [smem:$0x3FA0]  }
0x30: {  	s3 =	sld [smem:$0x3FA3]  }
0x31: {  	[smem:$0x3FAC] =	sst s10  }
0x32: {  	s10 =	sld [smem:$0x3FAA];
	_ =	sdelay $0x3  }
0x33: {  	p0 =	seq.s32 s10, $0x1;
	s10 =	sld [smem:$0x3FAC];
	_ =	sdelay $0x3  }
0x34: {  	[smem:$0x3FAC] =	sst s10  }
0x35: {  	s10 =	sld [smem:$0x3FAB];
	_ =	sdelay $0x3  }
0x36: {  	p1 =	seq.s32 s10, $0x1;
	s10 =	sld [smem:$0x3FAC];
	_ =	sdelay $0x3  }
0x37: {  	[smem:$0x3FAC] =	sst s10  }
0x38: {  	s10 =	sld [smem:$0x3FAD]  }
0x39: {  	_ = 	snop;
	(pc) =	sbr.ind lr, $3  }
0x3a: {  	_ = 	snop  }
0x3b: {  	_ = 	snop  }
0x3c: {  	p2 =	seq.s32 s10, $0x1;
	s10 =	sld [smem:$0x3FAC]  }
0x3d: {  	_ =	shalt  }
0x3e: {  	_ =	shalt  }
0x3f: {  	_ =	shalt  }
0x40: {  	_ =	shalt  }
0x41: {  	_ =	shalt  }
0x42: {  	_ =	shalt  }
0x43: {  	_ =	shalt  }
0x44: {  	_ =	shalt  }
0x45: {  	_ =	shalt  }
0x46: {  	_ =	shalt  }
0x47: {  	_ =	shalt  }
0x48: {  	_ =	shalt  }
0x49: {  	_ =	shalt  }
0x4a: {  	_ =	shalt  }
0x4b: {  	_ =	shalt  }
0x4c: {  	_ =	shalt  }
0x4d: {  	_ =	shalt  }
0x4e: {  	_ =	shalt  }
0x4f: {  	_ =	shalt  }
0x50: {  	_ =	shalt  }
0x51: {  	_ =	shalt  }
0x52: {  	_ =	shalt  }
0x53: {  	_ =	shalt  }
0x54: {  	_ =	shalt  }
0x55: {  	_ =	shalt  }
0x56: {  	_ =	shalt  }
0x57: {  	_ =	shalt  }
0x58: {  	_ =	shalt  }
0x59: {  	_ =	shalt  }
0x5a: {  	_ =	shalt  }
0x5b: {  	_ =	shalt  }
0x5c: {  	_ =	shalt  }
0x5d: {  	_ =	shalt  }
0x5e: {  	_ =	shalt  }
0x5f: {  	_ =	shalt  }
0x60: {  	_ =	shalt  }
0x61: {  	_ =	shalt  }
0x62: {  	_ =	shalt  }
0x63: {  	_ =	shalt  }
0x64: {  	_ =	shalt  }
0x65: {  	_ =	shalt  }
0x66: {  	_ =	shalt  }
0x67: {  	_ =	shalt  }
0x68: {  	_ =	shalt  }
0x69: {  	_ =	shalt  }
0x6a: {  	_ =	shalt  }
0x6b: {  	_ =	shalt  }
0x6c: {  	_ =	shalt  }
0x6d: {  	_ =	shalt  }
0x6e: {  	_ =	shalt  }
0x6f: {  	_ =	shalt  }
0x70: {  	_ =	shalt  }
0x71: {  	_ =	shalt  }
0x72: {  	_ =	shalt  }
0x73: {  	_ =	shalt  }
0x74: {  	_ =	shalt  }
0x75: {  	_ =	shalt  }
0x76: {  	_ =	shalt  }
0x77: {  	_ =	shalt  }
0x78: {  	_ =	shalt  }
0x79: {  	_ =	shalt  }
0x7a: {  	_ =	shalt  }
0x7b: {  	_ =	shalt  }
0x7c: {  	_ =	shalt  }
0x7d: {  	_ =	shalt  }
0x7e: {  	_ =	shalt  }
0x7f: {  	_ =	shalt  }
0x80: {  	_ =	shalt  }
0x81: {  	_ =	shalt  }
0x82: {  	_ =	shalt  }
0x83: {  	_ =	shalt  }
0x84: {  	_ =	shalt  }
0x85: {  	_ =	shalt  }
0x86: {  	_ =	shalt  }
0x87: {  	_ =	shalt  }
.Lfunc_end0:
.L_simem_size_0:
called_computation.2_lowered:
.L_overlay_start_0:
0x88: {  	s2 =	sld [smem:$0x3FD9]  }
0x89: {  	s3 =	sld [smem:$0x3FFE];
	_ =	sdelay $0x1  }
0x8a: {  	s1 =	srdreg.scid  }
0x8b: {  	s0 =	sand.u32 $0x1, s1  }
0x8c: {  	s16 =	sshll.u32 s0, $0xA;
	s2 =	sadd.s32 s3, s2  }
0x8d: {  	s2 =	sadd.s32 s2, s16  }
0x8e: {  	[smem:$0x3FB8] =	sst s2  }
0x8f: {  	_ = 	snop  }
0x90: {  	(tm) =	ssettm $0x1  }
0x91: {  	s17 =	sld [smem:$0x3FFB];
	_ =	sdelay $0x3  }
0x92: {  	_ =	strace s17  }
0x93: {  	s2 =	sld [smem:$0x3FFC];
	_ =	sdelay $0x3  }
0x94: {  	_ =	strace s2  }
0x95: {  	s2 =	sld [smem:$0x3FFD];
	_ =	sdelay $0x3  }
0x96: {  	_ =	strace s2  }
0x97: {  	_ =	strace $0x8FFFFFFF  }
0x98: {  	s18 =	sld [smem:$0x3FDB];
	_ =	sdelay $0x1  }
0x99: {  	s19 =	simm.s32 $_scs_section_size  }
0x9a: {  	s4 =	simm.s32 $_size__tile_overlayer_lowered;
	s5 =	simm.s32 $_tile_overlayer_lowered  }
0x9b: {  	s22 =	simm.s32 $0x1BFF;
	s21 =	sshll.u32 s5, $0x1;
	s2 =	sadd.s32 s19, s18  }
0x9c: {  	s6 =	simm.s32 $0x0;
	s20 =	sshll.u32 s4, $0x1;
	s4 =	sadd.s32 s21, s2  }
0x9d: {  	[timem:s6], [sflag:s22] =	dma.local [hbm:s4], s20  }
0x9e: {  	_ =	swait.ge [sflag:s22], s20  }
0x9f: {  	s3 =	ssub.s32 $0x0, s20;
	[sflag:s22] =	ssyncset.done $0x0  }
0xa0: {  	[sflag:s22] =	ssyncadd.s32 s3;
	_ =	sdelay $0x1  }
0xa1: {  	s23 =	simm.s32 $0x1B8B  }
0xa2: {  	_ =	swait.ge [sflag:s23], $0x1  }
0xa3: {  	[sflag:s23] =	ssyncset.done $0x0  }
0xa4: {  	s25 =	simm.s32 $0x1B8E;
	s24 =	sld [smem:$0x3FFE];
	[sflag:s23] =	ssyncadd.s32 $0xFFFFFFFF  }
0xa5: {  	s26 =	simm.s32 $execute0_lowered;
	[smem:$0x3FD2] =	sst s25  }
0xa6: {  	s4 =	sshll.u32 s26, $0x1;
	_ =	strace $0x8000004C;
	[dreg:$0x1] =	wrdreg $0xFFFFFFFF  }
0xa7: {  	s28 =	simm.s32 $_size_execute0_lowered;
	s2 =	sadd.s32 s2, s4;
	[dreg:$0x0] =	wrdreg $0x0  }
0xa8: {  	s4 =	sshll.u32 s28, $0x1;
	[dreg:$0x2] =	wrdreg s2  }
0xa9: {  	[dreg:$0x3] =	wrdreg s4  }
0xaa: {  	[dreg:$0x4] =	wrdreg $0xC0  }
0xab: {  	_ =	task [dreg:s6], $0x5FFFF  }
0xac: {  	[dreg:$0x1] =	wrdreg $0xFFFFFFFF  }
0xad: {  	[dreg:$0x0] =	wrdreg $0x60  }
0xae: {  	[dreg:$0x2] =	wrdreg s24  }
0xaf: {  	[dreg:$0x3] =	wrdreg $0x88000  }
0xb0: {  	[dreg:$0x4] =	wrdreg $0x9  }
0xb1: {  	_ =	task.clear_ibuf [dreg:s6], $0x5FFFF;
	_ =	strace $0x9000004C  }
0xb2: {  	s29 =	simm.s32 $0x9;
	_ =	strace $0x8000004E  }
0xb3: {  	_ =	swait.ge [sflag:s29], $0x1  }
0xb4: {  	[sflag:s29] =	ssyncadd.s32 $0xFFFFFFFF  }
0xb5: {  	_ =	strace $0x9000004E  }
0xb6: {  	_ =	sfence  }
0xb7: {  	s30 =	sld [smem:$0x0];
	_ =	sdelay $0x2  }
0xb8: {  	s31 =	sshll.u32 s1, $0xD;
	s1 =	sshrl.u32 s1, $0x2  }
0xb9: {  	s3 =	sand.u32 $0x4000, s31;
	s1 =	sadd.s32 s1, s30  }
0xba: {  	s0 =	sor.u32 s3, s0;
	s1 =	sshll.u32 s1, $0x11  }
0xbb: {  	s0 =	sor.u32 s1, s0  }
0xbc: {  	s0 =	sadd.s32 $0x8F2B, s0  }
0xbd: {  	[sflag:s0] =	ssyncadd.remote.s32 $0x1  }
0xbe: {  	_ =	sfence.sel $0xFFFF  }
0xbf: {  	[dreg:$0x0] =	wrdreg $0xFFFFFFFF;
	(pc) =	sbr.abs _section_cstart, $3  }
0xc0: {  	[dreg:$0x1] =	wrdreg $0xFFFFFFFF  }
0xc1: {  	_ =	task.clear_ibuf [dreg:s6], $0x2FFFF;
	_ =	strace $0x9FFFFFFF  }
0xc2: {  	(tm) =	ssettm $0x7FFFFFFF  }
0xc3: {  	_ =	shalt  }
tec
execute0_lowered:
.L_overlay_start_1:
0x0: {  	(tag) =	ssettag $0x1  }
0x1: {  	s0 =	rddreg [dreg:$0x0];
	s1 =	srdreg.scid  }
0x2: {  	s2 =	rddreg [dreg:$0x1];
	s10 =	stileid.u32  }
0x3: {  	s3 =	simm.s32 $0x0;
	s28 =	simm.s32 $0x1C00;
	s5 =	smul.u32 $0x14000, s10  }
0x4: {  	s29 =	simm.s32 $0x50;
	s30 =	simm.s32 $0x80;
	s14 =	smul.u32 $0x50000, s10  }
0x5: {  	s31 =	simm.s32 $0x6000;
	s1 =	sand.u32 $0x1, s1;
	s10 =	smul.u32 $0x8C00, s10  }
0x6: {  	[smem:$0x7FF] =	sst s3;
	s7 =	sadd.s32 $0x7E600, s0;
	s4 =	smul.u32 $0x140000, s1  }
0x7: {  	s8 =	sadd.s32 $0xA1600, s0;
	s9 =	ssub.s32 $0x2, s1;
	s1 =	smul.u32 $0x8C000, s1  }
0x8: {  	_ =	strace $0x8000004D;
	s15 =	sshrl.u32 s14, $0x2;
	s16 =	sshrl.u32 s9, $0x1  }
0x9: {  	s6 =	sshrl.u32 s4, $0x3;
	s4 =	sadd.s32 s5, s4;
	s1 =	sadd.s32 s10, s1  }
0xa: {  	s5 =	simm.s32 $0x3;
	s11 =	sadd.s32 s6, s0;
	s4 =	sshrl.u32 s4, $0x3  }
0xb: {  	s6 =	ssub.s32 s9, s16;
	s1 =	sshrl.u32 s1, $0x3;
	s0 =	sadd.s32 s4, s0  }
0xc: {  	s4 =	sadd.s32 s15, s2;
	s12 =	sadd.s32 s7, s1;
	s13 =	sadd.s32 s8, s1  }
0xd: {  	s14 =	sadd.s32 $0x3400, s11;
	s24 =	sadd.s32 $0x380, s1;
	s17 =	sadd.s32 $0x2800, s4  }
0xe: {  	s25 =	sadd.s32 $0x700, s1;
	s18 =	sadd.s32 $0x5000, s4;
	[dreg:$0x3] =	wrdreg s17  }
0xf: {  	s26 =	sadd.s32 $0xA80, s1;
	s19 =	sadd.s32 $0x7800, s4;
	[dreg:$0x4] =	wrdreg s18  }
0x10: {  	s1 =	sadd.s32 $0xE00, s1;
	s20 =	sadd.s32 $0xA000, s4;
	[dreg:$0x5] =	wrdreg s19  }
0x11: {  	s21 =	sadd.s32 $0xC800, s4;
	s22 =	sadd.s32 $0xF000, s4;
	[dreg:$0x6] =	wrdreg s20  }
0x12: {  	s23 =	sadd.s32 $0x11800, s4;
	s15 =	sadd.s32 s7, s24;
	[dreg:$0x7] =	wrdreg s21  }
0x13: {  	s16 =	sadd.s32 s8, s24;
	s24 =	smax.u32 s6, $0x1;
	[dreg:$0x8] =	wrdreg s22  }
0x14: {  	s6 =	simm.s32 $0x4;
	[dreg:$0x9] =	wrdreg s23;
	s17 =	sadd.s32 s7, s25  }
0x15: {  	s18 =	sadd.s32 s8, s25;
	s19 =	sadd.s32 s7, s26;
	s20 =	sadd.s32 s8, s26  }
0x16: {  	s21 =	sadd.s32 s7, s1;
	s22 =	sadd.s32 s8, s1;
	s23 =	sadd.s32 $0xC4600, s0  }
0x17: {  	s25 =	simm.s32 $0x3800;
	s26 =	simm.s32 $0x5;
	s0 =	simm.s32 $0x1  }
0x18: {  	v0 =	vimm.f32 $0.0e+00;
	s1 =	simm.s32 $0x2;
	s7 =	simm.s32 $0x3400;
	s8 =	simm.s32 $0x3480  }
.LBB2_1:
0x19: {  	s9 =	simm.s32 $0x0;
	s10 =	simm.s32 $0x200  }
.LBB2_2:
0x1a: {  	p0 =	sne.s32 s10, $0x9E00;
	[tilespmem:s9+$0x3870] =	vst v0  }
0x1b: {  	[tilespmem:s9+$0x3800] =	vst v0  }
0x1c: {  	[tilespmem:s9+$0x3810] =	vst v0  }
.Ltmp0:
0x1d: {  	[tilespmem:s9+$0x3820] =	vst v0;
	(pc) =	sbr.rel @p0 .LBB2_2-.Ltmp0, $4  }
0x1e: {  	[tilespmem:s9+$0x3830] =	vst v0  }
0x1f: {  	[tilespmem:s9+$0x3840] =	vst v0  }
0x20: {  	[tilespmem:s9+$0x3850] =	vst v0  }
0x21: {  	[tilespmem:s9+$0x3860] =	vst v0;
	s9 =	sshra.s32 s10, $0x2;
	s10 =	sadd.s32 $0x200, s10  }
0x22: {  	[tilespmem:s9+$0x3870] =	vst v0  }
0x23: {  	[tilespmem:s9+$0x3800] =	vst v0  }
0x24: {  	[tilespmem:s9+$0x3810] =	vst v0  }
0x25: {  	[tilespmem:s9+$0x3820] =	vst v0  }
0x26: {  	[tilespmem:s9+$0x3830] =	vst v0  }
0x27: {  	[tilespmem:s9+$0x3840] =	vst v0  }
0x28: {  	[tilespmem:s9+$0x3850] =	vst v0  }
0x29: {  	[tilespmem:s9+$0x3860] =	vst v0  }
0x2a: {  	[spmem:s4] =	stream.linear.scatter [tilespmem:s25], [sflag:$0x5], $0x2800, $0x38;
	[tilespmem:$0x1C800] =	vst v63  }
0x2b: {  	_ =	swait.ge [sflag:s26], $0x2800  }
0x2c: {  	[sflag:s26] =	ssyncset.done $0x0  }
0x2d: {  	s11 =	rddreg [dreg:$0x3];
	[sflag:s26] =	ssyncadd.s32 $0xFFFFD800  }
0x2e: {  	[spmem:s11] =	stream.linear.scatter [tilespmem:s25], [sflag:$0x5], $0x2800, $0x38;
	[tilespmem:$0x1C800] =	vst v63  }
0x2f: {  	_ =	swait.ge [sflag:s26], $0x2800  }
0x30: {  	[sflag:s26] =	ssyncset.done $0x0  }
0x31: {  	s10 =	rddreg [dreg:$0x4];
	[sflag:s26] =	ssyncadd.s32 $0xFFFFD800  }
0x32: {  	[spmem:s10] =	stream.linear.scatter [tilespmem:s25], [sflag:$0x5], $0x2800, $0x38;
	[tilespmem:$0x1C800] =	vst v63  }
0x33: {  	_ =	swait.ge [sflag:s26], $0x2800  }
0x34: {  	[sflag:s26] =	ssyncset.done $0x0  }
0x35: {  	s11 =	rddreg [dreg:$0x5];
	[sflag:s26] =	ssyncadd.s32 $0xFFFFD800  }
0x36: {  	[spmem:s11] =	stream.linear.scatter [tilespmem:s25], [sflag:$0x5], $0x2800, $0x38;
	[tilespmem:$0x1C800] =	vst v63  }
0x37: {  	_ =	swait.ge [sflag:s26], $0x2800  }
0x38: {  	[sflag:s26] =	ssyncset.done $0x0  }
0x39: {  	s10 =	rddreg [dreg:$0x6];
	[sflag:s26] =	ssyncadd.s32 $0xFFFFD800  }
0x3a: {  	[spmem:s10] =	stream.linear.scatter [tilespmem:s25], [sflag:$0x5], $0x2800, $0x38;
	[tilespmem:$0x1C800] =	vst v63  }
0x3b: {  	_ =	swait.ge [sflag:s26], $0x2800  }
0x3c: {  	[sflag:s26] =	ssyncset.done $0x0  }
0x3d: {  	s11 =	rddreg [dreg:$0x7];
	[sflag:s26] =	ssyncadd.s32 $0xFFFFD800  }
0x3e: {  	[spmem:s11] =	stream.linear.scatter [tilespmem:s25], [sflag:$0x5], $0x2800, $0x38;
	[tilespmem:$0x1C800] =	vst v63  }
0x3f: {  	_ =	swait.ge [sflag:s26], $0x2800  }
0x40: {  	[sflag:s26] =	ssyncset.done $0x0  }
0x41: {  	s10 =	rddreg [dreg:$0x8];
	[sflag:s26] =	ssyncadd.s32 $0xFFFFD800  }
0x42: {  	[spmem:s10] =	stream.linear.scatter [tilespmem:s25], [sflag:$0x5], $0x2800, $0x38;
	[tilespmem:$0x1C800] =	vst v63  }
0x43: {  	_ =	swait.ge [sflag:s26], $0x2800  }
0x44: {  	[sflag:s26] =	ssyncset.done $0x0  }
0x45: {  	s11 =	rddreg [dreg:$0x9];
	[sflag:s26] =	ssyncadd.s32 $0xFFFFD800  }
0x46: {  	[spmem:s11] =	stream.linear.scatter [tilespmem:s25], [sflag:$0x5], $0x2800, $0x38;
	[tilespmem:$0x1C800] =	vst v63  }
0x47: {  	_ =	swait.ge [sflag:s26], $0x2800  }
0x48: {  	[sflag:s26] =	ssyncset.done $0x0  }
0x49: {  	[sflag:s26] =	ssyncadd.s32 $0xFFFFD800  }
0x4a: {  	s10 =	simm.s32 $0x0;
	[bflag:$0x0] =	sbarrier.arrive $0xFFFF  }
0x4b: {  	[tilespmem:s10], [sflag:$0x5] =	stream.linear.gather [hbm4b:s12+s10], $0x1900, $0x38;
	[tilespmem:$0x1C800] =	vst v63  }
0x4c: {  	_ =	swait.ge [sflag:s26], $0x1900  }
0x4d: {  	[sflag:s26] =	ssyncset.done $0x0  }
0x4e: {  	[sflag:s26] =	ssyncadd.s32 $0xFFFFE700  }
0x4f: {  	[tilespmem:s28], [sflag:$0x5] =	stream.linear.gather [hbm4b:s13+s10], $0x1900, $0x38;
	[tilespmem:$0x1C800] =	vst v63  }
0x50: {  	_ =	swait.ge [sflag:s26], $0x1900  }
0x51: {  	[sflag:s26] =	ssyncset.done $0x0  }
0x52: {  	[sflag:s26] =	ssyncadd.s32 $0xFFFFE700  }
0x53: {  	[tilespmem:s25], [sflag:$0x1] =	stream.indirect.gather [hbm4b:s14+s29], $0x80, s10, s29, $0xb8;
	[tilespmem:$0x1C800] =	vst v63  }
0x54: {  	_ = 	snop  }
0x55: {  	[tilespmem:s31], [sflag:$0x2] =	stream.indirect.gather [hbm4b:s14+s29], $0x80, s30, s29, $0xb8;
	[tilespmem:$0x1C800] =	vst v63  }
0x56: {  	_ =	swait.ge [sflag:s0], $0x2800  }
0x57: {  	[sflag:s0] =	ssyncset.done $0x0  }
0x58: {  	s11 =	simm.s32 $0x1C00;
	[sflag:s0] =	ssyncadd.s32 $0xFFFFD800  }
0x59: {  	[spmem:s2] =	stream.indirect.scatter.add.f32 [tilespmem:s25], [sflag:$0x3], $0x80, s11, s29, $0xb8;
	[tilespmem:$0x1C800] =	vst v63  }
0x5a: {  	_ =	swait.ge [sflag:s1], $0x2800  }
0x5b: {  	[sflag:s1] =	ssyncset.done $0x0  }
0x5c: {  	s10 =	simm.s32 $0x1C80;
	[sflag:s1] =	ssyncadd.s32 $0xFFFFD800  }
0x5d: {  	[spmem:s2] =	stream.indirect.scatter.add.f32 [tilespmem:s31], [sflag:$0x4], $0x80, s10, s29, $0xb8;
	[tilespmem:$0x1C800] =	vst v63  }
0x5e: {  	_ =	swait.ge [sflag:s5], $0x2800  }
0x5f: {  	[sflag:s5] =	ssyncset.done $0x0  }
0x60: {  	s11 =	simm.s32 $0x100;
	[sflag:s5] =	ssyncadd.s32 $0xFFFFD800  }
0x61: {  	[tilespmem:s25], [sflag:$0x1] =	stream.indirect.gather [hbm4b:s14+s29], $0x80, s11, s29, $0xb8;
	[tilespmem:$0x1C800] =	vst v63  }
0x62: {  	_ =	swait.ge [sflag:s6], $0x2800  }
0x63: {  	[sflag:s6] =	ssyncset.done $0x0  }
0x64: {  	s9 =	simm.s32 $0x400;
	s10 =	simm.s32 $0x180;
	[sflag:s6] =	ssyncadd.s32 $0xFFFFD800  }
.LBB2_4:
0x65: {  	[tilespmem:s31], [sflag:$0x2] =	stream.indirect.gather [hbm4b:s14+s29], $0x80, s10, s29, $0xb8;
	[tilespmem:$0x1C800] =	vst v63  }
0x66: {  	s10 =	smov.u32 s9  }
0x67: {  	p0 =	sne.s32 s9, $0x5C00;
	s9 =	sadd.s32 $0x400, s9;
	_ =	swait.ge [sflag:s0], $0x2800  }
0x68: {  	s10 =	sshra.s32 s10, $0x2;
	[sflag:s0] =	ssyncset.done $0x0  }
0x69: {  	s11 =	sadd.s32 $0x1C00, s10;
	[sflag:s0] =	ssyncadd.s32 $0xFFFFD800  }
0x6a: {  	[spmem:s2] =	stream.indirect.scatter.add.f32 [tilespmem:s25], [sflag:$0x3], $0x80, s11, s29, $0xb8;
	[tilespmem:$0x1C800] =	vst v63  }
0x6b: {  	_ =	swait.ge [sflag:s1], $0x2800  }
0x6c: {  	[sflag:s1] =	ssyncset.done $0x0  }
0x6d: {  	s11 =	sadd.s32 $0x1C80, s10;
	[sflag:s1] =	ssyncadd.s32 $0xFFFFD800  }
0x6e: {  	[spmem:s2] =	stream.indirect.scatter.add.f32 [tilespmem:s31], [sflag:$0x4], $0x80, s11, s29, $0xb8;
	[tilespmem:$0x1C800] =	vst v63  }
0x6f: {  	_ =	swait.ge [sflag:s5], $0x2800  }
0x70: {  	[sflag:s5] =	ssyncset.done $0x0  }
.Ltmp1:
0x71: {  	s11 =	sadd.s32 $0x100, s10;
	[sflag:s5] =	ssyncadd.s32 $0xFFFFD800;
	(pc) =	sbr.rel @p0 .LBB2_4-.Ltmp1, $4  }
0x72: {  	[tilespmem:s25], [sflag:$0x1] =	stream.indirect.gather [hbm4b:s14+s29], $0x80, s11, s29, $0xb8;
	[tilespmem:$0x1C800] =	vst v63  }
0x73: {  	_ =	swait.ge [sflag:s6], $0x2800  }
0x74: {  	[sflag:s6] =	ssyncset.done $0x0  }
0x75: {  	s10 =	sadd.s32 $0x180, s10;
	[sflag:s6] =	ssyncadd.s32 $0xFFFFD800  }
0x76: {  	[tilespmem:s31], [sflag:$0x2] =	stream.indirect.gather [hbm4b:s14+s29], $0x80, s10, s29, $0xb8;
	[tilespmem:$0x1C800] =	vst v63  }
0x77: {  	_ =	swait.ge [sflag:s0], $0x2800  }
0x78: {  	[sflag:s0] =	ssyncset.done $0x0  }
0x79: {  	[sflag:s0] =	ssyncadd.s32 $0xFFFFD800  }
0x7a: {  	[spmem:s2] =	stream.indirect.scatter.add.f32 [tilespmem:s25], [sflag:$0x3], $0x80, s7, s29, $0xb8;
	[tilespmem:$0x1C800] =	vst v63  }
0x7b: {  	_ =	swait.ge [sflag:s1], $0x2800  }
0x7c: {  	[sflag:s1] =	ssyncset.done $0x0  }
0x7d: {  	[sflag:s1] =	ssyncadd.s32 $0xFFFFD800  }
0x7e: {  	[spmem:s2] =	stream.indirect.scatter.add.f32 [tilespmem:s31], [sflag:$0x4], $0x80, s8, s29, $0xb8;
	[tilespmem:$0x1C800] =	vst v63  }
0x7f: {  	_ =	swait.ge [sflag:s5], $0x2800  }
0x80: {  	[sflag:s5] =	ssyncset.done $0x0  }
0x81: {  	[sflag:s5] =	ssyncadd.s32 $0xFFFFD800  }
0x82: {  	_ =	swait.ge [sflag:s6], $0x2800  }
0x83: {  	[sflag:s6] =	ssyncset.done $0x0  }
0x84: {  	s9 =	simm.s32 $0x0;
	[sflag:s6] =	ssyncadd.s32 $0xFFFFD800  }
0x85: {  	[tilespmem:s9], [sflag:$0x5] =	stream.linear.gather [hbm4b:s15+s9], $0x1900, $0x38;
	[tilespmem:$0x1C800] =	vst v63  }
0x86: {  	_ =	swait.ge [sflag:s26], $0x1900  }
0x87: {  	[sflag:s26] =	ssyncset.done $0x0  }
0x88: {  	[sflag:s26] =	ssyncadd.s32 $0xFFFFE700  }
0x89: {  	[tilespmem:s28], [sflag:$0x5] =	stream.linear.gather [hbm4b:s16+s9], $0x1900, $0x38;
	[tilespmem:$0x1C800] =	vst v63  }
0x8a: {  	_ =	swait.ge [sflag:s26], $0x1900  }
0x8b: {  	[sflag:s26] =	ssyncset.done $0x0  }
0x8c: {  	[sflag:s26] =	ssyncadd.s32 $0xFFFFE700  }
0x8d: {  	[tilespmem:s25], [sflag:$0x1] =	stream.indirect.gather [hbm4b:s14+s29], $0x80, s9, s29, $0xb8;
	[tilespmem:$0x1C800] =	vst v63  }
0x8e: {  	_ = 	snop  }
0x8f: {  	[tilespmem:s31], [sflag:$0x2] =	stream.indirect.gather [hbm4b:s14+s29], $0x80, s30, s29, $0xb8;
	[tilespmem:$0x1C800] =	vst v63  }
0x90: {  	_ =	swait.ge [sflag:s0], $0x2800  }
0x91: {  	[sflag:s0] =	ssyncset.done $0x0  }
0x92: {  	s11 =	simm.s32 $0x1C00;
	[sflag:s0] =	ssyncadd.s32 $0xFFFFD800  }
0x93: {  	[spmem:s2] =	stream.indirect.scatter.add.f32 [tilespmem:s25], [sflag:$0x3], $0x80, s11, s29, $0xb8;
	[tilespmem:$0x1C800] =	vst v63  }
0x94: {  	_ =	swait.ge [sflag:s1], $0x2800  }
0x95: {  	[sflag:s1] =	ssyncset.done $0x0  }
0x96: {  	s10 =	simm.s32 $0x1C80;
	[sflag:s1] =	ssyncadd.s32 $0xFFFFD800  }
0x97: {  	[spmem:s2] =	stream.indirect.scatter.add.f32 [tilespmem:s31], [sflag:$0x4], $0x80, s10, s29, $0xb8;
	[tilespmem:$0x1C800] =	vst v63  }
0x98: {  	_ =	swait.ge [sflag:s5], $0x2800  }
0x99: {  	[sflag:s5] =	ssyncset.done $0x0  }
0x9a: {  	s11 =	simm.s32 $0x100;
	[sflag:s5] =	ssyncadd.s32 $0xFFFFD800  }
0x9b: {  	[tilespmem:s25], [sflag:$0x1] =	stream.indirect.gather [hbm4b:s14+s29], $0x80, s11, s29, $0xb8;
	[tilespmem:$0x1C800] =	vst v63  }
0x9c: {  	_ =	swait.ge [sflag:s6], $0x2800  }
0x9d: {  	[sflag:s6] =	ssyncset.done $0x0  }
0x9e: {  	s9 =	simm.s32 $0x400;
	s10 =	simm.s32 $0x180;
	[sflag:s6] =	ssyncadd.s32 $0xFFFFD800  }
.LBB2_6:
0x9f: {  	[tilespmem:s31], [sflag:$0x2] =	stream.indirect.gather [hbm4b:s14+s29], $0x80, s10, s29, $0xb8;
	[tilespmem:$0x1C800] =	vst v63  }
0xa0: {  	s10 =	smov.u32 s9  }
0xa1: {  	p0 =	sne.s32 s9, $0x5C00;
	s9 =	sadd.s32 $0x400, s9;
	_ =	swait.ge [sflag:s0], $0x2800  }
0xa2: {  	s10 =	sshra.s32 s10, $0x2;
	[sflag:s0] =	ssyncset.done $0x0  }
0xa3: {  	s11 =	sadd.s32 $0x1C00, s10;
	[sflag:s0] =	ssyncadd.s32 $0xFFFFD800  }
0xa4: {  	[spmem:s2] =	stream.indirect.scatter.add.f32 [tilespmem:s25], [sflag:$0x3], $0x80, s11, s29, $0xb8;
	[tilespmem:$0x1C800] =	vst v63  }
0xa5: {  	_ =	swait.ge [sflag:s1], $0x2800  }
0xa6: {  	[sflag:s1] =	ssyncset.done $0x0  }
0xa7: {  	s11 =	sadd.s32 $0x1C80, s10;
	[sflag:s1] =	ssyncadd.s32 $0xFFFFD800  }
0xa8: {  	[spmem:s2] =	stream.indirect.scatter.add.f32 [tilespmem:s31], [sflag:$0x4], $0x80, s11, s29, $0xb8;
	[tilespmem:$0x1C800] =	vst v63  }
0xa9: {  	_ =	swait.ge [sflag:s5], $0x2800  }
0xaa: {  	[sflag:s5] =	ssyncset.done $0x0  }
.Ltmp2:
0xab: {  	s11 =	sadd.s32 $0x100, s10;
	[sflag:s5] =	ssyncadd.s32 $0xFFFFD800;
	(pc) =	sbr.rel @p0 .LBB2_6-.Ltmp2, $4  }
0xac: {  	[tilespmem:s25], [sflag:$0x1] =	stream.indirect.gather [hbm4b:s14+s29], $0x80, s11, s29, $0xb8;
	[tilespmem:$0x1C800] =	vst v63  }
0xad: {  	_ =	swait.ge [sflag:s6], $0x2800  }
0xae: {  	[sflag:s6] =	ssyncset.done $0x0  }
0xaf: {  	s10 =	sadd.s32 $0x180, s10;
	[sflag:s6] =	ssyncadd.s32 $0xFFFFD800  }
0xb0: {  	[tilespmem:s31], [sflag:$0x2] =	stream.indirect.gather [hbm4b:s14+s29], $0x80, s10, s29, $0xb8;
	[tilespmem:$0x1C800] =	vst v63  }
0xb1: {  	_ =	swait.ge [sflag:s0], $0x2800  }
0xb2: {  	[sflag:s0] =	ssyncset.done $0x0  }
0xb3: {  	[sflag:s0] =	ssyncadd.s32 $0xFFFFD800  }
0xb4: {  	[spmem:s2] =	stream.indirect.scatter.add.f32 [tilespmem:s25], [sflag:$0x3], $0x80, s7, s29, $0xb8;
	[tilespmem:$0x1C800] =	vst v63  }
0xb5: {  	_ =	swait.ge [sflag:s1], $0x2800  }
0xb6: {  	[sflag:s1] =	ssyncset.done $0x0  }
0xb7: {  	[sflag:s1] =	ssyncadd.s32 $0xFFFFD800  }
0xb8: {  	[spmem:s2] =	stream.indirect.scatter.add.f32 [tilespmem:s31], [sflag:$0x4], $0x80, s8, s29, $0xb8;
	[tilespmem:$0x1C800] =	vst v63  }
0xb9: {  	_ =	swait.ge [sflag:s5], $0x2800  }
0xba: {  	[sflag:s5] =	ssyncset.done $0x0  }
0xbb: {  	[sflag:s5] =	ssyncadd.s32 $0xFFFFD800  }
0xbc: {  	_ =	swait.ge [sflag:s6], $0x2800  }
0xbd: {  	[sflag:s6] =	ssyncset.done $0x0  }
0xbe: {  	s9 =	simm.s32 $0x0;
	[sflag:s6] =	ssyncadd.s32 $0xFFFFD800  }
0xbf: {  	[tilespmem:s9], [sflag:$0x5] =	stream.linear.gather [hbm4b:s17+s9], $0x1900, $0x38;
	[tilespmem:$0x1C800] =	vst v63  }
0xc0: {  	_ =	swait.ge [sflag:s26], $0x1900  }
0xc1: {  	[sflag:s26] =	ssyncset.done $0x0  }
0xc2: {  	[sflag:s26] =	ssyncadd.s32 $0xFFFFE700  }
0xc3: {  	[tilespmem:s28], [sflag:$0x5] =	stream.linear.gather [hbm4b:s18+s9], $0x1900, $0x38;
	[tilespmem:$0x1C800] =	vst v63  }
0xc4: {  	_ =	swait.ge [sflag:s26], $0x1900  }
0xc5: {  	[sflag:s26] =	ssyncset.done $0x0  }
0xc6: {  	[sflag:s26] =	ssyncadd.s32 $0xFFFFE700  }
0xc7: {  	[tilespmem:s25], [sflag:$0x1] =	stream.indirect.gather [hbm4b:s14+s29], $0x80, s9, s29, $0xb8;
	[tilespmem:$0x1C800] =	vst v63  }
0xc8: {  	_ = 	snop  }
0xc9: {  	[tilespmem:s31], [sflag:$0x2] =	stream.indirect.gather [hbm4b:s14+s29], $0x80, s30, s29, $0xb8;
	[tilespmem:$0x1C800] =	vst v63  }
0xca: {  	_ =	swait.ge [sflag:s0], $0x2800  }
0xcb: {  	[sflag:s0] =	ssyncset.done $0x0  }
0xcc: {  	s11 =	simm.s32 $0x1C00;
	[sflag:s0] =	ssyncadd.s32 $0xFFFFD800  }
0xcd: {  	[spmem:s2] =	stream.indirect.scatter.add.f32 [tilespmem:s25], [sflag:$0x3], $0x80, s11, s29, $0xb8;
	[tilespmem:$0x1C800] =	vst v63  }
0xce: {  	_ =	swait.ge [sflag:s1], $0x2800  }
0xcf: {  	[sflag:s1] =	ssyncset.done $0x0  }
0xd0: {  	s10 =	simm.s32 $0x1C80;
	[sflag:s1] =	ssyncadd.s32 $0xFFFFD800  }
0xd1: {  	[spmem:s2] =	stream.indirect.scatter.add.f32 [tilespmem:s31], [sflag:$0x4], $0x80, s10, s29, $0xb8;
	[tilespmem:$0x1C800] =	vst v63  }
0xd2: {  	_ =	swait.ge [sflag:s5], $0x2800  }
0xd3: {  	[sflag:s5] =	ssyncset.done $0x0  }
0xd4: {  	s11 =	simm.s32 $0x100;
	[sflag:s5] =	ssyncadd.s32 $0xFFFFD800  }
0xd5: {  	[tilespmem:s25], [sflag:$0x1] =	stream.indirect.gather [hbm4b:s14+s29], $0x80, s11, s29, $0xb8;
	[tilespmem:$0x1C800] =	vst v63  }
0xd6: {  	_ =	swait.ge [sflag:s6], $0x2800  }
0xd7: {  	[sflag:s6] =	ssyncset.done $0x0  }
0xd8: {  	s9 =	simm.s32 $0x400;
	s10 =	simm.s32 $0x180;
	[sflag:s6] =	ssyncadd.s32 $0xFFFFD800  }
.LBB2_8:
0xd9: {  	[tilespmem:s31], [sflag:$0x2] =	stream.indirect.gather [hbm4b:s14+s29], $0x80, s10, s29, $0xb8;
	[tilespmem:$0x1C800] =	vst v63  }
0xda: {  	s10 =	smov.u32 s9  }
0xdb: {  	p0 =	sne.s32 s9, $0x5C00;
	s9 =	sadd.s32 $0x400, s9;
	_ =	swait.ge [sflag:s0], $0x2800  }
0xdc: {  	s10 =	sshra.s32 s10, $0x2;
	[sflag:s0] =	ssyncset.done $0x0  }
0xdd: {  	s11 =	sadd.s32 $0x1C00, s10;
	[sflag:s0] =	ssyncadd.s32 $0xFFFFD800  }
0xde: {  	[spmem:s2] =	stream.indirect.scatter.add.f32 [tilespmem:s25], [sflag:$0x3], $0x80, s11, s29, $0xb8;
	[tilespmem:$0x1C800] =	vst v63  }
0xdf: {  	_ =	swait.ge [sflag:s1], $0x2800  }
0xe0: {  	[sflag:s1] =	ssyncset.done $0x0  }
0xe1: {  	s11 =	sadd.s32 $0x1C80, s10;
	[sflag:s1] =	ssyncadd.s32 $0xFFFFD800  }
0xe2: {  	[spmem:s2] =	stream.indirect.scatter.add.f32 [tilespmem:s31], [sflag:$0x4], $0x80, s11, s29, $0xb8;
	[tilespmem:$0x1C800] =	vst v63  }
0xe3: {  	_ =	swait.ge [sflag:s5], $0x2800  }
0xe4: {  	[sflag:s5] =	ssyncset.done $0x0  }
.Ltmp3:
0xe5: {  	s11 =	sadd.s32 $0x100, s10;
	[sflag:s5] =	ssyncadd.s32 $0xFFFFD800;
	(pc) =	sbr.rel @p0 .LBB2_8-.Ltmp3, $4  }
0xe6: {  	[tilespmem:s25], [sflag:$0x1] =	stream.indirect.gather [hbm4b:s14+s29], $0x80, s11, s29, $0xb8;
	[tilespmem:$0x1C800] =	vst v63  }
0xe7: {  	_ =	swait.ge [sflag:s6], $0x2800  }
0xe8: {  	[sflag:s6] =	ssyncset.done $0x0  }
0xe9: {  	s10 =	sadd.s32 $0x180, s10;
	[sflag:s6] =	ssyncadd.s32 $0xFFFFD800  }
0xea: {  	[tilespmem:s31], [sflag:$0x2] =	stream.indirect.gather [hbm4b:s14+s29], $0x80, s10, s29, $0xb8;
	[tilespmem:$0x1C800] =	vst v63  }
0xeb: {  	_ =	swait.ge [sflag:s0], $0x2800  }
0xec: {  	[sflag:s0] =	ssyncset.done $0x0  }
0xed: {  	[sflag:s0] =	ssyncadd.s32 $0xFFFFD800  }
0xee: {  	[spmem:s2] =	stream.indirect.scatter.add.f32 [tilespmem:s25], [sflag:$0x3], $0x80, s7, s29, $0xb8;
	[tilespmem:$0x1C800] =	vst v63  }
0xef: {  	_ =	swait.ge [sflag:s1], $0x2800  }
0xf0: {  	[sflag:s1] =	ssyncset.done $0x0  }
0xf1: {  	[sflag:s1] =	ssyncadd.s32 $0xFFFFD800  }
0xf2: {  	[spmem:s2] =	stream.indirect.scatter.add.f32 [tilespmem:s31], [sflag:$0x4], $0x80, s8, s29, $0xb8;
	[tilespmem:$0x1C800] =	vst v63  }
0xf3: {  	_ =	swait.ge [sflag:s5], $0x2800  }
0xf4: {  	[sflag:s5] =	ssyncset.done $0x0  }
0xf5: {  	[sflag:s5] =	ssyncadd.s32 $0xFFFFD800  }
0xf6: {  	_ =	swait.ge [sflag:s6], $0x2800  }
0xf7: {  	[sflag:s6] =	ssyncset.done $0x0  }
0xf8: {  	s9 =	simm.s32 $0x0;
	[sflag:s6] =	ssyncadd.s32 $0xFFFFD800  }
0xf9: {  	[tilespmem:s9], [sflag:$0x5] =	stream.linear.gather [hbm4b:s19+s9], $0x1900, $0x38;
	[tilespmem:$0x1C800] =	vst v63  }
0xfa: {  	_ =	swait.ge [sflag:s26], $0x1900  }
0xfb: {  	[sflag:s26] =	ssyncset.done $0x0  }
0xfc: {  	[sflag:s26] =	ssyncadd.s32 $0xFFFFE700  }
0xfd: {  	[tilespmem:s28], [sflag:$0x5] =	stream.linear.gather [hbm4b:s20+s9], $0x1900, $0x38;
	[tilespmem:$0x1C800] =	vst v63  }
0xfe: {  	_ =	swait.ge [sflag:s26], $0x1900  }
0xff: {  	[sflag:s26] =	ssyncset.done $0x0  }
0x100: {  	[sflag:s26] =	ssyncadd.s32 $0xFFFFE700  }
0x101: {  	[tilespmem:s25], [sflag:$0x1] =	stream.indirect.gather [hbm4b:s14+s29], $0x80, s9, s29, $0xb8;
	[tilespmem:$0x1C800] =	vst v63  }
0x102: {  	_ = 	snop  }
0x103: {  	[tilespmem:s31], [sflag:$0x2] =	stream.indirect.gather [hbm4b:s14+s29], $0x80, s30, s29, $0xb8;
	[tilespmem:$0x1C800] =	vst v63  }
0x104: {  	_ =	swait.ge [sflag:s0], $0x2800  }
0x105: {  	[sflag:s0] =	ssyncset.done $0x0  }
0x106: {  	s11 =	simm.s32 $0x1C00;
	[sflag:s0] =	ssyncadd.s32 $0xFFFFD800  }
0x107: {  	[spmem:s2] =	stream.indirect.scatter.add.f32 [tilespmem:s25], [sflag:$0x3], $0x80, s11, s29, $0xb8;
	[tilespmem:$0x1C800] =	vst v63  }
0x108: {  	_ =	swait.ge [sflag:s1], $0x2800  }
0x109: {  	[sflag:s1] =	ssyncset.done $0x0  }
0x10a: {  	s10 =	simm.s32 $0x1C80;
	[sflag:s1] =	ssyncadd.s32 $0xFFFFD800  }
0x10b: {  	[spmem:s2] =	stream.indirect.scatter.add.f32 [tilespmem:s31], [sflag:$0x4], $0x80, s10, s29, $0xb8;
	[tilespmem:$0x1C800] =	vst v63  }
0x10c: {  	_ =	swait.ge [sflag:s5], $0x2800  }
0x10d: {  	[sflag:s5] =	ssyncset.done $0x0  }
0x10e: {  	s11 =	simm.s32 $0x100;
	[sflag:s5] =	ssyncadd.s32 $0xFFFFD800  }
0x10f: {  	[tilespmem:s25], [sflag:$0x1] =	stream.indirect.gather [hbm4b:s14+s29], $0x80, s11, s29, $0xb8;
	[tilespmem:$0x1C800] =	vst v63  }
0x110: {  	_ =	swait.ge [sflag:s6], $0x2800  }
0x111: {  	[sflag:s6] =	ssyncset.done $0x0  }
0x112: {  	s9 =	simm.s32 $0x400;
	s10 =	simm.s32 $0x180;
	[sflag:s6] =	ssyncadd.s32 $0xFFFFD800  }
.LBB2_10:
0x113: {  	[tilespmem:s31], [sflag:$0x2] =	stream.indirect.gather [hbm4b:s14+s29], $0x80, s10, s29, $0xb8;
	[tilespmem:$0x1C800] =	vst v63  }
0x114: {  	s10 =	smov.u32 s9  }
0x115: {  	p0 =	sne.s32 s9, $0x5C00;
	s9 =	sadd.s32 $0x400, s9;
	_ =	swait.ge [sflag:s0], $0x2800  }
0x116: {  	s10 =	sshra.s32 s10, $0x2;
	[sflag:s0] =	ssyncset.done $0x0  }
0x117: {  	s11 =	sadd.s32 $0x1C00, s10;
	[sflag:s0] =	ssyncadd.s32 $0xFFFFD800  }
0x118: {  	[spmem:s2] =	stream.indirect.scatter.add.f32 [tilespmem:s25], [sflag:$0x3], $0x80, s11, s29, $0xb8;
	[tilespmem:$0x1C800] =	vst v63  }
0x119: {  	_ =	swait.ge [sflag:s1], $0x2800  }
0x11a: {  	[sflag:s1] =	ssyncset.done $0x0  }
0x11b: {  	s11 =	sadd.s32 $0x1C80, s10;
	[sflag:s1] =	ssyncadd.s32 $0xFFFFD800  }
0x11c: {  	[spmem:s2] =	stream.indirect.scatter.add.f32 [tilespmem:s31], [sflag:$0x4], $0x80, s11, s29, $0xb8;
	[tilespmem:$0x1C800] =	vst v63  }
0x11d: {  	_ =	swait.ge [sflag:s5], $0x2800  }
0x11e: {  	[sflag:s5] =	ssyncset.done $0x0  }
.Ltmp4:
0x11f: {  	s11 =	sadd.s32 $0x100, s10;
	[sflag:s5] =	ssyncadd.s32 $0xFFFFD800;
	(pc) =	sbr.rel @p0 .LBB2_10-.Ltmp4, $4  }
0x120: {  	[tilespmem:s25], [sflag:$0x1] =	stream.indirect.gather [hbm4b:s14+s29], $0x80, s11, s29, $0xb8;
	[tilespmem:$0x1C800] =	vst v63  }
0x121: {  	_ =	swait.ge [sflag:s6], $0x2800  }
0x122: {  	[sflag:s6] =	ssyncset.done $0x0  }
0x123: {  	s10 =	sadd.s32 $0x180, s10;
	[sflag:s6] =	ssyncadd.s32 $0xFFFFD800  }
0x124: {  	[tilespmem:s31], [sflag:$0x2] =	stream.indirect.gather [hbm4b:s14+s29], $0x80, s10, s29, $0xb8;
	[tilespmem:$0x1C800] =	vst v63  }
0x125: {  	_ =	swait.ge [sflag:s0], $0x2800  }
0x126: {  	[sflag:s0] =	ssyncset.done $0x0  }
0x127: {  	[sflag:s0] =	ssyncadd.s32 $0xFFFFD800  }
0x128: {  	[spmem:s2] =	stream.indirect.scatter.add.f32 [tilespmem:s25], [sflag:$0x3], $0x80, s7, s29, $0xb8;
	[tilespmem:$0x1C800] =	vst v63  }
0x129: {  	_ =	swait.ge [sflag:s1], $0x2800  }
0x12a: {  	[sflag:s1] =	ssyncset.done $0x0  }
0x12b: {  	[sflag:s1] =	ssyncadd.s32 $0xFFFFD800  }
0x12c: {  	[spmem:s2] =	stream.indirect.scatter.add.f32 [tilespmem:s31], [sflag:$0x4], $0x80, s8, s29, $0xb8;
	[tilespmem:$0x1C800] =	vst v63  }
0x12d: {  	_ =	swait.ge [sflag:s5], $0x2800  }
0x12e: {  	[sflag:s5] =	ssyncset.done $0x0  }
0x12f: {  	[sflag:s5] =	ssyncadd.s32 $0xFFFFD800  }
0x130: {  	_ =	swait.ge [sflag:s6], $0x2800  }
0x131: {  	[sflag:s6] =	ssyncset.done $0x0  }
0x132: {  	s9 =	simm.s32 $0x0;
	[sflag:s6] =	ssyncadd.s32 $0xFFFFD800  }
0x133: {  	[tilespmem:s9], [sflag:$0x5] =	stream.linear.gather [hbm4b:s21+s9], $0x1900, $0x38;
	[tilespmem:$0x1C800] =	vst v63  }
0x134: {  	_ =	swait.ge [sflag:s26], $0x1900  }
0x135: {  	[sflag:s26] =	ssyncset.done $0x0  }
0x136: {  	[sflag:s26] =	ssyncadd.s32 $0xFFFFE700  }
0x137: {  	[tilespmem:s28], [sflag:$0x5] =	stream.linear.gather [hbm4b:s22+s9], $0x1900, $0x38;
	[tilespmem:$0x1C800] =	vst v63  }
0x138: {  	_ =	swait.ge [sflag:s26], $0x1900  }
0x139: {  	[sflag:s26] =	ssyncset.done $0x0  }
0x13a: {  	[sflag:s26] =	ssyncadd.s32 $0xFFFFE700  }
0x13b: {  	[tilespmem:s25], [sflag:$0x1] =	stream.indirect.gather [hbm4b:s14+s29], $0x80, s9, s29, $0xb8;
	[tilespmem:$0x1C800] =	vst v63  }
0x13c: {  	_ = 	snop  }
0x13d: {  	[tilespmem:s31], [sflag:$0x2] =	stream.indirect.gather [hbm4b:s14+s29], $0x80, s30, s29, $0xb8;
	[tilespmem:$0x1C800] =	vst v63  }
0x13e: {  	_ =	swait.ge [sflag:s0], $0x2800  }
0x13f: {  	[sflag:s0] =	ssyncset.done $0x0  }
0x140: {  	s11 =	simm.s32 $0x1C00;
	[sflag:s0] =	ssyncadd.s32 $0xFFFFD800  }
0x141: {  	[spmem:s2] =	stream.indirect.scatter.add.f32 [tilespmem:s25], [sflag:$0x3], $0x80, s11, s29, $0xb8;
	[tilespmem:$0x1C800] =	vst v63  }
0x142: {  	_ =	swait.ge [sflag:s1], $0x2800  }
0x143: {  	[sflag:s1] =	ssyncset.done $0x0  }
0x144: {  	s10 =	simm.s32 $0x1C80;
	[sflag:s1] =	ssyncadd.s32 $0xFFFFD800  }
0x145: {  	[spmem:s2] =	stream.indirect.scatter.add.f32 [tilespmem:s31], [sflag:$0x4], $0x80, s10, s29, $0xb8;
	[tilespmem:$0x1C800] =	vst v63  }
0x146: {  	_ =	swait.ge [sflag:s5], $0x2800  }
0x147: {  	[sflag:s5] =	ssyncset.done $0x0  }
0x148: {  	s11 =	simm.s32 $0x100;
	[sflag:s5] =	ssyncadd.s32 $0xFFFFD800  }
0x149: {  	[tilespmem:s25], [sflag:$0x1] =	stream.indirect.gather [hbm4b:s14+s29], $0x80, s11, s29, $0xb8;
	[tilespmem:$0x1C800] =	vst v63  }
0x14a: {  	_ =	swait.ge [sflag:s6], $0x2800  }
0x14b: {  	[sflag:s6] =	ssyncset.done $0x0  }
0x14c: {  	s9 =	simm.s32 $0x400;
	s10 =	simm.s32 $0x180;
	[sflag:s6] =	ssyncadd.s32 $0xFFFFD800  }
.LBB2_12:
0x14d: {  	[tilespmem:s31], [sflag:$0x2] =	stream.indirect.gather [hbm4b:s14+s29], $0x80, s10, s29, $0xb8;
	[tilespmem:$0x1C800] =	vst v63  }
0x14e: {  	s10 =	smov.u32 s9  }
0x14f: {  	p0 =	sne.s32 s9, $0x5C00;
	s9 =	sadd.s32 $0x400, s9;
	_ =	swait.ge [sflag:s0], $0x2800  }
0x150: {  	s10 =	sshra.s32 s10, $0x2;
	[sflag:s0] =	ssyncset.done $0x0  }
0x151: {  	s11 =	sadd.s32 $0x1C00, s10;
	[sflag:s0] =	ssyncadd.s32 $0xFFFFD800  }
0x152: {  	[spmem:s2] =	stream.indirect.scatter.add.f32 [tilespmem:s25], [sflag:$0x3], $0x80, s11, s29, $0xb8;
	[tilespmem:$0x1C800] =	vst v63  }
0x153: {  	_ =	swait.ge [sflag:s1], $0x2800  }
0x154: {  	[sflag:s1] =	ssyncset.done $0x0  }
0x155: {  	s11 =	sadd.s32 $0x1C80, s10;
	[sflag:s1] =	ssyncadd.s32 $0xFFFFD800  }
0x156: {  	[spmem:s2] =	stream.indirect.scatter.add.f32 [tilespmem:s31], [sflag:$0x4], $0x80, s11, s29, $0xb8;
	[tilespmem:$0x1C800] =	vst v63  }
0x157: {  	_ =	swait.ge [sflag:s5], $0x2800  }
0x158: {  	[sflag:s5] =	ssyncset.done $0x0  }
.Ltmp5:
0x159: {  	s11 =	sadd.s32 $0x100, s10;
	[sflag:s5] =	ssyncadd.s32 $0xFFFFD800;
	(pc) =	sbr.rel @p0 .LBB2_12-.Ltmp5, $4  }
0x15a: {  	[tilespmem:s25], [sflag:$0x1] =	stream.indirect.gather [hbm4b:s14+s29], $0x80, s11, s29, $0xb8;
	[tilespmem:$0x1C800] =	vst v63  }
0x15b: {  	_ =	swait.ge [sflag:s6], $0x2800  }
0x15c: {  	[sflag:s6] =	ssyncset.done $0x0  }
0x15d: {  	s10 =	sadd.s32 $0x180, s10;
	[sflag:s6] =	ssyncadd.s32 $0xFFFFD800  }
0x15e: {  	[tilespmem:s31], [sflag:$0x2] =	stream.indirect.gather [hbm4b:s14+s29], $0x80, s10, s29, $0xb8;
	[tilespmem:$0x1C800] =	vst v63  }
0x15f: {  	_ =	swait.ge [sflag:s0], $0x2800  }
0x160: {  	[sflag:s0] =	ssyncset.done $0x0  }
0x161: {  	[sflag:s0] =	ssyncadd.s32 $0xFFFFD800  }
0x162: {  	[spmem:s2] =	stream.indirect.scatter.add.f32 [tilespmem:s25], [sflag:$0x3], $0x80, s7, s29, $0xb8;
	[tilespmem:$0x1C800] =	vst v63  }
0x163: {  	_ =	swait.ge [sflag:s1], $0x2800  }
0x164: {  	[sflag:s1] =	ssyncset.done $0x0  }
0x165: {  	[sflag:s1] =	ssyncadd.s32 $0xFFFFD800  }
0x166: {  	[spmem:s2] =	stream.indirect.scatter.add.f32 [tilespmem:s31], [sflag:$0x4], $0x80, s8, s29, $0xb8;
	[tilespmem:$0x1C800] =	vst v63  }
0x167: {  	_ =	swait.ge [sflag:s5], $0x2800  }
0x168: {  	[sflag:s5] =	ssyncset.done $0x0  }
0x169: {  	[sflag:s5] =	ssyncadd.s32 $0xFFFFD800  }
0x16a: {  	s9 =	stileid.u32;
	_ =	swait.ge [sflag:s6], $0x2800  }
0x16b: {  	s11 =	sshrl.u32 s4, $0x3;
	s3 =	sadd.s32 $0x1, s3;
	[sflag:s6] =	ssyncset.done $0x0  }
0x16c: {  	s9 =	sshll.u32 s9, $0x6;
	p0 =	sne.s32 s3, s24;
	[sflag:s6] =	ssyncadd.s32 $0xFFFFD800  }
.Ltmp6:
0x16d: {  	s9 =	sor.u32 $0x1C05, s9;
	[bflag:$0x0] =	sbarrier.arrive $0xFFFF;
	(pc) =	sbr.rel @p0 .LBB2_1-.Ltmp6, $4  }
0x16e: {  	[hbm:s23], [sflag:s9] =	dma.local [spmem:s11], $0x2800  }
0x16f: {  	_ =	swait.ge [sflag:s26], $0x2800  }
0x170: {  	[sflag:s26] =	ssyncset.done $0x0  }
0x171: {  	[sflag:s26] =	ssyncadd.s32 $0xFFFFD800  }
0x172: {  	_ =	sfence.sel $0x180000  }
0x173: {  	[bflag:$0x0] =	sbarrier.arrive $0xFFFF  }
0x174: {  	_ =	strace $0x9000004D  }
0x175: {  	s0 =	stileid.u32;
	[bflag:$0x2] =	sbarrier.arrive $0xFFFF  }
0x176: {  	p0 =	sne.s32 s0, $0x0;
	s0 =	rddreg [dreg:$0x2]  }
0x177: {  	s0 =	sadd.s32 @!p0 $0x100000, s0  }
0x178: {  	[sflag:s0] =	ssyncadd.tile.s32 @!p0 $0x1;
	_ =	shalt  }
.Lfunc_end2:
_tile_overlayer_lowered:
.L_overlay_start_2:
0x179: {  	(tag) =	ssettag $0x2  }
0x17a: {  	s0 =	rddreg [dreg:$0x0];
	s2 =	stileid.u32  }
0x17b: {  	s1 =	rddreg [dreg:$0x1];
	p0 =	sne.s32 s2, $0x0  }
0x17c: {  	s3 =	rddreg [dreg:$0x2];
	[bflag:$0x3] =	sbarrier.arrive $0xFFFF;
	s2 =	simm.s32 @!p0 $0x1C05  }
0x17d: {  	[timem:s3], [sflag:s2] =	dma.local @!p0 [hbm:s0], s1  }
0x17e: {  	s0 =	simm.s32 @!p0 $0x5  }
0x17f: {  	_ =	swait.ge @!p0 [sflag:s0], s1  }
0x180: {  	s1 =	ssub.s32 @!p0 $0x0, s1;
	[sflag:s0] =	ssyncset.done @!p0 $0x0  }
0x181: {  	[sflag:s0] =	ssyncadd.s32 @!p0 s1  }
0x182: {  	[bflag:$0x3] =	sbarrier.arrive $0xFFFF  }
0x183: {  	_ =	shalt  }

// kernel: kernel.8.cloned.1.call-start
scs
__scs_entry_jumppad:
0x0: {  	(pc) =	sbr.rel $0x88, $3  }
0x1: {  	(tag) =	ssettag $0x0;
	lr =	simm.s32 $0x1  }
0x2: {  	[smem:$0x3F91] =	sst lr;
	_ =	strace $0xD0000000  }
0x3: {  	_ = 	snop  }
0x4: {  	_ = 	snop  }
0x5: {  	_ = 	snop  }
0x6: {  	_ = 	snop  }
0x7: {  	_ = 	snop  }
__scs_overlays_trampoline_lowered:
0x8: {  	[smem:$0x3FA0] =	sst s0  }
0x9: {  	[smem:$0x3FA1] =	sst s1  }
0xa: {  	[smem:$0x3FA2] =	sst s2  }
0xb: {  	[smem:$0x3FA3] =	sst s3  }
0xc: {  	[smem:$0x3FA4] =	sst s4  }
0xd: {  	[smem:$0x3FA5] =	sst s5  }
0xe: {  	[smem:$0x3FA6] =	sst s6  }
0xf: {  	[smem:$0x3FA7] =	sst s7  }
0x10: {  	[smem:$0x3FA8] =	sst s8  }
0x11: {  	[smem:$0x3FA9] =	sst s9;
	s0 =	simm.s32 @!p0 $0x0  }
0x12: {  	s1 =	sld [smem:$0x3F8F];
	s0 =	simm.s32 @p0 $0x1  }
0x13: {  	[smem:$0x3FAA] =	sst s0;
	s0 =	simm.s32 @!p1 $0x0  }
0x14: {  	s2 =	sld [smem:$0x3F8E];
	s0 =	simm.s32 @p1 $0x1  }
0x15: {  	[smem:$0x3FAB] =	sst s0;
	s0 =	simm.s32 @!p2 $0x0  }
0x16: {  	s3 =	sld [smem:$0x3FDB];
	s0 =	simm.s32 @p2 $0x1  }
0x17: {  	s4 =	simm.s32 $0x1BF5;
	[smem:$0x3FAD] =	sst s0  }
0x18: {  	s0 =	sld [smem:$0x3F90];
	_ =	swait.ge [sflag:s4], $0x0  }
0x19: {  	s7 =	sld [smem:$0x3F91]  }
0x1a: {  	s8 =	sadd.s32 $0xFFFFE003, lr  }
0x1b: {  	s9 =	sadd.s32 $0xFFFFFEF7, lr;
	s5 =	simm.s32 $0xFFFFFFFF;
	p2 =	slt.u32 s8, $0xFFFFF086  }
0x1c: {  	p1 =	slt.u32 s9, $0xF7A;
	s5 =	simm.s32 @!p2 $0x0  }
0x1d: {  	s5 =	simm.s32 @p1 $0x1;
	p0 =	seq.s32 s7, s2  }
0x1e: {  	s7 =	smul.u32 @!p0 $0xF7A, s2;
	p2 =	seq.s32 @!p0 s5, $0x0  }
0x1f: {  	s9 =	smul.u32 $0xF7A, s1;
	s8 =	simm.s32 @!p0 $0x1BF5;
	p2 =	por !p2, p0  }
0x20: {  	[sflag:s8] =	ssyncset.s32 @!p0 $0xFFFFF086;
	s6 =	sadd.s32 @!p0 s3, s7;
	s7 =	simm.s32 @!p0 $0x108  }
0x21: {  	s3 =	sadd.s32 s3, s9;
	s6 =	sadd.s32 @!p0 $0x88, s6;
	s7 =	simm.s32 @p2 $0x1082  }
0x22: {  	[simem:s7], [sflag:s8] =	dma.local @!p0 [hbm:s6], $0xF7A  }
0x23: {  	s9 =	sor.u32 $0xD0000000, s2;
	s6 =	simm.s32 $0x108;
	_ =	swait.ge @!p0 [sflag:s8], $0x0  }
0x24: {  	s3 =	sadd.s32 $0x88, s3;
	s6 =	simm.s32 @!p1 $0x1082;
	[sflag:s4] =	ssyncset.s32 $0xFFFFF086  }
0x25: {  	[simem:s6], [sflag:s4] =	dma.local [hbm:s3], $0xF7A  }
0x26: {  	[smem:$0x3F91] =	sst s1;
	(tag) =	ssettag s2;
	_ =	strace s9  }
0x27: {  	s1 =	sld [smem:$0x3FA1]  }
0x28: {  	s2 =	sld [smem:$0x3FA2]  }
0x29: {  	s4 =	sld [smem:$0x3FA4]  }
0x2a: {  	p0 =	seq.s32 s5, $0x0;
	s5 =	sld [smem:$0x3FA5]  }
0x2b: {  	s6 =	sld [smem:$0x3FA6]  }
0x2c: {  	s7 =	sld [smem:$0x3FA7]  }
0x2d: {  	s3 =	simm.s32 $0x108;
	s8 =	sld [smem:$0x3FA8]  }
0x2e: {  	s3 =	simm.s32 @!p0 $0x1082;
	s9 =	sld [smem:$0x3FA9]  }
0x2f: {  	lr =	sadd.s32 s0, s3;
	s0 =	sld [smem:$0x3FA0]  }
0x30: {  	s3 =	sld [smem:$0x3FA3]  }
0x31: {  	[smem:$0x3FAC] =	sst s10  }
0x32: {  	s10 =	sld [smem:$0x3FAA];
	_ =	sdelay $0x3  }
0x33: {  	p0 =	seq.s32 s10, $0x1;
	s10 =	sld [smem:$0x3FAC];
	_ =	sdelay $0x3  }
0x34: {  	[smem:$0x3FAC] =	sst s10  }
0x35: {  	s10 =	sld [smem:$0x3FAB];
	_ =	sdelay $0x3  }
0x36: {  	p1 =	seq.s32 s10, $0x1;
	s10 =	sld [smem:$0x3FAC];
	_ =	sdelay $0x3  }
0x37: {  	[smem:$0x3FAC] =	sst s10  }
0x38: {  	s10 =	sld [smem:$0x3FAD]  }
0x39: {  	_ = 	snop;
	(pc) =	sbr.ind lr, $3  }
0x3a: {  	_ = 	snop  }
0x3b: {  	_ = 	snop  }
0x3c: {  	p2 =	seq.s32 s10, $0x1;
	s10 =	sld [smem:$0x3FAC]  }
0x3d: {  	_ =	shalt  }
0x3e: {  	_ =	shalt  }
0x3f: {  	_ =	shalt  }
0x40: {  	_ =	shalt  }
0x41: {  	_ =	shalt  }
0x42: {  	_ =	shalt  }
0x43: {  	_ =	shalt  }
0x44: {  	_ =	shalt  }
0x45: {  	_ =	shalt  }
0x46: {  	_ =	shalt  }
0x47: {  	_ =	shalt  }
0x48: {  	_ =	shalt  }
0x49: {  	_ =	shalt  }
0x4a: {  	_ =	shalt  }
0x4b: {  	_ =	shalt  }
0x4c: {  	_ =	shalt  }
0x4d: {  	_ =	shalt  }
0x4e: {  	_ =	shalt  }
0x4f: {  	_ =	shalt  }
0x50: {  	_ =	shalt  }
0x51: {  	_ =	shalt  }
0x52: {  	_ =	shalt  }
0x53: {  	_ =	shalt  }
0x54: {  	_ =	shalt  }
0x55: {  	_ =	shalt  }
0x56: {  	_ =	shalt  }
0x57: {  	_ =	shalt  }
0x58: {  	_ =	shalt  }
0x59: {  	_ =	shalt  }
0x5a: {  	_ =	shalt  }
0x5b: {  	_ =	shalt  }
0x5c: {  	_ =	shalt  }
0x5d: {  	_ =	shalt  }
0x5e: {  	_ =	shalt  }
0x5f: {  	_ =	shalt  }
0x60: {  	_ =	shalt  }
0x61: {  	_ =	shalt  }
0x62: {  	_ =	shalt  }
0x63: {  	_ =	shalt  }
0x64: {  	_ =	shalt  }
0x65: {  	_ =	shalt  }
0x66: {  	_ =	shalt  }
0x67: {  	_ =	shalt  }
0x68: {  	_ =	shalt  }
0x69: {  	_ =	shalt  }
0x6a: {  	_ =	shalt  }
0x6b: {  	_ =	shalt  }
0x6c: {  	_ =	shalt  }
0x6d: {  	_ =	shalt  }
0x6e: {  	_ =	shalt  }
0x6f: {  	_ =	shalt  }
0x70: {  	_ =	shalt  }
0x71: {  	_ =	shalt  }
0x72: {  	_ =	shalt  }
0x73: {  	_ =	shalt  }
0x74: {  	_ =	shalt  }
0x75: {  	_ =	shalt  }
0x76: {  	_ =	shalt  }
0x77: {  	_ =	shalt  }
0x78: {  	_ =	shalt  }
0x79: {  	_ =	shalt  }
0x7a: {  	_ =	shalt  }
0x7b: {  	_ =	shalt  }
0x7c: {  	_ =	shalt  }
0x7d: {  	_ =	shalt  }
0x7e: {  	_ =	shalt  }
0x7f: {  	_ =	shalt  }
0x80: {  	_ =	shalt  }
0x81: {  	_ =	shalt  }
0x82: {  	_ =	shalt  }
0x83: {  	_ =	shalt  }
0x84: {  	_ =	shalt  }
0x85: {  	_ =	shalt  }
0x86: {  	_ =	shalt  }
0x87: {  	_ =	shalt  }
.Lfunc_end0:
.L_simem_size_0:
called_computation_lowered:
.L_overlay_start_0:
0x88: {  	s2 =	sld [smem:$0x3FD9]  }
0x89: {  	s3 =	sld [smem:$0x3FFE];
	_ =	sdelay $0x1  }
0x8a: {  	s1 =	srdreg.scid  }
0x8b: {  	s0 =	sand.u32 $0x1, s1  }
0x8c: {  	s16 =	sshll.u32 s0, $0xA;
	s2 =	sadd.s32 s3, s2  }
0x8d: {  	s2 =	sadd.s32 s2, s16  }
0x8e: {  	[smem:$0x3FB8] =	sst s2  }
0x8f: {  	_ = 	snop  }
0x90: {  	(tm) =	ssettm $0x1  }
0x91: {  	s17 =	sld [smem:$0x3FFB];
	_ =	sdelay $0x3  }
0x92: {  	_ =	strace s17  }
0x93: {  	s2 =	sld [smem:$0x3FFC];
	_ =	sdelay $0x3  }
0x94: {  	_ =	strace s2  }
0x95: {  	s2 =	sld [smem:$0x3FFD];
	_ =	sdelay $0x3  }
0x96: {  	_ =	strace s2  }
0x97: {  	_ =	strace $0x8FFFFFFF  }
0x98: {  	s18 =	sld [smem:$0x3FDB];
	_ =	sdelay $0x1  }
0x99: {  	s19 =	simm.s32 $_scs_section_size  }
0x9a: {  	s4 =	simm.s32 $_size__tile_overlayer_lowered;
	s5 =	simm.s32 $_tile_overlayer_lowered  }
0x9b: {  	s22 =	simm.s32 $0x1BFF;
	s21 =	sshll.u32 s5, $0x1;
	s2 =	sadd.s32 s19, s18  }
0x9c: {  	s6 =	simm.s32 $0x0;
	s20 =	sshll.u32 s4, $0x1;
	s4 =	sadd.s32 s21, s2  }
0x9d: {  	[timem:s6], [sflag:s22] =	dma.local [hbm:s4], s20  }
0x9e: {  	_ =	swait.ge [sflag:s22], s20  }
0x9f: {  	s3 =	ssub.s32 $0x0, s20;
	[sflag:s22] =	ssyncset.done $0x0  }
0xa0: {  	[sflag:s22] =	ssyncadd.s32 s3;
	_ =	sdelay $0x1  }
0xa1: {  	s23 =	simm.s32 $0x1B8B  }
0xa2: {  	_ =	swait.ge [sflag:s23], $0x1  }
0xa3: {  	[sflag:s23] =	ssyncset.done $0x0  }
0xa4: {  	s25 =	simm.s32 $0x1B8E;
	s24 =	sld [smem:$0x3FFE];
	[sflag:s23] =	ssyncadd.s32 $0xFFFFFFFF  }
0xa5: {  	s26 =	simm.s32 $execute0_lowered;
	[smem:$0x3FD2] =	sst s25  }
0xa6: {  	s4 =	sshll.u32 s26, $0x1;
	_ =	strace $0x80000046;
	[dreg:$0x1] =	wrdreg $0xFFFFFFFF  }
0xa7: {  	s28 =	simm.s32 $_size_execute0_lowered;
	s2 =	sadd.s32 s2, s4;
	[dreg:$0x0] =	wrdreg $0x0  }
0xa8: {  	s4 =	sshll.u32 s28, $0x1;
	[dreg:$0x2] =	wrdreg s2  }
0xa9: {  	[dreg:$0x3] =	wrdreg s4  }
0xaa: {  	[dreg:$0x4] =	wrdreg $0xC0  }
0xab: {  	_ =	task [dreg:s6], $0x5FFFF  }
0xac: {  	[dreg:$0x1] =	wrdreg $0xFFFFFFFF  }
0xad: {  	[dreg:$0x0] =	wrdreg $0x60  }
0xae: {  	[dreg:$0x2] =	wrdreg s24  }
0xaf: {  	[dreg:$0x3] =	wrdreg $0x9  }
0xb0: {  	_ =	task.clear_ibuf [dreg:s6], $0x4FFFF;
	_ =	strace $0x90000046  }
0xb1: {  	s29 =	simm.s32 $0x9;
	_ =	strace $0x80000048  }
0xb2: {  	_ =	swait.ge [sflag:s29], $0x1  }
0xb3: {  	[sflag:s29] =	ssyncadd.s32 $0xFFFFFFFF  }
0xb4: {  	_ =	strace $0x90000048  }
0xb5: {  	_ =	sfence  }
0xb6: {  	s30 =	sld [smem:$0x0];
	_ =	sdelay $0x2  }
0xb7: {  	s31 =	sshll.u32 s1, $0xD;
	s1 =	sshrl.u32 s1, $0x2  }
0xb8: {  	s3 =	sand.u32 $0x4000, s31;
	s1 =	sadd.s32 s1, s30  }
0xb9: {  	s0 =	sor.u32 s3, s0;
	s1 =	sshll.u32 s1, $0x11  }
0xba: {  	s0 =	sor.u32 s1, s0  }
0xbb: {  	s0 =	sadd.s32 $0x8F2B, s0  }
0xbc: {  	[sflag:s0] =	ssyncadd.remote.s32 $0x1  }
0xbd: {  	_ =	sfence.sel $0xFFFF  }
0xbe: {  	[dreg:$0x0] =	wrdreg $0xFFFFFFFF;
	(pc) =	sbr.abs _section_cstart, $3  }
0xbf: {  	[dreg:$0x1] =	wrdreg $0xFFFFFFFF  }
0xc0: {  	_ =	task.clear_ibuf [dreg:s6], $0x2FFFF;
	_ =	strace $0x9FFFFFFF  }
0xc1: {  	(tm) =	ssettm $0x7FFFFFFF  }
tec
execute0_lowered:
.L_overlay_start_1:
0x0: {  	(tag) =	ssettag $0x1  }
0x1: {  	s3 =	rddreg [dreg:$0x0]  }
0x2: {  	s0 =	rddreg [dreg:$0x1]  }
0x3: {  	s2 =	simm.s32 $0x0;
	s4 =	srdreg.scid;
	s1 =	stileid.u32  }
0x4: {  	s10 =	simm.s32 $0x80;
	s11 =	simm.s32 $0x400;
	[smem:$0x7FF] =	sst s2  }
0x5: {  	s4 =	sand.u32 $0x1, s4;
	s5 =	sshrl.u32 s1, $0x3;
	s7 =	sshll.u32 s1, $0xC  }
0x6: {  	s8 =	sshll.u32 s1, $0x7;
	s29 =	sadd.s32 $0x43400, s3;
	s5 =	smul.u32 $0x14000, s5  }
0x7: {  	s6 =	sshll.u32 s4, $0x11;
	_ =	strace $0x80000047;
	s28 =	smul.u32 $0x50000, s4  }
0x8: {  	s4 =	ssub.s32 $0x2, s4;
	s8 =	sand.u32 $0x380, s8;
	s6 =	sor.u32 s7, s6  }
0x9: {  	s9 =	sshrl.u32 s4, $0x1;
	s6 =	sadd.s32 s6, s3;
	s5 =	sadd.s32 s28, s5  }
0xa: {  	s9 =	ssub.s32 s4, s9;
	s30 =	sor.u32 s8, s5;
	s3 =	sadd.s32 $0x3400, s6  }
0xb: {  	s7 =	smax.u32 s9, $0x1;
	s5 =	sshrl.u32 s30, $0x3;
	s8 =	sadd.s32 $0x28000, s30  }
0xc: {  	s9 =	simm.s32 $0x8000;
	s4 =	sadd.s32 s29, s5;
	s31 =	sshrl.u32 s8, $0x3  }
0xd: {  	v0 =	vimm.f32 $0.0e+00;
	v1 =	vimm.f32 $1.000000000e+00;
	s5 =	sadd.s32 $0x13400, s6;
	s8 =	simm.s32 $0x1;
	s6 =	sadd.s32 s29, s31  }
.LBB2_1:
0xe: {  	s12 =	simm.s32 $0x40;
	s13 =	simm.s32 $0x0  }
.LBB2_2:
0xf: {  	p0 =	sne.s32 s12, $0x9FC0;
	[tilespmem:s13+$0x8000] =	vst v0;
	s13 =	smov.u32 s12;
	s12 =	sadd.s32 $0x40, s12  }
.Ltmp0:
0x10: {  	(pc) =	sbr.rel @p0 .LBB2_2-.Ltmp0, $2  }
0x11: {  	_ =	sdelay $0x2  }
0x12: {  	s13 =	sshra.s32 s13, $0x2  }
0x13: {  	[tilespmem:s13+$0x8000] =	vst v0;
	s12 =	simm.s32 $0x0  }
0x14: {  	[tilespmem:s12], [sflag:$0x1] =	stream.linear.gather [hbm4b:s3+s12], $0x7D00, $0x38;
	[tilespmem:$0xA800] =	vst v63  }
0x15: {  	_ =	swait.ge [sflag:s8], $0x7D00  }
0x16: {  	[sflag:s8] =	ssyncset.done $0x0  }
0x17: {  	[sflag:s8] =	ssyncadd.s32 $0xFFFF8300  }
.LBB2_4:
0x18: {  	s13 =	sshra.s32 s12, $0x2  }
0x19: {  	v2 =	vld [tilespmem:s13+$0x0];
	_ =	sdelay $0x7  }
0x1a: {  	[tilespmem:v2+s9+$0x0] =	vst.idx.add.f32.msk $0xffff, v1  }
0x1b: {  	v2 =	vld [tilespmem:s13+$0x10];
	_ =	sdelay $0x7  }
0x1c: {  	[tilespmem:v2+s9+$0x0] =	vst.idx.add.f32.msk $0xffff, v1  }
0x1d: {  	v2 =	vld [tilespmem:s13+$0x20];
	_ =	sdelay $0x7  }
0x1e: {  	[tilespmem:v2+s9+$0x0] =	vst.idx.add.f32.msk $0xffff, v1  }
0x1f: {  	v2 =	vld [tilespmem:s13+$0x30];
	_ =	sdelay $0x7  }
0x20: {  	[tilespmem:v2+s9+$0x0] =	vst.idx.add.f32.msk $0xffff, v1  }
0x21: {  	v2 =	vld [tilespmem:s13+$0x40];
	_ =	sdelay $0x2  }
0x22: {  	p0 =	sne.s32 s12, $0x1F200  }
.Ltmp1:
0x23: {  	_ = 	snop;
	(pc) =	sbr.rel @p0 .LBB2_4-.Ltmp1, $2  }
0x24: {  	_ =	sdelay $0x2  }
0x25: {  	s12 =	sadd.s32 $0x200, s12;
	[tilespmem:v2+s9+$0x0] =	vst.idx.add.f32.msk $0xffff, v1  }
0x26: {  	[hbm4b:s4+s10] =	stream.strided.scatter [tilespmem:s9], [sflag:$0x1], $0x2800, s11, s10, $0x38;
	[tilespmem:$0xA800] =	vst v63  }
0x27: {  	_ =	swait.ge [sflag:s8], $0x2800  }
0x28: {  	[sflag:s8] =	ssyncset.done $0x0  }
0x29: {  	s12 =	simm.s32 $0x40;
	s13 =	simm.s32 $0x0;
	[sflag:s8] =	ssyncadd.s32 $0xFFFFD800  }
.LBB2_6:
0x2a: {  	p0 =	sne.s32 s12, $0x9FC0;
	[tilespmem:s13+$0x8000] =	vst v0;
	s13 =	smov.u32 s12;
	s12 =	sadd.s32 $0x40, s12  }
.Ltmp2:
0x2b: {  	(pc) =	sbr.rel @p0 .LBB2_6-.Ltmp2, $2  }
0x2c: {  	_ =	sdelay $0x2  }
0x2d: {  	s13 =	sshra.s32 s13, $0x2  }
0x2e: {  	[tilespmem:s13+$0x8000] =	vst v0;
	s12 =	simm.s32 $0x0  }
0x2f: {  	[tilespmem:s12], [sflag:$0x1] =	stream.linear.gather [hbm4b:s5+s12], $0x7D00, $0x38;
	[tilespmem:$0xA800] =	vst v63  }
0x30: {  	_ =	swait.ge [sflag:s8], $0x7D00  }
0x31: {  	[sflag:s8] =	ssyncset.done $0x0  }
0x32: {  	[sflag:s8] =	ssyncadd.s32 $0xFFFF8300  }
.LBB2_8:
0x33: {  	s13 =	sshra.s32 s12, $0x2  }
0x34: {  	v2 =	vld [tilespmem:s13+$0x0];
	_ =	sdelay $0x7  }
0x35: {  	[tilespmem:v2+s9+$0x0] =	vst.idx.add.f32.msk $0xffff, v1  }
0x36: {  	v2 =	vld [tilespmem:s13+$0x10];
	_ =	sdelay $0x7  }
0x37: {  	[tilespmem:v2+s9+$0x0] =	vst.idx.add.f32.msk $0xffff, v1  }
0x38: {  	v2 =	vld [tilespmem:s13+$0x20];
	_ =	sdelay $0x7  }
0x39: {  	[tilespmem:v2+s9+$0x0] =	vst.idx.add.f32.msk $0xffff, v1  }
0x3a: {  	v2 =	vld [tilespmem:s13+$0x30];
	_ =	sdelay $0x7  }
0x3b: {  	[tilespmem:v2+s9+$0x0] =	vst.idx.add.f32.msk $0xffff, v1  }
0x3c: {  	v2 =	vld [tilespmem:s13+$0x40];
	_ =	sdelay $0x2  }
0x3d: {  	p0 =	sne.s32 s12, $0x1F200  }
.Ltmp3:
0x3e: {  	_ = 	snop;
	(pc) =	sbr.rel @p0 .LBB2_8-.Ltmp3, $2  }
0x3f: {  	_ =	sdelay $0x2  }
0x40: {  	s12 =	sadd.s32 $0x200, s12;
	[tilespmem:v2+s9+$0x0] =	vst.idx.add.f32.msk $0xffff, v1  }
0x41: {  	s2 =	sadd.s32 $0x1, s2  }
0x42: {  	p0 =	sne.s32 s2, s7  }
.Ltmp4:
0x43: {  	_ = 	snop;
	(pc) =	sbr.rel @p0 .LBB2_1-.Ltmp4, $4  }
0x44: {  	[hbm4b:s6+s10] =	stream.strided.scatter [tilespmem:s9], [sflag:$0x1], $0x2800, s11, s10, $0x38;
	[tilespmem:$0xA800] =	vst v63  }
0x45: {  	_ =	swait.ge [sflag:s8], $0x2800  }
0x46: {  	[sflag:s8] =	ssyncset.done $0x0  }
0x47: {  	[sflag:s8] =	ssyncadd.s32 $0xFFFFD800  }
0x48: {  	_ =	sfence.sel $0x180000  }
0x49: {  	[bflag:$0x0] =	sbarrier.arrive $0xFFFF  }
0x4a: {  	p0 =	sne.s32 s1, $0x0;
	_ =	strace $0x90000047  }
0x4b: {  	s0 =	sadd.s32 @!p0 $0x100000, s0;
	[bflag:$0x2] =	sbarrier.arrive $0xFFFF  }
0x4c: {  	[sflag:s0] =	ssyncadd.tile.s32 @!p0 $0x1;
	_ =	shalt  }
.Lfunc_end2:
_tile_overlayer_lowered:
.L_overlay_start_2:
0x4d: {  	(tag) =	ssettag $0x2  }
0x4e: {  	s0 =	rddreg [dreg:$0x0];
	s2 =	stileid.u32  }
0x4f: {  	s1 =	rddreg [dreg:$0x1];
	p0 =	sne.s32 s2, $0x0  }
0x50: {  	s3 =	rddreg [dreg:$0x2];
	[bflag:$0x3] =	sbarrier.arrive $0xFFFF;
	s2 =	simm.s32 @!p0 $0x1C01  }
0x51: {  	[timem:s3], [sflag:s2] =	dma.local @!p0 [hbm:s0], s1  }
0x52: {  	s0 =	simm.s32 @!p0 $0x1  }
0x53: {  	_ =	swait.ge @!p0 [sflag:s0], s1  }
0x54: {  	s1 =	ssub.s32 @!p0 $0x0, s1;
	[sflag:s0] =	ssyncset.done @!p0 $0x0  }
0x55: {  	[sflag:s0] =	ssyncadd.s32 @!p0 s1  }
0x56: {  	[bflag:$0x3] =	sbarrier.arrive $0xFFFF  }
0x57: {  	_ =	shalt  }

</sc_bundles>
